<compile_context>
chip_gen: v7x
topology: tpu7x:2x2x1
jax: 0.10.2.dev20260603
libtpu: 0.0.44.dev20260713+nightly
codegen_flags: <defaults>
</compile_context>

<pallas_src>
import functools

import jax
import jax.numpy as jnp
from jax import lax
from jax.experimental import pallas as pl
from jax.experimental.pallas import tpu as pltpu
from jax.experimental.pallas import tpu_sc as plsc

N = 10000
D = 128
NC = 2
NS = 16
NW = NC * NS
CH = 128
K = 2
G = 8
NACC = 10240
RPS = NACC // NS


def _make_sc_agg(cpw, with_cnt):
  out_type = [jax.ShapeDtypeStruct((NC, NACC, D), jnp.float32)]
  scratch = [
      pltpu.VMEM((2, G, CH), jnp.int32),
      pltpu.VMEM((2, G, CH), jnp.int32),
  ]
  for _ in range(K):
    scratch.append(pltpu.VMEM((CH, D), jnp.float32))
  for _ in range(K):
    scratch.append(pltpu.SemaphoreType.DMA)
  scratch += [
      pltpu.VMEM_SHARED((NACC, D), jnp.float32),
      pltpu.SemaphoreType.DMA,
  ]
  if with_cnt:
    out_type.append(jax.ShapeDtypeStruct((NC, NACC), jnp.float32))
    scratch += [
        pltpu.VMEM((CH,), jnp.float32),
        pltpu.VMEM_SHARED((NACC,), jnp.float32),
    ]

  mesh = plsc.VectorSubcoreMesh(core_axis_name="c", subcore_axis_name="s")
  ngroups = cpw // G

  def body(h_hbm, src_hbm, dst_hbm, *rest):
    if with_cnt:
      agg_out, cnt_out = rest[0], rest[1]
      rest = rest[2:]
    else:
      agg_out = rest[0]
      rest = rest[1:]
    srcg, dstg = rest[0], rest[1]
    bufs = rest[2:2 + K]
    sems = rest[2 + K:2 + 2 * K]
    acc, semi = rest[2 + 2 * K], rest[3 + 2 * K]
    if with_cnt:
      ones_v, cacc = rest[4 + 2 * K], rest[5 + 2 * K]
    c = lax.axis_index("c")
    s = lax.axis_index("s")
    wid = s * NC + c

    def fetch_group(grp, slot, sync):
      if sync:
        pltpu.sync_copy(src_hbm.at[wid, pl.ds(grp * G, G)], srcg.at[slot])
        pltpu.sync_copy(dst_hbm.at[wid, pl.ds(grp * G, G)], dstg.at[slot])
      else:
        pltpu.async_copy(src_hbm.at[wid, pl.ds(grp * G, G)], srcg.at[slot],
                         semi)
        pltpu.async_copy(dst_hbm.at[wid, pl.ds(grp * G, G)], dstg.at[slot],
                         semi)

    def wait_idx():
      for ref in (srcg, dstg):
        pltpu.make_async_copy(src_hbm.at[wid, pl.ds(0, G)], ref.at[0],
                              semi).wait()

    def issue_gather(slot, col, rows, sem):
      pltpu.async_copy(h_hbm.at[srcg.at[slot, col]], rows, sem)

    def wait_gather(rows, sem):
      pltpu.make_async_copy(h_hbm.at[srcg.at[0, 0]], rows, sem).wait()

    def zfill(r, carry):
      for k in range(D // 16):
        bufs[0][r, pl.ds(k * 16, 16)] = jnp.zeros((16,), jnp.float32)
      return carry

    lax.fori_loop(0, CH, zfill, 0)
    for b in range(RPS // CH):
      pltpu.sync_copy(bufs[0], acc.at[pl.ds(s * RPS + b * CH, CH)])
    if with_cnt:
      for i in range(CH // 16):
        ones_v[pl.ds(i * 16, 16)] = jnp.ones((16,), jnp.float32)
      for b in range(RPS // CH):
        pltpu.sync_copy(bufs[0].at[0],
                        cacc.at[pl.ds(s * RPS + b * CH, CH)])
    plsc.subcore_barrier()

    fetch_group(0, 0, sync=True)
    for j in range(K):
      issue_gather(0, j, bufs[j], sems[j])

    def group_step(g, carry):
      sl = lax.rem(g, 2)
      @pl.when(g + 1 < ngroups)
      def _():
        fetch_group(g + 1, 1 - sl, sync=False)

      for jj in range(G):
        j = g * G + jj
        rows, sem = bufs[jj % K], sems[jj % K]
        if jj == G - K:
          @pl.when(g + 1 < ngroups)
          def _():
            wait_idx()
        wait_gather(rows, sem)
        pltpu.sync_copy(rows, acc.at[dstg.at[sl, jj]], add=True)
        if with_cnt:
          pltpu.sync_copy(ones_v, cacc.at[dstg.at[sl, jj]], add=True)

        @pl.when(j + K < cpw)
        def _():
          if jj + K < G:
            issue_gather(sl, jj + K, rows, sem)
          else:
            issue_gather(1 - sl, jj + K - G, rows, sem)
      return carry

    lax.fori_loop(0, ngroups, group_step, 0)
    plsc.subcore_barrier()

    pltpu.sync_copy(acc.at[pl.ds(s * RPS, RPS)],
                    agg_out.at[c, pl.ds(s * RPS, RPS)])
    if with_cnt:
      pltpu.sync_copy(cacc.at[pl.ds(s * RPS, RPS)],
                      cnt_out.at[c, pl.ds(s * RPS, RPS)])

  return pl.kernel(
      body,
      out_type=tuple(out_type) if with_cnt else out_type[0],
      mesh=mesh,
      scratch_types=scratch,
  )


BN = 400


def _tc_layer_body(a0, a1, c0, c1, h, wl, bl, wr, o, *, act):
  cnt = jnp.maximum(c0[...] + c1[...], 1.0)
  mean = (a0[...] + a1[...]) / cnt
  y = (jnp.dot(mean, wl[...], preferred_element_type=jnp.float32) + bl[...]
       + jnp.dot(h[...], wr[...], preferred_element_type=jnp.float32))
  if act:
    y = jnp.maximum(y, 0.0)
  o[...] = y


def _tc_head_body(a0, a1, c0, c1, h, wl, bl, wr, w1, b1, w2, b2, o):
  cnt = jnp.maximum(c0[...] + c1[...], 1.0)
  mean = (a0[...] + a1[...]) / cnt
  y = (jnp.dot(mean, wl[...], preferred_element_type=jnp.float32) + bl[...]
       + jnp.dot(h[...], wr[...], preferred_element_type=jnp.float32))
  f = jnp.maximum(
      jnp.dot(y, w1[...], preferred_element_type=jnp.float32) + b1[...], 0.0)
  o[...] = jnp.dot(f, w2[...], preferred_element_type=jnp.float32) + b2[...]


def _block(shape):
  return pl.BlockSpec(shape, lambda i: (i,) + (0,) * (len(shape) - 1))


def _full(shape):
  return pl.BlockSpec(shape, lambda i: (0,) * len(shape))


def _tc_layer(act):
  return pl.pallas_call(
      functools.partial(_tc_layer_body, act=act),
      grid=(N // BN,),
      in_specs=[
          _block((BN, D)), _block((BN, D)),
          _block((BN, 1)), _block((BN, 1)),
          _block((BN, D)),
          _full((D, D)), _full((1, D)), _full((D, D)),
      ],
      out_specs=_block((BN, D)),
      out_shape=jax.ShapeDtypeStruct((N, D), jnp.float32),
  )


def _tc_head(o_dim):
  return pl.pallas_call(
      _tc_head_body,
      grid=(N // BN,),
      in_specs=[
          _block((BN, D)), _block((BN, D)),
          _block((BN, 1)), _block((BN, 1)),
          _block((BN, D)),
          _full((D, D)), _full((1, D)), _full((D, D)),
          _full((D, D)), _full((1, D)),
          _full((D, o_dim)), _full((1, o_dim)),
      ],
      out_specs=_block((BN, o_dim)),
      out_shape=jax.ShapeDtypeStruct((N, o_dim), jnp.float32),
  )


@jax.jit
def kernel(x, edge_index, Wl0, bl0, Wr0, Wl1, bl1, Wr1, Wl2, bl2, Wr2,
           W1, b1, W2, b2):
  e = edge_index.shape[1]
  cpw = -(-e // (NW * CH))
  cpw = -(-cpw // G) * G
  epad = NW * CH * cpw

  src = edge_index[0]
  dst = edge_index[1]
  pad = epad - e
  src_p = jnp.concatenate([src, jnp.zeros((pad,), jnp.int32)])
  dst_p = jnp.concatenate([dst, jnp.full((pad,), N, jnp.int32)])
  src_p = src_p.reshape(NW, cpw, CH)
  dst_p = dst_p.reshape(NW, cpw, CH)

  bl0r = bl0.reshape(1, D)
  bl1r = bl1.reshape(1, D)
  bl2r = bl2.reshape(1, D)
  b1r = b1.reshape(1, D)
  o_dim = W2.shape[1]
  b2r = b2.reshape(1, o_dim)

  sc_first = _make_sc_agg(cpw, True)
  sc_rest = _make_sc_agg(cpw, False)
  tc_relu = _tc_layer(True)
  tc_head = _tc_head(o_dim)

  agg1, cnt = sc_first(x, src_p, dst_p)
  c0 = cnt[0].reshape(NACC, 1)
  c1 = cnt[1].reshape(NACC, 1)

  h1 = tc_relu(agg1[0], agg1[1], c0, c1, x, Wl0, bl0r, Wr0)
  agg2 = sc_rest(h1, src_p, dst_p)
  h2 = tc_relu(agg2[0], agg2[1], c0, c1, h1, Wl1, bl1r, Wr1)
  agg3 = sc_rest(h2, src_p, dst_p)
  return tc_head(agg3[0], agg3[1], c0, c1, h2, Wl2, bl2r, Wr2,
                 W1, b1r, W2, b2r)

# --- scband reference (transcript-rebuilt; emitter-appended) ---
"""Pipeline reference for scband-gnnmodel-48490180771963 (READ-ONLY COPY).

The authoritative reference and input builder live on the scoring server;
editing this copy changes nothing except your own understanding.
"""

import jax, jax.numpy as jnp
import numpy as np

N = 10000
E = 320000
D = 128
H = 128
O = 1


def setup_inputs(seed: int = 0) -> dict:
    key = jax.random.key(seed)
    ks = jax.random.split(key, 16)
    inp = {}
    inp["x"] = jax.random.normal(ks[0], (N, D), dtype=jnp.float32)
    inp["edge_index"] = jax.random.randint(ks[1], (2, E), 0, N, dtype=jnp.int32)
    # SAGEConv params: lin_l (neighbor aggregation, with bias), lin_r (root, no bias)
    s_in = 1.0 / np.sqrt(D)
    s_h = 1.0 / np.sqrt(H)
    inp["Wl0"] = jax.random.uniform(ks[2], (D, H), jnp.float32, -s_in, s_in)
    inp["bl0"] = jax.random.uniform(ks[3], (H,), jnp.float32, -s_in, s_in)
    inp["Wr0"] = jax.random.uniform(ks[4], (D, H), jnp.float32, -s_in, s_in)
    inp["Wl1"] = jax.random.uniform(ks[5], (H, H), jnp.float32, -s_h, s_h)
    inp["bl1"] = jax.random.uniform(ks[6], (H,), jnp.float32, -s_h, s_h)
    inp["Wr1"] = jax.random.uniform(ks[7], (H, H), jnp.float32, -s_h, s_h)
    inp["Wl2"] = jax.random.uniform(ks[8], (H, H), jnp.float32, -s_h, s_h)
    inp["bl2"] = jax.random.uniform(ks[9], (H,), jnp.float32, -s_h, s_h)
    inp["Wr2"] = jax.random.uniform(ks[10], (H, H), jnp.float32, -s_h, s_h)
    # MLP head: Linear(H,H) -> ReLU -> Linear(H,O)
    inp["W1"] = jax.random.uniform(ks[11], (H, H), jnp.float32, -s_h, s_h)
    inp["b1"] = jax.random.uniform(ks[12], (H,), jnp.float32, -s_h, s_h)
    inp["W2"] = jax.random.uniform(ks[13], (H, O), jnp.float32, -s_h, s_h)
    inp["b2"] = jax.random.uniform(ks[14], (O,), jnp.float32, -s_h, s_h)
    return inp


def _sage_conv(x, src, dst, Wl, bl, Wr):
    # mean-aggregate neighbor features x[src] at dst nodes
    msgs = jnp.take(x, src, axis=0)
    agg = jax.ops.segment_sum(msgs, dst, num_segments=N)
    cnt = jax.ops.segment_sum(jnp.ones((src.shape[0], 1), x.dtype), dst, num_segments=N)
    mean = agg / jnp.maximum(cnt, 1.0)
    return mean @ Wl + bl + x @ Wr


def reference(x, edge_index, Wl0, bl0, Wr0, Wl1, bl1, Wr1, Wl2, bl2, Wr2, W1, b1, W2, b2):
    src = edge_index[0]
    dst = edge_index[1]
    # dropout is a no-op in eval mode (training=False)
    h = jax.nn.relu(_sage_conv(x, src, dst, Wl0, bl0, Wr0))
    h = jax.nn.relu(_sage_conv(h, src, dst, Wl1, bl1, Wr1))
    h = _sage_conv(h, src, dst, Wl2, bl2, Wr2)
    h = jax.nn.relu(h @ W1 + b1)
    return h @ W2 + b2

if __name__ == "__main__":
    import jax
    _d = setup_inputs()
    print(jax.jit(kernel)(*tuple(_d.values())))

</pallas_src>

<mosaic_0001>
#map = affine_map<(d0, d1) -> (0, 0)>
#map1 = affine_map<(d0, d1) -> (0, 0, 0)>
module attributes {stable_mosaic.version = 14 : i64} {
  func.func @body(%arg0: i32, %arg1: i32, %arg2: memref<10000x128xf32, #tpu.memory_space<hbm>>, %arg3: memref<32x80x128xi32, #tpu.memory_space<hbm>>, %arg4: memref<32x80x128xi32, #tpu.memory_space<hbm>>, %arg5: memref<2x10240x128xf32, #tpu.memory_space<hbm>>, %arg6: memref<2x8x128xi32, #tpu.memory_space<vmem>>, %arg7: memref<2x8x128xi32, #tpu.memory_space<vmem>>, %arg8: memref<128x128xf32, #tpu.memory_space<vmem>>, %arg9: memref<128x128xf32, #tpu.memory_space<vmem>>, %arg10: memref<!tpu.dma_semaphore, #tpu.memory_space<semaphore_mem>>, %arg11: memref<!tpu.dma_semaphore, #tpu.memory_space<semaphore_mem>>, %arg12: memref<10240x128xf32, #tpu.memory_space<vmem_shared>>, %arg13: memref<!tpu.dma_semaphore, #tpu.memory_space<semaphore_mem>>) attributes {dimension_semantics = [#tpu.dimension_semantics<core_parallel>, #tpu.dimension_semantics<subcore_parallel>], iteration_bounds = array<i64: 2, 16>, scalar_prefetch = 0 : i64, scratch_operands = 8 : i64, tpu.core_type = #tpu.core_type<sc_vector_subcore>, window_params = [{transform_indices = #map}, {transform_indices = #map1}, {transform_indices = #map1}, {transform_indices = #map1}]} {
    %mul3A = arith.constant 2 : i32
    %mul3A_0 = arith.muli %arg1, %mul3A : i32
    %add3A = arith.addi %mul3A_0, %arg0 : i32
    %scan3A = arith.constant 0 : i32
    %scan3A_1 = arith.constant 0 : i32
    %scan3A_2 = arith.constant 128 : i32
    %scan3A_3 = arith.addi %scan3A_1, %scan3A_2 : i32
    %scan3A_4 = arith.constant 1 : i32
    scf.for %scan3A_53 = %scan3A_1 to %scan3A_3 step %scan3A_4  : i32 {
      %broadcast_in_dim3A = arith.constant 0.000000e+00 : f32
      %broadcast_in_dim3A_54 = vector.broadcast %broadcast_in_dim3A : f32 to vector<16xf32>
      %swap3A = arith.index_cast %scan3A_53 : i32 to index
      %swap3A_55 = arith.constant 0 : index
      %swap3A_56 = tpu.vector_load %arg8[%swap3A, %swap3A_55] {strides = array<i32>} : memref<128x128xf32, #tpu.memory_space<vmem>>, vector<1x16xf32>,
      %swap3A_57 = vector.shape_cast %swap3A_56 : vector<1x16xf32> to vector<16xf32>
      %swap3A_58 = vector.shape_cast %broadcast_in_dim3A_54 : vector<16xf32> to vector<1x16xf32>
      tpu.vector_store %arg8[%swap3A, %swap3A_55], %swap3A_58 {strides = array<i32>} : memref<128x128xf32, #tpu.memory_space<vmem>>, vector<1x16xf32>,
      %broadcast_in_dim3A_59 = arith.constant 0.000000e+00 : f32
      %broadcast_in_dim3A_60 = vector.broadcast %broadcast_in_dim3A_59 : f32 to vector<16xf32>
      %swap3A_61 = arith.index_cast %scan3A_53 : i32 to index
      %swap3A_62 = arith.constant 16 : index
      %swap3A_63 = tpu.vector_load %arg8[%swap3A_61, %swap3A_62] {strides = array<i32>} : memref<128x128xf32, #tpu.memory_space<vmem>>, vector<1x16xf32>,
      %swap3A_64 = vector.shape_cast %swap3A_63 : vector<1x16xf32> to vector<16xf32>
      %swap3A_65 = vector.shape_cast %broadcast_in_dim3A_60 : vector<16xf32> to vector<1x16xf32>
      tpu.vector_store %arg8[%swap3A_61, %swap3A_62], %swap3A_65 {strides = array<i32>} : memref<128x128xf32, #tpu.memory_space<vmem>>, vector<1x16xf32>,
      %broadcast_in_dim3A_66 = arith.constant 0.000000e+00 : f32
      %broadcast_in_dim3A_67 = vector.broadcast %broadcast_in_dim3A_66 : f32 to vector<16xf32>
      %swap3A_68 = arith.index_cast %scan3A_53 : i32 to index
      %swap3A_69 = arith.constant 32 : index
      %swap3A_70 = tpu.vector_load %arg8[%swap3A_68, %swap3A_69] {strides = array<i32>} : memref<128x128xf32, #tpu.memory_space<vmem>>, vector<1x16xf32>,
      %swap3A_71 = vector.shape_cast %swap3A_70 : vector<1x16xf32> to vector<16xf32>
      %swap3A_72 = vector.shape_cast %broadcast_in_dim3A_67 : vector<16xf32> to vector<1x16xf32>
      tpu.vector_store %arg8[%swap3A_68, %swap3A_69], %swap3A_72 {strides = array<i32>} : memref<128x128xf32, #tpu.memory_space<vmem>>, vector<1x16xf32>,
      %broadcast_in_dim3A_73 = arith.constant 0.000000e+00 : f32
      %broadcast_in_dim3A_74 = vector.broadcast %broadcast_in_dim3A_73 : f32 to vector<16xf32>
      %swap3A_75 = arith.index_cast %scan3A_53 : i32 to index
      %swap3A_76 = arith.constant 48 : index
      %swap3A_77 = tpu.vector_load %arg8[%swap3A_75, %swap3A_76] {strides = array<i32>} : memref<128x128xf32, #tpu.memory_space<vmem>>, vector<1x16xf32>,
      %swap3A_78 = vector.shape_cast %swap3A_77 : vector<1x16xf32> to vector<16xf32>
      %swap3A_79 = vector.shape_cast %broadcast_in_dim3A_74 : vector<16xf32> to vector<1x16xf32>
      tpu.vector_store %arg8[%swap3A_75, %swap3A_76], %swap3A_79 {strides = array<i32>} : memref<128x128xf32, #tpu.memory_space<vmem>>, vector<1x16xf32>,
      %broadcast_in_dim3A_80 = arith.constant 0.000000e+00 : f32
      %broadcast_in_dim3A_81 = vector.broadcast %broadcast_in_dim3A_80 : f32 to vector<16xf32>
      %swap3A_82 = arith.index_cast %scan3A_53 : i32 to index
      %swap3A_83 = arith.constant 64 : index
      %swap3A_84 = tpu.vector_load %arg8[%swap3A_82, %swap3A_83] {strides = array<i32>} : memref<128x128xf32, #tpu.memory_space<vmem>>, vector<1x16xf32>,
      %swap3A_85 = vector.shape_cast %swap3A_84 : vector<1x16xf32> to vector<16xf32>
      %swap3A_86 = vector.shape_cast %broadcast_in_dim3A_81 : vector<16xf32> to vector<1x16xf32>
      tpu.vector_store %arg8[%swap3A_82, %swap3A_83], %swap3A_86 {strides = array<i32>} : memref<128x128xf32, #tpu.memory_space<vmem>>, vector<1x16xf32>,
      %broadcast_in_dim3A_87 = arith.constant 0.000000e+00 : f32
      %broadcast_in_dim3A_88 = vector.broadcast %broadcast_in_dim3A_87 : f32 to vector<16xf32>
      %swap3A_89 = arith.index_cast %scan3A_53 : i32 to index
      %swap3A_90 = arith.constant 80 : index
      %swap3A_91 = tpu.vector_load %arg8[%swap3A_89, %swap3A_90] {strides = array<i32>} : memref<128x128xf32, #tpu.memory_space<vmem>>, vector<1x16xf32>,
      %swap3A_92 = vector.shape_cast %swap3A_91 : vector<1x16xf32> to vector<16xf32>
      %swap3A_93 = vector.shape_cast %broadcast_in_dim3A_88 : vector<16xf32> to vector<1x16xf32>
      tpu.vector_store %arg8[%swap3A_89, %swap3A_90], %swap3A_93 {strides = array<i32>} : memref<128x128xf32, #tpu.memory_space<vmem>>, vector<1x16xf32>,
      %broadcast_in_dim3A_94 = arith.constant 0.000000e+00 : f32
      %broadcast_in_dim3A_95 = vector.broadcast %broadcast_in_dim3A_94 : f32 to vector<16xf32>
      %swap3A_96 = arith.index_cast %scan3A_53 : i32 to index
      %swap3A_97 = arith.constant 96 : index
      %swap3A_98 = tpu.vector_load %arg8[%swap3A_96, %swap3A_97] {strides = array<i32>} : memref<128x128xf32, #tpu.memory_space<vmem>>, vector<1x16xf32>,
      %swap3A_99 = vector.shape_cast %swap3A_98 : vector<1x16xf32> to vector<16xf32>
      %swap3A_100 = vector.shape_cast %broadcast_in_dim3A_95 : vector<16xf32> to vector<1x16xf32>
      tpu.vector_store %arg8[%swap3A_96, %swap3A_97], %swap3A_100 {strides = array<i32>} : memref<128x128xf32, #tpu.memory_space<vmem>>, vector<1x16xf32>,
      %broadcast_in_dim3A_101 = arith.constant 0.000000e+00 : f32
      %broadcast_in_dim3A_102 = vector.broadcast %broadcast_in_dim3A_101 : f32 to vector<16xf32>
      %swap3A_103 = arith.index_cast %scan3A_53 : i32 to index
      %swap3A_104 = arith.constant 112 : index
      %swap3A_105 = tpu.vector_load %arg8[%swap3A_103, %swap3A_104] {strides = array<i32>} : memref<128x128xf32, #tpu.memory_space<vmem>>, vector<1x16xf32>,
      %swap3A_106 = vector.shape_cast %swap3A_105 : vector<1x16xf32> to vector<16xf32>
      %swap3A_107 = vector.shape_cast %broadcast_in_dim3A_102 : vector<16xf32> to vector<1x16xf32>
      tpu.vector_store %arg8[%swap3A_103, %swap3A_104], %swap3A_107 {strides = array<i32>} : memref<128x128xf32, #tpu.memory_space<vmem>>, vector<1x16xf32>,
    }
    %scan3A_5 = arith.constant 128 : i32
    %mul3A_6 = arith.constant 640 : i32
    %mul3A_7 = arith.muli %arg1, %mul3A_6 : i32
    %add3A_8 = arith.constant 0 : i32
    %add3A_9 = arith.addi %mul3A_7, %add3A_8 : i32
    "tpu.region"() ({
      %run_scoped3A_53 = tpu.sem_alloc : memref<!tpu.dma_semaphore, #tpu.memory_space<semaphore_mem>>
      %dma_start3A_54 = arith.constant 0 : i32
      %dma_start3A_55 = tpu.memref_slice %arg12[%add3A_9, %dma_start3A_54] : memref<10240x128xf32, #tpu.memory_space<vmem_shared>> -> memref<128x128xf32, #tpu.memory_space<vmem_shared>>
      %dma_start3A_56 = arith.constant 0 : i32
      %dma_start3A_57 = tpu.memref_slice %arg12[%add3A_9, %dma_start3A_56] : memref<10240x128xf32, #tpu.memory_space<vmem_shared>> -> memref<128x128xf32, #tpu.memory_space<vmem_shared>>
      tpu.enqueue_dma source(%arg8 : memref<128x128xf32, #tpu.memory_space<vmem>>) target(%dma_start3A_57 : memref<128x128xf32, #tpu.memory_space<vmem_shared>>) target_semaphore(%run_scoped3A_53 : memref<!tpu.dma_semaphore, #tpu.memory_space<semaphore_mem>>)
      %dma_wait3A = arith.constant 0 : i32
      %dma_wait3A_58 = tpu.memref_slice %arg12[%add3A_9, %dma_wait3A] : memref<10240x128xf32, #tpu.memory_space<vmem_shared>> -> memref<128x128xf32, #tpu.memory_space<vmem_shared>>
      %dma_wait3A_59 = arith.constant 0 : i32
      %dma_wait3A_60 = tpu.memref_slice %arg12[%add3A_9, %dma_wait3A_59] : memref<10240x128xf32, #tpu.memory_space<vmem_shared>> -> memref<128x128xf32, #tpu.memory_space<vmem_shared>>
      tpu.wait_dma2 semaphore(%run_scoped3A_53 : memref<!tpu.dma_semaphore, #tpu.memory_space<semaphore_mem>>) src(%arg8 : memref<128x128xf32, #tpu.memory_space<vmem>>) dst(%dma_wait3A_60 : memref<128x128xf32, #tpu.memory_space<vmem_shared>>)
      tpu.yield
    }) : () -> ()
    %mul3A_10 = arith.constant 640 : i32
    %mul3A_11 = arith.muli %arg1, %mul3A_10 : i32
    %add3A_12 = arith.constant 128 : i32
    %add3A_13 = arith.addi %mul3A_11, %add3A_12 : i32
    "tpu.region"() ({
      %run_scoped3A_53 = tpu.sem_alloc : memref<!tpu.dma_semaphore, #tpu.memory_space<semaphore_mem>>
      %dma_start3A_54 = arith.constant 0 : i32
      %dma_start3A_55 = tpu.memref_slice %arg12[%add3A_13, %dma_start3A_54] : memref<10240x128xf32, #tpu.memory_space<vmem_shared>> -> memref<128x128xf32, #tpu.memory_space<vmem_shared>>
      %dma_start3A_56 = arith.constant 0 : i32
      %dma_start3A_57 = tpu.memref_slice %arg12[%add3A_13, %dma_start3A_56] : memref<10240x128xf32, #tpu.memory_space<vmem_shared>> -> memref<128x128xf32, #tpu.memory_space<vmem_shared>>
      tpu.enqueue_dma source(%arg8 : memref<128x128xf32, #tpu.memory_space<vmem>>) target(%dma_start3A_57 : memref<128x128xf32, #tpu.memory_space<vmem_shared>>) target_semaphore(%run_scoped3A_53 : memref<!tpu.dma_semaphore, #tpu.memory_space<semaphore_mem>>)
      %dma_wait3A = arith.constant 0 : i32
      %dma_wait3A_58 = tpu.memref_slice %arg12[%add3A_13, %dma_wait3A] : memref<10240x128xf32, #tpu.memory_space<vmem_shared>> -> memref<128x128xf32, #tpu.memory_space<vmem_shared>>
      %dma_wait3A_59 = arith.constant 0 : i32
      %dma_wait3A_60 = tpu.memref_slice %arg12[%add3A_13, %dma_wait3A_59] : memref<10240x128xf32, #tpu.memory_space<vmem_shared>> -> memref<128x128xf32, #tpu.memory_space<vmem_shared>>
      tpu.wait_dma2 semaphore(%run_scoped3A_53 : memref<!tpu.dma_semaphore, #tpu.memory_space<semaphore_mem>>) src(%arg8 : memref<128x128xf32, #tpu.memory_space<vmem>>) dst(%dma_wait3A_60 : memref<128x128xf32, #tpu.memory_space<vmem_shared>>)
      tpu.yield
    }) : () -> ()
    %mul3A_14 = arith.constant 640 : i32
    %mul3A_15 = arith.muli %arg1, %mul3A_14 : i32
    %add3A_16 = arith.constant 256 : i32
    %add3A_17 = arith.addi %mul3A_15, %add3A_16 : i32
    "tpu.region"() ({
      %run_scoped3A_53 = tpu.sem_alloc : memref<!tpu.dma_semaphore, #tpu.memory_space<semaphore_mem>>
      %dma_start3A_54 = arith.constant 0 : i32
      %dma_start3A_55 = tpu.memref_slice %arg12[%add3A_17, %dma_start3A_54] : memref<10240x128xf32, #tpu.memory_space<vmem_shared>> -> memref<128x128xf32, #tpu.memory_space<vmem_shared>>
      %dma_start3A_56 = arith.constant 0 : i32
      %dma_start3A_57 = tpu.memref_slice %arg12[%add3A_17, %dma_start3A_56] : memref<10240x128xf32, #tpu.memory_space<vmem_shared>> -> memref<128x128xf32, #tpu.memory_space<vmem_shared>>
      tpu.enqueue_dma source(%arg8 : memref<128x128xf32, #tpu.memory_space<vmem>>) target(%dma_start3A_57 : memref<128x128xf32, #tpu.memory_space<vmem_shared>>) target_semaphore(%run_scoped3A_53 : memref<!tpu.dma_semaphore, #tpu.memory_space<semaphore_mem>>)
      %dma_wait3A = arith.constant 0 : i32
      %dma_wait3A_58 = tpu.memref_slice %arg12[%add3A_17, %dma_wait3A] : memref<10240x128xf32, #tpu.memory_space<vmem_shared>> -> memref<128x128xf32, #tpu.memory_space<vmem_shared>>
      %dma_wait3A_59 = arith.constant 0 : i32
      %dma_wait3A_60 = tpu.memref_slice %arg12[%add3A_17, %dma_wait3A_59] : memref<10240x128xf32, #tpu.memory_space<vmem_shared>> -> memref<128x128xf32, #tpu.memory_space<vmem_shared>>
      tpu.wait_dma2 semaphore(%run_scoped3A_53 : memref<!tpu.dma_semaphore, #tpu.memory_space<semaphore_mem>>) src(%arg8 : memref<128x128xf32, #tpu.memory_space<vmem>>) dst(%dma_wait3A_60 : memref<128x128xf32, #tpu.memory_space<vmem_shared>>)
      tpu.yield
    }) : () -> ()
    %mul3A_18 = arith.constant 640 : i32
    %mul3A_19 = arith.muli %arg1, %mul3A_18 : i32
    %add3A_20 = arith.constant 384 : i32
    %add3A_21 = arith.addi %mul3A_19, %add3A_20 : i32
    "tpu.region"() ({
      %run_scoped3A_53 = tpu.sem_alloc : memref<!tpu.dma_semaphore, #tpu.memory_space<semaphore_mem>>
      %dma_start3A_54 = arith.constant 0 : i32
      %dma_start3A_55 = tpu.memref_slice %arg12[%add3A_21, %dma_start3A_54] : memref<10240x128xf32, #tpu.memory_space<vmem_shared>> -> memref<128x128xf32, #tpu.memory_space<vmem_shared>>
      %dma_start3A_56 = arith.constant 0 : i32
      %dma_start3A_57 = tpu.memref_slice %arg12[%add3A_21, %dma_start3A_56] : memref<10240x128xf32, #tpu.memory_space<vmem_shared>> -> memref<128x128xf32, #tpu.memory_space<vmem_shared>>
      tpu.enqueue_dma source(%arg8 : memref<128x128xf32, #tpu.memory_space<vmem>>) target(%dma_start3A_57 : memref<128x128xf32, #tpu.memory_space<vmem_shared>>) target_semaphore(%run_scoped3A_53 : memref<!tpu.dma_semaphore, #tpu.memory_space<semaphore_mem>>)
      %dma_wait3A = arith.constant 0 : i32
      %dma_wait3A_58 = tpu.memref_slice %arg12[%add3A_21, %dma_wait3A] : memref<10240x128xf32, #tpu.memory_space<vmem_shared>> -> memref<128x128xf32, #tpu.memory_space<vmem_shared>>
      %dma_wait3A_59 = arith.constant 0 : i32
      %dma_wait3A_60 = tpu.memref_slice %arg12[%add3A_21, %dma_wait3A_59] : memref<10240x128xf32, #tpu.memory_space<vmem_shared>> -> memref<128x128xf32, #tpu.memory_space<vmem_shared>>
      tpu.wait_dma2 semaphore(%run_scoped3A_53 : memref<!tpu.dma_semaphore, #tpu.memory_space<semaphore_mem>>) src(%arg8 : memref<128x128xf32, #tpu.memory_space<vmem>>) dst(%dma_wait3A_60 : memref<128x128xf32, #tpu.memory_space<vmem_shared>>)
      tpu.yield
    }) : () -> ()
    %mul3A_22 = arith.constant 640 : i32
    %mul3A_23 = arith.muli %arg1, %mul3A_22 : i32
    %add3A_24 = arith.constant 512 : i32
    %add3A_25 = arith.addi %mul3A_23, %add3A_24 : i32
    "tpu.region"() ({
      %run_scoped3A_53 = tpu.sem_alloc : memref<!tpu.dma_semaphore, #tpu.memory_space<semaphore_mem>>
      %dma_start3A_54 = arith.constant 0 : i32
      %dma_start3A_55 = tpu.memref_slice %arg12[%add3A_25, %dma_start3A_54] : memref<10240x128xf32, #tpu.memory_space<vmem_shared>> -> memref<128x128xf32, #tpu.memory_space<vmem_shared>>
      %dma_start3A_56 = arith.constant 0 : i32
      %dma_start3A_57 = tpu.memref_slice %arg12[%add3A_25, %dma_start3A_56] : memref<10240x128xf32, #tpu.memory_space<vmem_shared>> -> memref<128x128xf32, #tpu.memory_space<vmem_shared>>
      tpu.enqueue_dma source(%arg8 : memref<128x128xf32, #tpu.memory_space<vmem>>) target(%dma_start3A_57 : memref<128x128xf32, #tpu.memory_space<vmem_shared>>) target_semaphore(%run_scoped3A_53 : memref<!tpu.dma_semaphore, #tpu.memory_space<semaphore_mem>>)
      %dma_wait3A = arith.constant 0 : i32
      %dma_wait3A_58 = tpu.memref_slice %arg12[%add3A_25, %dma_wait3A] : memref<10240x128xf32, #tpu.memory_space<vmem_shared>> -> memref<128x128xf32, #tpu.memory_space<vmem_shared>>
      %dma_wait3A_59 = arith.constant 0 : i32
      %dma_wait3A_60 = tpu.memref_slice %arg12[%add3A_25, %dma_wait3A_59] : memref<10240x128xf32, #tpu.memory_space<vmem_shared>> -> memref<128x128xf32, #tpu.memory_space<vmem_shared>>
      tpu.wait_dma2 semaphore(%run_scoped3A_53 : memref<!tpu.dma_semaphore, #tpu.memory_space<semaphore_mem>>) src(%arg8 : memref<128x128xf32, #tpu.memory_space<vmem>>) dst(%dma_wait3A_60 : memref<128x128xf32, #tpu.memory_space<vmem_shared>>)
      tpu.yield
    }) : () -> ()
    %barrier3A = arith.constant 0 : index
    tpu.barrier barrier_id(%barrier3A)
    %run_scoped3A = arith.constant 0 : i32
    "tpu.region"() ({
      %run_scoped3A_53 = tpu.sem_alloc : memref<!tpu.dma_semaphore, #tpu.memory_space<semaphore_mem>>
      %dma_start3A_54 = arith.constant 0 : i32
      %dma_start3A_55 = arith.constant 0 : i32
      %dma_start3A_56 = tpu.memref_slice %arg6[%run_scoped3A, %dma_start3A_54, %dma_start3A_55] : memref<2x8x128xi32, #tpu.memory_space<vmem>> -> memref<1x8x128xi32, #tpu.memory_space<vmem>>
      %dma_start3A_57 = tpu.memref_squeeze %dma_start3A_56 : memref<1x8x128xi32, #tpu.memory_space<vmem>> -> memref<8x128xi32, #tpu.memory_space<vmem>>
      %dma_start3A_58 = arith.constant 0 : i32
      %dma_start3A_59 = arith.constant 0 : i32
      %dma_start3A_60 = tpu.memref_slice %arg3[%add3A, %dma_start3A_58, %dma_start3A_59] : memref<32x80x128xi32, #tpu.memory_space<hbm>> -> memref<1x8x128xi32, #tpu.memory_space<hbm>>
      %dma_start3A_61 = tpu.memref_squeeze %dma_start3A_60 : memref<1x8x128xi32, #tpu.memory_space<hbm>> -> memref<8x128xi32, #tpu.memory_space<hbm>>
      %dma_start3A_62 = arith.constant 0 : i32
      %dma_start3A_63 = arith.constant 0 : i32
      %dma_start3A_64 = tpu.memref_slice %arg6[%run_scoped3A, %dma_start3A_62, %dma_start3A_63] : memref<2x8x128xi32, #tpu.memory_space<vmem>> -> memref<1x8x128xi32, #tpu.memory_space<vmem>>
      %dma_start3A_65 = tpu.memref_squeeze %dma_start3A_64 : memref<1x8x128xi32, #tpu.memory_space<vmem>> -> memref<8x128xi32, #tpu.memory_space<vmem>>
      %dma_start3A_66 = arith.constant 0 : i32
      %dma_start3A_67 = arith.constant 0 : i32
      %dma_start3A_68 = tpu.memref_slice %arg3[%add3A, %dma_start3A_66, %dma_start3A_67] : memref<32x80x128xi32, #tpu.memory_space<hbm>> -> memref<1x8x128xi32, #tpu.memory_space<hbm>>
      %dma_start3A_69 = tpu.memref_squeeze %dma_start3A_68 : memref<1x8x128xi32, #tpu.memory_space<hbm>> -> memref<8x128xi32, #tpu.memory_space<hbm>>
      tpu.enqueue_dma source(%dma_start3A_69 : memref<8x128xi32, #tpu.memory_space<hbm>>) target(%dma_start3A_65 : memref<8x128xi32, #tpu.memory_space<vmem>>) target_semaphore(%run_scoped3A_53 : memref<!tpu.dma_semaphore, #tpu.memory_space<semaphore_mem>>)
      %dma_wait3A = arith.constant 0 : i32
      %dma_wait3A_70 = arith.constant 0 : i32
      %dma_wait3A_71 = tpu.memref_slice %arg6[%run_scoped3A, %dma_wait3A, %dma_wait3A_70] : memref<2x8x128xi32, #tpu.memory_space<vmem>> -> memref<1x8x128xi32, #tpu.memory_space<vmem>>
      %dma_wait3A_72 = tpu.memref_squeeze %dma_wait3A_71 : memref<1x8x128xi32, #tpu.memory_space<vmem>> -> memref<8x128xi32, #tpu.memory_space<vmem>>
      %dma_wait3A_73 = arith.constant 0 : i32
      %dma_wait3A_74 = arith.constant 0 : i32
      %dma_wait3A_75 = tpu.memref_slice %arg3[%add3A, %dma_wait3A_73, %dma_wait3A_74] : memref<32x80x128xi32, #tpu.memory_space<hbm>> -> memref<1x8x128xi32, #tpu.memory_space<hbm>>
      %dma_wait3A_76 = tpu.memref_squeeze %dma_wait3A_75 : memref<1x8x128xi32, #tpu.memory_space<hbm>> -> memref<8x128xi32, #tpu.memory_space<hbm>>
      %dma_wait3A_77 = arith.constant 0 : i32
      %dma_wait3A_78 = arith.constant 0 : i32
      %dma_wait3A_79 = tpu.memref_slice %arg6[%run_scoped3A, %dma_wait3A_77, %dma_wait3A_78] : memref<2x8x128xi32, #tpu.memory_space<vmem>> -> memref<1x8x128xi32, #tpu.memory_space<vmem>>
      %dma_wait3A_80 = tpu.memref_squeeze %dma_wait3A_79 : memref<1x8x128xi32, #tpu.memory_space<vmem>> -> memref<8x128xi32, #tpu.memory_space<vmem>>
      %dma_wait3A_81 = arith.constant 0 : i32
      %dma_wait3A_82 = arith.constant 0 : i32
      %dma_wait3A_83 = tpu.memref_slice %arg3[%add3A, %dma_wait3A_81, %dma_wait3A_82] : memref<32x80x128xi32, #tpu.memory_space<hbm>> -> memref<1x8x128xi32, #tpu.memory_space<hbm>>
      %dma_wait3A_84 = tpu.memref_squeeze %dma_wait3A_83 : memref<1x8x128xi32, #tpu.memory_space<hbm>> -> memref<8x128xi32, #tpu.memory_space<hbm>>
      tpu.wait_dma2 semaphore(%run_scoped3A_53 : memref<!tpu.dma_semaphore, #tpu.memory_space<semaphore_mem>>) src(%dma_wait3A_84 : memref<8x128xi32, #tpu.memory_space<hbm>>) dst(%dma_wait3A_80 : memref<8x128xi32, #tpu.memory_space<vmem>>)
      tpu.yield
    }) : () -> ()
    %run_scoped3A_26 = arith.constant 0 : i32
    "tpu.region"() ({
      %run_scoped3A_53 = tpu.sem_alloc : memref<!tpu.dma_semaphore, #tpu.memory_space<semaphore_mem>>
      %dma_start3A_54 = arith.constant 0 : i32
      %dma_start3A_55 = arith.constant 0 : i32
      %dma_start3A_56 = tpu.memref_slice %arg7[%run_scoped3A_26, %dma_start3A_54, %dma_start3A_55] : memref<2x8x128xi32, #tpu.memory_space<vmem>> -> memref<1x8x128xi32, #tpu.memory_space<vmem>>
      %dma_start3A_57 = tpu.memref_squeeze %dma_start3A_56 : memref<1x8x128xi32, #tpu.memory_space<vmem>> -> memref<8x128xi32, #tpu.memory_space<vmem>>
      %dma_start3A_58 = arith.constant 0 : i32
      %dma_start3A_59 = arith.constant 0 : i32
      %dma_start3A_60 = tpu.memref_slice %arg4[%add3A, %dma_start3A_58, %dma_start3A_59] : memref<32x80x128xi32, #tpu.memory_space<hbm>> -> memref<1x8x128xi32, #tpu.memory_space<hbm>>
      %dma_start3A_61 = tpu.memref_squeeze %dma_start3A_60 : memref<1x8x128xi32, #tpu.memory_space<hbm>> -> memref<8x128xi32, #tpu.memory_space<hbm>>
      %dma_start3A_62 = arith.constant 0 : i32
      %dma_start3A_63 = arith.constant 0 : i32
      %dma_start3A_64 = tpu.memref_slice %arg7[%run_scoped3A_26, %dma_start3A_62, %dma_start3A_63] : memref<2x8x128xi32, #tpu.memory_space<vmem>> -> memref<1x8x128xi32, #tpu.memory_space<vmem>>
      %dma_start3A_65 = tpu.memref_squeeze %dma_start3A_64 : memref<1x8x128xi32, #tpu.memory_space<vmem>> -> memref<8x128xi32, #tpu.memory_space<vmem>>
      %dma_start3A_66 = arith.constant 0 : i32
      %dma_start3A_67 = arith.constant 0 : i32
      %dma_start3A_68 = tpu.memref_slice %arg4[%add3A, %dma_start3A_66, %dma_start3A_67] : memref<32x80x128xi32, #tpu.memory_space<hbm>> -> memref<1x8x128xi32, #tpu.memory_space<hbm>>
      %dma_start3A_69 = tpu.memref_squeeze %dma_start3A_68 : memref<1x8x128xi32, #tpu.memory_space<hbm>> -> memref<8x128xi32, #tpu.memory_space<hbm>>
      tpu.enqueue_dma source(%dma_start3A_69 : memref<8x128xi32, #tpu.memory_space<hbm>>) target(%dma_start3A_65 : memref<8x128xi32, #tpu.memory_space<vmem>>) target_semaphore(%run_scoped3A_53 : memref<!tpu.dma_semaphore, #tpu.memory_space<semaphore_mem>>)
      %dma_wait3A = arith.constant 0 : i32
      %dma_wait3A_70 = arith.constant 0 : i32
      %dma_wait3A_71 = tpu.memref_slice %arg7[%run_scoped3A_26, %dma_wait3A, %dma_wait3A_70] : memref<2x8x128xi32, #tpu.memory_space<vmem>> -> memref<1x8x128xi32, #tpu.memory_space<vmem>>
      %dma_wait3A_72 = tpu.memref_squeeze %dma_wait3A_71 : memref<1x8x128xi32, #tpu.memory_space<vmem>> -> memref<8x128xi32, #tpu.memory_space<vmem>>
      %dma_wait3A_73 = arith.constant 0 : i32
      %dma_wait3A_74 = arith.constant 0 : i32
      %dma_wait3A_75 = tpu.memref_slice %arg4[%add3A, %dma_wait3A_73, %dma_wait3A_74] : memref<32x80x128xi32, #tpu.memory_space<hbm>> -> memref<1x8x128xi32, #tpu.memory_space<hbm>>
      %dma_wait3A_76 = tpu.memref_squeeze %dma_wait3A_75 : memref<1x8x128xi32, #tpu.memory_space<hbm>> -> memref<8x128xi32, #tpu.memory_space<hbm>>
      %dma_wait3A_77 = arith.constant 0 : i32
      %dma_wait3A_78 = arith.constant 0 : i32
      %dma_wait3A_79 = tpu.memref_slice %arg7[%run_scoped3A_26, %dma_wait3A_77, %dma_wait3A_78] : memref<2x8x128xi32, #tpu.memory_space<vmem>> -> memref<1x8x128xi32, #tpu.memory_space<vmem>>
      %dma_wait3A_80 = tpu.memref_squeeze %dma_wait3A_79 : memref<1x8x128xi32, #tpu.memory_space<vmem>> -> memref<8x128xi32, #tpu.memory_space<vmem>>
      %dma_wait3A_81 = arith.constant 0 : i32
      %dma_wait3A_82 = arith.constant 0 : i32
      %dma_wait3A_83 = tpu.memref_slice %arg4[%add3A, %dma_wait3A_81, %dma_wait3A_82] : memref<32x80x128xi32, #tpu.memory_space<hbm>> -> memref<1x8x128xi32, #tpu.memory_space<hbm>>
      %dma_wait3A_84 = tpu.memref_squeeze %dma_wait3A_83 : memref<1x8x128xi32, #tpu.memory_space<hbm>> -> memref<8x128xi32, #tpu.memory_space<hbm>>
      tpu.wait_dma2 semaphore(%run_scoped3A_53 : memref<!tpu.dma_semaphore, #tpu.memory_space<semaphore_mem>>) src(%dma_wait3A_84 : memref<8x128xi32, #tpu.memory_space<hbm>>) dst(%dma_wait3A_80 : memref<8x128xi32, #tpu.memory_space<vmem>>)
      tpu.yield
    }) : () -> ()
    %dma_start3A = arith.constant 0 : i32
    %dma_start3A_27 = arith.constant 0 : i32
    %dma_start3A_28 = arith.constant 0 : i32
    %dma_start3A_29 = tpu.memref_slice %arg6[%dma_start3A, %dma_start3A_27, %dma_start3A_28] : memref<2x8x128xi32, #tpu.memory_space<vmem>> -> memref<1x1x128xi32, #tpu.memory_space<vmem>>
    %dma_start3A_30 = tpu.memref_squeeze %dma_start3A_29 : memref<1x1x128xi32, #tpu.memory_space<vmem>> -> memref<128xi32, #tpu.memory_space<vmem>>
    %dma_start3A_31 = arith.constant 0 : i32
    %dma_start3A_32 = arith.constant 0 : i32
    %dma_start3A_33 = tpu.memref_slice %arg2[%dma_start3A_31, %dma_start3A_32] : memref<10000x128xf32, #tpu.memory_space<hbm>> -> memref<10000x128xf32, #tpu.memory_space<hbm>>
    tpu.enqueue_indirect_dma source(%dma_start3A_33 : memref<10000x128xf32, #tpu.memory_space<hbm>>) target(%arg8 : memref<128x128xf32, #tpu.memory_space<vmem>>) offsets(%dma_start3A_30 : memref<128xi32, #tpu.memory_space<vmem>>) semaphore(%arg10 : memref<!tpu.dma_semaphore, #tpu.memory_space<semaphore_mem>>)
    %dma_start3A_34 = arith.constant 0 : i32
    %dma_start3A_35 = arith.constant 1 : i32
    %dma_start3A_36 = arith.constant 0 : i32
    %dma_start3A_37 = tpu.memref_slice %arg6[%dma_start3A_34, %dma_start3A_35, %dma_start3A_36] : memref<2x8x128xi32, #tpu.memory_space<vmem>> -> memref<1x1x128xi32, #tpu.memory_space<vmem>>
    %dma_start3A_38 = tpu.memref_squeeze %dma_start3A_37 : memref<1x1x128xi32, #tpu.memory_space<vmem>> -> memref<128xi32, #tpu.memory_space<vmem>>
    %dma_start3A_39 = arith.constant 0 : i32
    %dma_start3A_40 = arith.constant 0 : i32
    %dma_start3A_41 = tpu.memref_slice %arg2[%dma_start3A_39, %dma_start3A_40] : memref<10000x128xf32, #tpu.memory_space<hbm>> -> memref<10000x128xf32, #tpu.memory_space<hbm>>
    tpu.enqueue_indirect_dma source(%dma_start3A_41 : memref<10000x128xf32, #tpu.memory_space<hbm>>) target(%arg9 : memref<128x128xf32, #tpu.memory_space<vmem>>) offsets(%dma_start3A_38 : memref<128xi32, #tpu.memory_space<vmem>>) semaphore(%arg11 : memref<!tpu.dma_semaphore, #tpu.memory_space<semaphore_mem>>)
    %scan3A_42 = arith.constant 0 : i32
    %scan3A_43 = arith.constant 0 : i32
    %scan3A_44 = arith.constant 10 : i32
    %scan3A_45 = arith.addi %scan3A_43, %scan3A_44 : i32
    %scan3A_46 = arith.constant 1 : i32
    scf.for %scan3A_53 = %scan3A_43 to %scan3A_45 step %scan3A_46  : i32 {
      %rem3A = arith.constant 2 : i32
      %rem3A_54 = arith.remsi %scan3A_53, %rem3A : i32
      %add3A_55 = arith.constant 1 : i32
      %add3A_56 = arith.addi %scan3A_53, %add3A_55 : i32
      %lt3A = arith.constant 10 : i32
      %lt3A_57 = arith.cmpi slt, %add3A_56, %lt3A : i32
      %convert_element_type3A = arith.extui %lt3A_57 : i1 to i32
      %cond3A = arith.constant 0 : i32
      %cond3A_58 = arith.cmpi ne, %convert_element_type3A, %cond3A : i32
      scf.if %cond3A_58 {
        %add3A_225 = arith.constant 1 : i32
        %add3A_226 = arith.addi %scan3A_53, %add3A_225 : i32
        %sub3A = arith.constant 1 : i32
        %sub3A_227 = arith.subi %sub3A, %rem3A_54 : i32
        %mul3A_228 = arith.constant 8 : i32
        %mul3A_229 = arith.muli %add3A_226, %mul3A_228 : i32
        %dma_start3A_230 = arith.constant 0 : i32
        %dma_start3A_231 = arith.constant 0 : i32
        %dma_start3A_232 = tpu.memref_slice %arg6[%sub3A_227, %dma_start3A_230, %dma_start3A_231] : memref<2x8x128xi32, #tpu.memory_space<vmem>> -> memref<1x8x128xi32, #tpu.memory_space<vmem>>
        %dma_start3A_233 = tpu.memref_squeeze %dma_start3A_232 : memref<1x8x128xi32, #tpu.memory_space<vmem>> -> memref<8x128xi32, #tpu.memory_space<vmem>>
        %dma_start3A_234 = arith.constant 0 : i32
        %dma_start3A_235 = tpu.memref_slice %arg3[%add3A, %mul3A_229, %dma_start3A_234] : memref<32x80x128xi32, #tpu.memory_space<hbm>> -> memref<1x8x128xi32, #tpu.memory_space<hbm>>
        %dma_start3A_236 = tpu.memref_squeeze %dma_start3A_235 : memref<1x8x128xi32, #tpu.memory_space<hbm>> -> memref<8x128xi32, #tpu.memory_space<hbm>>
        %dma_start3A_237 = arith.constant 0 : i32
        %dma_start3A_238 = arith.constant 0 : i32
        %dma_start3A_239 = tpu.memref_slice %arg6[%sub3A_227, %dma_start3A_237, %dma_start3A_238] : memref<2x8x128xi32, #tpu.memory_space<vmem>> -> memref<1x8x128xi32, #tpu.memory_space<vmem>>
        %dma_start3A_240 = tpu.memref_squeeze %dma_start3A_239 : memref<1x8x128xi32, #tpu.memory_space<vmem>> -> memref<8x128xi32, #tpu.memory_space<vmem>>
        %dma_start3A_241 = arith.constant 0 : i32
        %dma_start3A_242 = tpu.memref_slice %arg3[%add3A, %mul3A_229, %dma_start3A_241] : memref<32x80x128xi32, #tpu.memory_space<hbm>> -> memref<1x8x128xi32, #tpu.memory_space<hbm>>
        %dma_start3A_243 = tpu.memref_squeeze %dma_start3A_242 : memref<1x8x128xi32, #tpu.memory_space<hbm>> -> memref<8x128xi32, #tpu.memory_space<hbm>>
        tpu.enqueue_dma source(%dma_start3A_243 : memref<8x128xi32, #tpu.memory_space<hbm>>) target(%dma_start3A_240 : memref<8x128xi32, #tpu.memory_space<vmem>>) target_semaphore(%arg13 : memref<!tpu.dma_semaphore, #tpu.memory_space<semaphore_mem>>)
        %mul3A_244 = arith.constant 8 : i32
        %mul3A_245 = arith.muli %add3A_226, %mul3A_244 : i32
        %dma_start3A_246 = arith.constant 0 : i32
        %dma_start3A_247 = arith.constant 0 : i32
        %dma_start3A_248 = tpu.memref_slice %arg7[%sub3A_227, %dma_start3A_246, %dma_start3A_247] : memref<2x8x128xi32, #tpu.memory_space<vmem>> -> memref<1x8x128xi32, #tpu.memory_space<vmem>>
        %dma_start3A_249 = tpu.memref_squeeze %dma_start3A_248 : memref<1x8x128xi32, #tpu.memory_space<vmem>> -> memref<8x128xi32, #tpu.memory_space<vmem>>
        %dma_start3A_250 = arith.constant 0 : i32
        %dma_start3A_251 = tpu.memref_slice %arg4[%add3A, %mul3A_245, %dma_start3A_250] : memref<32x80x128xi32, #tpu.memory_space<hbm>> -> memref<1x8x128xi32, #tpu.memory_space<hbm>>
        %dma_start3A_252 = tpu.memref_squeeze %dma_start3A_251 : memref<1x8x128xi32, #tpu.memory_space<hbm>> -> memref<8x128xi32, #tpu.memory_space<hbm>>
        %dma_start3A_253 = arith.constant 0 : i32
        %dma_start3A_254 = arith.constant 0 : i32
        %dma_start3A_255 = tpu.memref_slice %arg7[%sub3A_227, %dma_start3A_253, %dma_start3A_254] : memref<2x8x128xi32, #tpu.memory_space<vmem>> -> memref<1x8x128xi32, #tpu.memory_space<vmem>>
        %dma_start3A_256 = tpu.memref_squeeze %dma_start3A_255 : memref<1x8x128xi32, #tpu.memory_space<vmem>> -> memref<8x128xi32, #tpu.memory_space<vmem>>
        %dma_start3A_257 = arith.constant 0 : i32
        %dma_start3A_258 = tpu.memref_slice %arg4[%add3A, %mul3A_245, %dma_start3A_257] : memref<32x80x128xi32, #tpu.memory_space<hbm>> -> memref<1x8x128xi32, #tpu.memory_space<hbm>>
        %dma_start3A_259 = tpu.memref_squeeze %dma_start3A_258 : memref<1x8x128xi32, #tpu.memory_space<hbm>> -> memref<8x128xi32, #tpu.memory_space<hbm>>
        tpu.enqueue_dma source(%dma_start3A_259 : memref<8x128xi32, #tpu.memory_space<hbm>>) target(%dma_start3A_256 : memref<8x128xi32, #tpu.memory_space<vmem>>) target_semaphore(%arg13 : memref<!tpu.dma_semaphore, #tpu.memory_space<semaphore_mem>>)
      } else {
      }
      %mul3A_59 = arith.constant 8 : i32
      %mul3A_60 = arith.muli %scan3A_53, %mul3A_59 : i32
      %add3A_61 = arith.constant 0 : i32
      %add3A_62 = arith.addi %mul3A_60, %add3A_61 : i32
      %dma_wait3A = arith.constant 0 : i32
      %dma_wait3A_63 = arith.constant 0 : i32
      %dma_wait3A_64 = arith.constant 0 : i32
      %dma_wait3A_65 = tpu.memref_slice %arg6[%dma_wait3A, %dma_wait3A_63, %dma_wait3A_64] : memref<2x8x128xi32, #tpu.memory_space<vmem>> -> memref<1x1x128xi32, #tpu.memory_space<vmem>>
      %dma_wait3A_66 = tpu.memref_squeeze %dma_wait3A_65 : memref<1x1x128xi32, #tpu.memory_space<vmem>> -> memref<128xi32, #tpu.memory_space<vmem>>
      %dma_wait3A_67 = arith.constant 0 : i32
      %dma_wait3A_68 = arith.constant 0 : i32
      %dma_wait3A_69 = tpu.memref_slice %arg2[%dma_wait3A_67, %dma_wait3A_68] : memref<10000x128xf32, #tpu.memory_space<hbm>> -> memref<10000x128xf32, #tpu.memory_space<hbm>>
      tpu.wait_indirect_dma semaphore(%arg10 : memref<!tpu.dma_semaphore, #tpu.memory_space<semaphore_mem>>) src(%dma_wait3A_69 : memref<10000x128xf32, #tpu.memory_space<hbm>>) dst(%arg8 : memref<128x128xf32, #tpu.memory_space<vmem>>)
      %run_scoped3A_70 = arith.constant 0 : i32
      "tpu.region"() ({
        %run_scoped3A_225 = tpu.sem_alloc : memref<!tpu.dma_semaphore, #tpu.memory_space<semaphore_mem>>
        %dma_start3A_226 = arith.constant 0 : i32
        %dma_start3A_227 = tpu.memref_slice %arg7[%rem3A_54, %run_scoped3A_70, %dma_start3A_226] : memref<2x8x128xi32, #tpu.memory_space<vmem>> -> memref<1x1x128xi32, #tpu.memory_space<vmem>>
        %dma_start3A_228 = tpu.memref_squeeze %dma_start3A_227 : memref<1x1x128xi32, #tpu.memory_space<vmem>> -> memref<128xi32, #tpu.memory_space<vmem>>
        %dma_start3A_229 = arith.constant 0 : i32
        %dma_start3A_230 = arith.constant 0 : i32
        %dma_start3A_231 = tpu.memref_slice %arg12[%dma_start3A_229, %dma_start3A_230] : memref<10240x128xf32, #tpu.memory_space<vmem_shared>> -> memref<10240x128xf32, #tpu.memory_space<vmem_shared>>
        tpu.enqueue_indirect_dma source(%arg8 : memref<128x128xf32, #tpu.memory_space<vmem>>) target(%dma_start3A_231 : memref<10240x128xf32, #tpu.memory_space<vmem_shared>>) offsets(%dma_start3A_228 : memref<128xi32, #tpu.memory_space<vmem>>) semaphore(%run_scoped3A_225 : memref<!tpu.dma_semaphore, #tpu.memory_space<semaphore_mem>>) {add = true}
        %dma_wait3A_232 = arith.constant 0 : i32
        %dma_wait3A_233 = tpu.memref_slice %arg7[%rem3A_54, %run_scoped3A_70, %dma_wait3A_232] : memref<2x8x128xi32, #tpu.memory_space<vmem>> -> memref<1x1x128xi32, #tpu.memory_space<vmem>>
        %dma_wait3A_234 = tpu.memref_squeeze %dma_wait3A_233 : memref<1x1x128xi32, #tpu.memory_space<vmem>> -> memref<128xi32, #tpu.memory_space<vmem>>
        %dma_wait3A_235 = arith.constant 0 : i32
        %dma_wait3A_236 = arith.constant 0 : i32
        %dma_wait3A_237 = tpu.memref_slice %arg12[%dma_wait3A_235, %dma_wait3A_236] : memref<10240x128xf32, #tpu.memory_space<vmem_shared>> -> memref<10240x128xf32, #tpu.memory_space<vmem_shared>>
        tpu.wait_indirect_dma semaphore(%run_scoped3A_225 : memref<!tpu.dma_semaphore, #tpu.memory_space<semaphore_mem>>) src(%arg8 : memref<128x128xf32, #tpu.memory_space<vmem>>) dst(%dma_wait3A_237 : memref<10240x128xf32, #tpu.memory_space<vmem_shared>>)
        tpu.yield
      }) : () -> ()
      %add3A_71 = arith.constant 2 : i32
      %add3A_72 = arith.addi %add3A_62, %add3A_71 : i32
      %lt3A_73 = arith.constant 80 : i32
      %lt3A_74 = arith.cmpi slt, %add3A_72, %lt3A_73 : i32
      %convert_element_type3A_75 = arith.extui %lt3A_74 : i1 to i32
      %cond3A_76 = arith.constant 0 : i32
      %cond3A_77 = arith.cmpi ne, %convert_element_type3A_75, %cond3A_76 : i32
      scf.if %cond3A_77 {
        %dma_start3A_225 = arith.constant 2 : i32
        %dma_start3A_226 = arith.constant 0 : i32
        %dma_start3A_227 = tpu.memref_slice %arg6[%rem3A_54, %dma_start3A_225, %dma_start3A_226] : memref<2x8x128xi32, #tpu.memory_space<vmem>> -> memref<1x1x128xi32, #tpu.memory_space<vmem>>
        %dma_start3A_228 = tpu.memref_squeeze %dma_start3A_227 : memref<1x1x128xi32, #tpu.memory_space<vmem>> -> memref<128xi32, #tpu.memory_space<vmem>>
        %dma_start3A_229 = arith.constant 0 : i32
        %dma_start3A_230 = arith.constant 0 : i32
        %dma_start3A_231 = tpu.memref_slice %arg2[%dma_start3A_229, %dma_start3A_230] : memref<10000x128xf32, #tpu.memory_space<hbm>> -> memref<10000x128xf32, #tpu.memory_space<hbm>>
        tpu.enqueue_indirect_dma source(%dma_start3A_231 : memref<10000x128xf32, #tpu.memory_space<hbm>>) target(%arg8 : memref<128x128xf32, #tpu.memory_space<vmem>>) offsets(%dma_start3A_228 : memref<128xi32, #tpu.memory_space<vmem>>) semaphore(%arg10 : memref<!tpu.dma_semaphore, #tpu.memory_space<semaphore_mem>>)
      } else {
      }
      %mul3A_78 = arith.constant 8 : i32
      %mul3A_79 = arith.muli %scan3A_53, %mul3A_78 : i32
      %add3A_80 = arith.constant 1 : i32
      %add3A_81 = arith.addi %mul3A_79, %add3A_80 : i32
      %dma_wait3A_82 = arith.constant 0 : i32
      %dma_wait3A_83 = arith.constant 0 : i32
      %dma_wait3A_84 = arith.constant 0 : i32
      %dma_wait3A_85 = tpu.memref_slice %arg6[%dma_wait3A_82, %dma_wait3A_83, %dma_wait3A_84] : memref<2x8x128xi32, #tpu.memory_space<vmem>> -> memref<1x1x128xi32, #tpu.memory_space<vmem>>
      %dma_wait3A_86 = tpu.memref_squeeze %dma_wait3A_85 : memref<1x1x128xi32, #tpu.memory_space<vmem>> -> memref<128xi32, #tpu.memory_space<vmem>>
      %dma_wait3A_87 = arith.constant 0 : i32
      %dma_wait3A_88 = arith.constant 0 : i32
      %dma_wait3A_89 = tpu.memref_slice %arg2[%dma_wait3A_87, %dma_wait3A_88] : memref<10000x128xf32, #tpu.memory_space<hbm>> -> memref<10000x128xf32, #tpu.memory_space<hbm>>
      tpu.wait_indirect_dma semaphore(%arg11 : memref<!tpu.dma_semaphore, #tpu.memory_space<semaphore_mem>>) src(%dma_wait3A_89 : memref<10000x128xf32, #tpu.memory_space<hbm>>) dst(%arg9 : memref<128x128xf32, #tpu.memory_space<vmem>>)
      %run_scoped3A_90 = arith.constant 1 : i32
      "tpu.region"() ({
        %run_scoped3A_225 = tpu.sem_alloc : memref<!tpu.dma_semaphore, #tpu.memory_space<semaphore_mem>>
        %dma_start3A_226 = arith.constant 0 : i32
        %dma_start3A_227 = tpu.memref_slice %arg7[%rem3A_54, %run_scoped3A_90, %dma_start3A_226] : memref<2x8x128xi32, #tpu.memory_space<vmem>> -> memref<1x1x128xi32, #tpu.memory_space<vmem>>
        %dma_start3A_228 = tpu.memref_squeeze %dma_start3A_227 : memref<1x1x128xi32, #tpu.memory_space<vmem>> -> memref<128xi32, #tpu.memory_space<vmem>>
        %dma_start3A_229 = arith.constant 0 : i32
        %dma_start3A_230 = arith.constant 0 : i32
        %dma_start3A_231 = tpu.memref_slice %arg12[%dma_start3A_229, %dma_start3A_230] : memref<10240x128xf32, #tpu.memory_space<vmem_shared>> -> memref<10240x128xf32, #tpu.memory_space<vmem_shared>>
        tpu.enqueue_indirect_dma source(%arg9 : memref<128x128xf32, #tpu.memory_space<vmem>>) target(%dma_start3A_231 : memref<10240x128xf32, #tpu.memory_space<vmem_shared>>) offsets(%dma_start3A_228 : memref<128xi32, #tpu.memory_space<vmem>>) semaphore(%run_scoped3A_225 : memref<!tpu.dma_semaphore, #tpu.memory_space<semaphore_mem>>) {add = true}
        %dma_wait3A_232 = arith.constant 0 : i32
        %dma_wait3A_233 = tpu.memref_slice %arg7[%rem3A_54, %run_scoped3A_90, %dma_wait3A_232] : memref<2x8x128xi32, #tpu.memory_space<vmem>> -> memref<1x1x128xi32, #tpu.memory_space<vmem>>
        %dma_wait3A_234 = tpu.memref_squeeze %dma_wait3A_233 : memref<1x1x128xi32, #tpu.memory_space<vmem>> -> memref<128xi32, #tpu.memory_space<vmem>>
        %dma_wait3A_235 = arith.constant 0 : i32
        %dma_wait3A_236 = arith.constant 0 : i32
        %dma_wait3A_237 = tpu.memref_slice %arg12[%dma_wait3A_235, %dma_wait3A_236] : memref<10240x128xf32, #tpu.memory_space<vmem_shared>> -> memref<10240x128xf32, #tpu.memory_space<vmem_shared>>
        tpu.wait_indirect_dma semaphore(%run_scoped3A_225 : memref<!tpu.dma_semaphore, #tpu.memory_space<semaphore_mem>>) src(%arg9 : memref<128x128xf32, #tpu.memory_space<vmem>>) dst(%dma_wait3A_237 : memref<10240x128xf32, #tpu.memory_space<vmem_shared>>)
        tpu.yield
      }) : () -> ()
      %add3A_91 = arith.constant 2 : i32
      %add3A_92 = arith.addi %add3A_81, %add3A_91 : i32
      %lt3A_93 = arith.constant 80 : i32
      %lt3A_94 = arith.cmpi slt, %add3A_92, %lt3A_93 : i32
      %convert_element_type3A_95 = arith.extui %lt3A_94 : i1 to i32
      %cond3A_96 = arith.constant 0 : i32
      %cond3A_97 = arith.cmpi ne, %convert_element_type3A_95, %cond3A_96 : i32
      scf.if %cond3A_97 {
        %dma_start3A_225 = arith.constant 3 : i32
        %dma_start3A_226 = arith.constant 0 : i32
        %dma_start3A_227 = tpu.memref_slice %arg6[%rem3A_54, %dma_start3A_225, %dma_start3A_226] : memref<2x8x128xi32, #tpu.memory_space<vmem>> -> memref<1x1x128xi32, #tpu.memory_space<vmem>>
        %dma_start3A_228 = tpu.memref_squeeze %dma_start3A_227 : memref<1x1x128xi32, #tpu.memory_space<vmem>> -> memref<128xi32, #tpu.memory_space<vmem>>
        %dma_start3A_229 = arith.constant 0 : i32
        %dma_start3A_230 = arith.constant 0 : i32
        %dma_start3A_231 = tpu.memref_slice %arg2[%dma_start3A_229, %dma_start3A_230] : memref<10000x128xf32, #tpu.memory_space<hbm>> -> memref<10000x128xf32, #tpu.memory_space<hbm>>
        tpu.enqueue_indirect_dma source(%dma_start3A_231 : memref<10000x128xf32, #tpu.memory_space<hbm>>) target(%arg9 : memref<128x128xf32, #tpu.memory_space<vmem>>) offsets(%dma_start3A_228 : memref<128xi32, #tpu.memory_space<vmem>>) semaphore(%arg11 : memref<!tpu.dma_semaphore, #tpu.memory_space<semaphore_mem>>)
      } else {
      }
      %mul3A_98 = arith.constant 8 : i32
      %mul3A_99 = arith.muli %scan3A_53, %mul3A_98 : i32
      %add3A_100 = arith.constant 2 : i32
      %add3A_101 = arith.addi %mul3A_99, %add3A_100 : i32
      %dma_wait3A_102 = arith.constant 0 : i32
      %dma_wait3A_103 = arith.constant 0 : i32
      %dma_wait3A_104 = arith.constant 0 : i32
      %dma_wait3A_105 = tpu.memref_slice %arg6[%dma_wait3A_102, %dma_wait3A_103, %dma_wait3A_104] : memref<2x8x128xi32, #tpu.memory_space<vmem>> -> memref<1x1x128xi32, #tpu.memory_space<vmem>>
      %dma_wait3A_106 = tpu.memref_squeeze %dma_wait3A_105 : memref<1x1x128xi32, #tpu.memory_space<vmem>> -> memref<128xi32, #tpu.memory_space<vmem>>
      %dma_wait3A_107 = arith.constant 0 : i32
      %dma_wait3A_108 = arith.constant 0 : i32
      %dma_wait3A_109 = tpu.memref_slice %arg2[%dma_wait3A_107, %dma_wait3A_108] : memref<10000x128xf32, #tpu.memory_space<hbm>> -> memref<10000x128xf32, #tpu.memory_space<hbm>>
      tpu.wait_indirect_dma semaphore(%arg10 : memref<!tpu.dma_semaphore, #tpu.memory_space<semaphore_mem>>) src(%dma_wait3A_109 : memref<10000x128xf32, #tpu.memory_space<hbm>>) dst(%arg8 : memref<128x128xf32, #tpu.memory_space<vmem>>)
      %run_scoped3A_110 = arith.constant 2 : i32
      "tpu.region"() ({
        %run_scoped3A_225 = tpu.sem_alloc : memref<!tpu.dma_semaphore, #tpu.memory_space<semaphore_mem>>
        %dma_start3A_226 = arith.constant 0 : i32
        %dma_start3A_227 = tpu.memref_slice %arg7[%rem3A_54, %run_scoped3A_110, %dma_start3A_226] : memref<2x8x128xi32, #tpu.memory_space<vmem>> -> memref<1x1x128xi32, #tpu.memory_space<vmem>>
        %dma_start3A_228 = tpu.memref_squeeze %dma_start3A_227 : memref<1x1x128xi32, #tpu.memory_space<vmem>> -> memref<128xi32, #tpu.memory_space<vmem>>
        %dma_start3A_229 = arith.constant 0 : i32
        %dma_start3A_230 = arith.constant 0 : i32
        %dma_start3A_231 = tpu.memref_slice %arg12[%dma_start3A_229, %dma_start3A_230] : memref<10240x128xf32, #tpu.memory_space<vmem_shared>> -> memref<10240x128xf32, #tpu.memory_space<vmem_shared>>
        tpu.enqueue_indirect_dma source(%arg8 : memref<128x128xf32, #tpu.memory_space<vmem>>) target(%dma_start3A_231 : memref<10240x128xf32, #tpu.memory_space<vmem_shared>>) offsets(%dma_start3A_228 : memref<128xi32, #tpu.memory_space<vmem>>) semaphore(%run_scoped3A_225 : memref<!tpu.dma_semaphore, #tpu.memory_space<semaphore_mem>>) {add = true}
        %dma_wait3A_232 = arith.constant 0 : i32
        %dma_wait3A_233 = tpu.memref_slice %arg7[%rem3A_54, %run_scoped3A_110, %dma_wait3A_232] : memref<2x8x128xi32, #tpu.memory_space<vmem>> -> memref<1x1x128xi32, #tpu.memory_space<vmem>>
        %dma_wait3A_234 = tpu.memref_squeeze %dma_wait3A_233 : memref<1x1x128xi32, #tpu.memory_space<vmem>> -> memref<128xi32, #tpu.memory_space<vmem>>
        %dma_wait3A_235 = arith.constant 0 : i32
        %dma_wait3A_236 = arith.constant 0 : i32
        %dma_wait3A_237 = tpu.memref_slice %arg12[%dma_wait3A_235, %dma_wait3A_236] : memref<10240x128xf32, #tpu.memory_space<vmem_shared>> -> memref<10240x128xf32, #tpu.memory_space<vmem_shared>>
        tpu.wait_indirect_dma semaphore(%run_scoped3A_225 : memref<!tpu.dma_semaphore, #tpu.memory_space<semaphore_mem>>) src(%arg8 : memref<128x128xf32, #tpu.memory_space<vmem>>) dst(%dma_wait3A_237 : memref<10240x128xf32, #tpu.memory_space<vmem_shared>>)
        tpu.yield
      }) : () -> ()
      %add3A_111 = arith.constant 2 : i32
      %add3A_112 = arith.addi %add3A_101, %add3A_111 : i32
      %lt3A_113 = arith.constant 80 : i32
      %lt3A_114 = arith.cmpi slt, %add3A_112, %lt3A_113 : i32
      %convert_element_type3A_115 = arith.extui %lt3A_114 : i1 to i32
      %cond3A_116 = arith.constant 0 : i32
      %cond3A_117 = arith.cmpi ne, %convert_element_type3A_115, %cond3A_116 : i32
      scf.if %cond3A_117 {
        %dma_start3A_225 = arith.constant 4 : i32
        %dma_start3A_226 = arith.constant 0 : i32
        %dma_start3A_227 = tpu.memref_slice %arg6[%rem3A_54, %dma_start3A_225, %dma_start3A_226] : memref<2x8x128xi32, #tpu.memory_space<vmem>> -> memref<1x1x128xi32, #tpu.memory_space<vmem>>
        %dma_start3A_228 = tpu.memref_squeeze %dma_start3A_227 : memref<1x1x128xi32, #tpu.memory_space<vmem>> -> memref<128xi32, #tpu.memory_space<vmem>>
        %dma_start3A_229 = arith.constant 0 : i32
        %dma_start3A_230 = arith.constant 0 : i32
        %dma_start3A_231 = tpu.memref_slice %arg2[%dma_start3A_229, %dma_start3A_230] : memref<10000x128xf32, #tpu.memory_space<hbm>> -> memref<10000x128xf32, #tpu.memory_space<hbm>>
        tpu.enqueue_indirect_dma source(%dma_start3A_231 : memref<10000x128xf32, #tpu.memory_space<hbm>>) target(%arg8 : memref<128x128xf32, #tpu.memory_space<vmem>>) offsets(%dma_start3A_228 : memref<128xi32, #tpu.memory_space<vmem>>) semaphore(%arg10 : memref<!tpu.dma_semaphore, #tpu.memory_space<semaphore_mem>>)
      } else {
      }
      %mul3A_118 = arith.constant 8 : i32
      %mul3A_119 = arith.muli %scan3A_53, %mul3A_118 : i32
      %add3A_120 = arith.constant 3 : i32
      %add3A_121 = arith.addi %mul3A_119, %add3A_120 : i32
      %dma_wait3A_122 = arith.constant 0 : i32
      %dma_wait3A_123 = arith.constant 0 : i32
      %dma_wait3A_124 = arith.constant 0 : i32
      %dma_wait3A_125 = tpu.memref_slice %arg6[%dma_wait3A_122, %dma_wait3A_123, %dma_wait3A_124] : memref<2x8x128xi32, #tpu.memory_space<vmem>> -> memref<1x1x128xi32, #tpu.memory_space<vmem>>
      %dma_wait3A_126 = tpu.memref_squeeze %dma_wait3A_125 : memref<1x1x128xi32, #tpu.memory_space<vmem>> -> memref<128xi32, #tpu.memory_space<vmem>>
      %dma_wait3A_127 = arith.constant 0 : i32
      %dma_wait3A_128 = arith.constant 0 : i32
      %dma_wait3A_129 = tpu.memref_slice %arg2[%dma_wait3A_127, %dma_wait3A_128] : memref<10000x128xf32, #tpu.memory_space<hbm>> -> memref<10000x128xf32, #tpu.memory_space<hbm>>
      tpu.wait_indirect_dma semaphore(%arg11 : memref<!tpu.dma_semaphore, #tpu.memory_space<semaphore_mem>>) src(%dma_wait3A_129 : memref<10000x128xf32, #tpu.memory_space<hbm>>) dst(%arg9 : memref<128x128xf32, #tpu.memory_space<vmem>>)
      %run_scoped3A_130 = arith.constant 3 : i32
      "tpu.region"() ({
        %run_scoped3A_225 = tpu.sem_alloc : memref<!tpu.dma_semaphore, #tpu.memory_space<semaphore_mem>>
        %dma_start3A_226 = arith.constant 0 : i32
        %dma_start3A_227 = tpu.memref_slice %arg7[%rem3A_54, %run_scoped3A_130, %dma_start3A_226] : memref<2x8x128xi32, #tpu.memory_space<vmem>> -> memref<1x1x128xi32, #tpu.memory_space<vmem>>
        %dma_start3A_228 = tpu.memref_squeeze %dma_start3A_227 : memref<1x1x128xi32, #tpu.memory_space<vmem>> -> memref<128xi32, #tpu.memory_space<vmem>>
        %dma_start3A_229 = arith.constant 0 : i32
        %dma_start3A_230 = arith.constant 0 : i32
        %dma_start3A_231 = tpu.memref_slice %arg12[%dma_start3A_229, %dma_start3A_230] : memref<10240x128xf32, #tpu.memory_space<vmem_shared>> -> memref<10240x128xf32, #tpu.memory_space<vmem_shared>>
        tpu.enqueue_indirect_dma source(%arg9 : memref<128x128xf32, #tpu.memory_space<vmem>>) target(%dma_start3A_231 : memref<10240x128xf32, #tpu.memory_space<vmem_shared>>) offsets(%dma_start3A_228 : memref<128xi32, #tpu.memory_space<vmem>>) semaphore(%run_scoped3A_225 : memref<!tpu.dma_semaphore, #tpu.memory_space<semaphore_mem>>) {add = true}
        %dma_wait3A_232 = arith.constant 0 : i32
        %dma_wait3A_233 = tpu.memref_slice %arg7[%rem3A_54, %run_scoped3A_130, %dma_wait3A_232] : memref<2x8x128xi32, #tpu.memory_space<vmem>> -> memref<1x1x128xi32, #tpu.memory_space<vmem>>
        %dma_wait3A_234 = tpu.memref_squeeze %dma_wait3A_233 : memref<1x1x128xi32, #tpu.memory_space<vmem>> -> memref<128xi32, #tpu.memory_space<vmem>>
        %dma_wait3A_235 = arith.constant 0 : i32
        %dma_wait3A_236 = arith.constant 0 : i32
        %dma_wait3A_237 = tpu.memref_slice %arg12[%dma_wait3A_235, %dma_wait3A_236] : memref<10240x128xf32, #tpu.memory_space<vmem_shared>> -> memref<10240x128xf32, #tpu.memory_space<vmem_shared>>
        tpu.wait_indirect_dma semaphore(%run_scoped3A_225 : memref<!tpu.dma_semaphore, #tpu.memory_space<semaphore_mem>>) src(%arg9 : memref<128x128xf32, #tpu.memory_space<vmem>>) dst(%dma_wait3A_237 : memref<10240x128xf32, #tpu.memory_space<vmem_shared>>)
        tpu.yield
      }) : () -> ()
      %add3A_131 = arith.constant 2 : i32
      %add3A_132 = arith.addi %add3A_121, %add3A_131 : i32
      %lt3A_133 = arith.constant 80 : i32
      %lt3A_134 = arith.cmpi slt, %add3A_132, %lt3A_133 : i32
      %convert_element_type3A_135 = arith.extui %lt3A_134 : i1 to i32
      %cond3A_136 = arith.constant 0 : i32
      %cond3A_137 = arith.cmpi ne, %convert_element_type3A_135, %cond3A_136 : i32
      scf.if %cond3A_137 {
        %dma_start3A_225 = arith.constant 5 : i32
        %dma_start3A_226 = arith.constant 0 : i32
        %dma_start3A_227 = tpu.memref_slice %arg6[%rem3A_54, %dma_start3A_225, %dma_start3A_226] : memref<2x8x128xi32, #tpu.memory_space<vmem>> -> memref<1x1x128xi32, #tpu.memory_space<vmem>>
        %dma_start3A_228 = tpu.memref_squeeze %dma_start3A_227 : memref<1x1x128xi32, #tpu.memory_space<vmem>> -> memref<128xi32, #tpu.memory_space<vmem>>
        %dma_start3A_229 = arith.constant 0 : i32
        %dma_start3A_230 = arith.constant 0 : i32
        %dma_start3A_231 = tpu.memref_slice %arg2[%dma_start3A_229, %dma_start3A_230] : memref<10000x128xf32, #tpu.memory_space<hbm>> -> memref<10000x128xf32, #tpu.memory_space<hbm>>
        tpu.enqueue_indirect_dma source(%dma_start3A_231 : memref<10000x128xf32, #tpu.memory_space<hbm>>) target(%arg9 : memref<128x128xf32, #tpu.memory_space<vmem>>) offsets(%dma_start3A_228 : memref<128xi32, #tpu.memory_space<vmem>>) semaphore(%arg11 : memref<!tpu.dma_semaphore, #tpu.memory_space<semaphore_mem>>)
      } else {
      }
      %mul3A_138 = arith.constant 8 : i32
      %mul3A_139 = arith.muli %scan3A_53, %mul3A_138 : i32
      %add3A_140 = arith.constant 4 : i32
      %add3A_141 = arith.addi %mul3A_139, %add3A_140 : i32
      %dma_wait3A_142 = arith.constant 0 : i32
      %dma_wait3A_143 = arith.constant 0 : i32
      %dma_wait3A_144 = arith.constant 0 : i32
      %dma_wait3A_145 = tpu.memref_slice %arg6[%dma_wait3A_142, %dma_wait3A_143, %dma_wait3A_144] : memref<2x8x128xi32, #tpu.memory_space<vmem>> -> memref<1x1x128xi32, #tpu.memory_space<vmem>>
      %dma_wait3A_146 = tpu.memref_squeeze %dma_wait3A_145 : memref<1x1x128xi32, #tpu.memory_space<vmem>> -> memref<128xi32, #tpu.memory_space<vmem>>
      %dma_wait3A_147 = arith.constant 0 : i32
      %dma_wait3A_148 = arith.constant 0 : i32
      %dma_wait3A_149 = tpu.memref_slice %arg2[%dma_wait3A_147, %dma_wait3A_148] : memref<10000x128xf32, #tpu.memory_space<hbm>> -> memref<10000x128xf32, #tpu.memory_space<hbm>>
      tpu.wait_indirect_dma semaphore(%arg10 : memref<!tpu.dma_semaphore, #tpu.memory_space<semaphore_mem>>) src(%dma_wait3A_149 : memref<10000x128xf32, #tpu.memory_space<hbm>>) dst(%arg8 : memref<128x128xf32, #tpu.memory_space<vmem>>)
      %run_scoped3A_150 = arith.constant 4 : i32
      "tpu.region"() ({
        %run_scoped3A_225 = tpu.sem_alloc : memref<!tpu.dma_semaphore, #tpu.memory_space<semaphore_mem>>
        %dma_start3A_226 = arith.constant 0 : i32
        %dma_start3A_227 = tpu.memref_slice %arg7[%rem3A_54, %run_scoped3A_150, %dma_start3A_226] : memref<2x8x128xi32, #tpu.memory_space<vmem>> -> memref<1x1x128xi32, #tpu.memory_space<vmem>>
        %dma_start3A_228 = tpu.memref_squeeze %dma_start3A_227 : memref<1x1x128xi32, #tpu.memory_space<vmem>> -> memref<128xi32, #tpu.memory_space<vmem>>
        %dma_start3A_229 = arith.constant 0 : i32
        %dma_start3A_230 = arith.constant 0 : i32
        %dma_start3A_231 = tpu.memref_slice %arg12[%dma_start3A_229, %dma_start3A_230] : memref<10240x128xf32, #tpu.memory_space<vmem_shared>> -> memref<10240x128xf32, #tpu.memory_space<vmem_shared>>
        tpu.enqueue_indirect_dma source(%arg8 : memref<128x128xf32, #tpu.memory_space<vmem>>) target(%dma_start3A_231 : memref<10240x128xf32, #tpu.memory_space<vmem_shared>>) offsets(%dma_start3A_228 : memref<128xi32, #tpu.memory_space<vmem>>) semaphore(%run_scoped3A_225 : memref<!tpu.dma_semaphore, #tpu.memory_space<semaphore_mem>>) {add = true}
        %dma_wait3A_232 = arith.constant 0 : i32
        %dma_wait3A_233 = tpu.memref_slice %arg7[%rem3A_54, %run_scoped3A_150, %dma_wait3A_232] : memref<2x8x128xi32, #tpu.memory_space<vmem>> -> memref<1x1x128xi32, #tpu.memory_space<vmem>>
        %dma_wait3A_234 = tpu.memref_squeeze %dma_wait3A_233 : memref<1x1x128xi32, #tpu.memory_space<vmem>> -> memref<128xi32, #tpu.memory_space<vmem>>
        %dma_wait3A_235 = arith.constant 0 : i32
        %dma_wait3A_236 = arith.constant 0 : i32
        %dma_wait3A_237 = tpu.memref_slice %arg12[%dma_wait3A_235, %dma_wait3A_236] : memref<10240x128xf32, #tpu.memory_space<vmem_shared>> -> memref<10240x128xf32, #tpu.memory_space<vmem_shared>>
        tpu.wait_indirect_dma semaphore(%run_scoped3A_225 : memref<!tpu.dma_semaphore, #tpu.memory_space<semaphore_mem>>) src(%arg8 : memref<128x128xf32, #tpu.memory_space<vmem>>) dst(%dma_wait3A_237 : memref<10240x128xf32, #tpu.memory_space<vmem_shared>>)
        tpu.yield
      }) : () -> ()
      %add3A_151 = arith.constant 2 : i32
      %add3A_152 = arith.addi %add3A_141, %add3A_151 : i32
      %lt3A_153 = arith.constant 80 : i32
      %lt3A_154 = arith.cmpi slt, %add3A_152, %lt3A_153 : i32
      %convert_element_type3A_155 = arith.extui %lt3A_154 : i1 to i32
      %cond3A_156 = arith.constant 0 : i32
      %cond3A_157 = arith.cmpi ne, %convert_element_type3A_155, %cond3A_156 : i32
      scf.if %cond3A_157 {
        %dma_start3A_225 = arith.constant 6 : i32
        %dma_start3A_226 = arith.constant 0 : i32
        %dma_start3A_227 = tpu.memref_slice %arg6[%rem3A_54, %dma_start3A_225, %dma_start3A_226] : memref<2x8x128xi32, #tpu.memory_space<vmem>> -> memref<1x1x128xi32, #tpu.memory_space<vmem>>
        %dma_start3A_228 = tpu.memref_squeeze %dma_start3A_227 : memref<1x1x128xi32, #tpu.memory_space<vmem>> -> memref<128xi32, #tpu.memory_space<vmem>>
        %dma_start3A_229 = arith.constant 0 : i32
        %dma_start3A_230 = arith.constant 0 : i32
        %dma_start3A_231 = tpu.memref_slice %arg2[%dma_start3A_229, %dma_start3A_230] : memref<10000x128xf32, #tpu.memory_space<hbm>> -> memref<10000x128xf32, #tpu.memory_space<hbm>>
        tpu.enqueue_indirect_dma source(%dma_start3A_231 : memref<10000x128xf32, #tpu.memory_space<hbm>>) target(%arg8 : memref<128x128xf32, #tpu.memory_space<vmem>>) offsets(%dma_start3A_228 : memref<128xi32, #tpu.memory_space<vmem>>) semaphore(%arg10 : memref<!tpu.dma_semaphore, #tpu.memory_space<semaphore_mem>>)
      } else {
      }
      %mul3A_158 = arith.constant 8 : i32
      %mul3A_159 = arith.muli %scan3A_53, %mul3A_158 : i32
      %add3A_160 = arith.constant 5 : i32
      %add3A_161 = arith.addi %mul3A_159, %add3A_160 : i32
      %dma_wait3A_162 = arith.constant 0 : i32
      %dma_wait3A_163 = arith.constant 0 : i32
      %dma_wait3A_164 = arith.constant 0 : i32
      %dma_wait3A_165 = tpu.memref_slice %arg6[%dma_wait3A_162, %dma_wait3A_163, %dma_wait3A_164] : memref<2x8x128xi32, #tpu.memory_space<vmem>> -> memref<1x1x128xi32, #tpu.memory_space<vmem>>
      %dma_wait3A_166 = tpu.memref_squeeze %dma_wait3A_165 : memref<1x1x128xi32, #tpu.memory_space<vmem>> -> memref<128xi32, #tpu.memory_space<vmem>>
      %dma_wait3A_167 = arith.constant 0 : i32
      %dma_wait3A_168 = arith.constant 0 : i32
      %dma_wait3A_169 = tpu.memref_slice %arg2[%dma_wait3A_167, %dma_wait3A_168] : memref<10000x128xf32, #tpu.memory_space<hbm>> -> memref<10000x128xf32, #tpu.memory_space<hbm>>
      tpu.wait_indirect_dma semaphore(%arg11 : memref<!tpu.dma_semaphore, #tpu.memory_space<semaphore_mem>>) src(%dma_wait3A_169 : memref<10000x128xf32, #tpu.memory_space<hbm>>) dst(%arg9 : memref<128x128xf32, #tpu.memory_space<vmem>>)
      %run_scoped3A_170 = arith.constant 5 : i32
      "tpu.region"() ({
        %run_scoped3A_225 = tpu.sem_alloc : memref<!tpu.dma_semaphore, #tpu.memory_space<semaphore_mem>>
        %dma_start3A_226 = arith.constant 0 : i32
        %dma_start3A_227 = tpu.memref_slice %arg7[%rem3A_54, %run_scoped3A_170, %dma_start3A_226] : memref<2x8x128xi32, #tpu.memory_space<vmem>> -> memref<1x1x128xi32, #tpu.memory_space<vmem>>
        %dma_start3A_228 = tpu.memref_squeeze %dma_start3A_227 : memref<1x1x128xi32, #tpu.memory_space<vmem>> -> memref<128xi32, #tpu.memory_space<vmem>>
        %dma_start3A_229 = arith.constant 0 : i32
        %dma_start3A_230 = arith.constant 0 : i32
        %dma_start3A_231 = tpu.memref_slice %arg12[%dma_start3A_229, %dma_start3A_230] : memref<10240x128xf32, #tpu.memory_space<vmem_shared>> -> memref<10240x128xf32, #tpu.memory_space<vmem_shared>>
        tpu.enqueue_indirect_dma source(%arg9 : memref<128x128xf32, #tpu.memory_space<vmem>>) target(%dma_start3A_231 : memref<10240x128xf32, #tpu.memory_space<vmem_shared>>) offsets(%dma_start3A_228 : memref<128xi32, #tpu.memory_space<vmem>>) semaphore(%run_scoped3A_225 : memref<!tpu.dma_semaphore, #tpu.memory_space<semaphore_mem>>) {add = true}
        %dma_wait3A_232 = arith.constant 0 : i32
        %dma_wait3A_233 = tpu.memref_slice %arg7[%rem3A_54, %run_scoped3A_170, %dma_wait3A_232] : memref<2x8x128xi32, #tpu.memory_space<vmem>> -> memref<1x1x128xi32, #tpu.memory_space<vmem>>
        %dma_wait3A_234 = tpu.memref_squeeze %dma_wait3A_233 : memref<1x1x128xi32, #tpu.memory_space<vmem>> -> memref<128xi32, #tpu.memory_space<vmem>>
        %dma_wait3A_235 = arith.constant 0 : i32
        %dma_wait3A_236 = arith.constant 0 : i32
        %dma_wait3A_237 = tpu.memref_slice %arg12[%dma_wait3A_235, %dma_wait3A_236] : memref<10240x128xf32, #tpu.memory_space<vmem_shared>> -> memref<10240x128xf32, #tpu.memory_space<vmem_shared>>
        tpu.wait_indirect_dma semaphore(%run_scoped3A_225 : memref<!tpu.dma_semaphore, #tpu.memory_space<semaphore_mem>>) src(%arg9 : memref<128x128xf32, #tpu.memory_space<vmem>>) dst(%dma_wait3A_237 : memref<10240x128xf32, #tpu.memory_space<vmem_shared>>)
        tpu.yield
      }) : () -> ()
      %add3A_171 = arith.constant 2 : i32
      %add3A_172 = arith.addi %add3A_161, %add3A_171 : i32
      %lt3A_173 = arith.constant 80 : i32
      %lt3A_174 = arith.cmpi slt, %add3A_172, %lt3A_173 : i32
      %convert_element_type3A_175 = arith.extui %lt3A_174 : i1 to i32
      %cond3A_176 = arith.constant 0 : i32
      %cond3A_177 = arith.cmpi ne, %convert_element_type3A_175, %cond3A_176 : i32
      scf.if %cond3A_177 {
        %dma_start3A_225 = arith.constant 7 : i32
        %dma_start3A_226 = arith.constant 0 : i32
        %dma_start3A_227 = tpu.memref_slice %arg6[%rem3A_54, %dma_start3A_225, %dma_start3A_226] : memref<2x8x128xi32, #tpu.memory_space<vmem>> -> memref<1x1x128xi32, #tpu.memory_space<vmem>>
        %dma_start3A_228 = tpu.memref_squeeze %dma_start3A_227 : memref<1x1x128xi32, #tpu.memory_space<vmem>> -> memref<128xi32, #tpu.memory_space<vmem>>
        %dma_start3A_229 = arith.constant 0 : i32
        %dma_start3A_230 = arith.constant 0 : i32
        %dma_start3A_231 = tpu.memref_slice %arg2[%dma_start3A_229, %dma_start3A_230] : memref<10000x128xf32, #tpu.memory_space<hbm>> -> memref<10000x128xf32, #tpu.memory_space<hbm>>
        tpu.enqueue_indirect_dma source(%dma_start3A_231 : memref<10000x128xf32, #tpu.memory_space<hbm>>) target(%arg9 : memref<128x128xf32, #tpu.memory_space<vmem>>) offsets(%dma_start3A_228 : memref<128xi32, #tpu.memory_space<vmem>>) semaphore(%arg11 : memref<!tpu.dma_semaphore, #tpu.memory_space<semaphore_mem>>)
      } else {
      }
      %mul3A_178 = arith.constant 8 : i32
      %mul3A_179 = arith.muli %scan3A_53, %mul3A_178 : i32
      %add3A_180 = arith.constant 6 : i32
      %add3A_181 = arith.addi %mul3A_179, %add3A_180 : i32
      %add3A_182 = arith.constant 1 : i32
      %add3A_183 = arith.addi %scan3A_53, %add3A_182 : i32
      %lt3A_184 = arith.constant 10 : i32
      %lt3A_185 = arith.cmpi slt, %add3A_183, %lt3A_184 : i32
      %convert_element_type3A_186 = arith.extui %lt3A_185 : i1 to i32
      %cond3A_187 = arith.constant 0 : i32
      %cond3A_188 = arith.cmpi ne, %convert_element_type3A_186, %cond3A_187 : i32
      scf.if %cond3A_188 {
        %dma_wait3A_225 = arith.constant 0 : i32
        %dma_wait3A_226 = arith.constant 0 : i32
        %dma_wait3A_227 = arith.constant 0 : i32
        %dma_wait3A_228 = tpu.memref_slice %arg6[%dma_wait3A_225, %dma_wait3A_226, %dma_wait3A_227] : memref<2x8x128xi32, #tpu.memory_space<vmem>> -> memref<1x8x128xi32, #tpu.memory_space<vmem>>
        %dma_wait3A_229 = tpu.memref_squeeze %dma_wait3A_228 : memref<1x8x128xi32, #tpu.memory_space<vmem>> -> memref<8x128xi32, #tpu.memory_space<vmem>>
        %dma_wait3A_230 = arith.constant 0 : i32
        %dma_wait3A_231 = arith.constant 0 : i32
        %dma_wait3A_232 = tpu.memref_slice %arg3[%add3A, %dma_wait3A_230, %dma_wait3A_231] : memref<32x80x128xi32, #tpu.memory_space<hbm>> -> memref<1x8x128xi32, #tpu.memory_space<hbm>>
        %dma_wait3A_233 = tpu.memref_squeeze %dma_wait3A_232 : memref<1x8x128xi32, #tpu.memory_space<hbm>> -> memref<8x128xi32, #tpu.memory_space<hbm>>
        %dma_wait3A_234 = arith.constant 0 : i32
        %dma_wait3A_235 = arith.constant 0 : i32
        %dma_wait3A_236 = tpu.memref_slice %arg6[%dma_wait3A_225, %dma_wait3A_234, %dma_wait3A_235] : memref<2x8x128xi32, #tpu.memory_space<vmem>> -> memref<1x8x128xi32, #tpu.memory_space<vmem>>
        %dma_wait3A_237 = tpu.memref_squeeze %dma_wait3A_236 : memref<1x8x128xi32, #tpu.memory_space<vmem>> -> memref<8x128xi32, #tpu.memory_space<vmem>>
        %dma_wait3A_238 = arith.constant 0 : i32
        %dma_wait3A_239 = arith.constant 0 : i32
        %dma_wait3A_240 = tpu.memref_slice %arg3[%add3A, %dma_wait3A_238, %dma_wait3A_239] : memref<32x80x128xi32, #tpu.memory_space<hbm>> -> memref<1x8x128xi32, #tpu.memory_space<hbm>>
        %dma_wait3A_241 = tpu.memref_squeeze %dma_wait3A_240 : memref<1x8x128xi32, #tpu.memory_space<hbm>> -> memref<8x128xi32, #tpu.memory_space<hbm>>
        tpu.wait_dma2 semaphore(%arg13 : memref<!tpu.dma_semaphore, #tpu.memory_space<semaphore_mem>>) src(%dma_wait3A_241 : memref<8x128xi32, #tpu.memory_space<hbm>>) dst(%dma_wait3A_237 : memref<8x128xi32, #tpu.memory_space<vmem>>)
        %dma_wait3A_242 = arith.constant 0 : i32
        %dma_wait3A_243 = arith.constant 0 : i32
        %dma_wait3A_244 = arith.constant 0 : i32
        %dma_wait3A_245 = tpu.memref_slice %arg7[%dma_wait3A_242, %dma_wait3A_243, %dma_wait3A_244] : memref<2x8x128xi32, #tpu.memory_space<vmem>> -> memref<1x8x128xi32, #tpu.memory_space<vmem>>
        %dma_wait3A_246 = tpu.memref_squeeze %dma_wait3A_245 : memref<1x8x128xi32, #tpu.memory_space<vmem>> -> memref<8x128xi32, #tpu.memory_space<vmem>>
        %dma_wait3A_247 = arith.constant 0 : i32
        %dma_wait3A_248 = arith.constant 0 : i32
        %dma_wait3A_249 = tpu.memref_slice %arg3[%add3A, %dma_wait3A_247, %dma_wait3A_248] : memref<32x80x128xi32, #tpu.memory_space<hbm>> -> memref<1x8x128xi32, #tpu.memory_space<hbm>>
        %dma_wait3A_250 = tpu.memref_squeeze %dma_wait3A_249 : memref<1x8x128xi32, #tpu.memory_space<hbm>> -> memref<8x128xi32, #tpu.memory_space<hbm>>
        %dma_wait3A_251 = arith.constant 0 : i32
        %dma_wait3A_252 = arith.constant 0 : i32
        %dma_wait3A_253 = tpu.memref_slice %arg7[%dma_wait3A_242, %dma_wait3A_251, %dma_wait3A_252] : memref<2x8x128xi32, #tpu.memory_space<vmem>> -> memref<1x8x128xi32, #tpu.memory_space<vmem>>
        %dma_wait3A_254 = tpu.memref_squeeze %dma_wait3A_253 : memref<1x8x128xi32, #tpu.memory_space<vmem>> -> memref<8x128xi32, #tpu.memory_space<vmem>>
        %dma_wait3A_255 = arith.constant 0 : i32
        %dma_wait3A_256 = arith.constant 0 : i32
        %dma_wait3A_257 = tpu.memref_slice %arg3[%add3A, %dma_wait3A_255, %dma_wait3A_256] : memref<32x80x128xi32, #tpu.memory_space<hbm>> -> memref<1x8x128xi32, #tpu.memory_space<hbm>>
        %dma_wait3A_258 = tpu.memref_squeeze %dma_wait3A_257 : memref<1x8x128xi32, #tpu.memory_space<hbm>> -> memref<8x128xi32, #tpu.memory_space<hbm>>
        tpu.wait_dma2 semaphore(%arg13 : memref<!tpu.dma_semaphore, #tpu.memory_space<semaphore_mem>>) src(%dma_wait3A_258 : memref<8x128xi32, #tpu.memory_space<hbm>>) dst(%dma_wait3A_254 : memref<8x128xi32, #tpu.memory_space<vmem>>)
      } else {
      }
      %dma_wait3A_189 = arith.constant 0 : i32
      %dma_wait3A_190 = arith.constant 0 : i32
      %dma_wait3A_191 = arith.constant 0 : i32
      %dma_wait3A_192 = tpu.memref_slice %arg6[%dma_wait3A_189, %dma_wait3A_190, %dma_wait3A_191] : memref<2x8x128xi32, #tpu.memory_space<vmem>> -> memref<1x1x128xi32, #tpu.memory_space<vmem>>
      %dma_wait3A_193 = tpu.memref_squeeze %dma_wait3A_192 : memref<1x1x128xi32, #tpu.memory_space<vmem>> -> memref<128xi32, #tpu.memory_space<vmem>>
      %dma_wait3A_194 = arith.constant 0 : i32
      %dma_wait3A_195 = arith.constant 0 : i32
      %dma_wait3A_196 = tpu.memref_slice %arg2[%dma_wait3A_194, %dma_wait3A_195] : memref<10000x128xf32, #tpu.memory_space<hbm>> -> memref<10000x128xf32, #tpu.memory_space<hbm>>
      tpu.wait_indirect_dma semaphore(%arg10 : memref<!tpu.dma_semaphore, #tpu.memory_space<semaphore_mem>>) src(%dma_wait3A_196 : memref<10000x128xf32, #tpu.memory_space<hbm>>) dst(%arg8 : memref<128x128xf32, #tpu.memory_space<vmem>>)
      %run_scoped3A_197 = arith.constant 6 : i32
      "tpu.region"() ({
        %run_scoped3A_225 = tpu.sem_alloc : memref<!tpu.dma_semaphore, #tpu.memory_space<semaphore_mem>>
        %dma_start3A_226 = arith.constant 0 : i32
        %dma_start3A_227 = tpu.memref_slice %arg7[%rem3A_54, %run_scoped3A_197, %dma_start3A_226] : memref<2x8x128xi32, #tpu.memory_space<vmem>> -> memref<1x1x128xi32, #tpu.memory_space<vmem>>
        %dma_start3A_228 = tpu.memref_squeeze %dma_start3A_227 : memref<1x1x128xi32, #tpu.memory_space<vmem>> -> memref<128xi32, #tpu.memory_space<vmem>>
        %dma_start3A_229 = arith.constant 0 : i32
        %dma_start3A_230 = arith.constant 0 : i32
        %dma_start3A_231 = tpu.memref_slice %arg12[%dma_start3A_229, %dma_start3A_230] : memref<10240x128xf32, #tpu.memory_space<vmem_shared>> -> memref<10240x128xf32, #tpu.memory_space<vmem_shared>>
        tpu.enqueue_indirect_dma source(%arg8 : memref<128x128xf32, #tpu.memory_space<vmem>>) target(%dma_start3A_231 : memref<10240x128xf32, #tpu.memory_space<vmem_shared>>) offsets(%dma_start3A_228 : memref<128xi32, #tpu.memory_space<vmem>>) semaphore(%run_scoped3A_225 : memref<!tpu.dma_semaphore, #tpu.memory_space<semaphore_mem>>) {add = true}
        %dma_wait3A_232 = arith.constant 0 : i32
        %dma_wait3A_233 = tpu.memref_slice %arg7[%rem3A_54, %run_scoped3A_197, %dma_wait3A_232] : memref<2x8x128xi32, #tpu.memory_space<vmem>> -> memref<1x1x128xi32, #tpu.memory_space<vmem>>
        %dma_wait3A_234 = tpu.memref_squeeze %dma_wait3A_233 : memref<1x1x128xi32, #tpu.memory_space<vmem>> -> memref<128xi32, #tpu.memory_space<vmem>>
        %dma_wait3A_235 = arith.constant 0 : i32
        %dma_wait3A_236 = arith.constant 0 : i32
        %dma_wait3A_237 = tpu.memref_slice %arg12[%dma_wait3A_235, %dma_wait3A_236] : memref<10240x128xf32, #tpu.memory_space<vmem_shared>> -> memref<10240x128xf32, #tpu.memory_space<vmem_shared>>
        tpu.wait_indirect_dma semaphore(%run_scoped3A_225 : memref<!tpu.dma_semaphore, #tpu.memory_space<semaphore_mem>>) src(%arg8 : memref<128x128xf32, #tpu.memory_space<vmem>>) dst(%dma_wait3A_237 : memref<10240x128xf32, #tpu.memory_space<vmem_shared>>)
        tpu.yield
      }) : () -> ()
      %add3A_198 = arith.constant 2 : i32
      %add3A_199 = arith.addi %add3A_181, %add3A_198 : i32
      %lt3A_200 = arith.constant 80 : i32
      %lt3A_201 = arith.cmpi slt, %add3A_199, %lt3A_200 : i32
      %convert_element_type3A_202 = arith.extui %lt3A_201 : i1 to i32
      %cond3A_203 = arith.constant 0 : i32
      %cond3A_204 = arith.cmpi ne, %convert_element_type3A_202, %cond3A_203 : i32
      scf.if %cond3A_204 {
        %sub3A = arith.constant 1 : i32
        %sub3A_225 = arith.subi %sub3A, %rem3A_54 : i32
        %dma_start3A_226 = arith.constant 0 : i32
        %dma_start3A_227 = arith.constant 0 : i32
        %dma_start3A_228 = tpu.memref_slice %arg6[%sub3A_225, %dma_start3A_226, %dma_start3A_227] : memref<2x8x128xi32, #tpu.memory_space<vmem>> -> memref<1x1x128xi32, #tpu.memory_space<vmem>>
        %dma_start3A_229 = tpu.memref_squeeze %dma_start3A_228 : memref<1x1x128xi32, #tpu.memory_space<vmem>> -> memref<128xi32, #tpu.memory_space<vmem>>
        %dma_start3A_230 = arith.constant 0 : i32
        %dma_start3A_231 = arith.constant 0 : i32
        %dma_start3A_232 = tpu.memref_slice %arg2[%dma_start3A_230, %dma_start3A_231] : memref<10000x128xf32, #tpu.memory_space<hbm>> -> memref<10000x128xf32, #tpu.memory_space<hbm>>
        tpu.enqueue_indirect_dma source(%dma_start3A_232 : memref<10000x128xf32, #tpu.memory_space<hbm>>) target(%arg8 : memref<128x128xf32, #tpu.memory_space<vmem>>) offsets(%dma_start3A_229 : memref<128xi32, #tpu.memory_space<vmem>>) semaphore(%arg10 : memref<!tpu.dma_semaphore, #tpu.memory_space<semaphore_mem>>)
      } else {
      }
      %mul3A_205 = arith.constant 8 : i32
      %mul3A_206 = arith.muli %scan3A_53, %mul3A_205 : i32
      %add3A_207 = arith.constant 7 : i32
      %add3A_208 = arith.addi %mul3A_206, %add3A_207 : i32
      %dma_wait3A_209 = arith.constant 0 : i32
      %dma_wait3A_210 = arith.constant 0 : i32
      %dma_wait3A_211 = arith.constant 0 : i32
      %dma_wait3A_212 = tpu.memref_slice %arg6[%dma_wait3A_209, %dma_wait3A_210, %dma_wait3A_211] : memref<2x8x128xi32, #tpu.memory_space<vmem>> -> memref<1x1x128xi32, #tpu.memory_space<vmem>>
      %dma_wait3A_213 = tpu.memref_squeeze %dma_wait3A_212 : memref<1x1x128xi32, #tpu.memory_space<vmem>> -> memref<128xi32, #tpu.memory_space<vmem>>
      %dma_wait3A_214 = arith.constant 0 : i32
      %dma_wait3A_215 = arith.constant 0 : i32
      %dma_wait3A_216 = tpu.memref_slice %arg2[%dma_wait3A_214, %dma_wait3A_215] : memref<10000x128xf32, #tpu.memory_space<hbm>> -> memref<10000x128xf32, #tpu.memory_space<hbm>>
      tpu.wait_indirect_dma semaphore(%arg11 : memref<!tpu.dma_semaphore, #tpu.memory_space<semaphore_mem>>) src(%dma_wait3A_216 : memref<10000x128xf32, #tpu.memory_space<hbm>>) dst(%arg9 : memref<128x128xf32, #tpu.memory_space<vmem>>)
      %run_scoped3A_217 = arith.constant 7 : i32
      "tpu.region"() ({
        %run_scoped3A_225 = tpu.sem_alloc : memref<!tpu.dma_semaphore, #tpu.memory_space<semaphore_mem>>
        %dma_start3A_226 = arith.constant 0 : i32
        %dma_start3A_227 = tpu.memref_slice %arg7[%rem3A_54, %run_scoped3A_217, %dma_start3A_226] : memref<2x8x128xi32, #tpu.memory_space<vmem>> -> memref<1x1x128xi32, #tpu.memory_space<vmem>>
        %dma_start3A_228 = tpu.memref_squeeze %dma_start3A_227 : memref<1x1x128xi32, #tpu.memory_space<vmem>> -> memref<128xi32, #tpu.memory_space<vmem>>
        %dma_start3A_229 = arith.constant 0 : i32
        %dma_start3A_230 = arith.constant 0 : i32
        %dma_start3A_231 = tpu.memref_slice %arg12[%dma_start3A_229, %dma_start3A_230] : memref<10240x128xf32, #tpu.memory_space<vmem_shared>> -> memref<10240x128xf32, #tpu.memory_space<vmem_shared>>
        tpu.enqueue_indirect_dma source(%arg9 : memref<128x128xf32, #tpu.memory_space<vmem>>) target(%dma_start3A_231 : memref<10240x128xf32, #tpu.memory_space<vmem_shared>>) offsets(%dma_start3A_228 : memref<128xi32, #tpu.memory_space<vmem>>) semaphore(%run_scoped3A_225 : memref<!tpu.dma_semaphore, #tpu.memory_space<semaphore_mem>>) {add = true}
        %dma_wait3A_232 = arith.constant 0 : i32
        %dma_wait3A_233 = tpu.memref_slice %arg7[%rem3A_54, %run_scoped3A_217, %dma_wait3A_232] : memref<2x8x128xi32, #tpu.memory_space<vmem>> -> memref<1x1x128xi32, #tpu.memory_space<vmem>>
        %dma_wait3A_234 = tpu.memref_squeeze %dma_wait3A_233 : memref<1x1x128xi32, #tpu.memory_space<vmem>> -> memref<128xi32, #tpu.memory_space<vmem>>
        %dma_wait3A_235 = arith.constant 0 : i32
        %dma_wait3A_236 = arith.constant 0 : i32
        %dma_wait3A_237 = tpu.memref_slice %arg12[%dma_wait3A_235, %dma_wait3A_236] : memref<10240x128xf32, #tpu.memory_space<vmem_shared>> -> memref<10240x128xf32, #tpu.memory_space<vmem_shared>>
        tpu.wait_indirect_dma semaphore(%run_scoped3A_225 : memref<!tpu.dma_semaphore, #tpu.memory_space<semaphore_mem>>) src(%arg9 : memref<128x128xf32, #tpu.memory_space<vmem>>) dst(%dma_wait3A_237 : memref<10240x128xf32, #tpu.memory_space<vmem_shared>>)
        tpu.yield
      }) : () -> ()
      %add3A_218 = arith.constant 2 : i32
      %add3A_219 = arith.addi %add3A_208, %add3A_218 : i32
      %lt3A_220 = arith.constant 80 : i32
      %lt3A_221 = arith.cmpi slt, %add3A_219, %lt3A_220 : i32
      %convert_element_type3A_222 = arith.extui %lt3A_221 : i1 to i32
      %cond3A_223 = arith.constant 0 : i32
      %cond3A_224 = arith.cmpi ne, %convert_element_type3A_222, %cond3A_223 : i32
      scf.if %cond3A_224 {
        %sub3A = arith.constant 1 : i32
        %sub3A_225 = arith.subi %sub3A, %rem3A_54 : i32
        %dma_start3A_226 = arith.constant 1 : i32
        %dma_start3A_227 = arith.constant 0 : i32
        %dma_start3A_228 = tpu.memref_slice %arg6[%sub3A_225, %dma_start3A_226, %dma_start3A_227] : memref<2x8x128xi32, #tpu.memory_space<vmem>> -> memref<1x1x128xi32, #tpu.memory_space<vmem>>
        %dma_start3A_229 = tpu.memref_squeeze %dma_start3A_228 : memref<1x1x128xi32, #tpu.memory_space<vmem>> -> memref<128xi32, #tpu.memory_space<vmem>>
        %dma_start3A_230 = arith.constant 0 : i32
        %dma_start3A_231 = arith.constant 0 : i32
        %dma_start3A_232 = tpu.memref_slice %arg2[%dma_start3A_230, %dma_start3A_231] : memref<10000x128xf32, #tpu.memory_space<hbm>> -> memref<10000x128xf32, #tpu.memory_space<hbm>>
        tpu.enqueue_indirect_dma source(%dma_start3A_232 : memref<10000x128xf32, #tpu.memory_space<hbm>>) target(%arg9 : memref<128x128xf32, #tpu.memory_space<vmem>>) offsets(%dma_start3A_229 : memref<128xi32, #tpu.memory_space<vmem>>) semaphore(%arg11 : memref<!tpu.dma_semaphore, #tpu.memory_space<semaphore_mem>>)
      } else {
      }
    }
    %scan3A_47 = arith.constant 10 : i32
    %barrier3A_48 = arith.constant 0 : index
    tpu.barrier barrier_id(%barrier3A_48)
    %mul3A_49 = arith.constant 640 : i32
    %mul3A_50 = arith.muli %arg1, %mul3A_49 : i32
    %mul3A_51 = arith.constant 640 : i32
    %mul3A_52 = arith.muli %arg1, %mul3A_51 : i32
    "tpu.region"() ({
      %run_scoped3A_53 = tpu.sem_alloc : memref<!tpu.dma_semaphore, #tpu.memory_space<semaphore_mem>>
      %dma_start3A_54 = arith.constant 0 : i32
      %dma_start3A_55 = tpu.memref_slice %arg5[%arg0, %mul3A_52, %dma_start3A_54] : memref<2x10240x128xf32, #tpu.memory_space<hbm>> -> memref<1x640x128xf32, #tpu.memory_space<hbm>>
      %dma_start3A_56 = tpu.memref_squeeze %dma_start3A_55 : memref<1x640x128xf32, #tpu.memory_space<hbm>> -> memref<640x128xf32, #tpu.memory_space<hbm>>
      %dma_start3A_57 = arith.constant 0 : i32
      %dma_start3A_58 = tpu.memref_slice %arg12[%mul3A_50, %dma_start3A_57] : memref<10240x128xf32, #tpu.memory_space<vmem_shared>> -> memref<640x128xf32, #tpu.memory_space<vmem_shared>>
      tpu.enqueue_dma source(%dma_start3A_58 : memref<640x128xf32, #tpu.memory_space<vmem_shared>>) target(%dma_start3A_56 : memref<640x128xf32, #tpu.memory_space<hbm>>) target_semaphore(%run_scoped3A_53 : memref<!tpu.dma_semaphore, #tpu.memory_space<semaphore_mem>>)
      %dma_wait3A = arith.constant 0 : i32
      %dma_wait3A_59 = tpu.memref_slice %arg5[%arg0, %mul3A_52, %dma_wait3A] : memref<2x10240x128xf32, #tpu.memory_space<hbm>> -> memref<1x640x128xf32, #tpu.memory_space<hbm>>
      %dma_wait3A_60 = tpu.memref_squeeze %dma_wait3A_59 : memref<1x640x128xf32, #tpu.memory_space<hbm>> -> memref<640x128xf32, #tpu.memory_space<hbm>>
      %dma_wait3A_61 = arith.constant 0 : i32
      %dma_wait3A_62 = tpu.memref_slice %arg12[%mul3A_50, %dma_wait3A_61] : memref<10240x128xf32, #tpu.memory_space<vmem_shared>> -> memref<640x128xf32, #tpu.memory_space<vmem_shared>>
      tpu.wait_dma2 semaphore(%run_scoped3A_53 : memref<!tpu.dma_semaphore, #tpu.memory_space<semaphore_mem>>) src(%dma_wait3A_62 : memref<640x128xf32, #tpu.memory_space<vmem_shared>>) dst(%dma_wait3A_60 : memref<640x128xf32, #tpu.memory_space<hbm>>)
      tpu.yield
    }) : () -> ()
    return
  }
}

#map = affine_map<(d0, d1) -> (0, 0)>
#map1 = affine_map<(d0, d1) -> (0, 0, 0)>
module attributes {stable_mosaic.version = 14 : i64} {
  func.func @body(%arg0: i32, %arg1: i32, %arg2: memref<10000x128xf32, #tpu.memory_space<hbm>>, %arg3: memref<32x80x128xi32, #tpu.memory_space<hbm>>, %arg4: memref<32x80x128xi32, #tpu.memory_space<hbm>>, %arg5: memref<2x10240x128xf32, #tpu.memory_space<hbm>>, %arg6: memref<2x10240xf32, #tpu.memory_space<hbm>>, %arg7: memref<2x8x128xi32, #tpu.memory_space<vmem>>, %arg8: memref<2x8x128xi32, #tpu.memory_space<vmem>>, %arg9: memref<128x128xf32, #tpu.memory_space<vmem>>, %arg10: memref<128x128xf32, #tpu.memory_space<vmem>>, %arg11: memref<!tpu.dma_semaphore, #tpu.memory_space<semaphore_mem>>, %arg12: memref<!tpu.dma_semaphore, #tpu.memory_space<semaphore_mem>>, %arg13: memref<10240x128xf32, #tpu.memory_space<vmem_shared>>, %arg14: memref<!tpu.dma_semaphore, #tpu.memory_space<semaphore_mem>>, %arg15: memref<128xf32, #tpu.memory_space<vmem>>, %arg16: memref<10240xf32, #tpu.memory_space<vmem_shared>>) attributes {dimension_semantics = [#tpu.dimension_semantics<core_parallel>, #tpu.dimension_semantics<subcore_parallel>], iteration_bounds = array<i64: 2, 16>, scalar_prefetch = 0 : i64, scratch_operands = 10 : i64, tpu.core_type = #tpu.core_type<sc_vector_subcore>, window_params = [{transform_indices = #map}, {transform_indices = #map1}, {transform_indices = #map1}, {transform_indices = #map1}, {transform_indices = #map}]} {
    %mul3A = arith.constant 2 : i32
    %mul3A_0 = arith.muli %arg1, %mul3A : i32
    %add3A = arith.addi %mul3A_0, %arg0 : i32
    %scan3A = arith.constant 0 : i32
    %scan3A_1 = arith.constant 0 : i32
    %scan3A_2 = arith.constant 128 : i32
    %scan3A_3 = arith.addi %scan3A_1, %scan3A_2 : i32
    %scan3A_4 = arith.constant 1 : i32
    scf.for %scan3A_128 = %scan3A_1 to %scan3A_3 step %scan3A_4  : i32 {
      %broadcast_in_dim3A_129 = arith.constant 0.000000e+00 : f32
      %broadcast_in_dim3A_130 = vector.broadcast %broadcast_in_dim3A_129 : f32 to vector<16xf32>
      %swap3A_131 = arith.index_cast %scan3A_128 : i32 to index
      %swap3A_132 = arith.constant 0 : index
      %swap3A_133 = tpu.vector_load %arg9[%swap3A_131, %swap3A_132] {strides = array<i32>} : memref<128x128xf32, #tpu.memory_space<vmem>>, vector<1x16xf32>,
      %swap3A_134 = vector.shape_cast %swap3A_133 : vector<1x16xf32> to vector<16xf32>
      %swap3A_135 = vector.shape_cast %broadcast_in_dim3A_130 : vector<16xf32> to vector<1x16xf32>
      tpu.vector_store %arg9[%swap3A_131, %swap3A_132], %swap3A_135 {strides = array<i32>} : memref<128x128xf32, #tpu.memory_space<vmem>>, vector<1x16xf32>,
      %broadcast_in_dim3A_136 = arith.constant 0.000000e+00 : f32
      %broadcast_in_dim3A_137 = vector.broadcast %broadcast_in_dim3A_136 : f32 to vector<16xf32>
      %swap3A_138 = arith.index_cast %scan3A_128 : i32 to index
      %swap3A_139 = arith.constant 16 : index
      %swap3A_140 = tpu.vector_load %arg9[%swap3A_138, %swap3A_139] {strides = array<i32>} : memref<128x128xf32, #tpu.memory_space<vmem>>, vector<1x16xf32>,
      %swap3A_141 = vector.shape_cast %swap3A_140 : vector<1x16xf32> to vector<16xf32>
      %swap3A_142 = vector.shape_cast %broadcast_in_dim3A_137 : vector<16xf32> to vector<1x16xf32>
      tpu.vector_store %arg9[%swap3A_138, %swap3A_139], %swap3A_142 {strides = array<i32>} : memref<128x128xf32, #tpu.memory_space<vmem>>, vector<1x16xf32>,
      %broadcast_in_dim3A_143 = arith.constant 0.000000e+00 : f32
      %broadcast_in_dim3A_144 = vector.broadcast %broadcast_in_dim3A_143 : f32 to vector<16xf32>
      %swap3A_145 = arith.index_cast %scan3A_128 : i32 to index
      %swap3A_146 = arith.constant 32 : index
      %swap3A_147 = tpu.vector_load %arg9[%swap3A_145, %swap3A_146] {strides = array<i32>} : memref<128x128xf32, #tpu.memory_space<vmem>>, vector<1x16xf32>,
      %swap3A_148 = vector.shape_cast %swap3A_147 : vector<1x16xf32> to vector<16xf32>
      %swap3A_149 = vector.shape_cast %broadcast_in_dim3A_144 : vector<16xf32> to vector<1x16xf32>
      tpu.vector_store %arg9[%swap3A_145, %swap3A_146], %swap3A_149 {strides = array<i32>} : memref<128x128xf32, #tpu.memory_space<vmem>>, vector<1x16xf32>,
      %broadcast_in_dim3A_150 = arith.constant 0.000000e+00 : f32
      %broadcast_in_dim3A_151 = vector.broadcast %broadcast_in_dim3A_150 : f32 to vector<16xf32>
      %swap3A_152 = arith.index_cast %scan3A_128 : i32 to index
      %swap3A_153 = arith.constant 48 : index
      %swap3A_154 = tpu.vector_load %arg9[%swap3A_152, %swap3A_153] {strides = array<i32>} : memref<128x128xf32, #tpu.memory_space<vmem>>, vector<1x16xf32>,
      %swap3A_155 = vector.shape_cast %swap3A_154 : vector<1x16xf32> to vector<16xf32>
      %swap3A_156 = vector.shape_cast %broadcast_in_dim3A_151 : vector<16xf32> to vector<1x16xf32>
      tpu.vector_store %arg9[%swap3A_152, %swap3A_153], %swap3A_156 {strides = array<i32>} : memref<128x128xf32, #tpu.memory_space<vmem>>, vector<1x16xf32>,
      %broadcast_in_dim3A_157 = arith.constant 0.000000e+00 : f32
      %broadcast_in_dim3A_158 = vector.broadcast %broadcast_in_dim3A_157 : f32 to vector<16xf32>
      %swap3A_159 = arith.index_cast %scan3A_128 : i32 to index
      %swap3A_160 = arith.constant 64 : index
      %swap3A_161 = tpu.vector_load %arg9[%swap3A_159, %swap3A_160] {strides = array<i32>} : memref<128x128xf32, #tpu.memory_space<vmem>>, vector<1x16xf32>,
      %swap3A_162 = vector.shape_cast %swap3A_161 : vector<1x16xf32> to vector<16xf32>
      %swap3A_163 = vector.shape_cast %broadcast_in_dim3A_158 : vector<16xf32> to vector<1x16xf32>
      tpu.vector_store %arg9[%swap3A_159, %swap3A_160], %swap3A_163 {strides = array<i32>} : memref<128x128xf32, #tpu.memory_space<vmem>>, vector<1x16xf32>,
      %broadcast_in_dim3A_164 = arith.constant 0.000000e+00 : f32
      %broadcast_in_dim3A_165 = vector.broadcast %broadcast_in_dim3A_164 : f32 to vector<16xf32>
      %swap3A_166 = arith.index_cast %scan3A_128 : i32 to index
      %swap3A_167 = arith.constant 80 : index
      %swap3A_168 = tpu.vector_load %arg9[%swap3A_166, %swap3A_167] {strides = array<i32>} : memref<128x128xf32, #tpu.memory_space<vmem>>, vector<1x16xf32>,
      %swap3A_169 = vector.shape_cast %swap3A_168 : vector<1x16xf32> to vector<16xf32>
      %swap3A_170 = vector.shape_cast %broadcast_in_dim3A_165 : vector<16xf32> to vector<1x16xf32>
      tpu.vector_store %arg9[%swap3A_166, %swap3A_167], %swap3A_170 {strides = array<i32>} : memref<128x128xf32, #tpu.memory_space<vmem>>, vector<1x16xf32>,
      %broadcast_in_dim3A_171 = arith.constant 0.000000e+00 : f32
      %broadcast_in_dim3A_172 = vector.broadcast %broadcast_in_dim3A_171 : f32 to vector<16xf32>
      %swap3A_173 = arith.index_cast %scan3A_128 : i32 to index
      %swap3A_174 = arith.constant 96 : index
      %swap3A_175 = tpu.vector_load %arg9[%swap3A_173, %swap3A_174] {strides = array<i32>} : memref<128x128xf32, #tpu.memory_space<vmem>>, vector<1x16xf32>,
      %swap3A_176 = vector.shape_cast %swap3A_175 : vector<1x16xf32> to vector<16xf32>
      %swap3A_177 = vector.shape_cast %broadcast_in_dim3A_172 : vector<16xf32> to vector<1x16xf32>
      tpu.vector_store %arg9[%swap3A_173, %swap3A_174], %swap3A_177 {strides = array<i32>} : memref<128x128xf32, #tpu.memory_space<vmem>>, vector<1x16xf32>,
      %broadcast_in_dim3A_178 = arith.constant 0.000000e+00 : f32
      %broadcast_in_dim3A_179 = vector.broadcast %broadcast_in_dim3A_178 : f32 to vector<16xf32>
      %swap3A_180 = arith.index_cast %scan3A_128 : i32 to index
      %swap3A_181 = arith.constant 112 : index
      %swap3A_182 = tpu.vector_load %arg9[%swap3A_180, %swap3A_181] {strides = array<i32>} : memref<128x128xf32, #tpu.memory_space<vmem>>, vector<1x16xf32>,
      %swap3A_183 = vector.shape_cast %swap3A_182 : vector<1x16xf32> to vector<16xf32>
      %swap3A_184 = vector.shape_cast %broadcast_in_dim3A_179 : vector<16xf32> to vector<1x16xf32>
      tpu.vector_store %arg9[%swap3A_180, %swap3A_181], %swap3A_184 {strides = array<i32>} : memref<128x128xf32, #tpu.memory_space<vmem>>, vector<1x16xf32>,
    }
    %scan3A_5 = arith.constant 128 : i32
    %mul3A_6 = arith.constant 640 : i32
    %mul3A_7 = arith.muli %arg1, %mul3A_6 : i32
    %add3A_8 = arith.constant 0 : i32
    %add3A_9 = arith.addi %mul3A_7, %add3A_8 : i32
    "tpu.region"() ({
      %run_scoped3A_128 = tpu.sem_alloc : memref<!tpu.dma_semaphore, #tpu.memory_space<semaphore_mem>>
      %dma_start3A_129 = arith.constant 0 : i32
      %dma_start3A_130 = tpu.memref_slice %arg13[%add3A_9, %dma_start3A_129] : memref<10240x128xf32, #tpu.memory_space<vmem_shared>> -> memref<128x128xf32, #tpu.memory_space<vmem_shared>>
      %dma_start3A_131 = arith.constant 0 : i32
      %dma_start3A_132 = tpu.memref_slice %arg13[%add3A_9, %dma_start3A_131] : memref<10240x128xf32, #tpu.memory_space<vmem_shared>> -> memref<128x128xf32, #tpu.memory_space<vmem_shared>>
      tpu.enqueue_dma source(%arg9 : memref<128x128xf32, #tpu.memory_space<vmem>>) target(%dma_start3A_132 : memref<128x128xf32, #tpu.memory_space<vmem_shared>>) target_semaphore(%run_scoped3A_128 : memref<!tpu.dma_semaphore, #tpu.memory_space<semaphore_mem>>)
      %dma_wait3A = arith.constant 0 : i32
      %dma_wait3A_133 = tpu.memref_slice %arg13[%add3A_9, %dma_wait3A] : memref<10240x128xf32, #tpu.memory_space<vmem_shared>> -> memref<128x128xf32, #tpu.memory_space<vmem_shared>>
      %dma_wait3A_134 = arith.constant 0 : i32
      %dma_wait3A_135 = tpu.memref_slice %arg13[%add3A_9, %dma_wait3A_134] : memref<10240x128xf32, #tpu.memory_space<vmem_shared>> -> memref<128x128xf32, #tpu.memory_space<vmem_shared>>
      tpu.wait_dma2 semaphore(%run_scoped3A_128 : memref<!tpu.dma_semaphore, #tpu.memory_space<semaphore_mem>>) src(%arg9 : memref<128x128xf32, #tpu.memory_space<vmem>>) dst(%dma_wait3A_135 : memref<128x128xf32, #tpu.memory_space<vmem_shared>>)
      tpu.yield
    }) : () -> ()
    %mul3A_10 = arith.constant 640 : i32
    %mul3A_11 = arith.muli %arg1, %mul3A_10 : i32
    %add3A_12 = arith.constant 128 : i32
    %add3A_13 = arith.addi %mul3A_11, %add3A_12 : i32
    "tpu.region"() ({
      %run_scoped3A_128 = tpu.sem_alloc : memref<!tpu.dma_semaphore, #tpu.memory_space<semaphore_mem>>
      %dma_start3A_129 = arith.constant 0 : i32
      %dma_start3A_130 = tpu.memref_slice %arg13[%add3A_13, %dma_start3A_129] : memref<10240x128xf32, #tpu.memory_space<vmem_shared>> -> memref<128x128xf32, #tpu.memory_space<vmem_shared>>
      %dma_start3A_131 = arith.constant 0 : i32
      %dma_start3A_132 = tpu.memref_slice %arg13[%add3A_13, %dma_start3A_131] : memref<10240x128xf32, #tpu.memory_space<vmem_shared>> -> memref<128x128xf32, #tpu.memory_space<vmem_shared>>
      tpu.enqueue_dma source(%arg9 : memref<128x128xf32, #tpu.memory_space<vmem>>) target(%dma_start3A_132 : memref<128x128xf32, #tpu.memory_space<vmem_shared>>) target_semaphore(%run_scoped3A_128 : memref<!tpu.dma_semaphore, #tpu.memory_space<semaphore_mem>>)
      %dma_wait3A = arith.constant 0 : i32
      %dma_wait3A_133 = tpu.memref_slice %arg13[%add3A_13, %dma_wait3A] : memref<10240x128xf32, #tpu.memory_space<vmem_shared>> -> memref<128x128xf32, #tpu.memory_space<vmem_shared>>
      %dma_wait3A_134 = arith.constant 0 : i32
      %dma_wait3A_135 = tpu.memref_slice %arg13[%add3A_13, %dma_wait3A_134] : memref<10240x128xf32, #tpu.memory_space<vmem_shared>> -> memref<128x128xf32, #tpu.memory_space<vmem_shared>>
      tpu.wait_dma2 semaphore(%run_scoped3A_128 : memref<!tpu.dma_semaphore, #tpu.memory_space<semaphore_mem>>) src(%arg9 : memref<128x128xf32, #tpu.memory_space<vmem>>) dst(%dma_wait3A_135 : memref<128x128xf32, #tpu.memory_space<vmem_shared>>)
      tpu.yield
    }) : () -> ()
    %mul3A_14 = arith.constant 640 : i32
    %mul3A_15 = arith.muli %arg1, %mul3A_14 : i32
    %add3A_16 = arith.constant 256 : i32
    %add3A_17 = arith.addi %mul3A_15, %add3A_16 : i32
    "tpu.region"() ({
      %run_scoped3A_128 = tpu.sem_alloc : memref<!tpu.dma_semaphore, #tpu.memory_space<semaphore_mem>>
      %dma_start3A_129 = arith.constant 0 : i32
      %dma_start3A_130 = tpu.memref_slice %arg13[%add3A_17, %dma_start3A_129] : memref<10240x128xf32, #tpu.memory_space<vmem_shared>> -> memref<128x128xf32, #tpu.memory_space<vmem_shared>>
      %dma_start3A_131 = arith.constant 0 : i32
      %dma_start3A_132 = tpu.memref_slice %arg13[%add3A_17, %dma_start3A_131] : memref<10240x128xf32, #tpu.memory_space<vmem_shared>> -> memref<128x128xf32, #tpu.memory_space<vmem_shared>>
      tpu.enqueue_dma source(%arg9 : memref<128x128xf32, #tpu.memory_space<vmem>>) target(%dma_start3A_132 : memref<128x128xf32, #tpu.memory_space<vmem_shared>>) target_semaphore(%run_scoped3A_128 : memref<!tpu.dma_semaphore, #tpu.memory_space<semaphore_mem>>)
      %dma_wait3A = arith.constant 0 : i32
      %dma_wait3A_133 = tpu.memref_slice %arg13[%add3A_17, %dma_wait3A] : memref<10240x128xf32, #tpu.memory_space<vmem_shared>> -> memref<128x128xf32, #tpu.memory_space<vmem_shared>>
      %dma_wait3A_134 = arith.constant 0 : i32
      %dma_wait3A_135 = tpu.memref_slice %arg13[%add3A_17, %dma_wait3A_134] : memref<10240x128xf32, #tpu.memory_space<vmem_shared>> -> memref<128x128xf32, #tpu.memory_space<vmem_shared>>
      tpu.wait_dma2 semaphore(%run_scoped3A_128 : memref<!tpu.dma_semaphore, #tpu.memory_space<semaphore_mem>>) src(%arg9 : memref<128x128xf32, #tpu.memory_space<vmem>>) dst(%dma_wait3A_135 : memref<128x128xf32, #tpu.memory_space<vmem_shared>>)
      tpu.yield
    }) : () -> ()
    %mul3A_18 = arith.constant 640 : i32
    %mul3A_19 = arith.muli %arg1, %mul3A_18 : i32
    %add3A_20 = arith.constant 384 : i32
    %add3A_21 = arith.addi %mul3A_19, %add3A_20 : i32
    "tpu.region"() ({
      %run_scoped3A_128 = tpu.sem_alloc : memref<!tpu.dma_semaphore, #tpu.memory_space<semaphore_mem>>
      %dma_start3A_129 = arith.constant 0 : i32
      %dma_start3A_130 = tpu.memref_slice %arg13[%add3A_21, %dma_start3A_129] : memref<10240x128xf32, #tpu.memory_space<vmem_shared>> -> memref<128x128xf32, #tpu.memory_space<vmem_shared>>
      %dma_start3A_131 = arith.constant 0 : i32
      %dma_start3A_132 = tpu.memref_slice %arg13[%add3A_21, %dma_start3A_131] : memref<10240x128xf32, #tpu.memory_space<vmem_shared>> -> memref<128x128xf32, #tpu.memory_space<vmem_shared>>
      tpu.enqueue_dma source(%arg9 : memref<128x128xf32, #tpu.memory_space<vmem>>) target(%dma_start3A_132 : memref<128x128xf32, #tpu.memory_space<vmem_shared>>) target_semaphore(%run_scoped3A_128 : memref<!tpu.dma_semaphore, #tpu.memory_space<semaphore_mem>>)
      %dma_wait3A = arith.constant 0 : i32
      %dma_wait3A_133 = tpu.memref_slice %arg13[%add3A_21, %dma_wait3A] : memref<10240x128xf32, #tpu.memory_space<vmem_shared>> -> memref<128x128xf32, #tpu.memory_space<vmem_shared>>
      %dma_wait3A_134 = arith.constant 0 : i32
      %dma_wait3A_135 = tpu.memref_slice %arg13[%add3A_21, %dma_wait3A_134] : memref<10240x128xf32, #tpu.memory_space<vmem_shared>> -> memref<128x128xf32, #tpu.memory_space<vmem_shared>>
      tpu.wait_dma2 semaphore(%run_scoped3A_128 : memref<!tpu.dma_semaphore, #tpu.memory_space<semaphore_mem>>) src(%arg9 : memref<128x128xf32, #tpu.memory_space<vmem>>) dst(%dma_wait3A_135 : memref<128x128xf32, #tpu.memory_space<vmem_shared>>)
      tpu.yield
    }) : () -> ()
    %mul3A_22 = arith.constant 640 : i32
    %mul3A_23 = arith.muli %arg1, %mul3A_22 : i32
    %add3A_24 = arith.constant 512 : i32
    %add3A_25 = arith.addi %mul3A_23, %add3A_24 : i32
    "tpu.region"() ({
      %run_scoped3A_128 = tpu.sem_alloc : memref<!tpu.dma_semaphore, #tpu.memory_space<semaphore_mem>>
      %dma_start3A_129 = arith.constant 0 : i32
      %dma_start3A_130 = tpu.memref_slice %arg13[%add3A_25, %dma_start3A_129] : memref<10240x128xf32, #tpu.memory_space<vmem_shared>> -> memref<128x128xf32, #tpu.memory_space<vmem_shared>>
      %dma_start3A_131 = arith.constant 0 : i32
      %dma_start3A_132 = tpu.memref_slice %arg13[%add3A_25, %dma_start3A_131] : memref<10240x128xf32, #tpu.memory_space<vmem_shared>> -> memref<128x128xf32, #tpu.memory_space<vmem_shared>>
      tpu.enqueue_dma source(%arg9 : memref<128x128xf32, #tpu.memory_space<vmem>>) target(%dma_start3A_132 : memref<128x128xf32, #tpu.memory_space<vmem_shared>>) target_semaphore(%run_scoped3A_128 : memref<!tpu.dma_semaphore, #tpu.memory_space<semaphore_mem>>)
      %dma_wait3A = arith.constant 0 : i32
      %dma_wait3A_133 = tpu.memref_slice %arg13[%add3A_25, %dma_wait3A] : memref<10240x128xf32, #tpu.memory_space<vmem_shared>> -> memref<128x128xf32, #tpu.memory_space<vmem_shared>>
      %dma_wait3A_134 = arith.constant 0 : i32
      %dma_wait3A_135 = tpu.memref_slice %arg13[%add3A_25, %dma_wait3A_134] : memref<10240x128xf32, #tpu.memory_space<vmem_shared>> -> memref<128x128xf32, #tpu.memory_space<vmem_shared>>
      tpu.wait_dma2 semaphore(%run_scoped3A_128 : memref<!tpu.dma_semaphore, #tpu.memory_space<semaphore_mem>>) src(%arg9 : memref<128x128xf32, #tpu.memory_space<vmem>>) dst(%dma_wait3A_135 : memref<128x128xf32, #tpu.memory_space<vmem_shared>>)
      tpu.yield
    }) : () -> ()
    %broadcast_in_dim3A = arith.constant 1.000000e+00 : f32
    %broadcast_in_dim3A_26 = vector.broadcast %broadcast_in_dim3A : f32 to vector<16xf32>
    %swap3A = arith.constant 0 : index
    %swap3A_27 = tpu.vector_load %arg15[%swap3A] {strides = array<i32>} : memref<128xf32, #tpu.memory_space<vmem>>, vector<16xf32>,
    %swap3A_28 = vector.shape_cast %swap3A_27 : vector<16xf32> to vector<16xf32>
    %swap3A_29 = vector.shape_cast %broadcast_in_dim3A_26 : vector<16xf32> to vector<16xf32>
    tpu.vector_store %arg15[%swap3A], %swap3A_29 {strides = array<i32>} : memref<128xf32, #tpu.memory_space<vmem>>, vector<16xf32>,
    %broadcast_in_dim3A_30 = arith.constant 1.000000e+00 : f32
    %broadcast_in_dim3A_31 = vector.broadcast %broadcast_in_dim3A_30 : f32 to vector<16xf32>
    %swap3A_32 = arith.constant 16 : index
    %swap3A_33 = tpu.vector_load %arg15[%swap3A_32] {strides = array<i32>} : memref<128xf32, #tpu.memory_space<vmem>>, vector<16xf32>,
    %swap3A_34 = vector.shape_cast %swap3A_33 : vector<16xf32> to vector<16xf32>
    %swap3A_35 = vector.shape_cast %broadcast_in_dim3A_31 : vector<16xf32> to vector<16xf32>
    tpu.vector_store %arg15[%swap3A_32], %swap3A_35 {strides = array<i32>} : memref<128xf32, #tpu.memory_space<vmem>>, vector<16xf32>,
    %broadcast_in_dim3A_36 = arith.constant 1.000000e+00 : f32
    %broadcast_in_dim3A_37 = vector.broadcast %broadcast_in_dim3A_36 : f32 to vector<16xf32>
    %swap3A_38 = arith.constant 32 : index
    %swap3A_39 = tpu.vector_load %arg15[%swap3A_38] {strides = array<i32>} : memref<128xf32, #tpu.memory_space<vmem>>, vector<16xf32>,
    %swap3A_40 = vector.shape_cast %swap3A_39 : vector<16xf32> to vector<16xf32>
    %swap3A_41 = vector.shape_cast %broadcast_in_dim3A_37 : vector<16xf32> to vector<16xf32>
    tpu.vector_store %arg15[%swap3A_38], %swap3A_41 {strides = array<i32>} : memref<128xf32, #tpu.memory_space<vmem>>, vector<16xf32>,
    %broadcast_in_dim3A_42 = arith.constant 1.000000e+00 : f32
    %broadcast_in_dim3A_43 = vector.broadcast %broadcast_in_dim3A_42 : f32 to vector<16xf32>
    %swap3A_44 = arith.constant 48 : index
    %swap3A_45 = tpu.vector_load %arg15[%swap3A_44] {strides = array<i32>} : memref<128xf32, #tpu.memory_space<vmem>>, vector<16xf32>,
    %swap3A_46 = vector.shape_cast %swap3A_45 : vector<16xf32> to vector<16xf32>
    %swap3A_47 = vector.shape_cast %broadcast_in_dim3A_43 : vector<16xf32> to vector<16xf32>
    tpu.vector_store %arg15[%swap3A_44], %swap3A_47 {strides = array<i32>} : memref<128xf32, #tpu.memory_space<vmem>>, vector<16xf32>,
    %broadcast_in_dim3A_48 = arith.constant 1.000000e+00 : f32
    %broadcast_in_dim3A_49 = vector.broadcast %broadcast_in_dim3A_48 : f32 to vector<16xf32>
    %swap3A_50 = arith.constant 64 : index
    %swap3A_51 = tpu.vector_load %arg15[%swap3A_50] {strides = array<i32>} : memref<128xf32, #tpu.memory_space<vmem>>, vector<16xf32>,
    %swap3A_52 = vector.shape_cast %swap3A_51 : vector<16xf32> to vector<16xf32>
    %swap3A_53 = vector.shape_cast %broadcast_in_dim3A_49 : vector<16xf32> to vector<16xf32>
    tpu.vector_store %arg15[%swap3A_50], %swap3A_53 {strides = array<i32>} : memref<128xf32, #tpu.memory_space<vmem>>, vector<16xf32>,
    %broadcast_in_dim3A_54 = arith.constant 1.000000e+00 : f32
    %broadcast_in_dim3A_55 = vector.broadcast %broadcast_in_dim3A_54 : f32 to vector<16xf32>
    %swap3A_56 = arith.constant 80 : index
    %swap3A_57 = tpu.vector_load %arg15[%swap3A_56] {strides = array<i32>} : memref<128xf32, #tpu.memory_space<vmem>>, vector<16xf32>,
    %swap3A_58 = vector.shape_cast %swap3A_57 : vector<16xf32> to vector<16xf32>
    %swap3A_59 = vector.shape_cast %broadcast_in_dim3A_55 : vector<16xf32> to vector<16xf32>
    tpu.vector_store %arg15[%swap3A_56], %swap3A_59 {strides = array<i32>} : memref<128xf32, #tpu.memory_space<vmem>>, vector<16xf32>,
    %broadcast_in_dim3A_60 = arith.constant 1.000000e+00 : f32
    %broadcast_in_dim3A_61 = vector.broadcast %broadcast_in_dim3A_60 : f32 to vector<16xf32>
    %swap3A_62 = arith.constant 96 : index
    %swap3A_63 = tpu.vector_load %arg15[%swap3A_62] {strides = array<i32>} : memref<128xf32, #tpu.memory_space<vmem>>, vector<16xf32>,
    %swap3A_64 = vector.shape_cast %swap3A_63 : vector<16xf32> to vector<16xf32>
    %swap3A_65 = vector.shape_cast %broadcast_in_dim3A_61 : vector<16xf32> to vector<16xf32>
    tpu.vector_store %arg15[%swap3A_62], %swap3A_65 {strides = array<i32>} : memref<128xf32, #tpu.memory_space<vmem>>, vector<16xf32>,
    %broadcast_in_dim3A_66 = arith.constant 1.000000e+00 : f32
    %broadcast_in_dim3A_67 = vector.broadcast %broadcast_in_dim3A_66 : f32 to vector<16xf32>
    %swap3A_68 = arith.constant 112 : index
    %swap3A_69 = tpu.vector_load %arg15[%swap3A_68] {strides = array<i32>} : memref<128xf32, #tpu.memory_space<vmem>>, vector<16xf32>,
    %swap3A_70 = vector.shape_cast %swap3A_69 : vector<16xf32> to vector<16xf32>
    %swap3A_71 = vector.shape_cast %broadcast_in_dim3A_67 : vector<16xf32> to vector<16xf32>
    tpu.vector_store %arg15[%swap3A_68], %swap3A_71 {strides = array<i32>} : memref<128xf32, #tpu.memory_space<vmem>>, vector<16xf32>,
    %mul3A_72 = arith.constant 640 : i32
    %mul3A_73 = arith.muli %arg1, %mul3A_72 : i32
    %add3A_74 = arith.constant 0 : i32
    %add3A_75 = arith.addi %mul3A_73, %add3A_74 : i32
    %run_scoped3A = arith.constant 0 : i32
    "tpu.region"() ({
      %run_scoped3A_128 = tpu.sem_alloc : memref<!tpu.dma_semaphore, #tpu.memory_space<semaphore_mem>>
      %dma_start3A_129 = arith.constant 0 : i32
      %dma_start3A_130 = tpu.memref_slice %arg9[%run_scoped3A, %dma_start3A_129] : memref<128x128xf32, #tpu.memory_space<vmem>> -> memref<1x128xf32, #tpu.memory_space<vmem>>
      %dma_start3A_131 = tpu.memref_squeeze %dma_start3A_130 : memref<1x128xf32, #tpu.memory_space<vmem>> -> memref<128xf32, #tpu.memory_space<vmem>>
      %dma_start3A_132 = tpu.memref_slice %arg16[%add3A_75] : memref<10240xf32, #tpu.memory_space<vmem_shared>> -> memref<128xf32, #tpu.memory_space<vmem_shared>>
      %dma_start3A_133 = tpu.memref_slice %arg16[%add3A_75] : memref<10240xf32, #tpu.memory_space<vmem_shared>> -> memref<128xf32, #tpu.memory_space<vmem_shared>>
      %dma_start3A_134 = arith.constant 0 : i32
      %dma_start3A_135 = tpu.memref_slice %arg9[%run_scoped3A, %dma_start3A_134] : memref<128x128xf32, #tpu.memory_space<vmem>> -> memref<1x128xf32, #tpu.memory_space<vmem>>
      %dma_start3A_136 = tpu.memref_squeeze %dma_start3A_135 : memref<1x128xf32, #tpu.memory_space<vmem>> -> memref<128xf32, #tpu.memory_space<vmem>>
      tpu.enqueue_dma source(%dma_start3A_136 : memref<128xf32, #tpu.memory_space<vmem>>) target(%dma_start3A_133 : memref<128xf32, #tpu.memory_space<vmem_shared>>) target_semaphore(%run_scoped3A_128 : memref<!tpu.dma_semaphore, #tpu.memory_space<semaphore_mem>>)
      %dma_wait3A = arith.constant 0 : i32
      %dma_wait3A_137 = tpu.memref_slice %arg9[%run_scoped3A, %dma_wait3A] : memref<128x128xf32, #tpu.memory_space<vmem>> -> memref<1x128xf32, #tpu.memory_space<vmem>>
      %dma_wait3A_138 = tpu.memref_squeeze %dma_wait3A_137 : memref<1x128xf32, #tpu.memory_space<vmem>> -> memref<128xf32, #tpu.memory_space<vmem>>
      %dma_wait3A_139 = tpu.memref_slice %arg16[%add3A_75] : memref<10240xf32, #tpu.memory_space<vmem_shared>> -> memref<128xf32, #tpu.memory_space<vmem_shared>>
      %dma_wait3A_140 = tpu.memref_slice %arg16[%add3A_75] : memref<10240xf32, #tpu.memory_space<vmem_shared>> -> memref<128xf32, #tpu.memory_space<vmem_shared>>
      %dma_wait3A_141 = arith.constant 0 : i32
      %dma_wait3A_142 = tpu.memref_slice %arg9[%run_scoped3A, %dma_wait3A_141] : memref<128x128xf32, #tpu.memory_space<vmem>> -> memref<1x128xf32, #tpu.memory_space<vmem>>
      %dma_wait3A_143 = tpu.memref_squeeze %dma_wait3A_142 : memref<1x128xf32, #tpu.memory_space<vmem>> -> memref<128xf32, #tpu.memory_space<vmem>>
      tpu.wait_dma2 semaphore(%run_scoped3A_128 : memref<!tpu.dma_semaphore, #tpu.memory_space<semaphore_mem>>) src(%dma_wait3A_143 : memref<128xf32, #tpu.memory_space<vmem>>) dst(%dma_wait3A_140 : memref<128xf32, #tpu.memory_space<vmem_shared>>)
      tpu.yield
    }) : () -> ()
    %mul3A_76 = arith.constant 640 : i32
    %mul3A_77 = arith.muli %arg1, %mul3A_76 : i32
    %add3A_78 = arith.constant 128 : i32
    %add3A_79 = arith.addi %mul3A_77, %add3A_78 : i32
    %run_scoped3A_80 = arith.constant 0 : i32
    "tpu.region"() ({
      %run_scoped3A_128 = tpu.sem_alloc : memref<!tpu.dma_semaphore, #tpu.memory_space<semaphore_mem>>
      %dma_start3A_129 = arith.constant 0 : i32
      %dma_start3A_130 = tpu.memref_slice %arg9[%run_scoped3A_80, %dma_start3A_129] : memref<128x128xf32, #tpu.memory_space<vmem>> -> memref<1x128xf32, #tpu.memory_space<vmem>>
      %dma_start3A_131 = tpu.memref_squeeze %dma_start3A_130 : memref<1x128xf32, #tpu.memory_space<vmem>> -> memref<128xf32, #tpu.memory_space<vmem>>
      %dma_start3A_132 = tpu.memref_slice %arg16[%add3A_79] : memref<10240xf32, #tpu.memory_space<vmem_shared>> -> memref<128xf32, #tpu.memory_space<vmem_shared>>
      %dma_start3A_133 = tpu.memref_slice %arg16[%add3A_79] : memref<10240xf32, #tpu.memory_space<vmem_shared>> -> memref<128xf32, #tpu.memory_space<vmem_shared>>
      %dma_start3A_134 = arith.constant 0 : i32
      %dma_start3A_135 = tpu.memref_slice %arg9[%run_scoped3A_80, %dma_start3A_134] : memref<128x128xf32, #tpu.memory_space<vmem>> -> memref<1x128xf32, #tpu.memory_space<vmem>>
      %dma_start3A_136 = tpu.memref_squeeze %dma_start3A_135 : memref<1x128xf32, #tpu.memory_space<vmem>> -> memref<128xf32, #tpu.memory_space<vmem>>
      tpu.enqueue_dma source(%dma_start3A_136 : memref<128xf32, #tpu.memory_space<vmem>>) target(%dma_start3A_133 : memref<128xf32, #tpu.memory_space<vmem_shared>>) target_semaphore(%run_scoped3A_128 : memref<!tpu.dma_semaphore, #tpu.memory_space<semaphore_mem>>)
      %dma_wait3A = arith.constant 0 : i32
      %dma_wait3A_137 = tpu.memref_slice %arg9[%run_scoped3A_80, %dma_wait3A] : memref<128x128xf32, #tpu.memory_space<vmem>> -> memref<1x128xf32, #tpu.memory_space<vmem>>
      %dma_wait3A_138 = tpu.memref_squeeze %dma_wait3A_137 : memref<1x128xf32, #tpu.memory_space<vmem>> -> memref<128xf32, #tpu.memory_space<vmem>>
      %dma_wait3A_139 = tpu.memref_slice %arg16[%add3A_79] : memref<10240xf32, #tpu.memory_space<vmem_shared>> -> memref<128xf32, #tpu.memory_space<vmem_shared>>
      %dma_wait3A_140 = tpu.memref_slice %arg16[%add3A_79] : memref<10240xf32, #tpu.memory_space<vmem_shared>> -> memref<128xf32, #tpu.memory_space<vmem_shared>>
      %dma_wait3A_141 = arith.constant 0 : i32
      %dma_wait3A_142 = tpu.memref_slice %arg9[%run_scoped3A_80, %dma_wait3A_141] : memref<128x128xf32, #tpu.memory_space<vmem>> -> memref<1x128xf32, #tpu.memory_space<vmem>>
      %dma_wait3A_143 = tpu.memref_squeeze %dma_wait3A_142 : memref<1x128xf32, #tpu.memory_space<vmem>> -> memref<128xf32, #tpu.memory_space<vmem>>
      tpu.wait_dma2 semaphore(%run_scoped3A_128 : memref<!tpu.dma_semaphore, #tpu.memory_space<semaphore_mem>>) src(%dma_wait3A_143 : memref<128xf32, #tpu.memory_space<vmem>>) dst(%dma_wait3A_140 : memref<128xf32, #tpu.memory_space<vmem_shared>>)
      tpu.yield
    }) : () -> ()
    %mul3A_81 = arith.constant 640 : i32
    %mul3A_82 = arith.muli %arg1, %mul3A_81 : i32
    %add3A_83 = arith.constant 256 : i32
    %add3A_84 = arith.addi %mul3A_82, %add3A_83 : i32
    %run_scoped3A_85 = arith.constant 0 : i32
    "tpu.region"() ({
      %run_scoped3A_128 = tpu.sem_alloc : memref<!tpu.dma_semaphore, #tpu.memory_space<semaphore_mem>>
      %dma_start3A_129 = arith.constant 0 : i32
      %dma_start3A_130 = tpu.memref_slice %arg9[%run_scoped3A_85, %dma_start3A_129] : memref<128x128xf32, #tpu.memory_space<vmem>> -> memref<1x128xf32, #tpu.memory_space<vmem>>
      %dma_start3A_131 = tpu.memref_squeeze %dma_start3A_130 : memref<1x128xf32, #tpu.memory_space<vmem>> -> memref<128xf32, #tpu.memory_space<vmem>>
      %dma_start3A_132 = tpu.memref_slice %arg16[%add3A_84] : memref<10240xf32, #tpu.memory_space<vmem_shared>> -> memref<128xf32, #tpu.memory_space<vmem_shared>>
      %dma_start3A_133 = tpu.memref_slice %arg16[%add3A_84] : memref<10240xf32, #tpu.memory_space<vmem_shared>> -> memref<128xf32, #tpu.memory_space<vmem_shared>>
      %dma_start3A_134 = arith.constant 0 : i32
      %dma_start3A_135 = tpu.memref_slice %arg9[%run_scoped3A_85, %dma_start3A_134] : memref<128x128xf32, #tpu.memory_space<vmem>> -> memref<1x128xf32, #tpu.memory_space<vmem>>
      %dma_start3A_136 = tpu.memref_squeeze %dma_start3A_135 : memref<1x128xf32, #tpu.memory_space<vmem>> -> memref<128xf32, #tpu.memory_space<vmem>>
      tpu.enqueue_dma source(%dma_start3A_136 : memref<128xf32, #tpu.memory_space<vmem>>) target(%dma_start3A_133 : memref<128xf32, #tpu.memory_space<vmem_shared>>) target_semaphore(%run_scoped3A_128 : memref<!tpu.dma_semaphore, #tpu.memory_space<semaphore_mem>>)
      %dma_wait3A = arith.constant 0 : i32
      %dma_wait3A_137 = tpu.memref_slice %arg9[%run_scoped3A_85, %dma_wait3A] : memref<128x128xf32, #tpu.memory_space<vmem>> -> memref<1x128xf32, #tpu.memory_space<vmem>>
      %dma_wait3A_138 = tpu.memref_squeeze %dma_wait3A_137 : memref<1x128xf32, #tpu.memory_space<vmem>> -> memref<128xf32, #tpu.memory_space<vmem>>
      %dma_wait3A_139 = tpu.memref_slice %arg16[%add3A_84] : memref<10240xf32, #tpu.memory_space<vmem_shared>> -> memref<128xf32, #tpu.memory_space<vmem_shared>>
      %dma_wait3A_140 = tpu.memref_slice %arg16[%add3A_84] : memref<10240xf32, #tpu.memory_space<vmem_shared>> -> memref<128xf32, #tpu.memory_space<vmem_shared>>
      %dma_wait3A_141 = arith.constant 0 : i32
      %dma_wait3A_142 = tpu.memref_slice %arg9[%run_scoped3A_85, %dma_wait3A_141] : memref<128x128xf32, #tpu.memory_space<vmem>> -> memref<1x128xf32, #tpu.memory_space<vmem>>
      %dma_wait3A_143 = tpu.memref_squeeze %dma_wait3A_142 : memref<1x128xf32, #tpu.memory_space<vmem>> -> memref<128xf32, #tpu.memory_space<vmem>>
      tpu.wait_dma2 semaphore(%run_scoped3A_128 : memref<!tpu.dma_semaphore, #tpu.memory_space<semaphore_mem>>) src(%dma_wait3A_143 : memref<128xf32, #tpu.memory_space<vmem>>) dst(%dma_wait3A_140 : memref<128xf32, #tpu.memory_space<vmem_shared>>)
      tpu.yield
    }) : () -> ()
    %mul3A_86 = arith.constant 640 : i32
    %mul3A_87 = arith.muli %arg1, %mul3A_86 : i32
    %add3A_88 = arith.constant 384 : i32
    %add3A_89 = arith.addi %mul3A_87, %add3A_88 : i32
    %run_scoped3A_90 = arith.constant 0 : i32
    "tpu.region"() ({
      %run_scoped3A_128 = tpu.sem_alloc : memref<!tpu.dma_semaphore, #tpu.memory_space<semaphore_mem>>
      %dma_start3A_129 = arith.constant 0 : i32
      %dma_start3A_130 = tpu.memref_slice %arg9[%run_scoped3A_90, %dma_start3A_129] : memref<128x128xf32, #tpu.memory_space<vmem>> -> memref<1x128xf32, #tpu.memory_space<vmem>>
      %dma_start3A_131 = tpu.memref_squeeze %dma_start3A_130 : memref<1x128xf32, #tpu.memory_space<vmem>> -> memref<128xf32, #tpu.memory_space<vmem>>
      %dma_start3A_132 = tpu.memref_slice %arg16[%add3A_89] : memref<10240xf32, #tpu.memory_space<vmem_shared>> -> memref<128xf32, #tpu.memory_space<vmem_shared>>
      %dma_start3A_133 = tpu.memref_slice %arg16[%add3A_89] : memref<10240xf32, #tpu.memory_space<vmem_shared>> -> memref<128xf32, #tpu.memory_space<vmem_shared>>
      %dma_start3A_134 = arith.constant 0 : i32
      %dma_start3A_135 = tpu.memref_slice %arg9[%run_scoped3A_90, %dma_start3A_134] : memref<128x128xf32, #tpu.memory_space<vmem>> -> memref<1x128xf32, #tpu.memory_space<vmem>>
      %dma_start3A_136 = tpu.memref_squeeze %dma_start3A_135 : memref<1x128xf32, #tpu.memory_space<vmem>> -> memref<128xf32, #tpu.memory_space<vmem>>
      tpu.enqueue_dma source(%dma_start3A_136 : memref<128xf32, #tpu.memory_space<vmem>>) target(%dma_start3A_133 : memref<128xf32, #tpu.memory_space<vmem_shared>>) target_semaphore(%run_scoped3A_128 : memref<!tpu.dma_semaphore, #tpu.memory_space<semaphore_mem>>)
      %dma_wait3A = arith.constant 0 : i32
      %dma_wait3A_137 = tpu.memref_slice %arg9[%run_scoped3A_90, %dma_wait3A] : memref<128x128xf32, #tpu.memory_space<vmem>> -> memref<1x128xf32, #tpu.memory_space<vmem>>
      %dma_wait3A_138 = tpu.memref_squeeze %dma_wait3A_137 : memref<1x128xf32, #tpu.memory_space<vmem>> -> memref<128xf32, #tpu.memory_space<vmem>>
      %dma_wait3A_139 = tpu.memref_slice %arg16[%add3A_89] : memref<10240xf32, #tpu.memory_space<vmem_shared>> -> memref<128xf32, #tpu.memory_space<vmem_shared>>
      %dma_wait3A_140 = tpu.memref_slice %arg16[%add3A_89] : memref<10240xf32, #tpu.memory_space<vmem_shared>> -> memref<128xf32, #tpu.memory_space<vmem_shared>>
      %dma_wait3A_141 = arith.constant 0 : i32
      %dma_wait3A_142 = tpu.memref_slice %arg9[%run_scoped3A_90, %dma_wait3A_141] : memref<128x128xf32, #tpu.memory_space<vmem>> -> memref<1x128xf32, #tpu.memory_space<vmem>>
      %dma_wait3A_143 = tpu.memref_squeeze %dma_wait3A_142 : memref<1x128xf32, #tpu.memory_space<vmem>> -> memref<128xf32, #tpu.memory_space<vmem>>
      tpu.wait_dma2 semaphore(%run_scoped3A_128 : memref<!tpu.dma_semaphore, #tpu.memory_space<semaphore_mem>>) src(%dma_wait3A_143 : memref<128xf32, #tpu.memory_space<vmem>>) dst(%dma_wait3A_140 : memref<128xf32, #tpu.memory_space<vmem_shared>>)
      tpu.yield
    }) : () -> ()
    %mul3A_91 = arith.constant 640 : i32
    %mul3A_92 = arith.muli %arg1, %mul3A_91 : i32
    %add3A_93 = arith.constant 512 : i32
    %add3A_94 = arith.addi %mul3A_92, %add3A_93 : i32
    %run_scoped3A_95 = arith.constant 0 : i32
    "tpu.region"() ({
      %run_scoped3A_128 = tpu.sem_alloc : memref<!tpu.dma_semaphore, #tpu.memory_space<semaphore_mem>>
      %dma_start3A_129 = arith.constant 0 : i32
      %dma_start3A_130 = tpu.memref_slice %arg9[%run_scoped3A_95, %dma_start3A_129] : memref<128x128xf32, #tpu.memory_space<vmem>> -> memref<1x128xf32, #tpu.memory_space<vmem>>
      %dma_start3A_131 = tpu.memref_squeeze %dma_start3A_130 : memref<1x128xf32, #tpu.memory_space<vmem>> -> memref<128xf32, #tpu.memory_space<vmem>>
      %dma_start3A_132 = tpu.memref_slice %arg16[%add3A_94] : memref<10240xf32, #tpu.memory_space<vmem_shared>> -> memref<128xf32, #tpu.memory_space<vmem_shared>>
      %dma_start3A_133 = tpu.memref_slice %arg16[%add3A_94] : memref<10240xf32, #tpu.memory_space<vmem_shared>> -> memref<128xf32, #tpu.memory_space<vmem_shared>>
      %dma_start3A_134 = arith.constant 0 : i32
      %dma_start3A_135 = tpu.memref_slice %arg9[%run_scoped3A_95, %dma_start3A_134] : memref<128x128xf32, #tpu.memory_space<vmem>> -> memref<1x128xf32, #tpu.memory_space<vmem>>
      %dma_start3A_136 = tpu.memref_squeeze %dma_start3A_135 : memref<1x128xf32, #tpu.memory_space<vmem>> -> memref<128xf32, #tpu.memory_space<vmem>>
      tpu.enqueue_dma source(%dma_start3A_136 : memref<128xf32, #tpu.memory_space<vmem>>) target(%dma_start3A_133 : memref<128xf32, #tpu.memory_space<vmem_shared>>) target_semaphore(%run_scoped3A_128 : memref<!tpu.dma_semaphore, #tpu.memory_space<semaphore_mem>>)
      %dma_wait3A = arith.constant 0 : i32
      %dma_wait3A_137 = tpu.memref_slice %arg9[%run_scoped3A_95, %dma_wait3A] : memref<128x128xf32, #tpu.memory_space<vmem>> -> memref<1x128xf32, #tpu.memory_space<vmem>>
      %dma_wait3A_138 = tpu.memref_squeeze %dma_wait3A_137 : memref<1x128xf32, #tpu.memory_space<vmem>> -> memref<128xf32, #tpu.memory_space<vmem>>
      %dma_wait3A_139 = tpu.memref_slice %arg16[%add3A_94] : memref<10240xf32, #tpu.memory_space<vmem_shared>> -> memref<128xf32, #tpu.memory_space<vmem_shared>>
      %dma_wait3A_140 = tpu.memref_slice %arg16[%add3A_94] : memref<10240xf32, #tpu.memory_space<vmem_shared>> -> memref<128xf32, #tpu.memory_space<vmem_shared>>
      %dma_wait3A_141 = arith.constant 0 : i32
      %dma_wait3A_142 = tpu.memref_slice %arg9[%run_scoped3A_95, %dma_wait3A_141] : memref<128x128xf32, #tpu.memory_space<vmem>> -> memref<1x128xf32, #tpu.memory_space<vmem>>
      %dma_wait3A_143 = tpu.memref_squeeze %dma_wait3A_142 : memref<1x128xf32, #tpu.memory_space<vmem>> -> memref<128xf32, #tpu.memory_space<vmem>>
      tpu.wait_dma2 semaphore(%run_scoped3A_128 : memref<!tpu.dma_semaphore, #tpu.memory_space<semaphore_mem>>) src(%dma_wait3A_143 : memref<128xf32, #tpu.memory_space<vmem>>) dst(%dma_wait3A_140 : memref<128xf32, #tpu.memory_space<vmem_shared>>)
      tpu.yield
    }) : () -> ()
    %barrier3A = arith.constant 0 : index
    tpu.barrier barrier_id(%barrier3A)
    %run_scoped3A_96 = arith.constant 0 : i32
    "tpu.region"() ({
      %run_scoped3A_128 = tpu.sem_alloc : memref<!tpu.dma_semaphore, #tpu.memory_space<semaphore_mem>>
      %dma_start3A_129 = arith.constant 0 : i32
      %dma_start3A_130 = arith.constant 0 : i32
      %dma_start3A_131 = tpu.memref_slice %arg7[%run_scoped3A_96, %dma_start3A_129, %dma_start3A_130] : memref<2x8x128xi32, #tpu.memory_space<vmem>> -> memref<1x8x128xi32, #tpu.memory_space<vmem>>
      %dma_start3A_132 = tpu.memref_squeeze %dma_start3A_131 : memref<1x8x128xi32, #tpu.memory_space<vmem>> -> memref<8x128xi32, #tpu.memory_space<vmem>>
      %dma_start3A_133 = arith.constant 0 : i32
      %dma_start3A_134 = arith.constant 0 : i32
      %dma_start3A_135 = tpu.memref_slice %arg3[%add3A, %dma_start3A_133, %dma_start3A_134] : memref<32x80x128xi32, #tpu.memory_space<hbm>> -> memref<1x8x128xi32, #tpu.memory_space<hbm>>
      %dma_start3A_136 = tpu.memref_squeeze %dma_start3A_135 : memref<1x8x128xi32, #tpu.memory_space<hbm>> -> memref<8x128xi32, #tpu.memory_space<hbm>>
      %dma_start3A_137 = arith.constant 0 : i32
      %dma_start3A_138 = arith.constant 0 : i32
      %dma_start3A_139 = tpu.memref_slice %arg7[%run_scoped3A_96, %dma_start3A_137, %dma_start3A_138] : memref<2x8x128xi32, #tpu.memory_space<vmem>> -> memref<1x8x128xi32, #tpu.memory_space<vmem>>
      %dma_start3A_140 = tpu.memref_squeeze %dma_start3A_139 : memref<1x8x128xi32, #tpu.memory_space<vmem>> -> memref<8x128xi32, #tpu.memory_space<vmem>>
      %dma_start3A_141 = arith.constant 0 : i32
      %dma_start3A_142 = arith.constant 0 : i32
      %dma_start3A_143 = tpu.memref_slice %arg3[%add3A, %dma_start3A_141, %dma_start3A_142] : memref<32x80x128xi32, #tpu.memory_space<hbm>> -> memref<1x8x128xi32, #tpu.memory_space<hbm>>
      %dma_start3A_144 = tpu.memref_squeeze %dma_start3A_143 : memref<1x8x128xi32, #tpu.memory_space<hbm>> -> memref<8x128xi32, #tpu.memory_space<hbm>>
      tpu.enqueue_dma source(%dma_start3A_144 : memref<8x128xi32, #tpu.memory_space<hbm>>) target(%dma_start3A_140 : memref<8x128xi32, #tpu.memory_space<vmem>>) target_semaphore(%run_scoped3A_128 : memref<!tpu.dma_semaphore, #tpu.memory_space<semaphore_mem>>)
      %dma_wait3A = arith.constant 0 : i32
      %dma_wait3A_145 = arith.constant 0 : i32
      %dma_wait3A_146 = tpu.memref_slice %arg7[%run_scoped3A_96, %dma_wait3A, %dma_wait3A_145] : memref<2x8x128xi32, #tpu.memory_space<vmem>> -> memref<1x8x128xi32, #tpu.memory_space<vmem>>
      %dma_wait3A_147 = tpu.memref_squeeze %dma_wait3A_146 : memref<1x8x128xi32, #tpu.memory_space<vmem>> -> memref<8x128xi32, #tpu.memory_space<vmem>>
      %dma_wait3A_148 = arith.constant 0 : i32
      %dma_wait3A_149 = arith.constant 0 : i32
      %dma_wait3A_150 = tpu.memref_slice %arg3[%add3A, %dma_wait3A_148, %dma_wait3A_149] : memref<32x80x128xi32, #tpu.memory_space<hbm>> -> memref<1x8x128xi32, #tpu.memory_space<hbm>>
      %dma_wait3A_151 = tpu.memref_squeeze %dma_wait3A_150 : memref<1x8x128xi32, #tpu.memory_space<hbm>> -> memref<8x128xi32, #tpu.memory_space<hbm>>
      %dma_wait3A_152 = arith.constant 0 : i32
      %dma_wait3A_153 = arith.constant 0 : i32
      %dma_wait3A_154 = tpu.memref_slice %arg7[%run_scoped3A_96, %dma_wait3A_152, %dma_wait3A_153] : memref<2x8x128xi32, #tpu.memory_space<vmem>> -> memref<1x8x128xi32, #tpu.memory_space<vmem>>
      %dma_wait3A_155 = tpu.memref_squeeze %dma_wait3A_154 : memref<1x8x128xi32, #tpu.memory_space<vmem>> -> memref<8x128xi32, #tpu.memory_space<vmem>>
      %dma_wait3A_156 = arith.constant 0 : i32
      %dma_wait3A_157 = arith.constant 0 : i32
      %dma_wait3A_158 = tpu.memref_slice %arg3[%add3A, %dma_wait3A_156, %dma_wait3A_157] : memref<32x80x128xi32, #tpu.memory_space<hbm>> -> memref<1x8x128xi32, #tpu.memory_space<hbm>>
      %dma_wait3A_159 = tpu.memref_squeeze %dma_wait3A_158 : memref<1x8x128xi32, #tpu.memory_space<hbm>> -> memref<8x128xi32, #tpu.memory_space<hbm>>
      tpu.wait_dma2 semaphore(%run_scoped3A_128 : memref<!tpu.dma_semaphore, #tpu.memory_space<semaphore_mem>>) src(%dma_wait3A_159 : memref<8x128xi32, #tpu.memory_space<hbm>>) dst(%dma_wait3A_155 : memref<8x128xi32, #tpu.memory_space<vmem>>)
      tpu.yield
    }) : () -> ()
    %run_scoped3A_97 = arith.constant 0 : i32
    "tpu.region"() ({
      %run_scoped3A_128 = tpu.sem_alloc : memref<!tpu.dma_semaphore, #tpu.memory_space<semaphore_mem>>
      %dma_start3A_129 = arith.constant 0 : i32
      %dma_start3A_130 = arith.constant 0 : i32
      %dma_start3A_131 = tpu.memref_slice %arg8[%run_scoped3A_97, %dma_start3A_129, %dma_start3A_130] : memref<2x8x128xi32, #tpu.memory_space<vmem>> -> memref<1x8x128xi32, #tpu.memory_space<vmem>>
      %dma_start3A_132 = tpu.memref_squeeze %dma_start3A_131 : memref<1x8x128xi32, #tpu.memory_space<vmem>> -> memref<8x128xi32, #tpu.memory_space<vmem>>
      %dma_start3A_133 = arith.constant 0 : i32
      %dma_start3A_134 = arith.constant 0 : i32
      %dma_start3A_135 = tpu.memref_slice %arg4[%add3A, %dma_start3A_133, %dma_start3A_134] : memref<32x80x128xi32, #tpu.memory_space<hbm>> -> memref<1x8x128xi32, #tpu.memory_space<hbm>>
      %dma_start3A_136 = tpu.memref_squeeze %dma_start3A_135 : memref<1x8x128xi32, #tpu.memory_space<hbm>> -> memref<8x128xi32, #tpu.memory_space<hbm>>
      %dma_start3A_137 = arith.constant 0 : i32
      %dma_start3A_138 = arith.constant 0 : i32
      %dma_start3A_139 = tpu.memref_slice %arg8[%run_scoped3A_97, %dma_start3A_137, %dma_start3A_138] : memref<2x8x128xi32, #tpu.memory_space<vmem>> -> memref<1x8x128xi32, #tpu.memory_space<vmem>>
      %dma_start3A_140 = tpu.memref_squeeze %dma_start3A_139 : memref<1x8x128xi32, #tpu.memory_space<vmem>> -> memref<8x128xi32, #tpu.memory_space<vmem>>
      %dma_start3A_141 = arith.constant 0 : i32
      %dma_start3A_142 = arith.constant 0 : i32
      %dma_start3A_143 = tpu.memref_slice %arg4[%add3A, %dma_start3A_141, %dma_start3A_142] : memref<32x80x128xi32, #tpu.memory_space<hbm>> -> memref<1x8x128xi32, #tpu.memory_space<hbm>>
      %dma_start3A_144 = tpu.memref_squeeze %dma_start3A_143 : memref<1x8x128xi32, #tpu.memory_space<hbm>> -> memref<8x128xi32, #tpu.memory_space<hbm>>
      tpu.enqueue_dma source(%dma_start3A_144 : memref<8x128xi32, #tpu.memory_space<hbm>>) target(%dma_start3A_140 : memref<8x128xi32, #tpu.memory_space<vmem>>) target_semaphore(%run_scoped3A_128 : memref<!tpu.dma_semaphore, #tpu.memory_space<semaphore_mem>>)
      %dma_wait3A = arith.constant 0 : i32
      %dma_wait3A_145 = arith.constant 0 : i32
      %dma_wait3A_146 = tpu.memref_slice %arg8[%run_scoped3A_97, %dma_wait3A, %dma_wait3A_145] : memref<2x8x128xi32, #tpu.memory_space<vmem>> -> memref<1x8x128xi32, #tpu.memory_space<vmem>>
      %dma_wait3A_147 = tpu.memref_squeeze %dma_wait3A_146 : memref<1x8x128xi32, #tpu.memory_space<vmem>> -> memref<8x128xi32, #tpu.memory_space<vmem>>
      %dma_wait3A_148 = arith.constant 0 : i32
      %dma_wait3A_149 = arith.constant 0 : i32
      %dma_wait3A_150 = tpu.memref_slice %arg4[%add3A, %dma_wait3A_148, %dma_wait3A_149] : memref<32x80x128xi32, #tpu.memory_space<hbm>> -> memref<1x8x128xi32, #tpu.memory_space<hbm>>
      %dma_wait3A_151 = tpu.memref_squeeze %dma_wait3A_150 : memref<1x8x128xi32, #tpu.memory_space<hbm>> -> memref<8x128xi32, #tpu.memory_space<hbm>>
      %dma_wait3A_152 = arith.constant 0 : i32
      %dma_wait3A_153 = arith.constant 0 : i32
      %dma_wait3A_154 = tpu.memref_slice %arg8[%run_scoped3A_97, %dma_wait3A_152, %dma_wait3A_153] : memref<2x8x128xi32, #tpu.memory_space<vmem>> -> memref<1x8x128xi32, #tpu.memory_space<vmem>>
      %dma_wait3A_155 = tpu.memref_squeeze %dma_wait3A_154 : memref<1x8x128xi32, #tpu.memory_space<vmem>> -> memref<8x128xi32, #tpu.memory_space<vmem>>
      %dma_wait3A_156 = arith.constant 0 : i32
      %dma_wait3A_157 = arith.constant 0 : i32
      %dma_wait3A_158 = tpu.memref_slice %arg4[%add3A, %dma_wait3A_156, %dma_wait3A_157] : memref<32x80x128xi32, #tpu.memory_space<hbm>> -> memref<1x8x128xi32, #tpu.memory_space<hbm>>
      %dma_wait3A_159 = tpu.memref_squeeze %dma_wait3A_158 : memref<1x8x128xi32, #tpu.memory_space<hbm>> -> memref<8x128xi32, #tpu.memory_space<hbm>>
      tpu.wait_dma2 semaphore(%run_scoped3A_128 : memref<!tpu.dma_semaphore, #tpu.memory_space<semaphore_mem>>) src(%dma_wait3A_159 : memref<8x128xi32, #tpu.memory_space<hbm>>) dst(%dma_wait3A_155 : memref<8x128xi32, #tpu.memory_space<vmem>>)
      tpu.yield
    }) : () -> ()
    %dma_start3A = arith.constant 0 : i32
    %dma_start3A_98 = arith.constant 0 : i32
    %dma_start3A_99 = arith.constant 0 : i32
    %dma_start3A_100 = tpu.memref_slice %arg7[%dma_start3A, %dma_start3A_98, %dma_start3A_99] : memref<2x8x128xi32, #tpu.memory_space<vmem>> -> memref<1x1x128xi32, #tpu.memory_space<vmem>>
    %dma_start3A_101 = tpu.memref_squeeze %dma_start3A_100 : memref<1x1x128xi32, #tpu.memory_space<vmem>> -> memref<128xi32, #tpu.memory_space<vmem>>
    %dma_start3A_102 = arith.constant 0 : i32
    %dma_start3A_103 = arith.constant 0 : i32
    %dma_start3A_104 = tpu.memref_slice %arg2[%dma_start3A_102, %dma_start3A_103] : memref<10000x128xf32, #tpu.memory_space<hbm>> -> memref<10000x128xf32, #tpu.memory_space<hbm>>
    tpu.enqueue_indirect_dma source(%dma_start3A_104 : memref<10000x128xf32, #tpu.memory_space<hbm>>) target(%arg9 : memref<128x128xf32, #tpu.memory_space<vmem>>) offsets(%dma_start3A_101 : memref<128xi32, #tpu.memory_space<vmem>>) semaphore(%arg11 : memref<!tpu.dma_semaphore, #tpu.memory_space<semaphore_mem>>)
    %dma_start3A_105 = arith.constant 0 : i32
    %dma_start3A_106 = arith.constant 1 : i32
    %dma_start3A_107 = arith.constant 0 : i32
    %dma_start3A_108 = tpu.memref_slice %arg7[%dma_start3A_105, %dma_start3A_106, %dma_start3A_107] : memref<2x8x128xi32, #tpu.memory_space<vmem>> -> memref<1x1x128xi32, #tpu.memory_space<vmem>>
    %dma_start3A_109 = tpu.memref_squeeze %dma_start3A_108 : memref<1x1x128xi32, #tpu.memory_space<vmem>> -> memref<128xi32, #tpu.memory_space<vmem>>
    %dma_start3A_110 = arith.constant 0 : i32
    %dma_start3A_111 = arith.constant 0 : i32
    %dma_start3A_112 = tpu.memref_slice %arg2[%dma_start3A_110, %dma_start3A_111] : memref<10000x128xf32, #tpu.memory_space<hbm>> -> memref<10000x128xf32, #tpu.memory_space<hbm>>
    tpu.enqueue_indirect_dma source(%dma_start3A_112 : memref<10000x128xf32, #tpu.memory_space<hbm>>) target(%arg10 : memref<128x128xf32, #tpu.memory_space<vmem>>) offsets(%dma_start3A_109 : memref<128xi32, #tpu.memory_space<vmem>>) semaphore(%arg12 : memref<!tpu.dma_semaphore, #tpu.memory_space<semaphore_mem>>)
    %scan3A_113 = arith.constant 0 : i32
    %scan3A_114 = arith.constant 0 : i32
    %scan3A_115 = arith.constant 10 : i32
    %scan3A_116 = arith.addi %scan3A_114, %scan3A_115 : i32
    %scan3A_117 = arith.constant 1 : i32
    scf.for %scan3A_128 = %scan3A_114 to %scan3A_116 step %scan3A_117  : i32 {
      %rem3A = arith.constant 2 : i32
      %rem3A_129 = arith.remsi %scan3A_128, %rem3A : i32
      %add3A_130 = arith.constant 1 : i32
      %add3A_131 = arith.addi %scan3A_128, %add3A_130 : i32
      %lt3A = arith.constant 10 : i32
      %lt3A_132 = arith.cmpi slt, %add3A_131, %lt3A : i32
      %convert_element_type3A = arith.extui %lt3A_132 : i1 to i32
      %cond3A = arith.constant 0 : i32
      %cond3A_133 = arith.cmpi ne, %convert_element_type3A, %cond3A : i32
      scf.if %cond3A_133 {
        %add3A_308 = arith.constant 1 : i32
        %add3A_309 = arith.addi %scan3A_128, %add3A_308 : i32
        %sub3A = arith.constant 1 : i32
        %sub3A_310 = arith.subi %sub3A, %rem3A_129 : i32
        %mul3A_311 = arith.constant 8 : i32
        %mul3A_312 = arith.muli %add3A_309, %mul3A_311 : i32
        %dma_start3A_313 = arith.constant 0 : i32
        %dma_start3A_314 = arith.constant 0 : i32
        %dma_start3A_315 = tpu.memref_slice %arg7[%sub3A_310, %dma_start3A_313, %dma_start3A_314] : memref<2x8x128xi32, #tpu.memory_space<vmem>> -> memref<1x8x128xi32, #tpu.memory_space<vmem>>
        %dma_start3A_316 = tpu.memref_squeeze %dma_start3A_315 : memref<1x8x128xi32, #tpu.memory_space<vmem>> -> memref<8x128xi32, #tpu.memory_space<vmem>>
        %dma_start3A_317 = arith.constant 0 : i32
        %dma_start3A_318 = tpu.memref_slice %arg3[%add3A, %mul3A_312, %dma_start3A_317] : memref<32x80x128xi32, #tpu.memory_space<hbm>> -> memref<1x8x128xi32, #tpu.memory_space<hbm>>
        %dma_start3A_319 = tpu.memref_squeeze %dma_start3A_318 : memref<1x8x128xi32, #tpu.memory_space<hbm>> -> memref<8x128xi32, #tpu.memory_space<hbm>>
        %dma_start3A_320 = arith.constant 0 : i32
        %dma_start3A_321 = arith.constant 0 : i32
        %dma_start3A_322 = tpu.memref_slice %arg7[%sub3A_310, %dma_start3A_320, %dma_start3A_321] : memref<2x8x128xi32, #tpu.memory_space<vmem>> -> memref<1x8x128xi32, #tpu.memory_space<vmem>>
        %dma_start3A_323 = tpu.memref_squeeze %dma_start3A_322 : memref<1x8x128xi32, #tpu.memory_space<vmem>> -> memref<8x128xi32, #tpu.memory_space<vmem>>
        %dma_start3A_324 = arith.constant 0 : i32
        %dma_start3A_325 = tpu.memref_slice %arg3[%add3A, %mul3A_312, %dma_start3A_324] : memref<32x80x128xi32, #tpu.memory_space<hbm>> -> memref<1x8x128xi32, #tpu.memory_space<hbm>>
        %dma_start3A_326 = tpu.memref_squeeze %dma_start3A_325 : memref<1x8x128xi32, #tpu.memory_space<hbm>> -> memref<8x128xi32, #tpu.memory_space<hbm>>
        tpu.enqueue_dma source(%dma_start3A_326 : memref<8x128xi32, #tpu.memory_space<hbm>>) target(%dma_start3A_323 : memref<8x128xi32, #tpu.memory_space<vmem>>) target_semaphore(%arg14 : memref<!tpu.dma_semaphore, #tpu.memory_space<semaphore_mem>>)
        %mul3A_327 = arith.constant 8 : i32
        %mul3A_328 = arith.muli %add3A_309, %mul3A_327 : i32
        %dma_start3A_329 = arith.constant 0 : i32
        %dma_start3A_330 = arith.constant 0 : i32
        %dma_start3A_331 = tpu.memref_slice %arg8[%sub3A_310, %dma_start3A_329, %dma_start3A_330] : memref<2x8x128xi32, #tpu.memory_space<vmem>> -> memref<1x8x128xi32, #tpu.memory_space<vmem>>
        %dma_start3A_332 = tpu.memref_squeeze %dma_start3A_331 : memref<1x8x128xi32, #tpu.memory_space<vmem>> -> memref<8x128xi32, #tpu.memory_space<vmem>>
        %dma_start3A_333 = arith.constant 0 : i32
        %dma_start3A_334 = tpu.memref_slice %arg4[%add3A, %mul3A_328, %dma_start3A_333] : memref<32x80x128xi32, #tpu.memory_space<hbm>> -> memref<1x8x128xi32, #tpu.memory_space<hbm>>
        %dma_start3A_335 = tpu.memref_squeeze %dma_start3A_334 : memref<1x8x128xi32, #tpu.memory_space<hbm>> -> memref<8x128xi32, #tpu.memory_space<hbm>>
        %dma_start3A_336 = arith.constant 0 : i32
        %dma_start3A_337 = arith.constant 0 : i32
        %dma_start3A_338 = tpu.memref_slice %arg8[%sub3A_310, %dma_start3A_336, %dma_start3A_337] : memref<2x8x128xi32, #tpu.memory_space<vmem>> -> memref<1x8x128xi32, #tpu.memory_space<vmem>>
        %dma_start3A_339 = tpu.memref_squeeze %dma_start3A_338 : memref<1x8x128xi32, #tpu.memory_space<vmem>> -> memref<8x128xi32, #tpu.memory_space<vmem>>
        %dma_start3A_340 = arith.constant 0 : i32
        %dma_start3A_341 = tpu.memref_slice %arg4[%add3A, %mul3A_328, %dma_start3A_340] : memref<32x80x128xi32, #tpu.memory_space<hbm>> -> memref<1x8x128xi32, #tpu.memory_space<hbm>>
        %dma_start3A_342 = tpu.memref_squeeze %dma_start3A_341 : memref<1x8x128xi32, #tpu.memory_space<hbm>> -> memref<8x128xi32, #tpu.memory_space<hbm>>
        tpu.enqueue_dma source(%dma_start3A_342 : memref<8x128xi32, #tpu.memory_space<hbm>>) target(%dma_start3A_339 : memref<8x128xi32, #tpu.memory_space<vmem>>) target_semaphore(%arg14 : memref<!tpu.dma_semaphore, #tpu.memory_space<semaphore_mem>>)
      } else {
      }
      %mul3A_134 = arith.constant 8 : i32
      %mul3A_135 = arith.muli %scan3A_128, %mul3A_134 : i32
      %add3A_136 = arith.constant 0 : i32
      %add3A_137 = arith.addi %mul3A_135, %add3A_136 : i32
      %dma_wait3A = arith.constant 0 : i32
      %dma_wait3A_138 = arith.constant 0 : i32
      %dma_wait3A_139 = arith.constant 0 : i32
      %dma_wait3A_140 = tpu.memref_slice %arg7[%dma_wait3A, %dma_wait3A_138, %dma_wait3A_139] : memref<2x8x128xi32, #tpu.memory_space<vmem>> -> memref<1x1x128xi32, #tpu.memory_space<vmem>>
      %dma_wait3A_141 = tpu.memref_squeeze %dma_wait3A_140 : memref<1x1x128xi32, #tpu.memory_space<vmem>> -> memref<128xi32, #tpu.memory_space<vmem>>
      %dma_wait3A_142 = arith.constant 0 : i32
      %dma_wait3A_143 = arith.constant 0 : i32
      %dma_wait3A_144 = tpu.memref_slice %arg2[%dma_wait3A_142, %dma_wait3A_143] : memref<10000x128xf32, #tpu.memory_space<hbm>> -> memref<10000x128xf32, #tpu.memory_space<hbm>>
      tpu.wait_indirect_dma semaphore(%arg11 : memref<!tpu.dma_semaphore, #tpu.memory_space<semaphore_mem>>) src(%dma_wait3A_144 : memref<10000x128xf32, #tpu.memory_space<hbm>>) dst(%arg9 : memref<128x128xf32, #tpu.memory_space<vmem>>)
      %run_scoped3A_145 = arith.constant 0 : i32
      "tpu.region"() ({
        %run_scoped3A_308 = tpu.sem_alloc : memref<!tpu.dma_semaphore, #tpu.memory_space<semaphore_mem>>
        %dma_start3A_309 = arith.constant 0 : i32
        %dma_start3A_310 = tpu.memref_slice %arg8[%rem3A_129, %run_scoped3A_145, %dma_start3A_309] : memref<2x8x128xi32, #tpu.memory_space<vmem>> -> memref<1x1x128xi32, #tpu.memory_space<vmem>>
        %dma_start3A_311 = tpu.memref_squeeze %dma_start3A_310 : memref<1x1x128xi32, #tpu.memory_space<vmem>> -> memref<128xi32, #tpu.memory_space<vmem>>
        %dma_start3A_312 = arith.constant 0 : i32
        %dma_start3A_313 = arith.constant 0 : i32
        %dma_start3A_314 = tpu.memref_slice %arg13[%dma_start3A_312, %dma_start3A_313] : memref<10240x128xf32, #tpu.memory_space<vmem_shared>> -> memref<10240x128xf32, #tpu.memory_space<vmem_shared>>
        tpu.enqueue_indirect_dma source(%arg9 : memref<128x128xf32, #tpu.memory_space<vmem>>) target(%dma_start3A_314 : memref<10240x128xf32, #tpu.memory_space<vmem_shared>>) offsets(%dma_start3A_311 : memref<128xi32, #tpu.memory_space<vmem>>) semaphore(%run_scoped3A_308 : memref<!tpu.dma_semaphore, #tpu.memory_space<semaphore_mem>>) {add = true}
        %dma_wait3A_315 = arith.constant 0 : i32
        %dma_wait3A_316 = tpu.memref_slice %arg8[%rem3A_129, %run_scoped3A_145, %dma_wait3A_315] : memref<2x8x128xi32, #tpu.memory_space<vmem>> -> memref<1x1x128xi32, #tpu.memory_space<vmem>>
        %dma_wait3A_317 = tpu.memref_squeeze %dma_wait3A_316 : memref<1x1x128xi32, #tpu.memory_space<vmem>> -> memref<128xi32, #tpu.memory_space<vmem>>
        %dma_wait3A_318 = arith.constant 0 : i32
        %dma_wait3A_319 = arith.constant 0 : i32
        %dma_wait3A_320 = tpu.memref_slice %arg13[%dma_wait3A_318, %dma_wait3A_319] : memref<10240x128xf32, #tpu.memory_space<vmem_shared>> -> memref<10240x128xf32, #tpu.memory_space<vmem_shared>>
        tpu.wait_indirect_dma semaphore(%run_scoped3A_308 : memref<!tpu.dma_semaphore, #tpu.memory_space<semaphore_mem>>) src(%arg9 : memref<128x128xf32, #tpu.memory_space<vmem>>) dst(%dma_wait3A_320 : memref<10240x128xf32, #tpu.memory_space<vmem_shared>>)
        tpu.yield
      }) : () -> ()
      %run_scoped3A_146 = arith.constant 0 : i32
      "tpu.region"() ({
        %run_scoped3A_308 = tpu.sem_alloc : memref<!tpu.dma_semaphore, #tpu.memory_space<semaphore_mem>>
        %dma_start3A_309 = arith.constant 0 : i32
        %dma_start3A_310 = tpu.memref_slice %arg8[%rem3A_129, %run_scoped3A_146, %dma_start3A_309] : memref<2x8x128xi32, #tpu.memory_space<vmem>> -> memref<1x1x128xi32, #tpu.memory_space<vmem>>
        %dma_start3A_311 = tpu.memref_squeeze %dma_start3A_310 : memref<1x1x128xi32, #tpu.memory_space<vmem>> -> memref<128xi32, #tpu.memory_space<vmem>>
        %dma_start3A_312 = arith.constant 0 : i32
        %dma_start3A_313 = tpu.memref_slice %arg16[%dma_start3A_312] : memref<10240xf32, #tpu.memory_space<vmem_shared>> -> memref<10240xf32, #tpu.memory_space<vmem_shared>>
        tpu.enqueue_indirect_dma source(%arg15 : memref<128xf32, #tpu.memory_space<vmem>>) target(%dma_start3A_313 : memref<10240xf32, #tpu.memory_space<vmem_shared>>) offsets(%dma_start3A_311 : memref<128xi32, #tpu.memory_space<vmem>>) semaphore(%run_scoped3A_308 : memref<!tpu.dma_semaphore, #tpu.memory_space<semaphore_mem>>) {add = true}
        %dma_wait3A_314 = arith.constant 0 : i32
        %dma_wait3A_315 = tpu.memref_slice %arg8[%rem3A_129, %run_scoped3A_146, %dma_wait3A_314] : memref<2x8x128xi32, #tpu.memory_space<vmem>> -> memref<1x1x128xi32, #tpu.memory_space<vmem>>
        %dma_wait3A_316 = tpu.memref_squeeze %dma_wait3A_315 : memref<1x1x128xi32, #tpu.memory_space<vmem>> -> memref<128xi32, #tpu.memory_space<vmem>>
        %dma_wait3A_317 = arith.constant 0 : i32
        %dma_wait3A_318 = tpu.memref_slice %arg16[%dma_wait3A_317] : memref<10240xf32, #tpu.memory_space<vmem_shared>> -> memref<10240xf32, #tpu.memory_space<vmem_shared>>
        tpu.wait_indirect_dma semaphore(%run_scoped3A_308 : memref<!tpu.dma_semaphore, #tpu.memory_space<semaphore_mem>>) src(%arg15 : memref<128xf32, #tpu.memory_space<vmem>>) dst(%dma_wait3A_318 : memref<10240xf32, #tpu.memory_space<vmem_shared>>)
        tpu.yield
      }) : () -> ()
      %add3A_147 = arith.constant 2 : i32
      %add3A_148 = arith.addi %add3A_137, %add3A_147 : i32
      %lt3A_149 = arith.constant 80 : i32
      %lt3A_150 = arith.cmpi slt, %add3A_148, %lt3A_149 : i32
      %convert_element_type3A_151 = arith.extui %lt3A_150 : i1 to i32
      %cond3A_152 = arith.constant 0 : i32
      %cond3A_153 = arith.cmpi ne, %convert_element_type3A_151, %cond3A_152 : i32
      scf.if %cond3A_153 {
        %dma_start3A_308 = arith.constant 2 : i32
        %dma_start3A_309 = arith.constant 0 : i32
        %dma_start3A_310 = tpu.memref_slice %arg7[%rem3A_129, %dma_start3A_308, %dma_start3A_309] : memref<2x8x128xi32, #tpu.memory_space<vmem>> -> memref<1x1x128xi32, #tpu.memory_space<vmem>>
        %dma_start3A_311 = tpu.memref_squeeze %dma_start3A_310 : memref<1x1x128xi32, #tpu.memory_space<vmem>> -> memref<128xi32, #tpu.memory_space<vmem>>
        %dma_start3A_312 = arith.constant 0 : i32
        %dma_start3A_313 = arith.constant 0 : i32
        %dma_start3A_314 = tpu.memref_slice %arg2[%dma_start3A_312, %dma_start3A_313] : memref<10000x128xf32, #tpu.memory_space<hbm>> -> memref<10000x128xf32, #tpu.memory_space<hbm>>
        tpu.enqueue_indirect_dma source(%dma_start3A_314 : memref<10000x128xf32, #tpu.memory_space<hbm>>) target(%arg9 : memref<128x128xf32, #tpu.memory_space<vmem>>) offsets(%dma_start3A_311 : memref<128xi32, #tpu.memory_space<vmem>>) semaphore(%arg11 : memref<!tpu.dma_semaphore, #tpu.memory_space<semaphore_mem>>)
      } else {
      }
      %mul3A_154 = arith.constant 8 : i32
      %mul3A_155 = arith.muli %scan3A_128, %mul3A_154 : i32
      %add3A_156 = arith.constant 1 : i32
      %add3A_157 = arith.addi %mul3A_155, %add3A_156 : i32
      %dma_wait3A_158 = arith.constant 0 : i32
      %dma_wait3A_159 = arith.constant 0 : i32
      %dma_wait3A_160 = arith.constant 0 : i32
      %dma_wait3A_161 = tpu.memref_slice %arg7[%dma_wait3A_158, %dma_wait3A_159, %dma_wait3A_160] : memref<2x8x128xi32, #tpu.memory_space<vmem>> -> memref<1x1x128xi32, #tpu.memory_space<vmem>>
      %dma_wait3A_162 = tpu.memref_squeeze %dma_wait3A_161 : memref<1x1x128xi32, #tpu.memory_space<vmem>> -> memref<128xi32, #tpu.memory_space<vmem>>
      %dma_wait3A_163 = arith.constant 0 : i32
      %dma_wait3A_164 = arith.constant 0 : i32
      %dma_wait3A_165 = tpu.memref_slice %arg2[%dma_wait3A_163, %dma_wait3A_164] : memref<10000x128xf32, #tpu.memory_space<hbm>> -> memref<10000x128xf32, #tpu.memory_space<hbm>>
      tpu.wait_indirect_dma semaphore(%arg12 : memref<!tpu.dma_semaphore, #tpu.memory_space<semaphore_mem>>) src(%dma_wait3A_165 : memref<10000x128xf32, #tpu.memory_space<hbm>>) dst(%arg10 : memref<128x128xf32, #tpu.memory_space<vmem>>)
      %run_scoped3A_166 = arith.constant 1 : i32
      "tpu.region"() ({
        %run_scoped3A_308 = tpu.sem_alloc : memref<!tpu.dma_semaphore, #tpu.memory_space<semaphore_mem>>
        %dma_start3A_309 = arith.constant 0 : i32
        %dma_start3A_310 = tpu.memref_slice %arg8[%rem3A_129, %run_scoped3A_166, %dma_start3A_309] : memref<2x8x128xi32, #tpu.memory_space<vmem>> -> memref<1x1x128xi32, #tpu.memory_space<vmem>>
        %dma_start3A_311 = tpu.memref_squeeze %dma_start3A_310 : memref<1x1x128xi32, #tpu.memory_space<vmem>> -> memref<128xi32, #tpu.memory_space<vmem>>
        %dma_start3A_312 = arith.constant 0 : i32
        %dma_start3A_313 = arith.constant 0 : i32
        %dma_start3A_314 = tpu.memref_slice %arg13[%dma_start3A_312, %dma_start3A_313] : memref<10240x128xf32, #tpu.memory_space<vmem_shared>> -> memref<10240x128xf32, #tpu.memory_space<vmem_shared>>
        tpu.enqueue_indirect_dma source(%arg10 : memref<128x128xf32, #tpu.memory_space<vmem>>) target(%dma_start3A_314 : memref<10240x128xf32, #tpu.memory_space<vmem_shared>>) offsets(%dma_start3A_311 : memref<128xi32, #tpu.memory_space<vmem>>) semaphore(%run_scoped3A_308 : memref<!tpu.dma_semaphore, #tpu.memory_space<semaphore_mem>>) {add = true}
        %dma_wait3A_315 = arith.constant 0 : i32
        %dma_wait3A_316 = tpu.memref_slice %arg8[%rem3A_129, %run_scoped3A_166, %dma_wait3A_315] : memref<2x8x128xi32, #tpu.memory_space<vmem>> -> memref<1x1x128xi32, #tpu.memory_space<vmem>>
        %dma_wait3A_317 = tpu.memref_squeeze %dma_wait3A_316 : memref<1x1x128xi32, #tpu.memory_space<vmem>> -> memref<128xi32, #tpu.memory_space<vmem>>
        %dma_wait3A_318 = arith.constant 0 : i32
        %dma_wait3A_319 = arith.constant 0 : i32
        %dma_wait3A_320 = tpu.memref_slice %arg13[%dma_wait3A_318, %dma_wait3A_319] : memref<10240x128xf32, #tpu.memory_space<vmem_shared>> -> memref<10240x128xf32, #tpu.memory_space<vmem_shared>>
        tpu.wait_indirect_dma semaphore(%run_scoped3A_308 : memref<!tpu.dma_semaphore, #tpu.memory_space<semaphore_mem>>) src(%arg10 : memref<128x128xf32, #tpu.memory_space<vmem>>) dst(%dma_wait3A_320 : memref<10240x128xf32, #tpu.memory_space<vmem_shared>>)
        tpu.yield
      }) : () -> ()
      %run_scoped3A_167 = arith.constant 1 : i32
      "tpu.region"() ({
        %run_scoped3A_308 = tpu.sem_alloc : memref<!tpu.dma_semaphore, #tpu.memory_space<semaphore_mem>>
        %dma_start3A_309 = arith.constant 0 : i32
        %dma_start3A_310 = tpu.memref_slice %arg8[%rem3A_129, %run_scoped3A_167, %dma_start3A_309] : memref<2x8x128xi32, #tpu.memory_space<vmem>> -> memref<1x1x128xi32, #tpu.memory_space<vmem>>
        %dma_start3A_311 = tpu.memref_squeeze %dma_start3A_310 : memref<1x1x128xi32, #tpu.memory_space<vmem>> -> memref<128xi32, #tpu.memory_space<vmem>>
        %dma_start3A_312 = arith.constant 0 : i32
        %dma_start3A_313 = tpu.memref_slice %arg16[%dma_start3A_312] : memref<10240xf32, #tpu.memory_space<vmem_shared>> -> memref<10240xf32, #tpu.memory_space<vmem_shared>>
        tpu.enqueue_indirect_dma source(%arg15 : memref<128xf32, #tpu.memory_space<vmem>>) target(%dma_start3A_313 : memref<10240xf32, #tpu.memory_space<vmem_shared>>) offsets(%dma_start3A_311 : memref<128xi32, #tpu.memory_space<vmem>>) semaphore(%run_scoped3A_308 : memref<!tpu.dma_semaphore, #tpu.memory_space<semaphore_mem>>) {add = true}
        %dma_wait3A_314 = arith.constant 0 : i32
        %dma_wait3A_315 = tpu.memref_slice %arg8[%rem3A_129, %run_scoped3A_167, %dma_wait3A_314] : memref<2x8x128xi32, #tpu.memory_space<vmem>> -> memref<1x1x128xi32, #tpu.memory_space<vmem>>
        %dma_wait3A_316 = tpu.memref_squeeze %dma_wait3A_315 : memref<1x1x128xi32, #tpu.memory_space<vmem>> -> memref<128xi32, #tpu.memory_space<vmem>>
        %dma_wait3A_317 = arith.constant 0 : i32
        %dma_wait3A_318 = tpu.memref_slice %arg16[%dma_wait3A_317] : memref<10240xf32, #tpu.memory_space<vmem_shared>> -> memref<10240xf32, #tpu.memory_space<vmem_shared>>
        tpu.wait_indirect_dma semaphore(%run_scoped3A_308 : memref<!tpu.dma_semaphore, #tpu.memory_space<semaphore_mem>>) src(%arg15 : memref<128xf32, #tpu.memory_space<vmem>>) dst(%dma_wait3A_318 : memref<10240xf32, #tpu.memory_space<vmem_shared>>)
        tpu.yield
      }) : () -> ()
      %add3A_168 = arith.constant 2 : i32
      %add3A_169 = arith.addi %add3A_157, %add3A_168 : i32
      %lt3A_170 = arith.constant 80 : i32
      %lt3A_171 = arith.cmpi slt, %add3A_169, %lt3A_170 : i32
      %convert_element_type3A_172 = arith.extui %lt3A_171 : i1 to i32
      %cond3A_173 = arith.constant 0 : i32
      %cond3A_174 = arith.cmpi ne, %convert_element_type3A_172, %cond3A_173 : i32
      scf.if %cond3A_174 {
        %dma_start3A_308 = arith.constant 3 : i32
        %dma_start3A_309 = arith.constant 0 : i32
        %dma_start3A_310 = tpu.memref_slice %arg7[%rem3A_129, %dma_start3A_308, %dma_start3A_309] : memref<2x8x128xi32, #tpu.memory_space<vmem>> -> memref<1x1x128xi32, #tpu.memory_space<vmem>>
        %dma_start3A_311 = tpu.memref_squeeze %dma_start3A_310 : memref<1x1x128xi32, #tpu.memory_space<vmem>> -> memref<128xi32, #tpu.memory_space<vmem>>
        %dma_start3A_312 = arith.constant 0 : i32
        %dma_start3A_313 = arith.constant 0 : i32
        %dma_start3A_314 = tpu.memref_slice %arg2[%dma_start3A_312, %dma_start3A_313] : memref<10000x128xf32, #tpu.memory_space<hbm>> -> memref<10000x128xf32, #tpu.memory_space<hbm>>
        tpu.enqueue_indirect_dma source(%dma_start3A_314 : memref<10000x128xf32, #tpu.memory_space<hbm>>) target(%arg10 : memref<128x128xf32, #tpu.memory_space<vmem>>) offsets(%dma_start3A_311 : memref<128xi32, #tpu.memory_space<vmem>>) semaphore(%arg12 : memref<!tpu.dma_semaphore, #tpu.memory_space<semaphore_mem>>)
      } else {
      }
      %mul3A_175 = arith.constant 8 : i32
      %mul3A_176 = arith.muli %scan3A_128, %mul3A_175 : i32
      %add3A_177 = arith.constant 2 : i32
      %add3A_178 = arith.addi %mul3A_176, %add3A_177 : i32
      %dma_wait3A_179 = arith.constant 0 : i32
      %dma_wait3A_180 = arith.constant 0 : i32
      %dma_wait3A_181 = arith.constant 0 : i32
      %dma_wait3A_182 = tpu.memref_slice %arg7[%dma_wait3A_179, %dma_wait3A_180, %dma_wait3A_181] : memref<2x8x128xi32, #tpu.memory_space<vmem>> -> memref<1x1x128xi32, #tpu.memory_space<vmem>>
      %dma_wait3A_183 = tpu.memref_squeeze %dma_wait3A_182 : memref<1x1x128xi32, #tpu.memory_space<vmem>> -> memref<128xi32, #tpu.memory_space<vmem>>
      %dma_wait3A_184 = arith.constant 0 : i32
      %dma_wait3A_185 = arith.constant 0 : i32
      %dma_wait3A_186 = tpu.memref_slice %arg2[%dma_wait3A_184, %dma_wait3A_185] : memref<10000x128xf32, #tpu.memory_space<hbm>> -> memref<10000x128xf32, #tpu.memory_space<hbm>>
      tpu.wait_indirect_dma semaphore(%arg11 : memref<!tpu.dma_semaphore, #tpu.memory_space<semaphore_mem>>) src(%dma_wait3A_186 : memref<10000x128xf32, #tpu.memory_space<hbm>>) dst(%arg9 : memref<128x128xf32, #tpu.memory_space<vmem>>)
      %run_scoped3A_187 = arith.constant 2 : i32
      "tpu.region"() ({
        %run_scoped3A_308 = tpu.sem_alloc : memref<!tpu.dma_semaphore, #tpu.memory_space<semaphore_mem>>
        %dma_start3A_309 = arith.constant 0 : i32
        %dma_start3A_310 = tpu.memref_slice %arg8[%rem3A_129, %run_scoped3A_187, %dma_start3A_309] : memref<2x8x128xi32, #tpu.memory_space<vmem>> -> memref<1x1x128xi32, #tpu.memory_space<vmem>>
        %dma_start3A_311 = tpu.memref_squeeze %dma_start3A_310 : memref<1x1x128xi32, #tpu.memory_space<vmem>> -> memref<128xi32, #tpu.memory_space<vmem>>
        %dma_start3A_312 = arith.constant 0 : i32
        %dma_start3A_313 = arith.constant 0 : i32
        %dma_start3A_314 = tpu.memref_slice %arg13[%dma_start3A_312, %dma_start3A_313] : memref<10240x128xf32, #tpu.memory_space<vmem_shared>> -> memref<10240x128xf32, #tpu.memory_space<vmem_shared>>
        tpu.enqueue_indirect_dma source(%arg9 : memref<128x128xf32, #tpu.memory_space<vmem>>) target(%dma_start3A_314 : memref<10240x128xf32, #tpu.memory_space<vmem_shared>>) offsets(%dma_start3A_311 : memref<128xi32, #tpu.memory_space<vmem>>) semaphore(%run_scoped3A_308 : memref<!tpu.dma_semaphore, #tpu.memory_space<semaphore_mem>>) {add = true}
        %dma_wait3A_315 = arith.constant 0 : i32
        %dma_wait3A_316 = tpu.memref_slice %arg8[%rem3A_129, %run_scoped3A_187, %dma_wait3A_315] : memref<2x8x128xi32, #tpu.memory_space<vmem>> -> memref<1x1x128xi32, #tpu.memory_space<vmem>>
        %dma_wait3A_317 = tpu.memref_squeeze %dma_wait3A_316 : memref<1x1x128xi32, #tpu.memory_space<vmem>> -> memref<128xi32, #tpu.memory_space<vmem>>
        %dma_wait3A_318 = arith.constant 0 : i32
        %dma_wait3A_319 = arith.constant 0 : i32
        %dma_wait3A_320 = tpu.memref_slice %arg13[%dma_wait3A_318, %dma_wait3A_319] : memref<10240x128xf32, #tpu.memory_space<vmem_shared>> -> memref<10240x128xf32, #tpu.memory_space<vmem_shared>>
        tpu.wait_indirect_dma semaphore(%run_scoped3A_308 : memref<!tpu.dma_semaphore, #tpu.memory_space<semaphore_mem>>) src(%arg9 : memref<128x128xf32, #tpu.memory_space<vmem>>) dst(%dma_wait3A_320 : memref<10240x128xf32, #tpu.memory_space<vmem_shared>>)
        tpu.yield
      }) : () -> ()
      %run_scoped3A_188 = arith.constant 2 : i32
      "tpu.region"() ({
        %run_scoped3A_308 = tpu.sem_alloc : memref<!tpu.dma_semaphore, #tpu.memory_space<semaphore_mem>>
        %dma_start3A_309 = arith.constant 0 : i32
        %dma_start3A_310 = tpu.memref_slice %arg8[%rem3A_129, %run_scoped3A_188, %dma_start3A_309] : memref<2x8x128xi32, #tpu.memory_space<vmem>> -> memref<1x1x128xi32, #tpu.memory_space<vmem>>
        %dma_start3A_311 = tpu.memref_squeeze %dma_start3A_310 : memref<1x1x128xi32, #tpu.memory_space<vmem>> -> memref<128xi32, #tpu.memory_space<vmem>>
        %dma_start3A_312 = arith.constant 0 : i32
        %dma_start3A_313 = tpu.memref_slice %arg16[%dma_start3A_312] : memref<10240xf32, #tpu.memory_space<vmem_shared>> -> memref<10240xf32, #tpu.memory_space<vmem_shared>>
        tpu.enqueue_indirect_dma source(%arg15 : memref<128xf32, #tpu.memory_space<vmem>>) target(%dma_start3A_313 : memref<10240xf32, #tpu.memory_space<vmem_shared>>) offsets(%dma_start3A_311 : memref<128xi32, #tpu.memory_space<vmem>>) semaphore(%run_scoped3A_308 : memref<!tpu.dma_semaphore, #tpu.memory_space<semaphore_mem>>) {add = true}
        %dma_wait3A_314 = arith.constant 0 : i32
        %dma_wait3A_315 = tpu.memref_slice %arg8[%rem3A_129, %run_scoped3A_188, %dma_wait3A_314] : memref<2x8x128xi32, #tpu.memory_space<vmem>> -> memref<1x1x128xi32, #tpu.memory_space<vmem>>
        %dma_wait3A_316 = tpu.memref_squeeze %dma_wait3A_315 : memref<1x1x128xi32, #tpu.memory_space<vmem>> -> memref<128xi32, #tpu.memory_space<vmem>>
        %dma_wait3A_317 = arith.constant 0 : i32
        %dma_wait3A_318 = tpu.memref_slice %arg16[%dma_wait3A_317] : memref<10240xf32, #tpu.memory_space<vmem_shared>> -> memref<10240xf32, #tpu.memory_space<vmem_shared>>
        tpu.wait_indirect_dma semaphore(%run_scoped3A_308 : memref<!tpu.dma_semaphore, #tpu.memory_space<semaphore_mem>>) src(%arg15 : memref<128xf32, #tpu.memory_space<vmem>>) dst(%dma_wait3A_318 : memref<10240xf32, #tpu.memory_space<vmem_shared>>)
        tpu.yield
      }) : () -> ()
      %add3A_189 = arith.constant 2 : i32
      %add3A_190 = arith.addi %add3A_178, %add3A_189 : i32
      %lt3A_191 = arith.constant 80 : i32
      %lt3A_192 = arith.cmpi slt, %add3A_190, %lt3A_191 : i32
      %convert_element_type3A_193 = arith.extui %lt3A_192 : i1 to i32
      %cond3A_194 = arith.constant 0 : i32
      %cond3A_195 = arith.cmpi ne, %convert_element_type3A_193, %cond3A_194 : i32
      scf.if %cond3A_195 {
        %dma_start3A_308 = arith.constant 4 : i32
        %dma_start3A_309 = arith.constant 0 : i32
        %dma_start3A_310 = tpu.memref_slice %arg7[%rem3A_129, %dma_start3A_308, %dma_start3A_309] : memref<2x8x128xi32, #tpu.memory_space<vmem>> -> memref<1x1x128xi32, #tpu.memory_space<vmem>>
        %dma_start3A_311 = tpu.memref_squeeze %dma_start3A_310 : memref<1x1x128xi32, #tpu.memory_space<vmem>> -> memref<128xi32, #tpu.memory_space<vmem>>
        %dma_start3A_312 = arith.constant 0 : i32
        %dma_start3A_313 = arith.constant 0 : i32
        %dma_start3A_314 = tpu.memref_slice %arg2[%dma_start3A_312, %dma_start3A_313] : memref<10000x128xf32, #tpu.memory_space<hbm>> -> memref<10000x128xf32, #tpu.memory_space<hbm>>
        tpu.enqueue_indirect_dma source(%dma_start3A_314 : memref<10000x128xf32, #tpu.memory_space<hbm>>) target(%arg9 : memref<128x128xf32, #tpu.memory_space<vmem>>) offsets(%dma_start3A_311 : memref<128xi32, #tpu.memory_space<vmem>>) semaphore(%arg11 : memref<!tpu.dma_semaphore, #tpu.memory_space<semaphore_mem>>)
      } else {
      }
      %mul3A_196 = arith.constant 8 : i32
      %mul3A_197 = arith.muli %scan3A_128, %mul3A_196 : i32
      %add3A_198 = arith.constant 3 : i32
      %add3A_199 = arith.addi %mul3A_197, %add3A_198 : i32
      %dma_wait3A_200 = arith.constant 0 : i32
      %dma_wait3A_201 = arith.constant 0 : i32
      %dma_wait3A_202 = arith.constant 0 : i32
      %dma_wait3A_203 = tpu.memref_slice %arg7[%dma_wait3A_200, %dma_wait3A_201, %dma_wait3A_202] : memref<2x8x128xi32, #tpu.memory_space<vmem>> -> memref<1x1x128xi32, #tpu.memory_space<vmem>>
      %dma_wait3A_204 = tpu.memref_squeeze %dma_wait3A_203 : memref<1x1x128xi32, #tpu.memory_space<vmem>> -> memref<128xi32, #tpu.memory_space<vmem>>
      %dma_wait3A_205 = arith.constant 0 : i32
      %dma_wait3A_206 = arith.constant 0 : i32
      %dma_wait3A_207 = tpu.memref_slice %arg2[%dma_wait3A_205, %dma_wait3A_206] : memref<10000x128xf32, #tpu.memory_space<hbm>> -> memref<10000x128xf32, #tpu.memory_space<hbm>>
      tpu.wait_indirect_dma semaphore(%arg12 : memref<!tpu.dma_semaphore, #tpu.memory_space<semaphore_mem>>) src(%dma_wait3A_207 : memref<10000x128xf32, #tpu.memory_space<hbm>>) dst(%arg10 : memref<128x128xf32, #tpu.memory_space<vmem>>)
      %run_scoped3A_208 = arith.constant 3 : i32
      "tpu.region"() ({
        %run_scoped3A_308 = tpu.sem_alloc : memref<!tpu.dma_semaphore, #tpu.memory_space<semaphore_mem>>
        %dma_start3A_309 = arith.constant 0 : i32
        %dma_start3A_310 = tpu.memref_slice %arg8[%rem3A_129, %run_scoped3A_208, %dma_start3A_309] : memref<2x8x128xi32, #tpu.memory_space<vmem>> -> memref<1x1x128xi32, #tpu.memory_space<vmem>>
        %dma_start3A_311 = tpu.memref_squeeze %dma_start3A_310 : memref<1x1x128xi32, #tpu.memory_space<vmem>> -> memref<128xi32, #tpu.memory_space<vmem>>
        %dma_start3A_312 = arith.constant 0 : i32
        %dma_start3A_313 = arith.constant 0 : i32
        %dma_start3A_314 = tpu.memref_slice %arg13[%dma_start3A_312, %dma_start3A_313] : memref<10240x128xf32, #tpu.memory_space<vmem_shared>> -> memref<10240x128xf32, #tpu.memory_space<vmem_shared>>
        tpu.enqueue_indirect_dma source(%arg10 : memref<128x128xf32, #tpu.memory_space<vmem>>) target(%dma_start3A_314 : memref<10240x128xf32, #tpu.memory_space<vmem_shared>>) offsets(%dma_start3A_311 : memref<128xi32, #tpu.memory_space<vmem>>) semaphore(%run_scoped3A_308 : memref<!tpu.dma_semaphore, #tpu.memory_space<semaphore_mem>>) {add = true}
        %dma_wait3A_315 = arith.constant 0 : i32
        %dma_wait3A_316 = tpu.memref_slice %arg8[%rem3A_129, %run_scoped3A_208, %dma_wait3A_315] : memref<2x8x128xi32, #tpu.memory_space<vmem>> -> memref<1x1x128xi32, #tpu.memory_space<vmem>>
        %dma_wait3A_317 = tpu.memref_squeeze %dma_wait3A_316 : memref<1x1x128xi32, #tpu.memory_space<vmem>> -> memref<128xi32, #tpu.memory_space<vmem>>
        %dma_wait3A_318 = arith.constant 0 : i32
        %dma_wait3A_319 = arith.constant 0 : i32
        %dma_wait3A_320 = tpu.memref_slice %arg13[%dma_wait3A_318, %dma_wait3A_319] : memref<10240x128xf32, #tpu.memory_space<vmem_shared>> -> memref<10240x128xf32, #tpu.memory_space<vmem_shared>>
        tpu.wait_indirect_dma semaphore(%run_scoped3A_308 : memref<!tpu.dma_semaphore, #tpu.memory_space<semaphore_mem>>) src(%arg10 : memref<128x128xf32, #tpu.memory_space<vmem>>) dst(%dma_wait3A_320 : memref<10240x128xf32, #tpu.memory_space<vmem_shared>>)
        tpu.yield
      }) : () -> ()
      %run_scoped3A_209 = arith.constant 3 : i32
      "tpu.region"() ({
        %run_scoped3A_308 = tpu.sem_alloc : memref<!tpu.dma_semaphore, #tpu.memory_space<semaphore_mem>>
        %dma_start3A_309 = arith.constant 0 : i32
        %dma_start3A_310 = tpu.memref_slice %arg8[%rem3A_129, %run_scoped3A_209, %dma_start3A_309] : memref<2x8x128xi32, #tpu.memory_space<vmem>> -> memref<1x1x128xi32, #tpu.memory_space<vmem>>
        %dma_start3A_311 = tpu.memref_squeeze %dma_start3A_310 : memref<1x1x128xi32, #tpu.memory_space<vmem>> -> memref<128xi32, #tpu.memory_space<vmem>>
        %dma_start3A_312 = arith.constant 0 : i32
        %dma_start3A_313 = tpu.memref_slice %arg16[%dma_start3A_312] : memref<10240xf32, #tpu.memory_space<vmem_shared>> -> memref<10240xf32, #tpu.memory_space<vmem_shared>>
        tpu.enqueue_indirect_dma source(%arg15 : memref<128xf32, #tpu.memory_space<vmem>>) target(%dma_start3A_313 : memref<10240xf32, #tpu.memory_space<vmem_shared>>) offsets(%dma_start3A_311 : memref<128xi32, #tpu.memory_space<vmem>>) semaphore(%run_scoped3A_308 : memref<!tpu.dma_semaphore, #tpu.memory_space<semaphore_mem>>) {add = true}
        %dma_wait3A_314 = arith.constant 0 : i32
        %dma_wait3A_315 = tpu.memref_slice %arg8[%rem3A_129, %run_scoped3A_209, %dma_wait3A_314] : memref<2x8x128xi32, #tpu.memory_space<vmem>> -> memref<1x1x128xi32, #tpu.memory_space<vmem>>
        %dma_wait3A_316 = tpu.memref_squeeze %dma_wait3A_315 : memref<1x1x128xi32, #tpu.memory_space<vmem>> -> memref<128xi32, #tpu.memory_space<vmem>>
        %dma_wait3A_317 = arith.constant 0 : i32
        %dma_wait3A_318 = tpu.memref_slice %arg16[%dma_wait3A_317] : memref<10240xf32, #tpu.memory_space<vmem_shared>> -> memref<10240xf32, #tpu.memory_space<vmem_shared>>
        tpu.wait_indirect_dma semaphore(%run_scoped3A_308 : memref<!tpu.dma_semaphore, #tpu.memory_space<semaphore_mem>>) src(%arg15 : memref<128xf32, #tpu.memory_space<vmem>>) dst(%dma_wait3A_318 : memref<10240xf32, #tpu.memory_space<vmem_shared>>)
        tpu.yield
      }) : () -> ()
      %add3A_210 = arith.constant 2 : i32
      %add3A_211 = arith.addi %add3A_199, %add3A_210 : i32
      %lt3A_212 = arith.constant 80 : i32
      %lt3A_213 = arith.cmpi slt, %add3A_211, %lt3A_212 : i32
      %convert_element_type3A_214 = arith.extui %lt3A_213 : i1 to i32
      %cond3A_215 = arith.constant 0 : i32
      %cond3A_216 = arith.cmpi ne, %convert_element_type3A_214, %cond3A_215 : i32
      scf.if %cond3A_216 {
        %dma_start3A_308 = arith.constant 5 : i32
        %dma_start3A_309 = arith.constant 0 : i32
        %dma_start3A_310 = tpu.memref_slice %arg7[%rem3A_129, %dma_start3A_308, %dma_start3A_309] : memref<2x8x128xi32, #tpu.memory_space<vmem>> -> memref<1x1x128xi32, #tpu.memory_space<vmem>>
        %dma_start3A_311 = tpu.memref_squeeze %dma_start3A_310 : memref<1x1x128xi32, #tpu.memory_space<vmem>> -> memref<128xi32, #tpu.memory_space<vmem>>
        %dma_start3A_312 = arith.constant 0 : i32
        %dma_start3A_313 = arith.constant 0 : i32
        %dma_start3A_314 = tpu.memref_slice %arg2[%dma_start3A_312, %dma_start3A_313] : memref<10000x128xf32, #tpu.memory_space<hbm>> -> memref<10000x128xf32, #tpu.memory_space<hbm>>
        tpu.enqueue_indirect_dma source(%dma_start3A_314 : memref<10000x128xf32, #tpu.memory_space<hbm>>) target(%arg10 : memref<128x128xf32, #tpu.memory_space<vmem>>) offsets(%dma_start3A_311 : memref<128xi32, #tpu.memory_space<vmem>>) semaphore(%arg12 : memref<!tpu.dma_semaphore, #tpu.memory_space<semaphore_mem>>)
      } else {
      }
      %mul3A_217 = arith.constant 8 : i32
      %mul3A_218 = arith.muli %scan3A_128, %mul3A_217 : i32
      %add3A_219 = arith.constant 4 : i32
      %add3A_220 = arith.addi %mul3A_218, %add3A_219 : i32
      %dma_wait3A_221 = arith.constant 0 : i32
      %dma_wait3A_222 = arith.constant 0 : i32
      %dma_wait3A_223 = arith.constant 0 : i32
      %dma_wait3A_224 = tpu.memref_slice %arg7[%dma_wait3A_221, %dma_wait3A_222, %dma_wait3A_223] : memref<2x8x128xi32, #tpu.memory_space<vmem>> -> memref<1x1x128xi32, #tpu.memory_space<vmem>>
      %dma_wait3A_225 = tpu.memref_squeeze %dma_wait3A_224 : memref<1x1x128xi32, #tpu.memory_space<vmem>> -> memref<128xi32, #tpu.memory_space<vmem>>
      %dma_wait3A_226 = arith.constant 0 : i32
      %dma_wait3A_227 = arith.constant 0 : i32
      %dma_wait3A_228 = tpu.memref_slice %arg2[%dma_wait3A_226, %dma_wait3A_227] : memref<10000x128xf32, #tpu.memory_space<hbm>> -> memref<10000x128xf32, #tpu.memory_space<hbm>>
      tpu.wait_indirect_dma semaphore(%arg11 : memref<!tpu.dma_semaphore, #tpu.memory_space<semaphore_mem>>) src(%dma_wait3A_228 : memref<10000x128xf32, #tpu.memory_space<hbm>>) dst(%arg9 : memref<128x128xf32, #tpu.memory_space<vmem>>)
      %run_scoped3A_229 = arith.constant 4 : i32
      "tpu.region"() ({
        %run_scoped3A_308 = tpu.sem_alloc : memref<!tpu.dma_semaphore, #tpu.memory_space<semaphore_mem>>
        %dma_start3A_309 = arith.constant 0 : i32
        %dma_start3A_310 = tpu.memref_slice %arg8[%rem3A_129, %run_scoped3A_229, %dma_start3A_309] : memref<2x8x128xi32, #tpu.memory_space<vmem>> -> memref<1x1x128xi32, #tpu.memory_space<vmem>>
        %dma_start3A_311 = tpu.memref_squeeze %dma_start3A_310 : memref<1x1x128xi32, #tpu.memory_space<vmem>> -> memref<128xi32, #tpu.memory_space<vmem>>
        %dma_start3A_312 = arith.constant 0 : i32
        %dma_start3A_313 = arith.constant 0 : i32
        %dma_start3A_314 = tpu.memref_slice %arg13[%dma_start3A_312, %dma_start3A_313] : memref<10240x128xf32, #tpu.memory_space<vmem_shared>> -> memref<10240x128xf32, #tpu.memory_space<vmem_shared>>
        tpu.enqueue_indirect_dma source(%arg9 : memref<128x128xf32, #tpu.memory_space<vmem>>) target(%dma_start3A_314 : memref<10240x128xf32, #tpu.memory_space<vmem_shared>>) offsets(%dma_start3A_311 : memref<128xi32, #tpu.memory_space<vmem>>) semaphore(%run_scoped3A_308 : memref<!tpu.dma_semaphore, #tpu.memory_space<semaphore_mem>>) {add = true}
        %dma_wait3A_315 = arith.constant 0 : i32
        %dma_wait3A_316 = tpu.memref_slice %arg8[%rem3A_129, %run_scoped3A_229, %dma_wait3A_315] : memref<2x8x128xi32, #tpu.memory_space<vmem>> -> memref<1x1x128xi32, #tpu.memory_space<vmem>>
        %dma_wait3A_317 = tpu.memref_squeeze %dma_wait3A_316 : memref<1x1x128xi32, #tpu.memory_space<vmem>> -> memref<128xi32, #tpu.memory_space<vmem>>
        %dma_wait3A_318 = arith.constant 0 : i32
        %dma_wait3A_319 = arith.constant 0 : i32
        %dma_wait3A_320 = tpu.memref_slice %arg13[%dma_wait3A_318, %dma_wait3A_319] : memref<10240x128xf32, #tpu.memory_space<vmem_shared>> -> memref<10240x128xf32, #tpu.memory_space<vmem_shared>>
        tpu.wait_indirect_dma semaphore(%run_scoped3A_308 : memref<!tpu.dma_semaphore, #tpu.memory_space<semaphore_mem>>) src(%arg9 : memref<128x128xf32, #tpu.memory_space<vmem>>) dst(%dma_wait3A_320 : memref<10240x128xf32, #tpu.memory_space<vmem_shared>>)
        tpu.yield
      }) : () -> ()
      %run_scoped3A_230 = arith.constant 4 : i32
      "tpu.region"() ({
        %run_scoped3A_308 = tpu.sem_alloc : memref<!tpu.dma_semaphore, #tpu.memory_space<semaphore_mem>>
        %dma_start3A_309 = arith.constant 0 : i32
        %dma_start3A_310 = tpu.memref_slice %arg8[%rem3A_129, %run_scoped3A_230, %dma_start3A_309] : memref<2x8x128xi32, #tpu.memory_space<vmem>> -> memref<1x1x128xi32, #tpu.memory_space<vmem>>
        %dma_start3A_311 = tpu.memref_squeeze %dma_start3A_310 : memref<1x1x128xi32, #tpu.memory_space<vmem>> -> memref<128xi32, #tpu.memory_space<vmem>>
        %dma_start3A_312 = arith.constant 0 : i32
        %dma_start3A_313 = tpu.memref_slice %arg16[%dma_start3A_312] : memref<10240xf32, #tpu.memory_space<vmem_shared>> -> memref<10240xf32, #tpu.memory_space<vmem_shared>>
        tpu.enqueue_indirect_dma source(%arg15 : memref<128xf32, #tpu.memory_space<vmem>>) target(%dma_start3A_313 : memref<10240xf32, #tpu.memory_space<vmem_shared>>) offsets(%dma_start3A_311 : memref<128xi32, #tpu.memory_space<vmem>>) semaphore(%run_scoped3A_308 : memref<!tpu.dma_semaphore, #tpu.memory_space<semaphore_mem>>) {add = true}
        %dma_wait3A_314 = arith.constant 0 : i32
        %dma_wait3A_315 = tpu.memref_slice %arg8[%rem3A_129, %run_scoped3A_230, %dma_wait3A_314] : memref<2x8x128xi32, #tpu.memory_space<vmem>> -> memref<1x1x128xi32, #tpu.memory_space<vmem>>
        %dma_wait3A_316 = tpu.memref_squeeze %dma_wait3A_315 : memref<1x1x128xi32, #tpu.memory_space<vmem>> -> memref<128xi32, #tpu.memory_space<vmem>>
        %dma_wait3A_317 = arith.constant 0 : i32
        %dma_wait3A_318 = tpu.memref_slice %arg16[%dma_wait3A_317] : memref<10240xf32, #tpu.memory_space<vmem_shared>> -> memref<10240xf32, #tpu.memory_space<vmem_shared>>
        tpu.wait_indirect_dma semaphore(%run_scoped3A_308 : memref<!tpu.dma_semaphore, #tpu.memory_space<semaphore_mem>>) src(%arg15 : memref<128xf32, #tpu.memory_space<vmem>>) dst(%dma_wait3A_318 : memref<10240xf32, #tpu.memory_space<vmem_shared>>)
        tpu.yield
      }) : () -> ()
      %add3A_231 = arith.constant 2 : i32
      %add3A_232 = arith.addi %add3A_220, %add3A_231 : i32
      %lt3A_233 = arith.constant 80 : i32
      %lt3A_234 = arith.cmpi slt, %add3A_232, %lt3A_233 : i32
      %convert_element_type3A_235 = arith.extui %lt3A_234 : i1 to i32
      %cond3A_236 = arith.constant 0 : i32
      %cond3A_237 = arith.cmpi ne, %convert_element_type3A_235, %cond3A_236 : i32
      scf.if %cond3A_237 {
        %dma_start3A_308 = arith.constant 6 : i32
        %dma_start3A_309 = arith.constant 0 : i32
        %dma_start3A_310 = tpu.memref_slice %arg7[%rem3A_129, %dma_start3A_308, %dma_start3A_309] : memref<2x8x128xi32, #tpu.memory_space<vmem>> -> memref<1x1x128xi32, #tpu.memory_space<vmem>>
        %dma_start3A_311 = tpu.memref_squeeze %dma_start3A_310 : memref<1x1x128xi32, #tpu.memory_space<vmem>> -> memref<128xi32, #tpu.memory_space<vmem>>
        %dma_start3A_312 = arith.constant 0 : i32
        %dma_start3A_313 = arith.constant 0 : i32
        %dma_start3A_314 = tpu.memref_slice %arg2[%dma_start3A_312, %dma_start3A_313] : memref<10000x128xf32, #tpu.memory_space<hbm>> -> memref<10000x128xf32, #tpu.memory_space<hbm>>
        tpu.enqueue_indirect_dma source(%dma_start3A_314 : memref<10000x128xf32, #tpu.memory_space<hbm>>) target(%arg9 : memref<128x128xf32, #tpu.memory_space<vmem>>) offsets(%dma_start3A_311 : memref<128xi32, #tpu.memory_space<vmem>>) semaphore(%arg11 : memref<!tpu.dma_semaphore, #tpu.memory_space<semaphore_mem>>)
      } else {
      }
      %mul3A_238 = arith.constant 8 : i32
      %mul3A_239 = arith.muli %scan3A_128, %mul3A_238 : i32
      %add3A_240 = arith.constant 5 : i32
      %add3A_241 = arith.addi %mul3A_239, %add3A_240 : i32
      %dma_wait3A_242 = arith.constant 0 : i32
      %dma_wait3A_243 = arith.constant 0 : i32
      %dma_wait3A_244 = arith.constant 0 : i32
      %dma_wait3A_245 = tpu.memref_slice %arg7[%dma_wait3A_242, %dma_wait3A_243, %dma_wait3A_244] : memref<2x8x128xi32, #tpu.memory_space<vmem>> -> memref<1x1x128xi32, #tpu.memory_space<vmem>>
      %dma_wait3A_246 = tpu.memref_squeeze %dma_wait3A_245 : memref<1x1x128xi32, #tpu.memory_space<vmem>> -> memref<128xi32, #tpu.memory_space<vmem>>
      %dma_wait3A_247 = arith.constant 0 : i32
      %dma_wait3A_248 = arith.constant 0 : i32
      %dma_wait3A_249 = tpu.memref_slice %arg2[%dma_wait3A_247, %dma_wait3A_248] : memref<10000x128xf32, #tpu.memory_space<hbm>> -> memref<10000x128xf32, #tpu.memory_space<hbm>>
      tpu.wait_indirect_dma semaphore(%arg12 : memref<!tpu.dma_semaphore, #tpu.memory_space<semaphore_mem>>) src(%dma_wait3A_249 : memref<10000x128xf32, #tpu.memory_space<hbm>>) dst(%arg10 : memref<128x128xf32, #tpu.memory_space<vmem>>)
      %run_scoped3A_250 = arith.constant 5 : i32
      "tpu.region"() ({
        %run_scoped3A_308 = tpu.sem_alloc : memref<!tpu.dma_semaphore, #tpu.memory_space<semaphore_mem>>
        %dma_start3A_309 = arith.constant 0 : i32
        %dma_start3A_310 = tpu.memref_slice %arg8[%rem3A_129, %run_scoped3A_250, %dma_start3A_309] : memref<2x8x128xi32, #tpu.memory_space<vmem>> -> memref<1x1x128xi32, #tpu.memory_space<vmem>>
        %dma_start3A_311 = tpu.memref_squeeze %dma_start3A_310 : memref<1x1x128xi32, #tpu.memory_space<vmem>> -> memref<128xi32, #tpu.memory_space<vmem>>
        %dma_start3A_312 = arith.constant 0 : i32
        %dma_start3A_313 = arith.constant 0 : i32
        %dma_start3A_314 = tpu.memref_slice %arg13[%dma_start3A_312, %dma_start3A_313] : memref<10240x128xf32, #tpu.memory_space<vmem_shared>> -> memref<10240x128xf32, #tpu.memory_space<vmem_shared>>
        tpu.enqueue_indirect_dma source(%arg10 : memref<128x128xf32, #tpu.memory_space<vmem>>) target(%dma_start3A_314 : memref<10240x128xf32, #tpu.memory_space<vmem_shared>>) offsets(%dma_start3A_311 : memref<128xi32, #tpu.memory_space<vmem>>) semaphore(%run_scoped3A_308 : memref<!tpu.dma_semaphore, #tpu.memory_space<semaphore_mem>>) {add = true}
        %dma_wait3A_315 = arith.constant 0 : i32
        %dma_wait3A_316 = tpu.memref_slice %arg8[%rem3A_129, %run_scoped3A_250, %dma_wait3A_315] : memref<2x8x128xi32, #tpu.memory_space<vmem>> -> memref<1x1x128xi32, #tpu.memory_space<vmem>>
        %dma_wait3A_317 = tpu.memref_squeeze %dma_wait3A_316 : memref<1x1x128xi32, #tpu.memory_space<vmem>> -> memref<128xi32, #tpu.memory_space<vmem>>
        %dma_wait3A_318 = arith.constant 0 : i32
        %dma_wait3A_319 = arith.constant 0 : i32
        %dma_wait3A_320 = tpu.memref_slice %arg13[%dma_wait3A_318, %dma_wait3A_319] : memref<10240x128xf32, #tpu.memory_space<vmem_shared>> -> memref<10240x128xf32, #tpu.memory_space<vmem_shared>>
        tpu.wait_indirect_dma semaphore(%run_scoped3A_308 : memref<!tpu.dma_semaphore, #tpu.memory_space<semaphore_mem>>) src(%arg10 : memref<128x128xf32, #tpu.memory_space<vmem>>) dst(%dma_wait3A_320 : memref<10240x128xf32, #tpu.memory_space<vmem_shared>>)
        tpu.yield
      }) : () -> ()
      %run_scoped3A_251 = arith.constant 5 : i32
      "tpu.region"() ({
        %run_scoped3A_308 = tpu.sem_alloc : memref<!tpu.dma_semaphore, #tpu.memory_space<semaphore_mem>>
        %dma_start3A_309 = arith.constant 0 : i32
        %dma_start3A_310 = tpu.memref_slice %arg8[%rem3A_129, %run_scoped3A_251, %dma_start3A_309] : memref<2x8x128xi32, #tpu.memory_space<vmem>> -> memref<1x1x128xi32, #tpu.memory_space<vmem>>
        %dma_start3A_311 = tpu.memref_squeeze %dma_start3A_310 : memref<1x1x128xi32, #tpu.memory_space<vmem>> -> memref<128xi32, #tpu.memory_space<vmem>>
        %dma_start3A_312 = arith.constant 0 : i32
        %dma_start3A_313 = tpu.memref_slice %arg16[%dma_start3A_312] : memref<10240xf32, #tpu.memory_space<vmem_shared>> -> memref<10240xf32, #tpu.memory_space<vmem_shared>>
        tpu.enqueue_indirect_dma source(%arg15 : memref<128xf32, #tpu.memory_space<vmem>>) target(%dma_start3A_313 : memref<10240xf32, #tpu.memory_space<vmem_shared>>) offsets(%dma_start3A_311 : memref<128xi32, #tpu.memory_space<vmem>>) semaphore(%run_scoped3A_308 : memref<!tpu.dma_semaphore, #tpu.memory_space<semaphore_mem>>) {add = true}
        %dma_wait3A_314 = arith.constant 0 : i32
        %dma_wait3A_315 = tpu.memref_slice %arg8[%rem3A_129, %run_scoped3A_251, %dma_wait3A_314] : memref<2x8x128xi32, #tpu.memory_space<vmem>> -> memref<1x1x128xi32, #tpu.memory_space<vmem>>
        %dma_wait3A_316 = tpu.memref_squeeze %dma_wait3A_315 : memref<1x1x128xi32, #tpu.memory_space<vmem>> -> memref<128xi32, #tpu.memory_space<vmem>>
        %dma_wait3A_317 = arith.constant 0 : i32
        %dma_wait3A_318 = tpu.memref_slice %arg16[%dma_wait3A_317] : memref<10240xf32, #tpu.memory_space<vmem_shared>> -> memref<10240xf32, #tpu.memory_space<vmem_shared>>
        tpu.wait_indirect_dma semaphore(%run_scoped3A_308 : memref<!tpu.dma_semaphore, #tpu.memory_space<semaphore_mem>>) src(%arg15 : memref<128xf32, #tpu.memory_space<vmem>>) dst(%dma_wait3A_318 : memref<10240xf32, #tpu.memory_space<vmem_shared>>)
        tpu.yield
      }) : () -> ()
      %add3A_252 = arith.constant 2 : i32
      %add3A_253 = arith.addi %add3A_241, %add3A_252 : i32
      %lt3A_254 = arith.constant 80 : i32
      %lt3A_255 = arith.cmpi slt, %add3A_253, %lt3A_254 : i32
      %convert_element_type3A_256 = arith.extui %lt3A_255 : i1 to i32
      %cond3A_257 = arith.constant 0 : i32
      %cond3A_258 = arith.cmpi ne, %convert_element_type3A_256, %cond3A_257 : i32
      scf.if %cond3A_258 {
        %dma_start3A_308 = arith.constant 7 : i32
        %dma_start3A_309 = arith.constant 0 : i32
        %dma_start3A_310 = tpu.memref_slice %arg7[%rem3A_129, %dma_start3A_308, %dma_start3A_309] : memref<2x8x128xi32, #tpu.memory_space<vmem>> -> memref<1x1x128xi32, #tpu.memory_space<vmem>>
        %dma_start3A_311 = tpu.memref_squeeze %dma_start3A_310 : memref<1x1x128xi32, #tpu.memory_space<vmem>> -> memref<128xi32, #tpu.memory_space<vmem>>
        %dma_start3A_312 = arith.constant 0 : i32
        %dma_start3A_313 = arith.constant 0 : i32
        %dma_start3A_314 = tpu.memref_slice %arg2[%dma_start3A_312, %dma_start3A_313] : memref<10000x128xf32, #tpu.memory_space<hbm>> -> memref<10000x128xf32, #tpu.memory_space<hbm>>
        tpu.enqueue_indirect_dma source(%dma_start3A_314 : memref<10000x128xf32, #tpu.memory_space<hbm>>) target(%arg10 : memref<128x128xf32, #tpu.memory_space<vmem>>) offsets(%dma_start3A_311 : memref<128xi32, #tpu.memory_space<vmem>>) semaphore(%arg12 : memref<!tpu.dma_semaphore, #tpu.memory_space<semaphore_mem>>)
      } else {
      }
      %mul3A_259 = arith.constant 8 : i32
      %mul3A_260 = arith.muli %scan3A_128, %mul3A_259 : i32
      %add3A_261 = arith.constant 6 : i32
      %add3A_262 = arith.addi %mul3A_260, %add3A_261 : i32
      %add3A_263 = arith.constant 1 : i32
      %add3A_264 = arith.addi %scan3A_128, %add3A_263 : i32
      %lt3A_265 = arith.constant 10 : i32
      %lt3A_266 = arith.cmpi slt, %add3A_264, %lt3A_265 : i32
      %convert_element_type3A_267 = arith.extui %lt3A_266 : i1 to i32
      %cond3A_268 = arith.constant 0 : i32
      %cond3A_269 = arith.cmpi ne, %convert_element_type3A_267, %cond3A_268 : i32
      scf.if %cond3A_269 {
        %dma_wait3A_308 = arith.constant 0 : i32
        %dma_wait3A_309 = arith.constant 0 : i32
        %dma_wait3A_310 = arith.constant 0 : i32
        %dma_wait3A_311 = tpu.memref_slice %arg7[%dma_wait3A_308, %dma_wait3A_309, %dma_wait3A_310] : memref<2x8x128xi32, #tpu.memory_space<vmem>> -> memref<1x8x128xi32, #tpu.memory_space<vmem>>
        %dma_wait3A_312 = tpu.memref_squeeze %dma_wait3A_311 : memref<1x8x128xi32, #tpu.memory_space<vmem>> -> memref<8x128xi32, #tpu.memory_space<vmem>>
        %dma_wait3A_313 = arith.constant 0 : i32
        %dma_wait3A_314 = arith.constant 0 : i32
        %dma_wait3A_315 = tpu.memref_slice %arg3[%add3A, %dma_wait3A_313, %dma_wait3A_314] : memref<32x80x128xi32, #tpu.memory_space<hbm>> -> memref<1x8x128xi32, #tpu.memory_space<hbm>>
        %dma_wait3A_316 = tpu.memref_squeeze %dma_wait3A_315 : memref<1x8x128xi32, #tpu.memory_space<hbm>> -> memref<8x128xi32, #tpu.memory_space<hbm>>
        %dma_wait3A_317 = arith.constant 0 : i32
        %dma_wait3A_318 = arith.constant 0 : i32
        %dma_wait3A_319 = tpu.memref_slice %arg7[%dma_wait3A_308, %dma_wait3A_317, %dma_wait3A_318] : memref<2x8x128xi32, #tpu.memory_space<vmem>> -> memref<1x8x128xi32, #tpu.memory_space<vmem>>
        %dma_wait3A_320 = tpu.memref_squeeze %dma_wait3A_319 : memref<1x8x128xi32, #tpu.memory_space<vmem>> -> memref<8x128xi32, #tpu.memory_space<vmem>>
        %dma_wait3A_321 = arith.constant 0 : i32
        %dma_wait3A_322 = arith.constant 0 : i32
        %dma_wait3A_323 = tpu.memref_slice %arg3[%add3A, %dma_wait3A_321, %dma_wait3A_322] : memref<32x80x128xi32, #tpu.memory_space<hbm>> -> memref<1x8x128xi32, #tpu.memory_space<hbm>>
        %dma_wait3A_324 = tpu.memref_squeeze %dma_wait3A_323 : memref<1x8x128xi32, #tpu.memory_space<hbm>> -> memref<8x128xi32, #tpu.memory_space<hbm>>
        tpu.wait_dma2 semaphore(%arg14 : memref<!tpu.dma_semaphore, #tpu.memory_space<semaphore_mem>>) src(%dma_wait3A_324 : memref<8x128xi32, #tpu.memory_space<hbm>>) dst(%dma_wait3A_320 : memref<8x128xi32, #tpu.memory_space<vmem>>)
        %dma_wait3A_325 = arith.constant 0 : i32
        %dma_wait3A_326 = arith.constant 0 : i32
        %dma_wait3A_327 = arith.constant 0 : i32
        %dma_wait3A_328 = tpu.memref_slice %arg8[%dma_wait3A_325, %dma_wait3A_326, %dma_wait3A_327] : memref<2x8x128xi32, #tpu.memory_space<vmem>> -> memref<1x8x128xi32, #tpu.memory_space<vmem>>
        %dma_wait3A_329 = tpu.memref_squeeze %dma_wait3A_328 : memref<1x8x128xi32, #tpu.memory_space<vmem>> -> memref<8x128xi32, #tpu.memory_space<vmem>>
        %dma_wait3A_330 = arith.constant 0 : i32
        %dma_wait3A_331 = arith.constant 0 : i32
        %dma_wait3A_332 = tpu.memref_slice %arg3[%add3A, %dma_wait3A_330, %dma_wait3A_331] : memref<32x80x128xi32, #tpu.memory_space<hbm>> -> memref<1x8x128xi32, #tpu.memory_space<hbm>>
        %dma_wait3A_333 = tpu.memref_squeeze %dma_wait3A_332 : memref<1x8x128xi32, #tpu.memory_space<hbm>> -> memref<8x128xi32, #tpu.memory_space<hbm>>
        %dma_wait3A_334 = arith.constant 0 : i32
        %dma_wait3A_335 = arith.constant 0 : i32
        %dma_wait3A_336 = tpu.memref_slice %arg8[%dma_wait3A_325, %dma_wait3A_334, %dma_wait3A_335] : memref<2x8x128xi32, #tpu.memory_space<vmem>> -> memref<1x8x128xi32, #tpu.memory_space<vmem>>
        %dma_wait3A_337 = tpu.memref_squeeze %dma_wait3A_336 : memref<1x8x128xi32, #tpu.memory_space<vmem>> -> memref<8x128xi32, #tpu.memory_space<vmem>>
        %dma_wait3A_338 = arith.constant 0 : i32
        %dma_wait3A_339 = arith.constant 0 : i32
        %dma_wait3A_340 = tpu.memref_slice %arg3[%add3A, %dma_wait3A_338, %dma_wait3A_339] : memref<32x80x128xi32, #tpu.memory_space<hbm>> -> memref<1x8x128xi32, #tpu.memory_space<hbm>>
        %dma_wait3A_341 = tpu.memref_squeeze %dma_wait3A_340 : memref<1x8x128xi32, #tpu.memory_space<hbm>> -> memref<8x128xi32, #tpu.memory_space<hbm>>
        tpu.wait_dma2 semaphore(%arg14 : memref<!tpu.dma_semaphore, #tpu.memory_space<semaphore_mem>>) src(%dma_wait3A_341 : memref<8x128xi32, #tpu.memory_space<hbm>>) dst(%dma_wait3A_337 : memref<8x128xi32, #tpu.memory_space<vmem>>)
      } else {
      }
      %dma_wait3A_270 = arith.constant 0 : i32
      %dma_wait3A_271 = arith.constant 0 : i32
      %dma_wait3A_272 = arith.constant 0 : i32
      %dma_wait3A_273 = tpu.memref_slice %arg7[%dma_wait3A_270, %dma_wait3A_271, %dma_wait3A_272] : memref<2x8x128xi32, #tpu.memory_space<vmem>> -> memref<1x1x128xi32, #tpu.memory_space<vmem>>
      %dma_wait3A_274 = tpu.memref_squeeze %dma_wait3A_273 : memref<1x1x128xi32, #tpu.memory_space<vmem>> -> memref<128xi32, #tpu.memory_space<vmem>>
      %dma_wait3A_275 = arith.constant 0 : i32
      %dma_wait3A_276 = arith.constant 0 : i32
      %dma_wait3A_277 = tpu.memref_slice %arg2[%dma_wait3A_275, %dma_wait3A_276] : memref<10000x128xf32, #tpu.memory_space<hbm>> -> memref<10000x128xf32, #tpu.memory_space<hbm>>
      tpu.wait_indirect_dma semaphore(%arg11 : memref<!tpu.dma_semaphore, #tpu.memory_space<semaphore_mem>>) src(%dma_wait3A_277 : memref<10000x128xf32, #tpu.memory_space<hbm>>) dst(%arg9 : memref<128x128xf32, #tpu.memory_space<vmem>>)
      %run_scoped3A_278 = arith.constant 6 : i32
      "tpu.region"() ({
        %run_scoped3A_308 = tpu.sem_alloc : memref<!tpu.dma_semaphore, #tpu.memory_space<semaphore_mem>>
        %dma_start3A_309 = arith.constant 0 : i32
        %dma_start3A_310 = tpu.memref_slice %arg8[%rem3A_129, %run_scoped3A_278, %dma_start3A_309] : memref<2x8x128xi32, #tpu.memory_space<vmem>> -> memref<1x1x128xi32, #tpu.memory_space<vmem>>
        %dma_start3A_311 = tpu.memref_squeeze %dma_start3A_310 : memref<1x1x128xi32, #tpu.memory_space<vmem>> -> memref<128xi32, #tpu.memory_space<vmem>>
        %dma_start3A_312 = arith.constant 0 : i32
        %dma_start3A_313 = arith.constant 0 : i32
        %dma_start3A_314 = tpu.memref_slice %arg13[%dma_start3A_312, %dma_start3A_313] : memref<10240x128xf32, #tpu.memory_space<vmem_shared>> -> memref<10240x128xf32, #tpu.memory_space<vmem_shared>>
        tpu.enqueue_indirect_dma source(%arg9 : memref<128x128xf32, #tpu.memory_space<vmem>>) target(%dma_start3A_314 : memref<10240x128xf32, #tpu.memory_space<vmem_shared>>) offsets(%dma_start3A_311 : memref<128xi32, #tpu.memory_space<vmem>>) semaphore(%run_scoped3A_308 : memref<!tpu.dma_semaphore, #tpu.memory_space<semaphore_mem>>) {add = true}
        %dma_wait3A_315 = arith.constant 0 : i32
        %dma_wait3A_316 = tpu.memref_slice %arg8[%rem3A_129, %run_scoped3A_278, %dma_wait3A_315] : memref<2x8x128xi32, #tpu.memory_space<vmem>> -> memref<1x1x128xi32, #tpu.memory_space<vmem>>
        %dma_wait3A_317 = tpu.memref_squeeze %dma_wait3A_316 : memref<1x1x128xi32, #tpu.memory_space<vmem>> -> memref<128xi32, #tpu.memory_space<vmem>>
        %dma_wait3A_318 = arith.constant 0 : i32
        %dma_wait3A_319 = arith.constant 0 : i32
        %dma_wait3A_320 = tpu.memref_slice %arg13[%dma_wait3A_318, %dma_wait3A_319] : memref<10240x128xf32, #tpu.memory_space<vmem_shared>> -> memref<10240x128xf32, #tpu.memory_space<vmem_shared>>
        tpu.wait_indirect_dma semaphore(%run_scoped3A_308 : memref<!tpu.dma_semaphore, #tpu.memory_space<semaphore_mem>>) src(%arg9 : memref<128x128xf32, #tpu.memory_space<vmem>>) dst(%dma_wait3A_320 : memref<10240x128xf32, #tpu.memory_space<vmem_shared>>)
        tpu.yield
      }) : () -> ()
      %run_scoped3A_279 = arith.constant 6 : i32
      "tpu.region"() ({
        %run_scoped3A_308 = tpu.sem_alloc : memref<!tpu.dma_semaphore, #tpu.memory_space<semaphore_mem>>
        %dma_start3A_309 = arith.constant 0 : i32
        %dma_start3A_310 = tpu.memref_slice %arg8[%rem3A_129, %run_scoped3A_279, %dma_start3A_309] : memref<2x8x128xi32, #tpu.memory_space<vmem>> -> memref<1x1x128xi32, #tpu.memory_space<vmem>>
        %dma_start3A_311 = tpu.memref_squeeze %dma_start3A_310 : memref<1x1x128xi32, #tpu.memory_space<vmem>> -> memref<128xi32, #tpu.memory_space<vmem>>
        %dma_start3A_312 = arith.constant 0 : i32
        %dma_start3A_313 = tpu.memref_slice %arg16[%dma_start3A_312] : memref<10240xf32, #tpu.memory_space<vmem_shared>> -> memref<10240xf32, #tpu.memory_space<vmem_shared>>
        tpu.enqueue_indirect_dma source(%arg15 : memref<128xf32, #tpu.memory_space<vmem>>) target(%dma_start3A_313 : memref<10240xf32, #tpu.memory_space<vmem_shared>>) offsets(%dma_start3A_311 : memref<128xi32, #tpu.memory_space<vmem>>) semaphore(%run_scoped3A_308 : memref<!tpu.dma_semaphore, #tpu.memory_space<semaphore_mem>>) {add = true}
        %dma_wait3A_314 = arith.constant 0 : i32
        %dma_wait3A_315 = tpu.memref_slice %arg8[%rem3A_129, %run_scoped3A_279, %dma_wait3A_314] : memref<2x8x128xi32, #tpu.memory_space<vmem>> -> memref<1x1x128xi32, #tpu.memory_space<vmem>>
        %dma_wait3A_316 = tpu.memref_squeeze %dma_wait3A_315 : memref<1x1x128xi32, #tpu.memory_space<vmem>> -> memref<128xi32, #tpu.memory_space<vmem>>
        %dma_wait3A_317 = arith.constant 0 : i32
        %dma_wait3A_318 = tpu.memref_slice %arg16[%dma_wait3A_317] : memref<10240xf32, #tpu.memory_space<vmem_shared>> -> memref<10240xf32, #tpu.memory_space<vmem_shared>>
        tpu.wait_indirect_dma semaphore(%run_scoped3A_308 : memref<!tpu.dma_semaphore, #tpu.memory_space<semaphore_mem>>) src(%arg15 : memref<128xf32, #tpu.memory_space<vmem>>) dst(%dma_wait3A_318 : memref<10240xf32, #tpu.memory_space<vmem_shared>>)
        tpu.yield
      }) : () -> ()
      %add3A_280 = arith.constant 2 : i32
      %add3A_281 = arith.addi %add3A_262, %add3A_280 : i32
      %lt3A_282 = arith.constant 80 : i32
      %lt3A_283 = arith.cmpi slt, %add3A_281, %lt3A_282 : i32
      %convert_element_type3A_284 = arith.extui %lt3A_283 : i1 to i32
      %cond3A_285 = arith.constant 0 : i32
      %cond3A_286 = arith.cmpi ne, %convert_element_type3A_284, %cond3A_285 : i32
      scf.if %cond3A_286 {
        %sub3A = arith.constant 1 : i32
        %sub3A_308 = arith.subi %sub3A, %rem3A_129 : i32
        %dma_start3A_309 = arith.constant 0 : i32
        %dma_start3A_310 = arith.constant 0 : i32
        %dma_start3A_311 = tpu.memref_slice %arg7[%sub3A_308, %dma_start3A_309, %dma_start3A_310] : memref<2x8x128xi32, #tpu.memory_space<vmem>> -> memref<1x1x128xi32, #tpu.memory_space<vmem>>
        %dma_start3A_312 = tpu.memref_squeeze %dma_start3A_311 : memref<1x1x128xi32, #tpu.memory_space<vmem>> -> memref<128xi32, #tpu.memory_space<vmem>>
        %dma_start3A_313 = arith.constant 0 : i32
        %dma_start3A_314 = arith.constant 0 : i32
        %dma_start3A_315 = tpu.memref_slice %arg2[%dma_start3A_313, %dma_start3A_314] : memref<10000x128xf32, #tpu.memory_space<hbm>> -> memref<10000x128xf32, #tpu.memory_space<hbm>>
        tpu.enqueue_indirect_dma source(%dma_start3A_315 : memref<10000x128xf32, #tpu.memory_space<hbm>>) target(%arg9 : memref<128x128xf32, #tpu.memory_space<vmem>>) offsets(%dma_start3A_312 : memref<128xi32, #tpu.memory_space<vmem>>) semaphore(%arg11 : memref<!tpu.dma_semaphore, #tpu.memory_space<semaphore_mem>>)
      } else {
      }
      %mul3A_287 = arith.constant 8 : i32
      %mul3A_288 = arith.muli %scan3A_128, %mul3A_287 : i32
      %add3A_289 = arith.constant 7 : i32
      %add3A_290 = arith.addi %mul3A_288, %add3A_289 : i32
      %dma_wait3A_291 = arith.constant 0 : i32
      %dma_wait3A_292 = arith.constant 0 : i32
      %dma_wait3A_293 = arith.constant 0 : i32
      %dma_wait3A_294 = tpu.memref_slice %arg7[%dma_wait3A_291, %dma_wait3A_292, %dma_wait3A_293] : memref<2x8x128xi32, #tpu.memory_space<vmem>> -> memref<1x1x128xi32, #tpu.memory_space<vmem>>
      %dma_wait3A_295 = tpu.memref_squeeze %dma_wait3A_294 : memref<1x1x128xi32, #tpu.memory_space<vmem>> -> memref<128xi32, #tpu.memory_space<vmem>>
      %dma_wait3A_296 = arith.constant 0 : i32
      %dma_wait3A_297 = arith.constant 0 : i32
      %dma_wait3A_298 = tpu.memref_slice %arg2[%dma_wait3A_296, %dma_wait3A_297] : memref<10000x128xf32, #tpu.memory_space<hbm>> -> memref<10000x128xf32, #tpu.memory_space<hbm>>
      tpu.wait_indirect_dma semaphore(%arg12 : memref<!tpu.dma_semaphore, #tpu.memory_space<semaphore_mem>>) src(%dma_wait3A_298 : memref<10000x128xf32, #tpu.memory_space<hbm>>) dst(%arg10 : memref<128x128xf32, #tpu.memory_space<vmem>>)
      %run_scoped3A_299 = arith.constant 7 : i32
      "tpu.region"() ({
        %run_scoped3A_308 = tpu.sem_alloc : memref<!tpu.dma_semaphore, #tpu.memory_space<semaphore_mem>>
        %dma_start3A_309 = arith.constant 0 : i32
        %dma_start3A_310 = tpu.memref_slice %arg8[%rem3A_129, %run_scoped3A_299, %dma_start3A_309] : memref<2x8x128xi32, #tpu.memory_space<vmem>> -> memref<1x1x128xi32, #tpu.memory_space<vmem>>
        %dma_start3A_311 = tpu.memref_squeeze %dma_start3A_310 : memref<1x1x128xi32, #tpu.memory_space<vmem>> -> memref<128xi32, #tpu.memory_space<vmem>>
        %dma_start3A_312 = arith.constant 0 : i32
        %dma_start3A_313 = arith.constant 0 : i32
        %dma_start3A_314 = tpu.memref_slice %arg13[%dma_start3A_312, %dma_start3A_313] : memref<10240x128xf32, #tpu.memory_space<vmem_shared>> -> memref<10240x128xf32, #tpu.memory_space<vmem_shared>>
        tpu.enqueue_indirect_dma source(%arg10 : memref<128x128xf32, #tpu.memory_space<vmem>>) target(%dma_start3A_314 : memref<10240x128xf32, #tpu.memory_space<vmem_shared>>) offsets(%dma_start3A_311 : memref<128xi32, #tpu.memory_space<vmem>>) semaphore(%run_scoped3A_308 : memref<!tpu.dma_semaphore, #tpu.memory_space<semaphore_mem>>) {add = true}
        %dma_wait3A_315 = arith.constant 0 : i32
        %dma_wait3A_316 = tpu.memref_slice %arg8[%rem3A_129, %run_scoped3A_299, %dma_wait3A_315] : memref<2x8x128xi32, #tpu.memory_space<vmem>> -> memref<1x1x128xi32, #tpu.memory_space<vmem>>
        %dma_wait3A_317 = tpu.memref_squeeze %dma_wait3A_316 : memref<1x1x128xi32, #tpu.memory_space<vmem>> -> memref<128xi32, #tpu.memory_space<vmem>>
        %dma_wait3A_318 = arith.constant 0 : i32
        %dma_wait3A_319 = arith.constant 0 : i32
        %dma_wait3A_320 = tpu.memref_slice %arg13[%dma_wait3A_318, %dma_wait3A_319] : memref<10240x128xf32, #tpu.memory_space<vmem_shared>> -> memref<10240x128xf32, #tpu.memory_space<vmem_shared>>
        tpu.wait_indirect_dma semaphore(%run_scoped3A_308 : memref<!tpu.dma_semaphore, #tpu.memory_space<semaphore_mem>>) src(%arg10 : memref<128x128xf32, #tpu.memory_space<vmem>>) dst(%dma_wait3A_320 : memref<10240x128xf32, #tpu.memory_space<vmem_shared>>)
        tpu.yield
      }) : () -> ()
      %run_scoped3A_300 = arith.constant 7 : i32
      "tpu.region"() ({
        %run_scoped3A_308 = tpu.sem_alloc : memref<!tpu.dma_semaphore, #tpu.memory_space<semaphore_mem>>
        %dma_start3A_309 = arith.constant 0 : i32
        %dma_start3A_310 = tpu.memref_slice %arg8[%rem3A_129, %run_scoped3A_300, %dma_start3A_309] : memref<2x8x128xi32, #tpu.memory_space<vmem>> -> memref<1x1x128xi32, #tpu.memory_space<vmem>>
        %dma_start3A_311 = tpu.memref_squeeze %dma_start3A_310 : memref<1x1x128xi32, #tpu.memory_space<vmem>> -> memref<128xi32, #tpu.memory_space<vmem>>
        %dma_start3A_312 = arith.constant 0 : i32
        %dma_start3A_313 = tpu.memref_slice %arg16[%dma_start3A_312] : memref<10240xf32, #tpu.memory_space<vmem_shared>> -> memref<10240xf32, #tpu.memory_space<vmem_shared>>
        tpu.enqueue_indirect_dma source(%arg15 : memref<128xf32, #tpu.memory_space<vmem>>) target(%dma_start3A_313 : memref<10240xf32, #tpu.memory_space<vmem_shared>>) offsets(%dma_start3A_311 : memref<128xi32, #tpu.memory_space<vmem>>) semaphore(%run_scoped3A_308 : memref<!tpu.dma_semaphore, #tpu.memory_space<semaphore_mem>>) {add = true}
        %dma_wait3A_314 = arith.constant 0 : i32
        %dma_wait3A_315 = tpu.memref_slice %arg8[%rem3A_129, %run_scoped3A_300, %dma_wait3A_314] : memref<2x8x128xi32, #tpu.memory_space<vmem>> -> memref<1x1x128xi32, #tpu.memory_space<vmem>>
        %dma_wait3A_316 = tpu.memref_squeeze %dma_wait3A_315 : memref<1x1x128xi32, #tpu.memory_space<vmem>> -> memref<128xi32, #tpu.memory_space<vmem>>
        %dma_wait3A_317 = arith.constant 0 : i32
        %dma_wait3A_318 = tpu.memref_slice %arg16[%dma_wait3A_317] : memref<10240xf32, #tpu.memory_space<vmem_shared>> -> memref<10240xf32, #tpu.memory_space<vmem_shared>>
        tpu.wait_indirect_dma semaphore(%run_scoped3A_308 : memref<!tpu.dma_semaphore, #tpu.memory_space<semaphore_mem>>) src(%arg15 : memref<128xf32, #tpu.memory_space<vmem>>) dst(%dma_wait3A_318 : memref<10240xf32, #tpu.memory_space<vmem_shared>>)
        tpu.yield
      }) : () -> ()
      %add3A_301 = arith.constant 2 : i32
      %add3A_302 = arith.addi %add3A_290, %add3A_301 : i32
      %lt3A_303 = arith.constant 80 : i32
      %lt3A_304 = arith.cmpi slt, %add3A_302, %lt3A_303 : i32
      %convert_element_type3A_305 = arith.extui %lt3A_304 : i1 to i32
      %cond3A_306 = arith.constant 0 : i32
      %cond3A_307 = arith.cmpi ne, %convert_element_type3A_305, %cond3A_306 : i32
      scf.if %cond3A_307 {
        %sub3A = arith.constant 1 : i32
        %sub3A_308 = arith.subi %sub3A, %rem3A_129 : i32
        %dma_start3A_309 = arith.constant 1 : i32
        %dma_start3A_310 = arith.constant 0 : i32
        %dma_start3A_311 = tpu.memref_slice %arg7[%sub3A_308, %dma_start3A_309, %dma_start3A_310] : memref<2x8x128xi32, #tpu.memory_space<vmem>> -> memref<1x1x128xi32, #tpu.memory_space<vmem>>
        %dma_start3A_312 = tpu.memref_squeeze %dma_start3A_311 : memref<1x1x128xi32, #tpu.memory_space<vmem>> -> memref<128xi32, #tpu.memory_space<vmem>>
        %dma_start3A_313 = arith.constant 0 : i32
        %dma_start3A_314 = arith.constant 0 : i32
        %dma_start3A_315 = tpu.memref_slice %arg2[%dma_start3A_313, %dma_start3A_314] : memref<10000x128xf32, #tpu.memory_space<hbm>> -> memref<10000x128xf32, #tpu.memory_space<hbm>>
        tpu.enqueue_indirect_dma source(%dma_start3A_315 : memref<10000x128xf32, #tpu.memory_space<hbm>>) target(%arg10 : memref<128x128xf32, #tpu.memory_space<vmem>>) offsets(%dma_start3A_312 : memref<128xi32, #tpu.memory_space<vmem>>) semaphore(%arg12 : memref<!tpu.dma_semaphore, #tpu.memory_space<semaphore_mem>>)
      } else {
      }
    }
    %scan3A_118 = arith.constant 10 : i32
    %barrier3A_119 = arith.constant 0 : index
    tpu.barrier barrier_id(%barrier3A_119)
    %mul3A_120 = arith.constant 640 : i32
    %mul3A_121 = arith.muli %arg1, %mul3A_120 : i32
    %mul3A_122 = arith.constant 640 : i32
    %mul3A_123 = arith.muli %arg1, %mul3A_122 : i32
    "tpu.region"() ({
      %run_scoped3A_128 = tpu.sem_alloc : memref<!tpu.dma_semaphore, #tpu.memory_space<semaphore_mem>>
      %dma_start3A_129 = arith.constant 0 : i32
      %dma_start3A_130 = tpu.memref_slice %arg5[%arg0, %mul3A_123, %dma_start3A_129] : memref<2x10240x128xf32, #tpu.memory_space<hbm>> -> memref<1x640x128xf32, #tpu.memory_space<hbm>>
      %dma_start3A_131 = tpu.memref_squeeze %dma_start3A_130 : memref<1x640x128xf32, #tpu.memory_space<hbm>> -> memref<640x128xf32, #tpu.memory_space<hbm>>
      %dma_start3A_132 = arith.constant 0 : i32
      %dma_start3A_133 = tpu.memref_slice %arg13[%mul3A_121, %dma_start3A_132] : memref<10240x128xf32, #tpu.memory_space<vmem_shared>> -> memref<640x128xf32, #tpu.memory_space<vmem_shared>>
      tpu.enqueue_dma source(%dma_start3A_133 : memref<640x128xf32, #tpu.memory_space<vmem_shared>>) target(%dma_start3A_131 : memref<640x128xf32, #tpu.memory_space<hbm>>) target_semaphore(%run_scoped3A_128 : memref<!tpu.dma_semaphore, #tpu.memory_space<semaphore_mem>>)
      %dma_wait3A = arith.constant 0 : i32
      %dma_wait3A_134 = tpu.memref_slice %arg5[%arg0, %mul3A_123, %dma_wait3A] : memref<2x10240x128xf32, #tpu.memory_space<hbm>> -> memref<1x640x128xf32, #tpu.memory_space<hbm>>
      %dma_wait3A_135 = tpu.memref_squeeze %dma_wait3A_134 : memref<1x640x128xf32, #tpu.memory_space<hbm>> -> memref<640x128xf32, #tpu.memory_space<hbm>>
      %dma_wait3A_136 = arith.constant 0 : i32
      %dma_wait3A_137 = tpu.memref_slice %arg13[%mul3A_121, %dma_wait3A_136] : memref<10240x128xf32, #tpu.memory_space<vmem_shared>> -> memref<640x128xf32, #tpu.memory_space<vmem_shared>>
      tpu.wait_dma2 semaphore(%run_scoped3A_128 : memref<!tpu.dma_semaphore, #tpu.memory_space<semaphore_mem>>) src(%dma_wait3A_137 : memref<640x128xf32, #tpu.memory_space<vmem_shared>>) dst(%dma_wait3A_135 : memref<640x128xf32, #tpu.memory_space<hbm>>)
      tpu.yield
    }) : () -> ()
    %mul3A_124 = arith.constant 640 : i32
    %mul3A_125 = arith.muli %arg1, %mul3A_124 : i32
    %mul3A_126 = arith.constant 640 : i32
    %mul3A_127 = arith.muli %arg1, %mul3A_126 : i32
    "tpu.region"() ({
      %run_scoped3A_128 = tpu.sem_alloc : memref<!tpu.dma_semaphore, #tpu.memory_space<semaphore_mem>>
      %dma_start3A_129 = tpu.memref_slice %arg6[%arg0, %mul3A_127] : memref<2x10240xf32, #tpu.memory_space<hbm>> -> memref<1x640xf32, #tpu.memory_space<hbm>>
      %dma_start3A_130 = tpu.memref_squeeze %dma_start3A_129 : memref<1x640xf32, #tpu.memory_space<hbm>> -> memref<640xf32, #tpu.memory_space<hbm>>
      %dma_start3A_131 = tpu.memref_slice %arg16[%mul3A_125] : memref<10240xf32, #tpu.memory_space<vmem_shared>> -> memref<640xf32, #tpu.memory_space<vmem_shared>>
      tpu.enqueue_dma source(%dma_start3A_131 : memref<640xf32, #tpu.memory_space<vmem_shared>>) target(%dma_start3A_130 : memref<640xf32, #tpu.memory_space<hbm>>) target_semaphore(%run_scoped3A_128 : memref<!tpu.dma_semaphore, #tpu.memory_space<semaphore_mem>>)
      %dma_wait3A = tpu.memref_slice %arg6[%arg0, %mul3A_127] : memref<2x10240xf32, #tpu.memory_space<hbm>> -> memref<1x640xf32, #tpu.memory_space<hbm>>
      %dma_wait3A_132 = tpu.memref_squeeze %dma_wait3A : memref<1x640xf32, #tpu.memory_space<hbm>> -> memref<640xf32, #tpu.memory_space<hbm>>
      %dma_wait3A_133 = tpu.memref_slice %arg16[%mul3A_125] : memref<10240xf32, #tpu.memory_space<vmem_shared>> -> memref<640xf32, #tpu.memory_space<vmem_shared>>
      tpu.wait_dma2 semaphore(%run_scoped3A_128 : memref<!tpu.dma_semaphore, #tpu.memory_space<semaphore_mem>>) src(%dma_wait3A_133 : memref<640xf32, #tpu.memory_space<vmem_shared>>) dst(%dma_wait3A_132 : memref<640xf32, #tpu.memory_space<hbm>>)
      tpu.yield
    }) : () -> ()
    return
  }
}

#map = affine_map<(d0, d1) -> (0, 0)>
#map1 = affine_map<(d0, d1) -> (0, 0, 0)>
module attributes {stable_mosaic.version = 14 : i64} {
  func.func @body(%arg0: i32, %arg1: i32, %arg2: memref<10000x128xf32, #tpu.memory_space<hbm>>, %arg3: memref<32x80x128xi32, #tpu.memory_space<hbm>>, %arg4: memref<32x80x128xi32, #tpu.memory_space<hbm>>, %arg5: memref<2x10240x128xf32, #tpu.memory_space<hbm>>, %arg6: memref<2x8x128xi32, #tpu.memory_space<vmem>>, %arg7: memref<2x8x128xi32, #tpu.memory_space<vmem>>, %arg8: memref<128x128xf32, #tpu.memory_space<vmem>>, %arg9: memref<128x128xf32, #tpu.memory_space<vmem>>, %arg10: memref<!tpu.dma_semaphore, #tpu.memory_space<semaphore_mem>>, %arg11: memref<!tpu.dma_semaphore, #tpu.memory_space<semaphore_mem>>, %arg12: memref<10240x128xf32, #tpu.memory_space<vmem_shared>>, %arg13: memref<!tpu.dma_semaphore, #tpu.memory_space<semaphore_mem>>) attributes {dimension_semantics = [#tpu.dimension_semantics<core_parallel>, #tpu.dimension_semantics<subcore_parallel>], iteration_bounds = array<i64: 2, 16>, scalar_prefetch = 0 : i64, scratch_operands = 8 : i64, tpu.core_type = #tpu.core_type<sc_vector_subcore>, window_params = [{transform_indices = #map}, {transform_indices = #map1}, {transform_indices = #map1}, {transform_indices = #map1}]} {
    %mul3A = arith.constant 2 : i32
    %mul3A_0 = arith.muli %arg1, %mul3A : i32
    %add3A = arith.addi %mul3A_0, %arg0 : i32
    %scan3A = arith.constant 0 : i32
    %scan3A_1 = arith.constant 0 : i32
    %scan3A_2 = arith.constant 128 : i32
    %scan3A_3 = arith.addi %scan3A_1, %scan3A_2 : i32
    %scan3A_4 = arith.constant 1 : i32
    scf.for %scan3A_53 = %scan3A_1 to %scan3A_3 step %scan3A_4  : i32 {
      %broadcast_in_dim3A = arith.constant 0.000000e+00 : f32
      %broadcast_in_dim3A_54 = vector.broadcast %broadcast_in_dim3A : f32 to vector<16xf32>
      %swap3A = arith.index_cast %scan3A_53 : i32 to index
      %swap3A_55 = arith.constant 0 : index
      %swap3A_56 = tpu.vector_load %arg8[%swap3A, %swap3A_55] {strides = array<i32>} : memref<128x128xf32, #tpu.memory_space<vmem>>, vector<1x16xf32>,
      %swap3A_57 = vector.shape_cast %swap3A_56 : vector<1x16xf32> to vector<16xf32>
      %swap3A_58 = vector.shape_cast %broadcast_in_dim3A_54 : vector<16xf32> to vector<1x16xf32>
      tpu.vector_store %arg8[%swap3A, %swap3A_55], %swap3A_58 {strides = array<i32>} : memref<128x128xf32, #tpu.memory_space<vmem>>, vector<1x16xf32>,
      %broadcast_in_dim3A_59 = arith.constant 0.000000e+00 : f32
      %broadcast_in_dim3A_60 = vector.broadcast %broadcast_in_dim3A_59 : f32 to vector<16xf32>
      %swap3A_61 = arith.index_cast %scan3A_53 : i32 to index
      %swap3A_62 = arith.constant 16 : index
      %swap3A_63 = tpu.vector_load %arg8[%swap3A_61, %swap3A_62] {strides = array<i32>} : memref<128x128xf32, #tpu.memory_space<vmem>>, vector<1x16xf32>,
      %swap3A_64 = vector.shape_cast %swap3A_63 : vector<1x16xf32> to vector<16xf32>
      %swap3A_65 = vector.shape_cast %broadcast_in_dim3A_60 : vector<16xf32> to vector<1x16xf32>
      tpu.vector_store %arg8[%swap3A_61, %swap3A_62], %swap3A_65 {strides = array<i32>} : memref<128x128xf32, #tpu.memory_space<vmem>>, vector<1x16xf32>,
      %broadcast_in_dim3A_66 = arith.constant 0.000000e+00 : f32
      %broadcast_in_dim3A_67 = vector.broadcast %broadcast_in_dim3A_66 : f32 to vector<16xf32>
      %swap3A_68 = arith.index_cast %scan3A_53 : i32 to index
      %swap3A_69 = arith.constant 32 : index
      %swap3A_70 = tpu.vector_load %arg8[%swap3A_68, %swap3A_69] {strides = array<i32>} : memref<128x128xf32, #tpu.memory_space<vmem>>, vector<1x16xf32>,
      %swap3A_71 = vector.shape_cast %swap3A_70 : vector<1x16xf32> to vector<16xf32>
      %swap3A_72 = vector.shape_cast %broadcast_in_dim3A_67 : vector<16xf32> to vector<1x16xf32>
      tpu.vector_store %arg8[%swap3A_68, %swap3A_69], %swap3A_72 {strides = array<i32>} : memref<128x128xf32, #tpu.memory_space<vmem>>, vector<1x16xf32>,
      %broadcast_in_dim3A_73 = arith.constant 0.000000e+00 : f32
      %broadcast_in_dim3A_74 = vector.broadcast %broadcast_in_dim3A_73 : f32 to vector<16xf32>
      %swap3A_75 = arith.index_cast %scan3A_53 : i32 to index
      %swap3A_76 = arith.constant 48 : index
      %swap3A_77 = tpu.vector_load %arg8[%swap3A_75, %swap3A_76] {strides = array<i32>} : memref<128x128xf32, #tpu.memory_space<vmem>>, vector<1x16xf32>,
      %swap3A_78 = vector.shape_cast %swap3A_77 : vector<1x16xf32> to vector<16xf32>
      %swap3A_79 = vector.shape_cast %broadcast_in_dim3A_74 : vector<16xf32> to vector<1x16xf32>
      tpu.vector_store %arg8[%swap3A_75, %swap3A_76], %swap3A_79 {strides = array<i32>} : memref<128x128xf32, #tpu.memory_space<vmem>>, vector<1x16xf32>,
      %broadcast_in_dim3A_80 = arith.constant 0.000000e+00 : f32
      %broadcast_in_dim3A_81 = vector.broadcast %broadcast_in_dim3A_80 : f32 to vector<16xf32>
      %swap3A_82 = arith.index_cast %scan3A_53 : i32 to index
      %swap3A_83 = arith.constant 64 : index
      %swap3A_84 = tpu.vector_load %arg8[%swap3A_82, %swap3A_83] {strides = array<i32>} : memref<128x128xf32, #tpu.memory_space<vmem>>, vector<1x16xf32>,
      %swap3A_85 = vector.shape_cast %swap3A_84 : vector<1x16xf32> to vector<16xf32>
      %swap3A_86 = vector.shape_cast %broadcast_in_dim3A_81 : vector<16xf32> to vector<1x16xf32>
      tpu.vector_store %arg8[%swap3A_82, %swap3A_83], %swap3A_86 {strides = array<i32>} : memref<128x128xf32, #tpu.memory_space<vmem>>, vector<1x16xf32>,
      %broadcast_in_dim3A_87 = arith.constant 0.000000e+00 : f32
      %broadcast_in_dim3A_88 = vector.broadcast %broadcast_in_dim3A_87 : f32 to vector<16xf32>
      %swap3A_89 = arith.index_cast %scan3A_53 : i32 to index
      %swap3A_90 = arith.constant 80 : index
      %swap3A_91 = tpu.vector_load %arg8[%swap3A_89, %swap3A_90] {strides = array<i32>} : memref<128x128xf32, #tpu.memory_space<vmem>>, vector<1x16xf32>,
      %swap3A_92 = vector.shape_cast %swap3A_91 : vector<1x16xf32> to vector<16xf32>
      %swap3A_93 = vector.shape_cast %broadcast_in_dim3A_88 : vector<16xf32> to vector<1x16xf32>
      tpu.vector_store %arg8[%swap3A_89, %swap3A_90], %swap3A_93 {strides = array<i32>} : memref<128x128xf32, #tpu.memory_space<vmem>>, vector<1x16xf32>,
      %broadcast_in_dim3A_94 = arith.constant 0.000000e+00 : f32
      %broadcast_in_dim3A_95 = vector.broadcast %broadcast_in_dim3A_94 : f32 to vector<16xf32>
      %swap3A_96 = arith.index_cast %scan3A_53 : i32 to index
      %swap3A_97 = arith.constant 96 : index
      %swap3A_98 = tpu.vector_load %arg8[%swap3A_96, %swap3A_97] {strides = array<i32>} : memref<128x128xf32, #tpu.memory_space<vmem>>, vector<1x16xf32>,
      %swap3A_99 = vector.shape_cast %swap3A_98 : vector<1x16xf32> to vector<16xf32>
      %swap3A_100 = vector.shape_cast %broadcast_in_dim3A_95 : vector<16xf32> to vector<1x16xf32>
      tpu.vector_store %arg8[%swap3A_96, %swap3A_97], %swap3A_100 {strides = array<i32>} : memref<128x128xf32, #tpu.memory_space<vmem>>, vector<1x16xf32>,
      %broadcast_in_dim3A_101 = arith.constant 0.000000e+00 : f32
      %broadcast_in_dim3A_102 = vector.broadcast %broadcast_in_dim3A_101 : f32 to vector<16xf32>
      %swap3A_103 = arith.index_cast %scan3A_53 : i32 to index
      %swap3A_104 = arith.constant 112 : index
      %swap3A_105 = tpu.vector_load %arg8[%swap3A_103, %swap3A_104] {strides = array<i32>} : memref<128x128xf32, #tpu.memory_space<vmem>>, vector<1x16xf32>,
      %swap3A_106 = vector.shape_cast %swap3A_105 : vector<1x16xf32> to vector<16xf32>
      %swap3A_107 = vector.shape_cast %broadcast_in_dim3A_102 : vector<16xf32> to vector<1x16xf32>
      tpu.vector_store %arg8[%swap3A_103, %swap3A_104], %swap3A_107 {strides = array<i32>} : memref<128x128xf32, #tpu.memory_space<vmem>>, vector<1x16xf32>,
    }
    %scan3A_5 = arith.constant 128 : i32
    %mul3A_6 = arith.constant 640 : i32
    %mul3A_7 = arith.muli %arg1, %mul3A_6 : i32
    %add3A_8 = arith.constant 0 : i32
    %add3A_9 = arith.addi %mul3A_7, %add3A_8 : i32
    "tpu.region"() ({
      %run_scoped3A_53 = tpu.sem_alloc : memref<!tpu.dma_semaphore, #tpu.memory_space<semaphore_mem>>
      %dma_start3A_54 = arith.constant 0 : i32
      %dma_start3A_55 = tpu.memref_slice %arg12[%add3A_9, %dma_start3A_54] : memref<10240x128xf32, #tpu.memory_space<vmem_shared>> -> memref<128x128xf32, #tpu.memory_space<vmem_shared>>
      %dma_start3A_56 = arith.constant 0 : i32
      %dma_start3A_57 = tpu.memref_slice %arg12[%add3A_9, %dma_start3A_56] : memref<10240x128xf32, #tpu.memory_space<vmem_shared>> -> memref<128x128xf32, #tpu.memory_space<vmem_shared>>
      tpu.enqueue_dma source(%arg8 : memref<128x128xf32, #tpu.memory_space<vmem>>) target(%dma_start3A_57 : memref<128x128xf32, #tpu.memory_space<vmem_shared>>) target_semaphore(%run_scoped3A_53 : memref<!tpu.dma_semaphore, #tpu.memory_space<semaphore_mem>>)
      %dma_wait3A = arith.constant 0 : i32
      %dma_wait3A_58 = tpu.memref_slice %arg12[%add3A_9, %dma_wait3A] : memref<10240x128xf32, #tpu.memory_space<vmem_shared>> -> memref<128x128xf32, #tpu.memory_space<vmem_shared>>
      %dma_wait3A_59 = arith.constant 0 : i32
      %dma_wait3A_60 = tpu.memref_slice %arg12[%add3A_9, %dma_wait3A_59] : memref<10240x128xf32, #tpu.memory_space<vmem_shared>> -> memref<128x128xf32, #tpu.memory_space<vmem_shared>>
      tpu.wait_dma2 semaphore(%run_scoped3A_53 : memref<!tpu.dma_semaphore, #tpu.memory_space<semaphore_mem>>) src(%arg8 : memref<128x128xf32, #tpu.memory_space<vmem>>) dst(%dma_wait3A_60 : memref<128x128xf32, #tpu.memory_space<vmem_shared>>)
      tpu.yield
    }) : () -> ()
    %mul3A_10 = arith.constant 640 : i32
    %mul3A_11 = arith.muli %arg1, %mul3A_10 : i32
    %add3A_12 = arith.constant 128 : i32
    %add3A_13 = arith.addi %mul3A_11, %add3A_12 : i32
    "tpu.region"() ({
      %run_scoped3A_53 = tpu.sem_alloc : memref<!tpu.dma_semaphore, #tpu.memory_space<semaphore_mem>>
      %dma_start3A_54 = arith.constant 0 : i32
      %dma_start3A_55 = tpu.memref_slice %arg12[%add3A_13, %dma_start3A_54] : memref<10240x128xf32, #tpu.memory_space<vmem_shared>> -> memref<128x128xf32, #tpu.memory_space<vmem_shared>>
      %dma_start3A_56 = arith.constant 0 : i32
      %dma_start3A_57 = tpu.memref_slice %arg12[%add3A_13, %dma_start3A_56] : memref<10240x128xf32, #tpu.memory_space<vmem_shared>> -> memref<128x128xf32, #tpu.memory_space<vmem_shared>>
      tpu.enqueue_dma source(%arg8 : memref<128x128xf32, #tpu.memory_space<vmem>>) target(%dma_start3A_57 : memref<128x128xf32, #tpu.memory_space<vmem_shared>>) target_semaphore(%run_scoped3A_53 : memref<!tpu.dma_semaphore, #tpu.memory_space<semaphore_mem>>)
      %dma_wait3A = arith.constant 0 : i32
      %dma_wait3A_58 = tpu.memref_slice %arg12[%add3A_13, %dma_wait3A] : memref<10240x128xf32, #tpu.memory_space<vmem_shared>> -> memref<128x128xf32, #tpu.memory_space<vmem_shared>>
      %dma_wait3A_59 = arith.constant 0 : i32
      %dma_wait3A_60 = tpu.memref_slice %arg12[%add3A_13, %dma_wait3A_59] : memref<10240x128xf32, #tpu.memory_space<vmem_shared>> -> memref<128x128xf32, #tpu.memory_space<vmem_shared>>
      tpu.wait_dma2 semaphore(%run_scoped3A_53 : memref<!tpu.dma_semaphore, #tpu.memory_space<semaphore_mem>>) src(%arg8 : memref<128x128xf32, #tpu.memory_space<vmem>>) dst(%dma_wait3A_60 : memref<128x128xf32, #tpu.memory_space<vmem_shared>>)
      tpu.yield
    }) : () -> ()
    %mul3A_14 = arith.constant 640 : i32
    %mul3A_15 = arith.muli %arg1, %mul3A_14 : i32
    %add3A_16 = arith.constant 256 : i32
    %add3A_17 = arith.addi %mul3A_15, %add3A_16 : i32
    "tpu.region"() ({
      %run_scoped3A_53 = tpu.sem_alloc : memref<!tpu.dma_semaphore, #tpu.memory_space<semaphore_mem>>
      %dma_start3A_54 = arith.constant 0 : i32
      %dma_start3A_55 = tpu.memref_slice %arg12[%add3A_17, %dma_start3A_54] : memref<10240x128xf32, #tpu.memory_space<vmem_shared>> -> memref<128x128xf32, #tpu.memory_space<vmem_shared>>
      %dma_start3A_56 = arith.constant 0 : i32
      %dma_start3A_57 = tpu.memref_slice %arg12[%add3A_17, %dma_start3A_56] : memref<10240x128xf32, #tpu.memory_space<vmem_shared>> -> memref<128x128xf32, #tpu.memory_space<vmem_shared>>
      tpu.enqueue_dma source(%arg8 : memref<128x128xf32, #tpu.memory_space<vmem>>) target(%dma_start3A_57 : memref<128x128xf32, #tpu.memory_space<vmem_shared>>) target_semaphore(%run_scoped3A_53 : memref<!tpu.dma_semaphore, #tpu.memory_space<semaphore_mem>>)
      %dma_wait3A = arith.constant 0 : i32
      %dma_wait3A_58 = tpu.memref_slice %arg12[%add3A_17, %dma_wait3A] : memref<10240x128xf32, #tpu.memory_space<vmem_shared>> -> memref<128x128xf32, #tpu.memory_space<vmem_shared>>
      %dma_wait3A_59 = arith.constant 0 : i32
      %dma_wait3A_60 = tpu.memref_slice %arg12[%add3A_17, %dma_wait3A_59] : memref<10240x128xf32, #tpu.memory_space<vmem_shared>> -> memref<128x128xf32, #tpu.memory_space<vmem_shared>>
      tpu.wait_dma2 semaphore(%run_scoped3A_53 : memref<!tpu.dma_semaphore, #tpu.memory_space<semaphore_mem>>) src(%arg8 : memref<128x128xf32, #tpu.memory_space<vmem>>) dst(%dma_wait3A_60 : memref<128x128xf32, #tpu.memory_space<vmem_shared>>)
      tpu.yield
    }) : () -> ()
    %mul3A_18 = arith.constant 640 : i32
    %mul3A_19 = arith.muli %arg1, %mul3A_18 : i32
    %add3A_20 = arith.constant 384 : i32
    %add3A_21 = arith.addi %mul3A_19, %add3A_20 : i32
    "tpu.region"() ({
      %run_scoped3A_53 = tpu.sem_alloc : memref<!tpu.dma_semaphore, #tpu.memory_space<semaphore_mem>>
      %dma_start3A_54 = arith.constant 0 : i32
      %dma_start3A_55 = tpu.memref_slice %arg12[%add3A_21, %dma_start3A_54] : memref<10240x128xf32, #tpu.memory_space<vmem_shared>> -> memref<128x128xf32, #tpu.memory_space<vmem_shared>>
      %dma_start3A_56 = arith.constant 0 : i32
      %dma_start3A_57 = tpu.memref_slice %arg12[%add3A_21, %dma_start3A_56] : memref<10240x128xf32, #tpu.memory_space<vmem_shared>> -> memref<128x128xf32, #tpu.memory_space<vmem_shared>>
      tpu.enqueue_dma source(%arg8 : memref<128x128xf32, #tpu.memory_space<vmem>>) target(%dma_start3A_57 : memref<128x128xf32, #tpu.memory_space<vmem_shared>>) target_semaphore(%run_scoped3A_53 : memref<!tpu.dma_semaphore, #tpu.memory_space<semaphore_mem>>)
      %dma_wait3A = arith.constant 0 : i32
      %dma_wait3A_58 = tpu.memref_slice %arg12[%add3A_21, %dma_wait3A] : memref<10240x128xf32, #tpu.memory_space<vmem_shared>> -> memref<128x128xf32, #tpu.memory_space<vmem_shared>>
      %dma_wait3A_59 = arith.constant 0 : i32
      %dma_wait3A_60 = tpu.memref_slice %arg12[%add3A_21, %dma_wait3A_59] : memref<10240x128xf32, #tpu.memory_space<vmem_shared>> -> memref<128x128xf32, #tpu.memory_space<vmem_shared>>
      tpu.wait_dma2 semaphore(%run_scoped3A_53 : memref<!tpu.dma_semaphore, #tpu.memory_space<semaphore_mem>>) src(%arg8 : memref<128x128xf32, #tpu.memory_space<vmem>>) dst(%dma_wait3A_60 : memref<128x128xf32, #tpu.memory_space<vmem_shared>>)
      tpu.yield
    }) : () -> ()
    %mul3A_22 = arith.constant 640 : i32
    %mul3A_23 = arith.muli %arg1, %mul3A_22 : i32
    %add3A_24 = arith.constant 512 : i32
    %add3A_25 = arith.addi %mul3A_23, %add3A_24 : i32
    "tpu.region"() ({
      %run_scoped3A_53 = tpu.sem_alloc : memref<!tpu.dma_semaphore, #tpu.memory_space<semaphore_mem>>
      %dma_start3A_54 = arith.constant 0 : i32
      %dma_start3A_55 = tpu.memref_slice %arg12[%add3A_25, %dma_start3A_54] : memref<10240x128xf32, #tpu.memory_space<vmem_shared>> -> memref<128x128xf32, #tpu.memory_space<vmem_shared>>
      %dma_start3A_56 = arith.constant 0 : i32
      %dma_start3A_57 = tpu.memref_slice %arg12[%add3A_25, %dma_start3A_56] : memref<10240x128xf32, #tpu.memory_space<vmem_shared>> -> memref<128x128xf32, #tpu.memory_space<vmem_shared>>
      tpu.enqueue_dma source(%arg8 : memref<128x128xf32, #tpu.memory_space<vmem>>) target(%dma_start3A_57 : memref<128x128xf32, #tpu.memory_space<vmem_shared>>) target_semaphore(%run_scoped3A_53 : memref<!tpu.dma_semaphore, #tpu.memory_space<semaphore_mem>>)
      %dma_wait3A = arith.constant 0 : i32
      %dma_wait3A_58 = tpu.memref_slice %arg12[%add3A_25, %dma_wait3A] : memref<10240x128xf32, #tpu.memory_space<vmem_shared>> -> memref<128x128xf32, #tpu.memory_space<vmem_shared>>
      %dma_wait3A_59 = arith.constant 0 : i32
      %dma_wait3A_60 = tpu.memref_slice %arg12[%add3A_25, %dma_wait3A_59] : memref<10240x128xf32, #tpu.memory_space<vmem_shared>> -> memref<128x128xf32, #tpu.memory_space<vmem_shared>>
      tpu.wait_dma2 semaphore(%run_scoped3A_53 : memref<!tpu.dma_semaphore, #tpu.memory_space<semaphore_mem>>) src(%arg8 : memref<128x128xf32, #tpu.memory_space<vmem>>) dst(%dma_wait3A_60 : memref<128x128xf32, #tpu.memory_space<vmem_shared>>)
      tpu.yield
    }) : () -> ()
    %barrier3A = arith.constant 0 : index
    tpu.barrier barrier_id(%barrier3A)
    %run_scoped3A = arith.constant 0 : i32
    "tpu.region"() ({
      %run_scoped3A_53 = tpu.sem_alloc : memref<!tpu.dma_semaphore, #tpu.memory_space<semaphore_mem>>
      %dma_start3A_54 = arith.constant 0 : i32
      %dma_start3A_55 = arith.constant 0 : i32
      %dma_start3A_56 = tpu.memref_slice %arg6[%run_scoped3A, %dma_start3A_54, %dma_start3A_55] : memref<2x8x128xi32, #tpu.memory_space<vmem>> -> memref<1x8x128xi32, #tpu.memory_space<vmem>>
      %dma_start3A_57 = tpu.memref_squeeze %dma_start3A_56 : memref<1x8x128xi32, #tpu.memory_space<vmem>> -> memref<8x128xi32, #tpu.memory_space<vmem>>
      %dma_start3A_58 = arith.constant 0 : i32
      %dma_start3A_59 = arith.constant 0 : i32
      %dma_start3A_60 = tpu.memref_slice %arg3[%add3A, %dma_start3A_58, %dma_start3A_59] : memref<32x80x128xi32, #tpu.memory_space<hbm>> -> memref<1x8x128xi32, #tpu.memory_space<hbm>>
      %dma_start3A_61 = tpu.memref_squeeze %dma_start3A_60 : memref<1x8x128xi32, #tpu.memory_space<hbm>> -> memref<8x128xi32, #tpu.memory_space<hbm>>
      %dma_start3A_62 = arith.constant 0 : i32
      %dma_start3A_63 = arith.constant 0 : i32
      %dma_start3A_64 = tpu.memref_slice %arg6[%run_scoped3A, %dma_start3A_62, %dma_start3A_63] : memref<2x8x128xi32, #tpu.memory_space<vmem>> -> memref<1x8x128xi32, #tpu.memory_space<vmem>>
      %dma_start3A_65 = tpu.memref_squeeze %dma_start3A_64 : memref<1x8x128xi32, #tpu.memory_space<vmem>> -> memref<8x128xi32, #tpu.memory_space<vmem>>
      %dma_start3A_66 = arith.constant 0 : i32
      %dma_start3A_67 = arith.constant 0 : i32
      %dma_start3A_68 = tpu.memref_slice %arg3[%add3A, %dma_start3A_66, %dma_start3A_67] : memref<32x80x128xi32, #tpu.memory_space<hbm>> -> memref<1x8x128xi32, #tpu.memory_space<hbm>>
      %dma_start3A_69 = tpu.memref_squeeze %dma_start3A_68 : memref<1x8x128xi32, #tpu.memory_space<hbm>> -> memref<8x128xi32, #tpu.memory_space<hbm>>
      tpu.enqueue_dma source(%dma_start3A_69 : memref<8x128xi32, #tpu.memory_space<hbm>>) target(%dma_start3A_65 : memref<8x128xi32, #tpu.memory_space<vmem>>) target_semaphore(%run_scoped3A_53 : memref<!tpu.dma_semaphore, #tpu.memory_space<semaphore_mem>>)
      %dma_wait3A = arith.constant 0 : i32
      %dma_wait3A_70 = arith.constant 0 : i32
      %dma_wait3A_71 = tpu.memref_slice %arg6[%run_scoped3A, %dma_wait3A, %dma_wait3A_70] : memref<2x8x128xi32, #tpu.memory_space<vmem>> -> memref<1x8x128xi32, #tpu.memory_space<vmem>>
      %dma_wait3A_72 = tpu.memref_squeeze %dma_wait3A_71 : memref<1x8x128xi32, #tpu.memory_space<vmem>> -> memref<8x128xi32, #tpu.memory_space<vmem>>
      %dma_wait3A_73 = arith.constant 0 : i32
      %dma_wait3A_74 = arith.constant 0 : i32
      %dma_wait3A_75 = tpu.memref_slice %arg3[%add3A, %dma_wait3A_73, %dma_wait3A_74] : memref<32x80x128xi32, #tpu.memory_space<hbm>> -> memref<1x8x128xi32, #tpu.memory_space<hbm>>
      %dma_wait3A_76 = tpu.memref_squeeze %dma_wait3A_75 : memref<1x8x128xi32, #tpu.memory_space<hbm>> -> memref<8x128xi32, #tpu.memory_space<hbm>>
      %dma_wait3A_77 = arith.constant 0 : i32
      %dma_wait3A_78 = arith.constant 0 : i32
      %dma_wait3A_79 = tpu.memref_slice %arg6[%run_scoped3A, %dma_wait3A_77, %dma_wait3A_78] : memref<2x8x128xi32, #tpu.memory_space<vmem>> -> memref<1x8x128xi32, #tpu.memory_space<vmem>>
      %dma_wait3A_80 = tpu.memref_squeeze %dma_wait3A_79 : memref<1x8x128xi32, #tpu.memory_space<vmem>> -> memref<8x128xi32, #tpu.memory_space<vmem>>
      %dma_wait3A_81 = arith.constant 0 : i32
      %dma_wait3A_82 = arith.constant 0 : i32
      %dma_wait3A_83 = tpu.memref_slice %arg3[%add3A, %dma_wait3A_81, %dma_wait3A_82] : memref<32x80x128xi32, #tpu.memory_space<hbm>> -> memref<1x8x128xi32, #tpu.memory_space<hbm>>
      %dma_wait3A_84 = tpu.memref_squeeze %dma_wait3A_83 : memref<1x8x128xi32, #tpu.memory_space<hbm>> -> memref<8x128xi32, #tpu.memory_space<hbm>>
      tpu.wait_dma2 semaphore(%run_scoped3A_53 : memref<!tpu.dma_semaphore, #tpu.memory_space<semaphore_mem>>) src(%dma_wait3A_84 : memref<8x128xi32, #tpu.memory_space<hbm>>) dst(%dma_wait3A_80 : memref<8x128xi32, #tpu.memory_space<vmem>>)
      tpu.yield
    }) : () -> ()
    %run_scoped3A_26 = arith.constant 0 : i32
    "tpu.region"() ({
      %run_scoped3A_53 = tpu.sem_alloc : memref<!tpu.dma_semaphore, #tpu.memory_space<semaphore_mem>>
      %dma_start3A_54 = arith.constant 0 : i32
      %dma_start3A_55 = arith.constant 0 : i32
      %dma_start3A_56 = tpu.memref_slice %arg7[%run_scoped3A_26, %dma_start3A_54, %dma_start3A_55] : memref<2x8x128xi32, #tpu.memory_space<vmem>> -> memref<1x8x128xi32, #tpu.memory_space<vmem>>
      %dma_start3A_57 = tpu.memref_squeeze %dma_start3A_56 : memref<1x8x128xi32, #tpu.memory_space<vmem>> -> memref<8x128xi32, #tpu.memory_space<vmem>>
      %dma_start3A_58 = arith.constant 0 : i32
      %dma_start3A_59 = arith.constant 0 : i32
      %dma_start3A_60 = tpu.memref_slice %arg4[%add3A, %dma_start3A_58, %dma_start3A_59] : memref<32x80x128xi32, #tpu.memory_space<hbm>> -> memref<1x8x128xi32, #tpu.memory_space<hbm>>
      %dma_start3A_61 = tpu.memref_squeeze %dma_start3A_60 : memref<1x8x128xi32, #tpu.memory_space<hbm>> -> memref<8x128xi32, #tpu.memory_space<hbm>>
      %dma_start3A_62 = arith.constant 0 : i32
      %dma_start3A_63 = arith.constant 0 : i32
      %dma_start3A_64 = tpu.memref_slice %arg7[%run_scoped3A_26, %dma_start3A_62, %dma_start3A_63] : memref<2x8x128xi32, #tpu.memory_space<vmem>> -> memref<1x8x128xi32, #tpu.memory_space<vmem>>
      %dma_start3A_65 = tpu.memref_squeeze %dma_start3A_64 : memref<1x8x128xi32, #tpu.memory_space<vmem>> -> memref<8x128xi32, #tpu.memory_space<vmem>>
      %dma_start3A_66 = arith.constant 0 : i32
      %dma_start3A_67 = arith.constant 0 : i32
      %dma_start3A_68 = tpu.memref_slice %arg4[%add3A, %dma_start3A_66, %dma_start3A_67] : memref<32x80x128xi32, #tpu.memory_space<hbm>> -> memref<1x8x128xi32, #tpu.memory_space<hbm>>
      %dma_start3A_69 = tpu.memref_squeeze %dma_start3A_68 : memref<1x8x128xi32, #tpu.memory_space<hbm>> -> memref<8x128xi32, #tpu.memory_space<hbm>>
      tpu.enqueue_dma source(%dma_start3A_69 : memref<8x128xi32, #tpu.memory_space<hbm>>) target(%dma_start3A_65 : memref<8x128xi32, #tpu.memory_space<vmem>>) target_semaphore(%run_scoped3A_53 : memref<!tpu.dma_semaphore, #tpu.memory_space<semaphore_mem>>)
      %dma_wait3A = arith.constant 0 : i32
      %dma_wait3A_70 = arith.constant 0 : i32
      %dma_wait3A_71 = tpu.memref_slice %arg7[%run_scoped3A_26, %dma_wait3A, %dma_wait3A_70] : memref<2x8x128xi32, #tpu.memory_space<vmem>> -> memref<1x8x128xi32, #tpu.memory_space<vmem>>
      %dma_wait3A_72 = tpu.memref_squeeze %dma_wait3A_71 : memref<1x8x128xi32, #tpu.memory_space<vmem>> -> memref<8x128xi32, #tpu.memory_space<vmem>>
      %dma_wait3A_73 = arith.constant 0 : i32
      %dma_wait3A_74 = arith.constant 0 : i32
      %dma_wait3A_75 = tpu.memref_slice %arg4[%add3A, %dma_wait3A_73, %dma_wait3A_74] : memref<32x80x128xi32, #tpu.memory_space<hbm>> -> memref<1x8x128xi32, #tpu.memory_space<hbm>>
      %dma_wait3A_76 = tpu.memref_squeeze %dma_wait3A_75 : memref<1x8x128xi32, #tpu.memory_space<hbm>> -> memref<8x128xi32, #tpu.memory_space<hbm>>
      %dma_wait3A_77 = arith.constant 0 : i32
      %dma_wait3A_78 = arith.constant 0 : i32
      %dma_wait3A_79 = tpu.memref_slice %arg7[%run_scoped3A_26, %dma_wait3A_77, %dma_wait3A_78] : memref<2x8x128xi32, #tpu.memory_space<vmem>> -> memref<1x8x128xi32, #tpu.memory_space<vmem>>
      %dma_wait3A_80 = tpu.memref_squeeze %dma_wait3A_79 : memref<1x8x128xi32, #tpu.memory_space<vmem>> -> memref<8x128xi32, #tpu.memory_space<vmem>>
      %dma_wait3A_81 = arith.constant 0 : i32
      %dma_wait3A_82 = arith.constant 0 : i32
      %dma_wait3A_83 = tpu.memref_slice %arg4[%add3A, %dma_wait3A_81, %dma_wait3A_82] : memref<32x80x128xi32, #tpu.memory_space<hbm>> -> memref<1x8x128xi32, #tpu.memory_space<hbm>>
      %dma_wait3A_84 = tpu.memref_squeeze %dma_wait3A_83 : memref<1x8x128xi32, #tpu.memory_space<hbm>> -> memref<8x128xi32, #tpu.memory_space<hbm>>
      tpu.wait_dma2 semaphore(%run_scoped3A_53 : memref<!tpu.dma_semaphore, #tpu.memory_space<semaphore_mem>>) src(%dma_wait3A_84 : memref<8x128xi32, #tpu.memory_space<hbm>>) dst(%dma_wait3A_80 : memref<8x128xi32, #tpu.memory_space<vmem>>)
      tpu.yield
    }) : () -> ()
    %dma_start3A = arith.constant 0 : i32
    %dma_start3A_27 = arith.constant 0 : i32
    %dma_start3A_28 = arith.constant 0 : i32
    %dma_start3A_29 = tpu.memref_slice %arg6[%dma_start3A, %dma_start3A_27, %dma_start3A_28] : memref<2x8x128xi32, #tpu.memory_space<vmem>> -> memref<1x1x128xi32, #tpu.memory_space<vmem>>
    %dma_start3A_30 = tpu.memref_squeeze %dma_start3A_29 : memref<1x1x128xi32, #tpu.memory_space<vmem>> -> memref<128xi32, #tpu.memory_space<vmem>>
    %dma_start3A_31 = arith.constant 0 : i32
    %dma_start3A_32 = arith.constant 0 : i32
    %dma_start3A_33 = tpu.memref_slice %arg2[%dma_start3A_31, %dma_start3A_32] : memref<10000x128xf32, #tpu.memory_space<hbm>> -> memref<10000x128xf32, #tpu.memory_space<hbm>>
    tpu.enqueue_indirect_dma source(%dma_start3A_33 : memref<10000x128xf32, #tpu.memory_space<hbm>>) target(%arg8 : memref<128x128xf32, #tpu.memory_space<vmem>>) offsets(%dma_start3A_30 : memref<128xi32, #tpu.memory_space<vmem>>) semaphore(%arg10 : memref<!tpu.dma_semaphore, #tpu.memory_space<semaphore_mem>>)
    %dma_start3A_34 = arith.constant 0 : i32
    %dma_start3A_35 = arith.constant 1 : i32
    %dma_start3A_36 = arith.constant 0 : i32
    %dma_start3A_37 = tpu.memref_slice %arg6[%dma_start3A_34, %dma_start3A_35, %dma_start3A_36] : memref<2x8x128xi32, #tpu.memory_space<vmem>> -> memref<1x1x128xi32, #tpu.memory_space<vmem>>
    %dma_start3A_38 = tpu.memref_squeeze %dma_start3A_37 : memref<1x1x128xi32, #tpu.memory_space<vmem>> -> memref<128xi32, #tpu.memory_space<vmem>>
    %dma_start3A_39 = arith.constant 0 : i32
    %dma_start3A_40 = arith.constant 0 : i32
    %dma_start3A_41 = tpu.memref_slice %arg2[%dma_start3A_39, %dma_start3A_40] : memref<10000x128xf32, #tpu.memory_space<hbm>> -> memref<10000x128xf32, #tpu.memory_space<hbm>>
    tpu.enqueue_indirect_dma source(%dma_start3A_41 : memref<10000x128xf32, #tpu.memory_space<hbm>>) target(%arg9 : memref<128x128xf32, #tpu.memory_space<vmem>>) offsets(%dma_start3A_38 : memref<128xi32, #tpu.memory_space<vmem>>) semaphore(%arg11 : memref<!tpu.dma_semaphore, #tpu.memory_space<semaphore_mem>>)
    %scan3A_42 = arith.constant 0 : i32
    %scan3A_43 = arith.constant 0 : i32
    %scan3A_44 = arith.constant 10 : i32
    %scan3A_45 = arith.addi %scan3A_43, %scan3A_44 : i32
    %scan3A_46 = arith.constant 1 : i32
    scf.for %scan3A_53 = %scan3A_43 to %scan3A_45 step %scan3A_46  : i32 {
      %rem3A = arith.constant 2 : i32
      %rem3A_54 = arith.remsi %scan3A_53, %rem3A : i32
      %add3A_55 = arith.constant 1 : i32
      %add3A_56 = arith.addi %scan3A_53, %add3A_55 : i32
      %lt3A = arith.constant 10 : i32
      %lt3A_57 = arith.cmpi slt, %add3A_56, %lt3A : i32
      %convert_element_type3A = arith.extui %lt3A_57 : i1 to i32
      %cond3A = arith.constant 0 : i32
      %cond3A_58 = arith.cmpi ne, %convert_element_type3A, %cond3A : i32
      scf.if %cond3A_58 {
        %add3A_225 = arith.constant 1 : i32
        %add3A_226 = arith.addi %scan3A_53, %add3A_225 : i32
        %sub3A = arith.constant 1 : i32
        %sub3A_227 = arith.subi %sub3A, %rem3A_54 : i32
        %mul3A_228 = arith.constant 8 : i32
        %mul3A_229 = arith.muli %add3A_226, %mul3A_228 : i32
        %dma_start3A_230 = arith.constant 0 : i32
        %dma_start3A_231 = arith.constant 0 : i32
        %dma_start3A_232 = tpu.memref_slice %arg6[%sub3A_227, %dma_start3A_230, %dma_start3A_231] : memref<2x8x128xi32, #tpu.memory_space<vmem>> -> memref<1x8x128xi32, #tpu.memory_space<vmem>>
        %dma_start3A_233 = tpu.memref_squeeze %dma_start3A_232 : memref<1x8x128xi32, #tpu.memory_space<vmem>> -> memref<8x128xi32, #tpu.memory_space<vmem>>
        %dma_start3A_234 = arith.constant 0 : i32
        %dma_start3A_235 = tpu.memref_slice %arg3[%add3A, %mul3A_229, %dma_start3A_234] : memref<32x80x128xi32, #tpu.memory_space<hbm>> -> memref<1x8x128xi32, #tpu.memory_space<hbm>>
        %dma_start3A_236 = tpu.memref_squeeze %dma_start3A_235 : memref<1x8x128xi32, #tpu.memory_space<hbm>> -> memref<8x128xi32, #tpu.memory_space<hbm>>
        %dma_start3A_237 = arith.constant 0 : i32
        %dma_start3A_238 = arith.constant 0 : i32
        %dma_start3A_239 = tpu.memref_slice %arg6[%sub3A_227, %dma_start3A_237, %dma_start3A_238] : memref<2x8x128xi32, #tpu.memory_space<vmem>> -> memref<1x8x128xi32, #tpu.memory_space<vmem>>
        %dma_start3A_240 = tpu.memref_squeeze %dma_start3A_239 : memref<1x8x128xi32, #tpu.memory_space<vmem>> -> memref<8x128xi32, #tpu.memory_space<vmem>>
        %dma_start3A_241 = arith.constant 0 : i32
        %dma_start3A_242 = tpu.memref_slice %arg3[%add3A, %mul3A_229, %dma_start3A_241] : memref<32x80x128xi32, #tpu.memory_space<hbm>> -> memref<1x8x128xi32, #tpu.memory_space<hbm>>
        %dma_start3A_243 = tpu.memref_squeeze %dma_start3A_242 : memref<1x8x128xi32, #tpu.memory_space<hbm>> -> memref<8x128xi32, #tpu.memory_space<hbm>>
        tpu.enqueue_dma source(%dma_start3A_243 : memref<8x128xi32, #tpu.memory_space<hbm>>) target(%dma_start3A_240 : memref<8x128xi32, #tpu.memory_space<vmem>>) target_semaphore(%arg13 : memref<!tpu.dma_semaphore, #tpu.memory_space<semaphore_mem>>)
        %mul3A_244 = arith.constant 8 : i32
        %mul3A_245 = arith.muli %add3A_226, %mul3A_244 : i32
        %dma_start3A_246 = arith.constant 0 : i32
        %dma_start3A_247 = arith.constant 0 : i32
        %dma_start3A_248 = tpu.memref_slice %arg7[%sub3A_227, %dma_start3A_246, %dma_start3A_247] : memref<2x8x128xi32, #tpu.memory_space<vmem>> -> memref<1x8x128xi32, #tpu.memory_space<vmem>>
        %dma_start3A_249 = tpu.memref_squeeze %dma_start3A_248 : memref<1x8x128xi32, #tpu.memory_space<vmem>> -> memref<8x128xi32, #tpu.memory_space<vmem>>
        %dma_start3A_250 = arith.constant 0 : i32
        %dma_start3A_251 = tpu.memref_slice %arg4[%add3A, %mul3A_245, %dma_start3A_250] : memref<32x80x128xi32, #tpu.memory_space<hbm>> -> memref<1x8x128xi32, #tpu.memory_space<hbm>>
        %dma_start3A_252 = tpu.memref_squeeze %dma_start3A_251 : memref<1x8x128xi32, #tpu.memory_space<hbm>> -> memref<8x128xi32, #tpu.memory_space<hbm>>
        %dma_start3A_253 = arith.constant 0 : i32
        %dma_start3A_254 = arith.constant 0 : i32
        %dma_start3A_255 = tpu.memref_slice %arg7[%sub3A_227, %dma_start3A_253, %dma_start3A_254] : memref<2x8x128xi32, #tpu.memory_space<vmem>> -> memref<1x8x128xi32, #tpu.memory_space<vmem>>
        %dma_start3A_256 = tpu.memref_squeeze %dma_start3A_255 : memref<1x8x128xi32, #tpu.memory_space<vmem>> -> memref<8x128xi32, #tpu.memory_space<vmem>>
        %dma_start3A_257 = arith.constant 0 : i32
        %dma_start3A_258 = tpu.memref_slice %arg4[%add3A, %mul3A_245, %dma_start3A_257] : memref<32x80x128xi32, #tpu.memory_space<hbm>> -> memref<1x8x128xi32, #tpu.memory_space<hbm>>
        %dma_start3A_259 = tpu.memref_squeeze %dma_start3A_258 : memref<1x8x128xi32, #tpu.memory_space<hbm>> -> memref<8x128xi32, #tpu.memory_space<hbm>>
        tpu.enqueue_dma source(%dma_start3A_259 : memref<8x128xi32, #tpu.memory_space<hbm>>) target(%dma_start3A_256 : memref<8x128xi32, #tpu.memory_space<vmem>>) target_semaphore(%arg13 : memref<!tpu.dma_semaphore, #tpu.memory_space<semaphore_mem>>)
      } else {
      }
      %mul3A_59 = arith.constant 8 : i32
      %mul3A_60 = arith.muli %scan3A_53, %mul3A_59 : i32
      %add3A_61 = arith.constant 0 : i32
      %add3A_62 = arith.addi %mul3A_60, %add3A_61 : i32
      %dma_wait3A = arith.constant 0 : i32
      %dma_wait3A_63 = arith.constant 0 : i32
      %dma_wait3A_64 = arith.constant 0 : i32
      %dma_wait3A_65 = tpu.memref_slice %arg6[%dma_wait3A, %dma_wait3A_63, %dma_wait3A_64] : memref<2x8x128xi32, #tpu.memory_space<vmem>> -> memref<1x1x128xi32, #tpu.memory_space<vmem>>
      %dma_wait3A_66 = tpu.memref_squeeze %dma_wait3A_65 : memref<1x1x128xi32, #tpu.memory_space<vmem>> -> memref<128xi32, #tpu.memory_space<vmem>>
      %dma_wait3A_67 = arith.constant 0 : i32
      %dma_wait3A_68 = arith.constant 0 : i32
      %dma_wait3A_69 = tpu.memref_slice %arg2[%dma_wait3A_67, %dma_wait3A_68] : memref<10000x128xf32, #tpu.memory_space<hbm>> -> memref<10000x128xf32, #tpu.memory_space<hbm>>
      tpu.wait_indirect_dma semaphore(%arg10 : memref<!tpu.dma_semaphore, #tpu.memory_space<semaphore_mem>>) src(%dma_wait3A_69 : memref<10000x128xf32, #tpu.memory_space<hbm>>) dst(%arg8 : memref<128x128xf32, #tpu.memory_space<vmem>>)
      %run_scoped3A_70 = arith.constant 0 : i32
      "tpu.region"() ({
        %run_scoped3A_225 = tpu.sem_alloc : memref<!tpu.dma_semaphore, #tpu.memory_space<semaphore_mem>>
        %dma_start3A_226 = arith.constant 0 : i32
        %dma_start3A_227 = tpu.memref_slice %arg7[%rem3A_54, %run_scoped3A_70, %dma_start3A_226] : memref<2x8x128xi32, #tpu.memory_space<vmem>> -> memref<1x1x128xi32, #tpu.memory_space<vmem>>
        %dma_start3A_228 = tpu.memref_squeeze %dma_start3A_227 : memref<1x1x128xi32, #tpu.memory_space<vmem>> -> memref<128xi32, #tpu.memory_space<vmem>>
        %dma_start3A_229 = arith.constant 0 : i32
        %dma_start3A_230 = arith.constant 0 : i32
        %dma_start3A_231 = tpu.memref_slice %arg12[%dma_start3A_229, %dma_start3A_230] : memref<10240x128xf32, #tpu.memory_space<vmem_shared>> -> memref<10240x128xf32, #tpu.memory_space<vmem_shared>>
        tpu.enqueue_indirect_dma source(%arg8 : memref<128x128xf32, #tpu.memory_space<vmem>>) target(%dma_start3A_231 : memref<10240x128xf32, #tpu.memory_space<vmem_shared>>) offsets(%dma_start3A_228 : memref<128xi32, #tpu.memory_space<vmem>>) semaphore(%run_scoped3A_225 : memref<!tpu.dma_semaphore, #tpu.memory_space<semaphore_mem>>) {add = true}
        %dma_wait3A_232 = arith.constant 0 : i32
        %dma_wait3A_233 = tpu.memref_slice %arg7[%rem3A_54, %run_scoped3A_70, %dma_wait3A_232] : memref<2x8x128xi32, #tpu.memory_space<vmem>> -> memref<1x1x128xi32, #tpu.memory_space<vmem>>
        %dma_wait3A_234 = tpu.memref_squeeze %dma_wait3A_233 : memref<1x1x128xi32, #tpu.memory_space<vmem>> -> memref<128xi32, #tpu.memory_space<vmem>>
        %dma_wait3A_235 = arith.constant 0 : i32
        %dma_wait3A_236 = arith.constant 0 : i32
        %dma_wait3A_237 = tpu.memref_slice %arg12[%dma_wait3A_235, %dma_wait3A_236] : memref<10240x128xf32, #tpu.memory_space<vmem_shared>> -> memref<10240x128xf32, #tpu.memory_space<vmem_shared>>
        tpu.wait_indirect_dma semaphore(%run_scoped3A_225 : memref<!tpu.dma_semaphore, #tpu.memory_space<semaphore_mem>>) src(%arg8 : memref<128x128xf32, #tpu.memory_space<vmem>>) dst(%dma_wait3A_237 : memref<10240x128xf32, #tpu.memory_space<vmem_shared>>)
        tpu.yield
      }) : () -> ()
      %add3A_71 = arith.constant 2 : i32
      %add3A_72 = arith.addi %add3A_62, %add3A_71 : i32
      %lt3A_73 = arith.constant 80 : i32
      %lt3A_74 = arith.cmpi slt, %add3A_72, %lt3A_73 : i32
      %convert_element_type3A_75 = arith.extui %lt3A_74 : i1 to i32
      %cond3A_76 = arith.constant 0 : i32
      %cond3A_77 = arith.cmpi ne, %convert_element_type3A_75, %cond3A_76 : i32
      scf.if %cond3A_77 {
        %dma_start3A_225 = arith.constant 2 : i32
        %dma_start3A_226 = arith.constant 0 : i32
        %dma_start3A_227 = tpu.memref_slice %arg6[%rem3A_54, %dma_start3A_225, %dma_start3A_226] : memref<2x8x128xi32, #tpu.memory_space<vmem>> -> memref<1x1x128xi32, #tpu.memory_space<vmem>>
        %dma_start3A_228 = tpu.memref_squeeze %dma_start3A_227 : memref<1x1x128xi32, #tpu.memory_space<vmem>> -> memref<128xi32, #tpu.memory_space<vmem>>
        %dma_start3A_229 = arith.constant 0 : i32
        %dma_start3A_230 = arith.constant 0 : i32
        %dma_start3A_231 = tpu.memref_slice %arg2[%dma_start3A_229, %dma_start3A_230] : memref<10000x128xf32, #tpu.memory_space<hbm>> -> memref<10000x128xf32, #tpu.memory_space<hbm>>
        tpu.enqueue_indirect_dma source(%dma_start3A_231 : memref<10000x128xf32, #tpu.memory_space<hbm>>) target(%arg8 : memref<128x128xf32, #tpu.memory_space<vmem>>) offsets(%dma_start3A_228 : memref<128xi32, #tpu.memory_space<vmem>>) semaphore(%arg10 : memref<!tpu.dma_semaphore, #tpu.memory_space<semaphore_mem>>)
      } else {
      }
      %mul3A_78 = arith.constant 8 : i32
      %mul3A_79 = arith.muli %scan3A_53, %mul3A_78 : i32
      %add3A_80 = arith.constant 1 : i32
      %add3A_81 = arith.addi %mul3A_79, %add3A_80 : i32
      %dma_wait3A_82 = arith.constant 0 : i32
      %dma_wait3A_83 = arith.constant 0 : i32
      %dma_wait3A_84 = arith.constant 0 : i32
      %dma_wait3A_85 = tpu.memref_slice %arg6[%dma_wait3A_82, %dma_wait3A_83, %dma_wait3A_84] : memref<2x8x128xi32, #tpu.memory_space<vmem>> -> memref<1x1x128xi32, #tpu.memory_space<vmem>>
      %dma_wait3A_86 = tpu.memref_squeeze %dma_wait3A_85 : memref<1x1x128xi32, #tpu.memory_space<vmem>> -> memref<128xi32, #tpu.memory_space<vmem>>
      %dma_wait3A_87 = arith.constant 0 : i32
      %dma_wait3A_88 = arith.constant 0 : i32
      %dma_wait3A_89 = tpu.memref_slice %arg2[%dma_wait3A_87, %dma_wait3A_88] : memref<10000x128xf32, #tpu.memory_space<hbm>> -> memref<10000x128xf32, #tpu.memory_space<hbm>>
      tpu.wait_indirect_dma semaphore(%arg11 : memref<!tpu.dma_semaphore, #tpu.memory_space<semaphore_mem>>) src(%dma_wait3A_89 : memref<10000x128xf32, #tpu.memory_space<hbm>>) dst(%arg9 : memref<128x128xf32, #tpu.memory_space<vmem>>)
      %run_scoped3A_90 = arith.constant 1 : i32
      "tpu.region"() ({
        %run_scoped3A_225 = tpu.sem_alloc : memref<!tpu.dma_semaphore, #tpu.memory_space<semaphore_mem>>
        %dma_start3A_226 = arith.constant 0 : i32
        %dma_start3A_227 = tpu.memref_slice %arg7[%rem3A_54, %run_scoped3A_90, %dma_start3A_226] : memref<2x8x128xi32, #tpu.memory_space<vmem>> -> memref<1x1x128xi32, #tpu.memory_space<vmem>>
        %dma_start3A_228 = tpu.memref_squeeze %dma_start3A_227 : memref<1x1x128xi32, #tpu.memory_space<vmem>> -> memref<128xi32, #tpu.memory_space<vmem>>
        %dma_start3A_229 = arith.constant 0 : i32
        %dma_start3A_230 = arith.constant 0 : i32
        %dma_start3A_231 = tpu.memref_slice %arg12[%dma_start3A_229, %dma_start3A_230] : memref<10240x128xf32, #tpu.memory_space<vmem_shared>> -> memref<10240x128xf32, #tpu.memory_space<vmem_shared>>
        tpu.enqueue_indirect_dma source(%arg9 : memref<128x128xf32, #tpu.memory_space<vmem>>) target(%dma_start3A_231 : memref<10240x128xf32, #tpu.memory_space<vmem_shared>>) offsets(%dma_start3A_228 : memref<128xi32, #tpu.memory_space<vmem>>) semaphore(%run_scoped3A_225 : memref<!tpu.dma_semaphore, #tpu.memory_space<semaphore_mem>>) {add = true}
        %dma_wait3A_232 = arith.constant 0 : i32
        %dma_wait3A_233 = tpu.memref_slice %arg7[%rem3A_54, %run_scoped3A_90, %dma_wait3A_232] : memref<2x8x128xi32, #tpu.memory_space<vmem>> -> memref<1x1x128xi32, #tpu.memory_space<vmem>>
        %dma_wait3A_234 = tpu.memref_squeeze %dma_wait3A_233 : memref<1x1x128xi32, #tpu.memory_space<vmem>> -> memref<128xi32, #tpu.memory_space<vmem>>
        %dma_wait3A_235 = arith.constant 0 : i32
        %dma_wait3A_236 = arith.constant 0 : i32
        %dma_wait3A_237 = tpu.memref_slice %arg12[%dma_wait3A_235, %dma_wait3A_236] : memref<10240x128xf32, #tpu.memory_space<vmem_shared>> -> memref<10240x128xf32, #tpu.memory_space<vmem_shared>>
        tpu.wait_indirect_dma semaphore(%run_scoped3A_225 : memref<!tpu.dma_semaphore, #tpu.memory_space<semaphore_mem>>) src(%arg9 : memref<128x128xf32, #tpu.memory_space<vmem>>) dst(%dma_wait3A_237 : memref<10240x128xf32, #tpu.memory_space<vmem_shared>>)
        tpu.yield
      }) : () -> ()
      %add3A_91 = arith.constant 2 : i32
      %add3A_92 = arith.addi %add3A_81, %add3A_91 : i32
      %lt3A_93 = arith.constant 80 : i32
      %lt3A_94 = arith.cmpi slt, %add3A_92, %lt3A_93 : i32
      %convert_element_type3A_95 = arith.extui %lt3A_94 : i1 to i32
      %cond3A_96 = arith.constant 0 : i32
      %cond3A_97 = arith.cmpi ne, %convert_element_type3A_95, %cond3A_96 : i32
      scf.if %cond3A_97 {
        %dma_start3A_225 = arith.constant 3 : i32
        %dma_start3A_226 = arith.constant 0 : i32
        %dma_start3A_227 = tpu.memref_slice %arg6[%rem3A_54, %dma_start3A_225, %dma_start3A_226] : memref<2x8x128xi32, #tpu.memory_space<vmem>> -> memref<1x1x128xi32, #tpu.memory_space<vmem>>
        %dma_start3A_228 = tpu.memref_squeeze %dma_start3A_227 : memref<1x1x128xi32, #tpu.memory_space<vmem>> -> memref<128xi32, #tpu.memory_space<vmem>>
        %dma_start3A_229 = arith.constant 0 : i32
        %dma_start3A_230 = arith.constant 0 : i32
        %dma_start3A_231 = tpu.memref_slice %arg2[%dma_start3A_229, %dma_start3A_230] : memref<10000x128xf32, #tpu.memory_space<hbm>> -> memref<10000x128xf32, #tpu.memory_space<hbm>>
        tpu.enqueue_indirect_dma source(%dma_start3A_231 : memref<10000x128xf32, #tpu.memory_space<hbm>>) target(%arg9 : memref<128x128xf32, #tpu.memory_space<vmem>>) offsets(%dma_start3A_228 : memref<128xi32, #tpu.memory_space<vmem>>) semaphore(%arg11 : memref<!tpu.dma_semaphore, #tpu.memory_space<semaphore_mem>>)
      } else {
      }
      %mul3A_98 = arith.constant 8 : i32
      %mul3A_99 = arith.muli %scan3A_53, %mul3A_98 : i32
      %add3A_100 = arith.constant 2 : i32
      %add3A_101 = arith.addi %mul3A_99, %add3A_100 : i32
      %dma_wait3A_102 = arith.constant 0 : i32
      %dma_wait3A_103 = arith.constant 0 : i32
      %dma_wait3A_104 = arith.constant 0 : i32
      %dma_wait3A_105 = tpu.memref_slice %arg6[%dma_wait3A_102, %dma_wait3A_103, %dma_wait3A_104] : memref<2x8x128xi32, #tpu.memory_space<vmem>> -> memref<1x1x128xi32, #tpu.memory_space<vmem>>
      %dma_wait3A_106 = tpu.memref_squeeze %dma_wait3A_105 : memref<1x1x128xi32, #tpu.memory_space<vmem>> -> memref<128xi32, #tpu.memory_space<vmem>>
      %dma_wait3A_107 = arith.constant 0 : i32
      %dma_wait3A_108 = arith.constant 0 : i32
      %dma_wait3A_109 = tpu.memref_slice %arg2[%dma_wait3A_107, %dma_wait3A_108] : memref<10000x128xf32, #tpu.memory_space<hbm>> -> memref<10000x128xf32, #tpu.memory_space<hbm>>
      tpu.wait_indirect_dma semaphore(%arg10 : memref<!tpu.dma_semaphore, #tpu.memory_space<semaphore_mem>>) src(%dma_wait3A_109 : memref<10000x128xf32, #tpu.memory_space<hbm>>) dst(%arg8 : memref<128x128xf32, #tpu.memory_space<vmem>>)
      %run_scoped3A_110 = arith.constant 2 : i32
      "tpu.region"() ({
        %run_scoped3A_225 = tpu.sem_alloc : memref<!tpu.dma_semaphore, #tpu.memory_space<semaphore_mem>>
        %dma_start3A_226 = arith.constant 0 : i32
        %dma_start3A_227 = tpu.memref_slice %arg7[%rem3A_54, %run_scoped3A_110, %dma_start3A_226] : memref<2x8x128xi32, #tpu.memory_space<vmem>> -> memref<1x1x128xi32, #tpu.memory_space<vmem>>
        %dma_start3A_228 = tpu.memref_squeeze %dma_start3A_227 : memref<1x1x128xi32, #tpu.memory_space<vmem>> -> memref<128xi32, #tpu.memory_space<vmem>>
        %dma_start3A_229 = arith.constant 0 : i32
        %dma_start3A_230 = arith.constant 0 : i32
        %dma_start3A_231 = tpu.memref_slice %arg12[%dma_start3A_229, %dma_start3A_230] : memref<10240x128xf32, #tpu.memory_space<vmem_shared>> -> memref<10240x128xf32, #tpu.memory_space<vmem_shared>>
        tpu.enqueue_indirect_dma source(%arg8 : memref<128x128xf32, #tpu.memory_space<vmem>>) target(%dma_start3A_231 : memref<10240x128xf32, #tpu.memory_space<vmem_shared>>) offsets(%dma_start3A_228 : memref<128xi32, #tpu.memory_space<vmem>>) semaphore(%run_scoped3A_225 : memref<!tpu.dma_semaphore, #tpu.memory_space<semaphore_mem>>) {add = true}
        %dma_wait3A_232 = arith.constant 0 : i32
        %dma_wait3A_233 = tpu.memref_slice %arg7[%rem3A_54, %run_scoped3A_110, %dma_wait3A_232] : memref<2x8x128xi32, #tpu.memory_space<vmem>> -> memref<1x1x128xi32, #tpu.memory_space<vmem>>
        %dma_wait3A_234 = tpu.memref_squeeze %dma_wait3A_233 : memref<1x1x128xi32, #tpu.memory_space<vmem>> -> memref<128xi32, #tpu.memory_space<vmem>>
        %dma_wait3A_235 = arith.constant 0 : i32
        %dma_wait3A_236 = arith.constant 0 : i32
        %dma_wait3A_237 = tpu.memref_slice %arg12[%dma_wait3A_235, %dma_wait3A_236] : memref<10240x128xf32, #tpu.memory_space<vmem_shared>> -> memref<10240x128xf32, #tpu.memory_space<vmem_shared>>
        tpu.wait_indirect_dma semaphore(%run_scoped3A_225 : memref<!tpu.dma_semaphore, #tpu.memory_space<semaphore_mem>>) src(%arg8 : memref<128x128xf32, #tpu.memory_space<vmem>>) dst(%dma_wait3A_237 : memref<10240x128xf32, #tpu.memory_space<vmem_shared>>)
        tpu.yield
      }) : () -> ()
      %add3A_111 = arith.constant 2 : i32
      %add3A_112 = arith.addi %add3A_101, %add3A_111 : i32
      %lt3A_113 = arith.constant 80 : i32
      %lt3A_114 = arith.cmpi slt, %add3A_112, %lt3A_113 : i32
      %convert_element_type3A_115 = arith.extui %lt3A_114 : i1 to i32
      %cond3A_116 = arith.constant 0 : i32
      %cond3A_117 = arith.cmpi ne, %convert_element_type3A_115, %cond3A_116 : i32
      scf.if %cond3A_117 {
        %dma_start3A_225 = arith.constant 4 : i32
        %dma_start3A_226 = arith.constant 0 : i32
        %dma_start3A_227 = tpu.memref_slice %arg6[%rem3A_54, %dma_start3A_225, %dma_start3A_226] : memref<2x8x128xi32, #tpu.memory_space<vmem>> -> memref<1x1x128xi32, #tpu.memory_space<vmem>>
        %dma_start3A_228 = tpu.memref_squeeze %dma_start3A_227 : memref<1x1x128xi32, #tpu.memory_space<vmem>> -> memref<128xi32, #tpu.memory_space<vmem>>
        %dma_start3A_229 = arith.constant 0 : i32
        %dma_start3A_230 = arith.constant 0 : i32
        %dma_start3A_231 = tpu.memref_slice %arg2[%dma_start3A_229, %dma_start3A_230] : memref<10000x128xf32, #tpu.memory_space<hbm>> -> memref<10000x128xf32, #tpu.memory_space<hbm>>
        tpu.enqueue_indirect_dma source(%dma_start3A_231 : memref<10000x128xf32, #tpu.memory_space<hbm>>) target(%arg8 : memref<128x128xf32, #tpu.memory_space<vmem>>) offsets(%dma_start3A_228 : memref<128xi32, #tpu.memory_space<vmem>>) semaphore(%arg10 : memref<!tpu.dma_semaphore, #tpu.memory_space<semaphore_mem>>)
      } else {
      }
      %mul3A_118 = arith.constant 8 : i32
      %mul3A_119 = arith.muli %scan3A_53, %mul3A_118 : i32
      %add3A_120 = arith.constant 3 : i32
      %add3A_121 = arith.addi %mul3A_119, %add3A_120 : i32
      %dma_wait3A_122 = arith.constant 0 : i32
      %dma_wait3A_123 = arith.constant 0 : i32
      %dma_wait3A_124 = arith.constant 0 : i32
      %dma_wait3A_125 = tpu.memref_slice %arg6[%dma_wait3A_122, %dma_wait3A_123, %dma_wait3A_124] : memref<2x8x128xi32, #tpu.memory_space<vmem>> -> memref<1x1x128xi32, #tpu.memory_space<vmem>>
      %dma_wait3A_126 = tpu.memref_squeeze %dma_wait3A_125 : memref<1x1x128xi32, #tpu.memory_space<vmem>> -> memref<128xi32, #tpu.memory_space<vmem>>
      %dma_wait3A_127 = arith.constant 0 : i32
      %dma_wait3A_128 = arith.constant 0 : i32
      %dma_wait3A_129 = tpu.memref_slice %arg2[%dma_wait3A_127, %dma_wait3A_128] : memref<10000x128xf32, #tpu.memory_space<hbm>> -> memref<10000x128xf32, #tpu.memory_space<hbm>>
      tpu.wait_indirect_dma semaphore(%arg11 : memref<!tpu.dma_semaphore, #tpu.memory_space<semaphore_mem>>) src(%dma_wait3A_129 : memref<10000x128xf32, #tpu.memory_space<hbm>>) dst(%arg9 : memref<128x128xf32, #tpu.memory_space<vmem>>)
      %run_scoped3A_130 = arith.constant 3 : i32
      "tpu.region"() ({
        %run_scoped3A_225 = tpu.sem_alloc : memref<!tpu.dma_semaphore, #tpu.memory_space<semaphore_mem>>
        %dma_start3A_226 = arith.constant 0 : i32
        %dma_start3A_227 = tpu.memref_slice %arg7[%rem3A_54, %run_scoped3A_130, %dma_start3A_226] : memref<2x8x128xi32, #tpu.memory_space<vmem>> -> memref<1x1x128xi32, #tpu.memory_space<vmem>>
        %dma_start3A_228 = tpu.memref_squeeze %dma_start3A_227 : memref<1x1x128xi32, #tpu.memory_space<vmem>> -> memref<128xi32, #tpu.memory_space<vmem>>
        %dma_start3A_229 = arith.constant 0 : i32
        %dma_start3A_230 = arith.constant 0 : i32
        %dma_start3A_231 = tpu.memref_slice %arg12[%dma_start3A_229, %dma_start3A_230] : memref<10240x128xf32, #tpu.memory_space<vmem_shared>> -> memref<10240x128xf32, #tpu.memory_space<vmem_shared>>
        tpu.enqueue_indirect_dma source(%arg9 : memref<128x128xf32, #tpu.memory_space<vmem>>) target(%dma_start3A_231 : memref<10240x128xf32, #tpu.memory_space<vmem_shared>>) offsets(%dma_start3A_228 : memref<128xi32, #tpu.memory_space<vmem>>) semaphore(%run_scoped3A_225 : memref<!tpu.dma_semaphore, #tpu.memory_space<semaphore_mem>>) {add = true}
        %dma_wait3A_232 = arith.constant 0 : i32
        %dma_wait3A_233 = tpu.memref_slice %arg7[%rem3A_54, %run_scoped3A_130, %dma_wait3A_232] : memref<2x8x128xi32, #tpu.memory_space<vmem>> -> memref<1x1x128xi32, #tpu.memory_space<vmem>>
        %dma_wait3A_234 = tpu.memref_squeeze %dma_wait3A_233 : memref<1x1x128xi32, #tpu.memory_space<vmem>> -> memref<128xi32, #tpu.memory_space<vmem>>
        %dma_wait3A_235 = arith.constant 0 : i32
        %dma_wait3A_236 = arith.constant 0 : i32
        %dma_wait3A_237 = tpu.memref_slice %arg12[%dma_wait3A_235, %dma_wait3A_236] : memref<10240x128xf32, #tpu.memory_space<vmem_shared>> -> memref<10240x128xf32, #tpu.memory_space<vmem_shared>>
        tpu.wait_indirect_dma semaphore(%run_scoped3A_225 : memref<!tpu.dma_semaphore, #tpu.memory_space<semaphore_mem>>) src(%arg9 : memref<128x128xf32, #tpu.memory_space<vmem>>) dst(%dma_wait3A_237 : memref<10240x128xf32, #tpu.memory_space<vmem_shared>>)
        tpu.yield
      }) : () -> ()
      %add3A_131 = arith.constant 2 : i32
      %add3A_132 = arith.addi %add3A_121, %add3A_131 : i32
      %lt3A_133 = arith.constant 80 : i32
      %lt3A_134 = arith.cmpi slt, %add3A_132, %lt3A_133 : i32
      %convert_element_type3A_135 = arith.extui %lt3A_134 : i1 to i32
      %cond3A_136 = arith.constant 0 : i32
      %cond3A_137 = arith.cmpi ne, %convert_element_type3A_135, %cond3A_136 : i32
      scf.if %cond3A_137 {
        %dma_start3A_225 = arith.constant 5 : i32
        %dma_start3A_226 = arith.constant 0 : i32
        %dma_start3A_227 = tpu.memref_slice %arg6[%rem3A_54, %dma_start3A_225, %dma_start3A_226] : memref<2x8x128xi32, #tpu.memory_space<vmem>> -> memref<1x1x128xi32, #tpu.memory_space<vmem>>
        %dma_start3A_228 = tpu.memref_squeeze %dma_start3A_227 : memref<1x1x128xi32, #tpu.memory_space<vmem>> -> memref<128xi32, #tpu.memory_space<vmem>>
        %dma_start3A_229 = arith.constant 0 : i32
        %dma_start3A_230 = arith.constant 0 : i32
        %dma_start3A_231 = tpu.memref_slice %arg2[%dma_start3A_229, %dma_start3A_230] : memref<10000x128xf32, #tpu.memory_space<hbm>> -> memref<10000x128xf32, #tpu.memory_space<hbm>>
        tpu.enqueue_indirect_dma source(%dma_start3A_231 : memref<10000x128xf32, #tpu.memory_space<hbm>>) target(%arg9 : memref<128x128xf32, #tpu.memory_space<vmem>>) offsets(%dma_start3A_228 : memref<128xi32, #tpu.memory_space<vmem>>) semaphore(%arg11 : memref<!tpu.dma_semaphore, #tpu.memory_space<semaphore_mem>>)
      } else {
      }
      %mul3A_138 = arith.constant 8 : i32
      %mul3A_139 = arith.muli %scan3A_53, %mul3A_138 : i32
      %add3A_140 = arith.constant 4 : i32
      %add3A_141 = arith.addi %mul3A_139, %add3A_140 : i32
      %dma_wait3A_142 = arith.constant 0 : i32
      %dma_wait3A_143 = arith.constant 0 : i32
      %dma_wait3A_144 = arith.constant 0 : i32
      %dma_wait3A_145 = tpu.memref_slice %arg6[%dma_wait3A_142, %dma_wait3A_143, %dma_wait3A_144] : memref<2x8x128xi32, #tpu.memory_space<vmem>> -> memref<1x1x128xi32, #tpu.memory_space<vmem>>
      %dma_wait3A_146 = tpu.memref_squeeze %dma_wait3A_145 : memref<1x1x128xi32, #tpu.memory_space<vmem>> -> memref<128xi32, #tpu.memory_space<vmem>>
      %dma_wait3A_147 = arith.constant 0 : i32
      %dma_wait3A_148 = arith.constant 0 : i32
      %dma_wait3A_149 = tpu.memref_slice %arg2[%dma_wait3A_147, %dma_wait3A_148] : memref<10000x128xf32, #tpu.memory_space<hbm>> -> memref<10000x128xf32, #tpu.memory_space<hbm>>
      tpu.wait_indirect_dma semaphore(%arg10 : memref<!tpu.dma_semaphore, #tpu.memory_space<semaphore_mem>>) src(%dma_wait3A_149 : memref<10000x128xf32, #tpu.memory_space<hbm>>) dst(%arg8 : memref<128x128xf32, #tpu.memory_space<vmem>>)
      %run_scoped3A_150 = arith.constant 4 : i32
      "tpu.region"() ({
        %run_scoped3A_225 = tpu.sem_alloc : memref<!tpu.dma_semaphore, #tpu.memory_space<semaphore_mem>>
        %dma_start3A_226 = arith.constant 0 : i32
        %dma_start3A_227 = tpu.memref_slice %arg7[%rem3A_54, %run_scoped3A_150, %dma_start3A_226] : memref<2x8x128xi32, #tpu.memory_space<vmem>> -> memref<1x1x128xi32, #tpu.memory_space<vmem>>
        %dma_start3A_228 = tpu.memref_squeeze %dma_start3A_227 : memref<1x1x128xi32, #tpu.memory_space<vmem>> -> memref<128xi32, #tpu.memory_space<vmem>>
        %dma_start3A_229 = arith.constant 0 : i32
        %dma_start3A_230 = arith.constant 0 : i32
        %dma_start3A_231 = tpu.memref_slice %arg12[%dma_start3A_229, %dma_start3A_230] : memref<10240x128xf32, #tpu.memory_space<vmem_shared>> -> memref<10240x128xf32, #tpu.memory_space<vmem_shared>>
        tpu.enqueue_indirect_dma source(%arg8 : memref<128x128xf32, #tpu.memory_space<vmem>>) target(%dma_start3A_231 : memref<10240x128xf32, #tpu.memory_space<vmem_shared>>) offsets(%dma_start3A_228 : memref<128xi32, #tpu.memory_space<vmem>>) semaphore(%run_scoped3A_225 : memref<!tpu.dma_semaphore, #tpu.memory_space<semaphore_mem>>) {add = true}
        %dma_wait3A_232 = arith.constant 0 : i32
        %dma_wait3A_233 = tpu.memref_slice %arg7[%rem3A_54, %run_scoped3A_150, %dma_wait3A_232] : memref<2x8x128xi32, #tpu.memory_space<vmem>> -> memref<1x1x128xi32, #tpu.memory_space<vmem>>
        %dma_wait3A_234 = tpu.memref_squeeze %dma_wait3A_233 : memref<1x1x128xi32, #tpu.memory_space<vmem>> -> memref<128xi32, #tpu.memory_space<vmem>>
        %dma_wait3A_235 = arith.constant 0 : i32
        %dma_wait3A_236 = arith.constant 0 : i32
        %dma_wait3A_237 = tpu.memref_slice %arg12[%dma_wait3A_235, %dma_wait3A_236] : memref<10240x128xf32, #tpu.memory_space<vmem_shared>> -> memref<10240x128xf32, #tpu.memory_space<vmem_shared>>
        tpu.wait_indirect_dma semaphore(%run_scoped3A_225 : memref<!tpu.dma_semaphore, #tpu.memory_space<semaphore_mem>>) src(%arg8 : memref<128x128xf32, #tpu.memory_space<vmem>>) dst(%dma_wait3A_237 : memref<10240x128xf32, #tpu.memory_space<vmem_shared>>)
        tpu.yield
      }) : () -> ()
      %add3A_151 = arith.constant 2 : i32
      %add3A_152 = arith.addi %add3A_141, %add3A_151 : i32
      %lt3A_153 = arith.constant 80 : i32
      %lt3A_154 = arith.cmpi slt, %add3A_152, %lt3A_153 : i32
      %convert_element_type3A_155 = arith.extui %lt3A_154 : i1 to i32
      %cond3A_156 = arith.constant 0 : i32
      %cond3A_157 = arith.cmpi ne, %convert_element_type3A_155, %cond3A_156 : i32
      scf.if %cond3A_157 {
        %dma_start3A_225 = arith.constant 6 : i32
        %dma_start3A_226 = arith.constant 0 : i32
        %dma_start3A_227 = tpu.memref_slice %arg6[%rem3A_54, %dma_start3A_225, %dma_start3A_226] : memref<2x8x128xi32, #tpu.memory_space<vmem>> -> memref<1x1x128xi32, #tpu.memory_space<vmem>>
        %dma_start3A_228 = tpu.memref_squeeze %dma_start3A_227 : memref<1x1x128xi32, #tpu.memory_space<vmem>> -> memref<128xi32, #tpu.memory_space<vmem>>
        %dma_start3A_229 = arith.constant 0 : i32
        %dma_start3A_230 = arith.constant 0 : i32
        %dma_start3A_231 = tpu.memref_slice %arg2[%dma_start3A_229, %dma_start3A_230] : memref<10000x128xf32, #tpu.memory_space<hbm>> -> memref<10000x128xf32, #tpu.memory_space<hbm>>
        tpu.enqueue_indirect_dma source(%dma_start3A_231 : memref<10000x128xf32, #tpu.memory_space<hbm>>) target(%arg8 : memref<128x128xf32, #tpu.memory_space<vmem>>) offsets(%dma_start3A_228 : memref<128xi32, #tpu.memory_space<vmem>>) semaphore(%arg10 : memref<!tpu.dma_semaphore, #tpu.memory_space<semaphore_mem>>)
      } else {
      }
      %mul3A_158 = arith.constant 8 : i32
      %mul3A_159 = arith.muli %scan3A_53, %mul3A_158 : i32
      %add3A_160 = arith.constant 5 : i32
      %add3A_161 = arith.addi %mul3A_159, %add3A_160 : i32
      %dma_wait3A_162 = arith.constant 0 : i32
      %dma_wait3A_163 = arith.constant 0 : i32
      %dma_wait3A_164 = arith.constant 0 : i32
      %dma_wait3A_165 = tpu.memref_slice %arg6[%dma_wait3A_162, %dma_wait3A_163, %dma_wait3A_164] : memref<2x8x128xi32, #tpu.memory_space<vmem>> -> memref<1x1x128xi32, #tpu.memory_space<vmem>>
      %dma_wait3A_166 = tpu.memref_squeeze %dma_wait3A_165 : memref<1x1x128xi32, #tpu.memory_space<vmem>> -> memref<128xi32, #tpu.memory_space<vmem>>
      %dma_wait3A_167 = arith.constant 0 : i32
      %dma_wait3A_168 = arith.constant 0 : i32
      %dma_wait3A_169 = tpu.memref_slice %arg2[%dma_wait3A_167, %dma_wait3A_168] : memref<10000x128xf32, #tpu.memory_space<hbm>> -> memref<10000x128xf32, #tpu.memory_space<hbm>>
      tpu.wait_indirect_dma semaphore(%arg11 : memref<!tpu.dma_semaphore, #tpu.memory_space<semaphore_mem>>) src(%dma_wait3A_169 : memref<10000x128xf32, #tpu.memory_space<hbm>>) dst(%arg9 : memref<128x128xf32, #tpu.memory_space<vmem>>)
      %run_scoped3A_170 = arith.constant 5 : i32
      "tpu.region"() ({
        %run_scoped3A_225 = tpu.sem_alloc : memref<!tpu.dma_semaphore, #tpu.memory_space<semaphore_mem>>
        %dma_start3A_226 = arith.constant 0 : i32
        %dma_start3A_227 = tpu.memref_slice %arg7[%rem3A_54, %run_scoped3A_170, %dma_start3A_226] : memref<2x8x128xi32, #tpu.memory_space<vmem>> -> memref<1x1x128xi32, #tpu.memory_space<vmem>>
        %dma_start3A_228 = tpu.memref_squeeze %dma_start3A_227 : memref<1x1x128xi32, #tpu.memory_space<vmem>> -> memref<128xi32, #tpu.memory_space<vmem>>
        %dma_start3A_229 = arith.constant 0 : i32
        %dma_start3A_230 = arith.constant 0 : i32
        %dma_start3A_231 = tpu.memref_slice %arg12[%dma_start3A_229, %dma_start3A_230] : memref<10240x128xf32, #tpu.memory_space<vmem_shared>> -> memref<10240x128xf32, #tpu.memory_space<vmem_shared>>
        tpu.enqueue_indirect_dma source(%arg9 : memref<128x128xf32, #tpu.memory_space<vmem>>) target(%dma_start3A_231 : memref<10240x128xf32, #tpu.memory_space<vmem_shared>>) offsets(%dma_start3A_228 : memref<128xi32, #tpu.memory_space<vmem>>) semaphore(%run_scoped3A_225 : memref<!tpu.dma_semaphore, #tpu.memory_space<semaphore_mem>>) {add = true}
        %dma_wait3A_232 = arith.constant 0 : i32
        %dma_wait3A_233 = tpu.memref_slice %arg7[%rem3A_54, %run_scoped3A_170, %dma_wait3A_232] : memref<2x8x128xi32, #tpu.memory_space<vmem>> -> memref<1x1x128xi32, #tpu.memory_space<vmem>>
        %dma_wait3A_234 = tpu.memref_squeeze %dma_wait3A_233 : memref<1x1x128xi32, #tpu.memory_space<vmem>> -> memref<128xi32, #tpu.memory_space<vmem>>
        %dma_wait3A_235 = arith.constant 0 : i32
        %dma_wait3A_236 = arith.constant 0 : i32
        %dma_wait3A_237 = tpu.memref_slice %arg12[%dma_wait3A_235, %dma_wait3A_236] : memref<10240x128xf32, #tpu.memory_space<vmem_shared>> -> memref<10240x128xf32, #tpu.memory_space<vmem_shared>>
        tpu.wait_indirect_dma semaphore(%run_scoped3A_225 : memref<!tpu.dma_semaphore, #tpu.memory_space<semaphore_mem>>) src(%arg9 : memref<128x128xf32, #tpu.memory_space<vmem>>) dst(%dma_wait3A_237 : memref<10240x128xf32, #tpu.memory_space<vmem_shared>>)
        tpu.yield
      }) : () -> ()
      %add3A_171 = arith.constant 2 : i32
      %add3A_172 = arith.addi %add3A_161, %add3A_171 : i32
      %lt3A_173 = arith.constant 80 : i32
      %lt3A_174 = arith.cmpi slt, %add3A_172, %lt3A_173 : i32
      %convert_element_type3A_175 = arith.extui %lt3A_174 : i1 to i32
      %cond3A_176 = arith.constant 0 : i32
      %cond3A_177 = arith.cmpi ne, %convert_element_type3A_175, %cond3A_176 : i32
      scf.if %cond3A_177 {
        %dma_start3A_225 = arith.constant 7 : i32
        %dma_start3A_226 = arith.constant 0 : i32
        %dma_start3A_227 = tpu.memref_slice %arg6[%rem3A_54, %dma_start3A_225, %dma_start3A_226] : memref<2x8x128xi32, #tpu.memory_space<vmem>> -> memref<1x1x128xi32, #tpu.memory_space<vmem>>
        %dma_start3A_228 = tpu.memref_squeeze %dma_start3A_227 : memref<1x1x128xi32, #tpu.memory_space<vmem>> -> memref<128xi32, #tpu.memory_space<vmem>>
        %dma_start3A_229 = arith.constant 0 : i32
        %dma_start3A_230 = arith.constant 0 : i32
        %dma_start3A_231 = tpu.memref_slice %arg2[%dma_start3A_229, %dma_start3A_230] : memref<10000x128xf32, #tpu.memory_space<hbm>> -> memref<10000x128xf32, #tpu.memory_space<hbm>>
        tpu.enqueue_indirect_dma source(%dma_start3A_231 : memref<10000x128xf32, #tpu.memory_space<hbm>>) target(%arg9 : memref<128x128xf32, #tpu.memory_space<vmem>>) offsets(%dma_start3A_228 : memref<128xi32, #tpu.memory_space<vmem>>) semaphore(%arg11 : memref<!tpu.dma_semaphore, #tpu.memory_space<semaphore_mem>>)
      } else {
      }
      %mul3A_178 = arith.constant 8 : i32
      %mul3A_179 = arith.muli %scan3A_53, %mul3A_178 : i32
      %add3A_180 = arith.constant 6 : i32
      %add3A_181 = arith.addi %mul3A_179, %add3A_180 : i32
      %add3A_182 = arith.constant 1 : i32
      %add3A_183 = arith.addi %scan3A_53, %add3A_182 : i32
      %lt3A_184 = arith.constant 10 : i32
      %lt3A_185 = arith.cmpi slt, %add3A_183, %lt3A_184 : i32
      %convert_element_type3A_186 = arith.extui %lt3A_185 : i1 to i32
      %cond3A_187 = arith.constant 0 : i32
      %cond3A_188 = arith.cmpi ne, %convert_element_type3A_186, %cond3A_187 : i32
      scf.if %cond3A_188 {
        %dma_wait3A_225 = arith.constant 0 : i32
        %dma_wait3A_226 = arith.constant 0 : i32
        %dma_wait3A_227 = arith.constant 0 : i32
        %dma_wait3A_228 = tpu.memref_slice %arg6[%dma_wait3A_225, %dma_wait3A_226, %dma_wait3A_227] : memref<2x8x128xi32, #tpu.memory_space<vmem>> -> memref<1x8x128xi32, #tpu.memory_space<vmem>>
        %dma_wait3A_229 = tpu.memref_squeeze %dma_wait3A_228 : memref<1x8x128xi32, #tpu.memory_space<vmem>> -> memref<8x128xi32, #tpu.memory_space<vmem>>
        %dma_wait3A_230 = arith.constant 0 : i32
        %dma_wait3A_231 = arith.constant 0 : i32
        %dma_wait3A_232 = tpu.memref_slice %arg3[%add3A, %dma_wait3A_230, %dma_wait3A_231] : memref<32x80x128xi32, #tpu.memory_space<hbm>> -> memref<1x8x128xi32, #tpu.memory_space<hbm>>
        %dma_wait3A_233 = tpu.memref_squeeze %dma_wait3A_232 : memref<1x8x128xi32, #tpu.memory_space<hbm>> -> memref<8x128xi32, #tpu.memory_space<hbm>>
        %dma_wait3A_234 = arith.constant 0 : i32
        %dma_wait3A_235 = arith.constant 0 : i32
        %dma_wait3A_236 = tpu.memref_slice %arg6[%dma_wait3A_225, %dma_wait3A_234, %dma_wait3A_235] : memref<2x8x128xi32, #tpu.memory_space<vmem>> -> memref<1x8x128xi32, #tpu.memory_space<vmem>>
        %dma_wait3A_237 = tpu.memref_squeeze %dma_wait3A_236 : memref<1x8x128xi32, #tpu.memory_space<vmem>> -> memref<8x128xi32, #tpu.memory_space<vmem>>
        %dma_wait3A_238 = arith.constant 0 : i32
        %dma_wait3A_239 = arith.constant 0 : i32
        %dma_wait3A_240 = tpu.memref_slice %arg3[%add3A, %dma_wait3A_238, %dma_wait3A_239] : memref<32x80x128xi32, #tpu.memory_space<hbm>> -> memref<1x8x128xi32, #tpu.memory_space<hbm>>
        %dma_wait3A_241 = tpu.memref_squeeze %dma_wait3A_240 : memref<1x8x128xi32, #tpu.memory_space<hbm>> -> memref<8x128xi32, #tpu.memory_space<hbm>>
        tpu.wait_dma2 semaphore(%arg13 : memref<!tpu.dma_semaphore, #tpu.memory_space<semaphore_mem>>) src(%dma_wait3A_241 : memref<8x128xi32, #tpu.memory_space<hbm>>) dst(%dma_wait3A_237 : memref<8x128xi32, #tpu.memory_space<vmem>>)
        %dma_wait3A_242 = arith.constant 0 : i32
        %dma_wait3A_243 = arith.constant 0 : i32
        %dma_wait3A_244 = arith.constant 0 : i32
        %dma_wait3A_245 = tpu.memref_slice %arg7[%dma_wait3A_242, %dma_wait3A_243, %dma_wait3A_244] : memref<2x8x128xi32, #tpu.memory_space<vmem>> -> memref<1x8x128xi32, #tpu.memory_space<vmem>>
        %dma_wait3A_246 = tpu.memref_squeeze %dma_wait3A_245 : memref<1x8x128xi32, #tpu.memory_space<vmem>> -> memref<8x128xi32, #tpu.memory_space<vmem>>
        %dma_wait3A_247 = arith.constant 0 : i32
        %dma_wait3A_248 = arith.constant 0 : i32
        %dma_wait3A_249 = tpu.memref_slice %arg3[%add3A, %dma_wait3A_247, %dma_wait3A_248] : memref<32x80x128xi32, #tpu.memory_space<hbm>> -> memref<1x8x128xi32, #tpu.memory_space<hbm>>
        %dma_wait3A_250 = tpu.memref_squeeze %dma_wait3A_249 : memref<1x8x128xi32, #tpu.memory_space<hbm>> -> memref<8x128xi32, #tpu.memory_space<hbm>>
        %dma_wait3A_251 = arith.constant 0 : i32
        %dma_wait3A_252 = arith.constant 0 : i32
        %dma_wait3A_253 = tpu.memref_slice %arg7[%dma_wait3A_242, %dma_wait3A_251, %dma_wait3A_252] : memref<2x8x128xi32, #tpu.memory_space<vmem>> -> memref<1x8x128xi32, #tpu.memory_space<vmem>>
        %dma_wait3A_254 = tpu.memref_squeeze %dma_wait3A_253 : memref<1x8x128xi32, #tpu.memory_space<vmem>> -> memref<8x128xi32, #tpu.memory_space<vmem>>
        %dma_wait3A_255 = arith.constant 0 : i32
        %dma_wait3A_256 = arith.constant 0 : i32
        %dma_wait3A_257 = tpu.memref_slice %arg3[%add3A, %dma_wait3A_255, %dma_wait3A_256] : memref<32x80x128xi32, #tpu.memory_space<hbm>> -> memref<1x8x128xi32, #tpu.memory_space<hbm>>
        %dma_wait3A_258 = tpu.memref_squeeze %dma_wait3A_257 : memref<1x8x128xi32, #tpu.memory_space<hbm>> -> memref<8x128xi32, #tpu.memory_space<hbm>>
        tpu.wait_dma2 semaphore(%arg13 : memref<!tpu.dma_semaphore, #tpu.memory_space<semaphore_mem>>) src(%dma_wait3A_258 : memref<8x128xi32, #tpu.memory_space<hbm>>) dst(%dma_wait3A_254 : memref<8x128xi32, #tpu.memory_space<vmem>>)
      } else {
      }
      %dma_wait3A_189 = arith.constant 0 : i32
      %dma_wait3A_190 = arith.constant 0 : i32
      %dma_wait3A_191 = arith.constant 0 : i32
      %dma_wait3A_192 = tpu.memref_slice %arg6[%dma_wait3A_189, %dma_wait3A_190, %dma_wait3A_191] : memref<2x8x128xi32, #tpu.memory_space<vmem>> -> memref<1x1x128xi32, #tpu.memory_space<vmem>>
      %dma_wait3A_193 = tpu.memref_squeeze %dma_wait3A_192 : memref<1x1x128xi32, #tpu.memory_space<vmem>> -> memref<128xi32, #tpu.memory_space<vmem>>
      %dma_wait3A_194 = arith.constant 0 : i32
      %dma_wait3A_195 = arith.constant 0 : i32
      %dma_wait3A_196 = tpu.memref_slice %arg2[%dma_wait3A_194, %dma_wait3A_195] : memref<10000x128xf32, #tpu.memory_space<hbm>> -> memref<10000x128xf32, #tpu.memory_space<hbm>>
      tpu.wait_indirect_dma semaphore(%arg10 : memref<!tpu.dma_semaphore, #tpu.memory_space<semaphore_mem>>) src(%dma_wait3A_196 : memref<10000x128xf32, #tpu.memory_space<hbm>>) dst(%arg8 : memref<128x128xf32, #tpu.memory_space<vmem>>)
      %run_scoped3A_197 = arith.constant 6 : i32
      "tpu.region"() ({
        %run_scoped3A_225 = tpu.sem_alloc : memref<!tpu.dma_semaphore, #tpu.memory_space<semaphore_mem>>
        %dma_start3A_226 = arith.constant 0 : i32
        %dma_start3A_227 = tpu.memref_slice %arg7[%rem3A_54, %run_scoped3A_197, %dma_start3A_226] : memref<2x8x128xi32, #tpu.memory_space<vmem>> -> memref<1x1x128xi32, #tpu.memory_space<vmem>>
        %dma_start3A_228 = tpu.memref_squeeze %dma_start3A_227 : memref<1x1x128xi32, #tpu.memory_space<vmem>> -> memref<128xi32, #tpu.memory_space<vmem>>
        %dma_start3A_229 = arith.constant 0 : i32
        %dma_start3A_230 = arith.constant 0 : i32
        %dma_start3A_231 = tpu.memref_slice %arg12[%dma_start3A_229, %dma_start3A_230] : memref<10240x128xf32, #tpu.memory_space<vmem_shared>> -> memref<10240x128xf32, #tpu.memory_space<vmem_shared>>
        tpu.enqueue_indirect_dma source(%arg8 : memref<128x128xf32, #tpu.memory_space<vmem>>) target(%dma_start3A_231 : memref<10240x128xf32, #tpu.memory_space<vmem_shared>>) offsets(%dma_start3A_228 : memref<128xi32, #tpu.memory_space<vmem>>) semaphore(%run_scoped3A_225 : memref<!tpu.dma_semaphore, #tpu.memory_space<semaphore_mem>>) {add = true}
        %dma_wait3A_232 = arith.constant 0 : i32
        %dma_wait3A_233 = tpu.memref_slice %arg7[%rem3A_54, %run_scoped3A_197, %dma_wait3A_232] : memref<2x8x128xi32, #tpu.memory_space<vmem>> -> memref<1x1x128xi32, #tpu.memory_space<vmem>>
        %dma_wait3A_234 = tpu.memref_squeeze %dma_wait3A_233 : memref<1x1x128xi32, #tpu.memory_space<vmem>> -> memref<128xi32, #tpu.memory_space<vmem>>
        %dma_wait3A_235 = arith.constant 0 : i32
        %dma_wait3A_236 = arith.constant 0 : i32
        %dma_wait3A_237 = tpu.memref_slice %arg12[%dma_wait3A_235, %dma_wait3A_236] : memref<10240x128xf32, #tpu.memory_space<vmem_shared>> -> memref<10240x128xf32, #tpu.memory_space<vmem_shared>>
        tpu.wait_indirect_dma semaphore(%run_scoped3A_225 : memref<!tpu.dma_semaphore, #tpu.memory_space<semaphore_mem>>) src(%arg8 : memref<128x128xf32, #tpu.memory_space<vmem>>) dst(%dma_wait3A_237 : memref<10240x128xf32, #tpu.memory_space<vmem_shared>>)
        tpu.yield
      }) : () -> ()
      %add3A_198 = arith.constant 2 : i32
      %add3A_199 = arith.addi %add3A_181, %add3A_198 : i32
      %lt3A_200 = arith.constant 80 : i32
      %lt3A_201 = arith.cmpi slt, %add3A_199, %lt3A_200 : i32
      %convert_element_type3A_202 = arith.extui %lt3A_201 : i1 to i32
      %cond3A_203 = arith.constant 0 : i32
      %cond3A_204 = arith.cmpi ne, %convert_element_type3A_202, %cond3A_203 : i32
      scf.if %cond3A_204 {
        %sub3A = arith.constant 1 : i32
        %sub3A_225 = arith.subi %sub3A, %rem3A_54 : i32
        %dma_start3A_226 = arith.constant 0 : i32
        %dma_start3A_227 = arith.constant 0 : i32
        %dma_start3A_228 = tpu.memref_slice %arg6[%sub3A_225, %dma_start3A_226, %dma_start3A_227] : memref<2x8x128xi32, #tpu.memory_space<vmem>> -> memref<1x1x128xi32, #tpu.memory_space<vmem>>
        %dma_start3A_229 = tpu.memref_squeeze %dma_start3A_228 : memref<1x1x128xi32, #tpu.memory_space<vmem>> -> memref<128xi32, #tpu.memory_space<vmem>>
        %dma_start3A_230 = arith.constant 0 : i32
        %dma_start3A_231 = arith.constant 0 : i32
        %dma_start3A_232 = tpu.memref_slice %arg2[%dma_start3A_230, %dma_start3A_231] : memref<10000x128xf32, #tpu.memory_space<hbm>> -> memref<10000x128xf32, #tpu.memory_space<hbm>>
        tpu.enqueue_indirect_dma source(%dma_start3A_232 : memref<10000x128xf32, #tpu.memory_space<hbm>>) target(%arg8 : memref<128x128xf32, #tpu.memory_space<vmem>>) offsets(%dma_start3A_229 : memref<128xi32, #tpu.memory_space<vmem>>) semaphore(%arg10 : memref<!tpu.dma_semaphore, #tpu.memory_space<semaphore_mem>>)
      } else {
      }
      %mul3A_205 = arith.constant 8 : i32
      %mul3A_206 = arith.muli %scan3A_53, %mul3A_205 : i32
      %add3A_207 = arith.constant 7 : i32
      %add3A_208 = arith.addi %mul3A_206, %add3A_207 : i32
      %dma_wait3A_209 = arith.constant 0 : i32
      %dma_wait3A_210 = arith.constant 0 : i32
      %dma_wait3A_211 = arith.constant 0 : i32
      %dma_wait3A_212 = tpu.memref_slice %arg6[%dma_wait3A_209, %dma_wait3A_210, %dma_wait3A_211] : memref<2x8x128xi32, #tpu.memory_space<vmem>> -> memref<1x1x128xi32, #tpu.memory_space<vmem>>
      %dma_wait3A_213 = tpu.memref_squeeze %dma_wait3A_212 : memref<1x1x128xi32, #tpu.memory_space<vmem>> -> memref<128xi32, #tpu.memory_space<vmem>>
      %dma_wait3A_214 = arith.constant 0 : i32
      %dma_wait3A_215 = arith.constant 0 : i32
      %dma_wait3A_216 = tpu.memref_slice %arg2[%dma_wait3A_214, %dma_wait3A_215] : memref<10000x128xf32, #tpu.memory_space<hbm>> -> memref<10000x128xf32, #tpu.memory_space<hbm>>
      tpu.wait_indirect_dma semaphore(%arg11 : memref<!tpu.dma_semaphore, #tpu.memory_space<semaphore_mem>>) src(%dma_wait3A_216 : memref<10000x128xf32, #tpu.memory_space<hbm>>) dst(%arg9 : memref<128x128xf32, #tpu.memory_space<vmem>>)
      %run_scoped3A_217 = arith.constant 7 : i32
      "tpu.region"() ({
        %run_scoped3A_225 = tpu.sem_alloc : memref<!tpu.dma_semaphore, #tpu.memory_space<semaphore_mem>>
        %dma_start3A_226 = arith.constant 0 : i32
        %dma_start3A_227 = tpu.memref_slice %arg7[%rem3A_54, %run_scoped3A_217, %dma_start3A_226] : memref<2x8x128xi32, #tpu.memory_space<vmem>> -> memref<1x1x128xi32, #tpu.memory_space<vmem>>
        %dma_start3A_228 = tpu.memref_squeeze %dma_start3A_227 : memref<1x1x128xi32, #tpu.memory_space<vmem>> -> memref<128xi32, #tpu.memory_space<vmem>>
        %dma_start3A_229 = arith.constant 0 : i32
        %dma_start3A_230 = arith.constant 0 : i32
        %dma_start3A_231 = tpu.memref_slice %arg12[%dma_start3A_229, %dma_start3A_230] : memref<10240x128xf32, #tpu.memory_space<vmem_shared>> -> memref<10240x128xf32, #tpu.memory_space<vmem_shared>>
        tpu.enqueue_indirect_dma source(%arg9 : memref<128x128xf32, #tpu.memory_space<vmem>>) target(%dma_start3A_231 : memref<10240x128xf32, #tpu.memory_space<vmem_shared>>) offsets(%dma_start3A_228 : memref<128xi32, #tpu.memory_space<vmem>>) semaphore(%run_scoped3A_225 : memref<!tpu.dma_semaphore, #tpu.memory_space<semaphore_mem>>) {add = true}
        %dma_wait3A_232 = arith.constant 0 : i32
        %dma_wait3A_233 = tpu.memref_slice %arg7[%rem3A_54, %run_scoped3A_217, %dma_wait3A_232] : memref<2x8x128xi32, #tpu.memory_space<vmem>> -> memref<1x1x128xi32, #tpu.memory_space<vmem>>
        %dma_wait3A_234 = tpu.memref_squeeze %dma_wait3A_233 : memref<1x1x128xi32, #tpu.memory_space<vmem>> -> memref<128xi32, #tpu.memory_space<vmem>>
        %dma_wait3A_235 = arith.constant 0 : i32
        %dma_wait3A_236 = arith.constant 0 : i32
        %dma_wait3A_237 = tpu.memref_slice %arg12[%dma_wait3A_235, %dma_wait3A_236] : memref<10240x128xf32, #tpu.memory_space<vmem_shared>> -> memref<10240x128xf32, #tpu.memory_space<vmem_shared>>
        tpu.wait_indirect_dma semaphore(%run_scoped3A_225 : memref<!tpu.dma_semaphore, #tpu.memory_space<semaphore_mem>>) src(%arg9 : memref<128x128xf32, #tpu.memory_space<vmem>>) dst(%dma_wait3A_237 : memref<10240x128xf32, #tpu.memory_space<vmem_shared>>)
        tpu.yield
      }) : () -> ()
      %add3A_218 = arith.constant 2 : i32
      %add3A_219 = arith.addi %add3A_208, %add3A_218 : i32
      %lt3A_220 = arith.constant 80 : i32
      %lt3A_221 = arith.cmpi slt, %add3A_219, %lt3A_220 : i32
      %convert_element_type3A_222 = arith.extui %lt3A_221 : i1 to i32
      %cond3A_223 = arith.constant 0 : i32
      %cond3A_224 = arith.cmpi ne, %convert_element_type3A_222, %cond3A_223 : i32
      scf.if %cond3A_224 {
        %sub3A = arith.constant 1 : i32
        %sub3A_225 = arith.subi %sub3A, %rem3A_54 : i32
        %dma_start3A_226 = arith.constant 1 : i32
        %dma_start3A_227 = arith.constant 0 : i32
        %dma_start3A_228 = tpu.memref_slice %arg6[%sub3A_225, %dma_start3A_226, %dma_start3A_227] : memref<2x8x128xi32, #tpu.memory_space<vmem>> -> memref<1x1x128xi32, #tpu.memory_space<vmem>>
        %dma_start3A_229 = tpu.memref_squeeze %dma_start3A_228 : memref<1x1x128xi32, #tpu.memory_space<vmem>> -> memref<128xi32, #tpu.memory_space<vmem>>
        %dma_start3A_230 = arith.constant 0 : i32
        %dma_start3A_231 = arith.constant 0 : i32
        %dma_start3A_232 = tpu.memref_slice %arg2[%dma_start3A_230, %dma_start3A_231] : memref<10000x128xf32, #tpu.memory_space<hbm>> -> memref<10000x128xf32, #tpu.memory_space<hbm>>
        tpu.enqueue_indirect_dma source(%dma_start3A_232 : memref<10000x128xf32, #tpu.memory_space<hbm>>) target(%arg9 : memref<128x128xf32, #tpu.memory_space<vmem>>) offsets(%dma_start3A_229 : memref<128xi32, #tpu.memory_space<vmem>>) semaphore(%arg11 : memref<!tpu.dma_semaphore, #tpu.memory_space<semaphore_mem>>)
      } else {
      }
    }
    %scan3A_47 = arith.constant 10 : i32
    %barrier3A_48 = arith.constant 0 : index
    tpu.barrier barrier_id(%barrier3A_48)
    %mul3A_49 = arith.constant 640 : i32
    %mul3A_50 = arith.muli %arg1, %mul3A_49 : i32
    %mul3A_51 = arith.constant 640 : i32
    %mul3A_52 = arith.muli %arg1, %mul3A_51 : i32
    "tpu.region"() ({
      %run_scoped3A_53 = tpu.sem_alloc : memref<!tpu.dma_semaphore, #tpu.memory_space<semaphore_mem>>
      %dma_start3A_54 = arith.constant 0 : i32
      %dma_start3A_55 = tpu.memref_slice %arg5[%arg0, %mul3A_52, %dma_start3A_54] : memref<2x10240x128xf32, #tpu.memory_space<hbm>> -> memref<1x640x128xf32, #tpu.memory_space<hbm>>
      %dma_start3A_56 = tpu.memref_squeeze %dma_start3A_55 : memref<1x640x128xf32, #tpu.memory_space<hbm>> -> memref<640x128xf32, #tpu.memory_space<hbm>>
      %dma_start3A_57 = arith.constant 0 : i32
      %dma_start3A_58 = tpu.memref_slice %arg12[%mul3A_50, %dma_start3A_57] : memref<10240x128xf32, #tpu.memory_space<vmem_shared>> -> memref<640x128xf32, #tpu.memory_space<vmem_shared>>
      tpu.enqueue_dma source(%dma_start3A_58 : memref<640x128xf32, #tpu.memory_space<vmem_shared>>) target(%dma_start3A_56 : memref<640x128xf32, #tpu.memory_space<hbm>>) target_semaphore(%run_scoped3A_53 : memref<!tpu.dma_semaphore, #tpu.memory_space<semaphore_mem>>)
      %dma_wait3A = arith.constant 0 : i32
      %dma_wait3A_59 = tpu.memref_slice %arg5[%arg0, %mul3A_52, %dma_wait3A] : memref<2x10240x128xf32, #tpu.memory_space<hbm>> -> memref<1x640x128xf32, #tpu.memory_space<hbm>>
      %dma_wait3A_60 = tpu.memref_squeeze %dma_wait3A_59 : memref<1x640x128xf32, #tpu.memory_space<hbm>> -> memref<640x128xf32, #tpu.memory_space<hbm>>
      %dma_wait3A_61 = arith.constant 0 : i32
      %dma_wait3A_62 = tpu.memref_slice %arg12[%mul3A_50, %dma_wait3A_61] : memref<10240x128xf32, #tpu.memory_space<vmem_shared>> -> memref<640x128xf32, #tpu.memory_space<vmem_shared>>
      tpu.wait_dma2 semaphore(%run_scoped3A_53 : memref<!tpu.dma_semaphore, #tpu.memory_space<semaphore_mem>>) src(%dma_wait3A_62 : memref<640x128xf32, #tpu.memory_space<vmem_shared>>) dst(%dma_wait3A_60 : memref<640x128xf32, #tpu.memory_space<hbm>>)
      tpu.yield
    }) : () -> ()
    return
  }
}

module attributes {stable_mosaic.version = 14 : i64} {
  func.func @_tc_layer_body(%arg0: i32, %arg1: memref<400x128xf32, #tpu.memory_space<vmem>>, %arg2: memref<400x128xf32, #tpu.memory_space<vmem>>, %arg3: memref<400x1xf32, #tpu.memory_space<vmem>>, %arg4: memref<400x1xf32, #tpu.memory_space<vmem>>, %arg5: memref<400x128xf32, #tpu.memory_space<vmem>>, %arg6: memref<128x128xf32, #tpu.memory_space<vmem>>, %arg7: memref<1x128xf32, #tpu.memory_space<vmem>>, %arg8: memref<128x128xf32, #tpu.memory_space<vmem>>, %arg9: memref<400x128xf32, #tpu.memory_space<vmem>>) attributes {dimension_semantics = [#tpu.dimension_semantics<arbitrary>], iteration_bounds = array<i64: 25>, scalar_prefetch = 0 : i64, scratch_operands = 0 : i64, tpu.core_type = #tpu.core_type<tc>, window_params = [{transform_indices = @transform_0, window_bounds = array<i64: 400, 128>}, {transform_indices = @transform_1, window_bounds = array<i64: 400, 128>}, {transform_indices = @transform_2, window_bounds = array<i64: 400, 1>}, {transform_indices = @transform_3, window_bounds = array<i64: 400, 1>}, {transform_indices = @transform_4, window_bounds = array<i64: 400, 128>}, {pipeline_mode = #tpu.pipeline_mode<synchronous>, transform_indices = @transform_5, window_bounds = array<i64: 128, 128>}, {pipeline_mode = #tpu.pipeline_mode<synchronous>, transform_indices = @transform_6, window_bounds = array<i64: 1, 128>}, {pipeline_mode = #tpu.pipeline_mode<synchronous>, transform_indices = @transform_7, window_bounds = array<i64: 128, 128>}, {transform_indices = @transform_8, window_bounds = array<i64: 400, 128>}]} {
    %get3A = arith.constant 0 : index
    %get3A_0 = arith.constant 0 : index
    %get3A_1 = vector.load %arg3[%get3A, %get3A_0] : memref<400x1xf32, #tpu.memory_space<vmem>>, vector<400x1xf32>
    %get3A_2 = arith.constant 0 : index
    %get3A_3 = arith.constant 0 : index
    %get3A_4 = vector.load %arg4[%get3A_2, %get3A_3] : memref<400x1xf32, #tpu.memory_space<vmem>>, vector<400x1xf32>
    %add3A = arith.addf %get3A_1, %get3A_4 : vector<400x1xf32>
    %max3A = arith.constant 1.000000e+00 : f32
    %max3A_5 = vector.broadcast %max3A : f32 to vector<400x1xf32>
    %max3A_6 = arith.maximumf %add3A, %max3A_5 : vector<400x1xf32>
    %get3A_7 = arith.constant 0 : index
    %get3A_8 = arith.constant 0 : index
    %get3A_9 = vector.load %arg1[%get3A_7, %get3A_8] : memref<400x128xf32, #tpu.memory_space<vmem>>, vector<400x128xf32>
    %get3A_10 = arith.constant 0 : index
    %get3A_11 = arith.constant 0 : index
    %get3A_12 = vector.load %arg2[%get3A_10, %get3A_11] : memref<400x128xf32, #tpu.memory_space<vmem>>, vector<400x128xf32>
    %add3A_13 = arith.addf %get3A_9, %get3A_12 : vector<400x128xf32>
    %div3A = vector.broadcast %max3A_6 : vector<400x1xf32> to vector<400x128xf32>
    %div3A_14 = arith.divf %add3A_13, %div3A : vector<400x128xf32>
    %get3A_15 = arith.constant 0 : index
    %get3A_16 = arith.constant 0 : index
    %get3A_17 = vector.load %arg6[%get3A_15, %get3A_16] : memref<128x128xf32, #tpu.memory_space<vmem>>, vector<128x128xf32>
    %dot_general3A = arith.constant dense<0.000000e+00> : vector<400x128xf32>
    %dot_general3A_18 = tpu.matmul %div3A_14, %get3A_17, %dot_general3A {dimension_numbers = #tpu.dot_dimension_numbers<[1], [0], [0], [1], [0, 0, 1, 1], [], []>, transpose_lhs_hint = false} : vector<400x128xf32>, vector<128x128xf32>, vector<400x128xf32> -> vector<400x128xf32>
    %get3A_19 = arith.constant 0 : index
    %get3A_20 = arith.constant 0 : index
    %get3A_21 = vector.load %arg7[%get3A_19, %get3A_20] : memref<1x128xf32, #tpu.memory_space<vmem>>, vector<1x128xf32>
    %add3A_22 = vector.broadcast %get3A_21 : vector<1x128xf32> to vector<400x128xf32>
    %add3A_23 = arith.addf %dot_general3A_18, %add3A_22 : vector<400x128xf32>
    %get3A_24 = arith.constant 0 : index
    %get3A_25 = arith.constant 0 : index
    %get3A_26 = vector.load %arg5[%get3A_24, %get3A_25] : memref<400x128xf32, #tpu.memory_space<vmem>>, vector<400x128xf32>
    %get3A_27 = arith.constant 0 : index
    %get3A_28 = arith.constant 0 : index
    %get3A_29 = vector.load %arg8[%get3A_27, %get3A_28] : memref<128x128xf32, #tpu.memory_space<vmem>>, vector<128x128xf32>
    %dot_general3A_30 = arith.constant dense<0.000000e+00> : vector<400x128xf32>
    %dot_general3A_31 = tpu.matmul %get3A_26, %get3A_29, %dot_general3A_30 {dimension_numbers = #tpu.dot_dimension_numbers<[1], [0], [0], [1], [0, 0, 1, 1], [], []>, transpose_lhs_hint = false} : vector<400x128xf32>, vector<128x128xf32>, vector<400x128xf32> -> vector<400x128xf32>
    %add3A_32 = arith.addf %add3A_23, %dot_general3A_31 : vector<400x128xf32>
    %max3A_33 = arith.constant 0.000000e+00 : f32
    %max3A_34 = vector.broadcast %max3A_33 : f32 to vector<400x128xf32>
    %max3A_35 = arith.maximumf %add3A_32, %max3A_34 : vector<400x128xf32>
    %swap3A = arith.constant 0 : index
    %swap3A_36 = arith.constant 0 : index
    %swap3A_37 = vector.load %arg9[%swap3A, %swap3A_36] : memref<400x128xf32, #tpu.memory_space<vmem>>, vector<400x128xf32>
    tpu.vector_store %arg9[%swap3A, %swap3A_36], %max3A_35 {strides = array<i32>} : memref<400x128xf32, #tpu.memory_space<vmem>>, vector<400x128xf32>,
    return
  }
  func.func @transform_0(%arg0: i32) -> (i32, i32) {
    %c0_i32 = arith.constant 0 : i32
    %c0_i32_0 = arith.constant 0 : i32
    return %arg0, %c0_i32 : i32, i32
  }
  func.func @transform_1(%arg0: i32) -> (i32, i32) {
    %c0_i32 = arith.constant 0 : i32
    %c0_i32_0 = arith.constant 0 : i32
    return %arg0, %c0_i32 : i32, i32
  }
  func.func @transform_2(%arg0: i32) -> (i32, i32) {
    %c0_i32 = arith.constant 0 : i32
    %c0_i32_0 = arith.constant 0 : i32
    return %arg0, %c0_i32 : i32, i32
  }
  func.func @transform_3(%arg0: i32) -> (i32, i32) {
    %c0_i32 = arith.constant 0 : i32
    %c0_i32_0 = arith.constant 0 : i32
    return %arg0, %c0_i32 : i32, i32
  }
  func.func @transform_4(%arg0: i32) -> (i32, i32) {
    %c0_i32 = arith.constant 0 : i32
    %c0_i32_0 = arith.constant 0 : i32
    return %arg0, %c0_i32 : i32, i32
  }
  func.func @transform_5(%arg0: i32) -> (i32, i32) {
    %c0_i32 = arith.constant 0 : i32
    %c0_i32_0 = arith.constant 0 : i32
    %c0_i32_1 = arith.constant 0 : i32
    return %c0_i32, %c0_i32_0 : i32, i32
  }
  func.func @transform_6(%arg0: i32) -> (i32, i32) {
    %c0_i32 = arith.constant 0 : i32
    %c0_i32_0 = arith.constant 0 : i32
    %c0_i32_1 = arith.constant 0 : i32
    return %c0_i32, %c0_i32_0 : i32, i32
  }
  func.func @transform_7(%arg0: i32) -> (i32, i32) {
    %c0_i32 = arith.constant 0 : i32
    %c0_i32_0 = arith.constant 0 : i32
    %c0_i32_1 = arith.constant 0 : i32
    return %c0_i32, %c0_i32_0 : i32, i32
  }
  func.func @transform_8(%arg0: i32) -> (i32, i32) {
    %c0_i32 = arith.constant 0 : i32
    %c0_i32_0 = arith.constant 0 : i32
    return %arg0, %c0_i32 : i32, i32
  }
}

module attributes {stable_mosaic.version = 14 : i64} {
  func.func @_tc_head_body(%arg0: i32, %arg1: memref<400x128xf32, #tpu.memory_space<vmem>>, %arg2: memref<400x128xf32, #tpu.memory_space<vmem>>, %arg3: memref<400x1xf32, #tpu.memory_space<vmem>>, %arg4: memref<400x1xf32, #tpu.memory_space<vmem>>, %arg5: memref<400x128xf32, #tpu.memory_space<vmem>>, %arg6: memref<128x128xf32, #tpu.memory_space<vmem>>, %arg7: memref<1x128xf32, #tpu.memory_space<vmem>>, %arg8: memref<128x128xf32, #tpu.memory_space<vmem>>, %arg9: memref<128x128xf32, #tpu.memory_space<vmem>>, %arg10: memref<1x128xf32, #tpu.memory_space<vmem>>, %arg11: memref<128x1xf32, #tpu.memory_space<vmem>>, %arg12: memref<1x1xf32, #tpu.memory_space<vmem>>, %arg13: memref<400x1xf32, #tpu.memory_space<vmem>>) attributes {dimension_semantics = [#tpu.dimension_semantics<arbitrary>], iteration_bounds = array<i64: 25>, scalar_prefetch = 0 : i64, scratch_operands = 0 : i64, tpu.core_type = #tpu.core_type<tc>, window_params = [{transform_indices = @transform_0, window_bounds = array<i64: 400, 128>}, {transform_indices = @transform_1, window_bounds = array<i64: 400, 128>}, {transform_indices = @transform_2, window_bounds = array<i64: 400, 1>}, {transform_indices = @transform_3, window_bounds = array<i64: 400, 1>}, {transform_indices = @transform_4, window_bounds = array<i64: 400, 128>}, {pipeline_mode = #tpu.pipeline_mode<synchronous>, transform_indices = @transform_5, window_bounds = array<i64: 128, 128>}, {pipeline_mode = #tpu.pipeline_mode<synchronous>, transform_indices = @transform_6, window_bounds = array<i64: 1, 128>}, {pipeline_mode = #tpu.pipeline_mode<synchronous>, transform_indices = @transform_7, window_bounds = array<i64: 128, 128>}, {pipeline_mode = #tpu.pipeline_mode<synchronous>, transform_indices = @transform_8, window_bounds = array<i64: 128, 128>}, {pipeline_mode = #tpu.pipeline_mode<synchronous>, transform_indices = @transform_9, window_bounds = array<i64: 1, 128>}, {pipeline_mode = #tpu.pipeline_mode<synchronous>, transform_indices = @transform_10, window_bounds = array<i64: 128, 1>}, {pipeline_mode = #tpu.pipeline_mode<synchronous>, transform_indices = @transform_11, window_bounds = array<i64: 1, 1>}, {transform_indices = @transform_12, window_bounds = array<i64: 400, 1>}]} {
    %get3A = arith.constant 0 : index
    %get3A_0 = arith.constant 0 : index
    %get3A_1 = vector.load %arg3[%get3A, %get3A_0] : memref<400x1xf32, #tpu.memory_space<vmem>>, vector<400x1xf32>
    %get3A_2 = arith.constant 0 : index
    %get3A_3 = arith.constant 0 : index
    %get3A_4 = vector.load %arg4[%get3A_2, %get3A_3] : memref<400x1xf32, #tpu.memory_space<vmem>>, vector<400x1xf32>
    %add3A = arith.addf %get3A_1, %get3A_4 : vector<400x1xf32>
    %max3A = arith.constant 1.000000e+00 : f32
    %max3A_5 = vector.broadcast %max3A : f32 to vector<400x1xf32>
    %max3A_6 = arith.maximumf %add3A, %max3A_5 : vector<400x1xf32>
    %get3A_7 = arith.constant 0 : index
    %get3A_8 = arith.constant 0 : index
    %get3A_9 = vector.load %arg1[%get3A_7, %get3A_8] : memref<400x128xf32, #tpu.memory_space<vmem>>, vector<400x128xf32>
    %get3A_10 = arith.constant 0 : index
    %get3A_11 = arith.constant 0 : index
    %get3A_12 = vector.load %arg2[%get3A_10, %get3A_11] : memref<400x128xf32, #tpu.memory_space<vmem>>, vector<400x128xf32>
    %add3A_13 = arith.addf %get3A_9, %get3A_12 : vector<400x128xf32>
    %div3A = vector.broadcast %max3A_6 : vector<400x1xf32> to vector<400x128xf32>
    %div3A_14 = arith.divf %add3A_13, %div3A : vector<400x128xf32>
    %get3A_15 = arith.constant 0 : index
    %get3A_16 = arith.constant 0 : index
    %get3A_17 = vector.load %arg6[%get3A_15, %get3A_16] : memref<128x128xf32, #tpu.memory_space<vmem>>, vector<128x128xf32>
    %dot_general3A = arith.constant dense<0.000000e+00> : vector<400x128xf32>
    %dot_general3A_18 = tpu.matmul %div3A_14, %get3A_17, %dot_general3A {dimension_numbers = #tpu.dot_dimension_numbers<[1], [0], [0], [1], [0, 0, 1, 1], [], []>, transpose_lhs_hint = false} : vector<400x128xf32>, vector<128x128xf32>, vector<400x128xf32> -> vector<400x128xf32>
    %get3A_19 = arith.constant 0 : index
    %get3A_20 = arith.constant 0 : index
    %get3A_21 = vector.load %arg7[%get3A_19, %get3A_20] : memref<1x128xf32, #tpu.memory_space<vmem>>, vector<1x128xf32>
    %add3A_22 = vector.broadcast %get3A_21 : vector<1x128xf32> to vector<400x128xf32>
    %add3A_23 = arith.addf %dot_general3A_18, %add3A_22 : vector<400x128xf32>
    %get3A_24 = arith.constant 0 : index
    %get3A_25 = arith.constant 0 : index
    %get3A_26 = vector.load %arg5[%get3A_24, %get3A_25] : memref<400x128xf32, #tpu.memory_space<vmem>>, vector<400x128xf32>
    %get3A_27 = arith.constant 0 : index
    %get3A_28 = arith.constant 0 : index
    %get3A_29 = vector.load %arg8[%get3A_27, %get3A_28] : memref<128x128xf32, #tpu.memory_space<vmem>>, vector<128x128xf32>
    %dot_general3A_30 = arith.constant dense<0.000000e+00> : vector<400x128xf32>
    %dot_general3A_31 = tpu.matmul %get3A_26, %get3A_29, %dot_general3A_30 {dimension_numbers = #tpu.dot_dimension_numbers<[1], [0], [0], [1], [0, 0, 1, 1], [], []>, transpose_lhs_hint = false} : vector<400x128xf32>, vector<128x128xf32>, vector<400x128xf32> -> vector<400x128xf32>
    %add3A_32 = arith.addf %add3A_23, %dot_general3A_31 : vector<400x128xf32>
    %get3A_33 = arith.constant 0 : index
    %get3A_34 = arith.constant 0 : index
    %get3A_35 = vector.load %arg9[%get3A_33, %get3A_34] : memref<128x128xf32, #tpu.memory_space<vmem>>, vector<128x128xf32>
    %dot_general3A_36 = arith.constant dense<0.000000e+00> : vector<400x128xf32>
    %dot_general3A_37 = tpu.matmul %add3A_32, %get3A_35, %dot_general3A_36 {dimension_numbers = #tpu.dot_dimension_numbers<[1], [0], [0], [1], [0, 0, 1, 1], [], []>, transpose_lhs_hint = false} : vector<400x128xf32>, vector<128x128xf32>, vector<400x128xf32> -> vector<400x128xf32>
    %get3A_38 = arith.constant 0 : index
    %get3A_39 = arith.constant 0 : index
    %get3A_40 = vector.load %arg10[%get3A_38, %get3A_39] : memref<1x128xf32, #tpu.memory_space<vmem>>, vector<1x128xf32>
    %add3A_41 = vector.broadcast %get3A_40 : vector<1x128xf32> to vector<400x128xf32>
    %add3A_42 = arith.addf %dot_general3A_37, %add3A_41 : vector<400x128xf32>
    %max3A_43 = arith.constant 0.000000e+00 : f32
    %max3A_44 = vector.broadcast %max3A_43 : f32 to vector<400x128xf32>
    %max3A_45 = arith.maximumf %add3A_42, %max3A_44 : vector<400x128xf32>
    %get3A_46 = arith.constant 0 : index
    %get3A_47 = arith.constant 0 : index
    %get3A_48 = vector.load %arg11[%get3A_46, %get3A_47] : memref<128x1xf32, #tpu.memory_space<vmem>>, vector<128x1xf32>
    %dot_general3A_49 = arith.constant dense<0.000000e+00> : vector<400x1xf32>
    %dot_general3A_50 = tpu.matmul %max3A_45, %get3A_48, %dot_general3A_49 {dimension_numbers = #tpu.dot_dimension_numbers<[1], [0], [0], [1], [0, 0, 1, 1], [], []>, transpose_lhs_hint = false} : vector<400x128xf32>, vector<128x1xf32>, vector<400x1xf32> -> vector<400x1xf32>
    %get3A_51 = arith.constant 0 : index
    %get3A_52 = arith.constant 0 : index
    %get3A_53 = vector.load %arg12[%get3A_51, %get3A_52] : memref<1x1xf32, #tpu.memory_space<vmem>>, vector<1x1xf32>
    %add3A_54 = vector.broadcast %get3A_53 : vector<1x1xf32> to vector<400x1xf32>
    %add3A_55 = arith.addf %dot_general3A_50, %add3A_54 : vector<400x1xf32>
    %swap3A = arith.constant 0 : index
    %swap3A_56 = arith.constant 0 : index
    %swap3A_57 = vector.load %arg13[%swap3A, %swap3A_56] : memref<400x1xf32, #tpu.memory_space<vmem>>, vector<400x1xf32>
    tpu.vector_store %arg13[%swap3A, %swap3A_56], %add3A_55 {strides = array<i32>} : memref<400x1xf32, #tpu.memory_space<vmem>>, vector<400x1xf32>,
    return
  }
  func.func @transform_0(%arg0: i32) -> (i32, i32) {
    %c0_i32 = arith.constant 0 : i32
    %c0_i32_0 = arith.constant 0 : i32
    return %arg0, %c0_i32 : i32, i32
  }
  func.func @transform_1(%arg0: i32) -> (i32, i32) {
    %c0_i32 = arith.constant 0 : i32
    %c0_i32_0 = arith.constant 0 : i32
    return %arg0, %c0_i32 : i32, i32
  }
  func.func @transform_2(%arg0: i32) -> (i32, i32) {
    %c0_i32 = arith.constant 0 : i32
    %c0_i32_0 = arith.constant 0 : i32
    return %arg0, %c0_i32 : i32, i32
  }
  func.func @transform_3(%arg0: i32) -> (i32, i32) {
    %c0_i32 = arith.constant 0 : i32
    %c0_i32_0 = arith.constant 0 : i32
    return %arg0, %c0_i32 : i32, i32
  }
  func.func @transform_4(%arg0: i32) -> (i32, i32) {
    %c0_i32 = arith.constant 0 : i32
    %c0_i32_0 = arith.constant 0 : i32
    return %arg0, %c0_i32 : i32, i32
  }
  func.func @transform_5(%arg0: i32) -> (i32, i32) {
    %c0_i32 = arith.constant 0 : i32
    %c0_i32_0 = arith.constant 0 : i32
    %c0_i32_1 = arith.constant 0 : i32
    return %c0_i32, %c0_i32_0 : i32, i32
  }
  func.func @transform_6(%arg0: i32) -> (i32, i32) {
    %c0_i32 = arith.constant 0 : i32
    %c0_i32_0 = arith.constant 0 : i32
    %c0_i32_1 = arith.constant 0 : i32
    return %c0_i32, %c0_i32_0 : i32, i32
  }
  func.func @transform_7(%arg0: i32) -> (i32, i32) {
    %c0_i32 = arith.constant 0 : i32
    %c0_i32_0 = arith.constant 0 : i32
    %c0_i32_1 = arith.constant 0 : i32
    return %c0_i32, %c0_i32_0 : i32, i32
  }
  func.func @transform_8(%arg0: i32) -> (i32, i32) {
    %c0_i32 = arith.constant 0 : i32
    %c0_i32_0 = arith.constant 0 : i32
    %c0_i32_1 = arith.constant 0 : i32
    return %c0_i32, %c0_i32_0 : i32, i32
  }
  func.func @transform_9(%arg0: i32) -> (i32, i32) {
    %c0_i32 = arith.constant 0 : i32
    %c0_i32_0 = arith.constant 0 : i32
    %c0_i32_1 = arith.constant 0 : i32
    return %c0_i32, %c0_i32_0 : i32, i32
  }
  func.func @transform_10(%arg0: i32) -> (i32, i32) {
    %c0_i32 = arith.constant 0 : i32
    %c0_i32_0 = arith.constant 0 : i32
    %c0_i32_1 = arith.constant 0 : i32
    return %c0_i32, %c0_i32_0 : i32, i32
  }
  func.func @transform_11(%arg0: i32) -> (i32, i32) {
    %c0_i32 = arith.constant 0 : i32
    %c0_i32_0 = arith.constant 0 : i32
    %c0_i32_1 = arith.constant 0 : i32
    return %c0_i32, %c0_i32_0 : i32, i32
  }
  func.func @transform_12(%arg0: i32) -> (i32, i32) {
    %c0_i32 = arith.constant 0 : i32
    %c0_i32_0 = arith.constant 0 : i32
    return %arg0, %c0_i32 : i32, i32
  }
}

</mosaic_0001>

<sc_bundles>
// kernel: kernel.11.cloned.1.call-start
scs
__scs_entry_jumppad:
0x0: {  	(pc) =	sbr.rel $0x88, $3  }
0x1: {  	(tag) =	ssettag $0x0;
	lr =	simm.s32 $0x1  }
0x2: {  	[smem:$0x3F92] =	sst lr;
	_ =	strace $0xD0000000  }
0x3: {  	_ = 	snop  }
0x4: {  	_ = 	snop  }
0x5: {  	_ = 	snop  }
0x6: {  	_ = 	snop  }
0x7: {  	_ = 	snop  }
__scs_overlays_trampoline_lowered:
0x8: {  	[smem:$0x3FA1] =	sst s0  }
0x9: {  	[smem:$0x3FA2] =	sst s1  }
0xa: {  	[smem:$0x3FA3] =	sst s2  }
0xb: {  	[smem:$0x3FA4] =	sst s3  }
0xc: {  	[smem:$0x3FA5] =	sst s4  }
0xd: {  	[smem:$0x3FA6] =	sst s5  }
0xe: {  	[smem:$0x3FA7] =	sst s6  }
0xf: {  	[smem:$0x3FA8] =	sst s7  }
0x10: {  	[smem:$0x3FA9] =	sst s8  }
0x11: {  	[smem:$0x3FAA] =	sst s9;
	s0 =	simm.s32 @!p0 $0x0  }
0x12: {  	s1 =	sld [smem:$0x3F90];
	s0 =	simm.s32 @p0 $0x1  }
0x13: {  	[smem:$0x3FAB] =	sst s0;
	s0 =	simm.s32 @!p1 $0x0  }
0x14: {  	s2 =	sld [smem:$0x3F8F];
	s0 =	simm.s32 @p1 $0x1  }
0x15: {  	[smem:$0x3FAC] =	sst s0;
	s0 =	simm.s32 @!p2 $0x0  }
0x16: {  	s3 =	sld [smem:$0x3FDB];
	s0 =	simm.s32 @p2 $0x1  }
0x17: {  	s4 =	simm.s32 $0x1BF5;
	[smem:$0x3FAE] =	sst s0  }
0x18: {  	s0 =	sld [smem:$0x3F91];
	_ =	swait.ge [sflag:s4], $0x0  }
0x19: {  	s7 =	sld [smem:$0x3F92]  }
0x1a: {  	s8 =	sadd.s32 $0xFFFFE003, lr  }
0x1b: {  	s9 =	sadd.s32 $0xFFFFFEF7, lr;
	s5 =	simm.s32 $0xFFFFFFFF;
	p2 =	slt.u32 s8, $0xFFFFF086  }
0x1c: {  	p1 =	slt.u32 s9, $0xF7A;
	s5 =	simm.s32 @!p2 $0x0  }
0x1d: {  	s5 =	simm.s32 @p1 $0x1;
	p0 =	seq.s32 s7, s2  }
0x1e: {  	s7 =	smul.u32 @!p0 $0xF7A, s2;
	p2 =	seq.s32 @!p0 s5, $0x0  }
0x1f: {  	s9 =	smul.u32 $0xF7A, s1;
	s8 =	simm.s32 @!p0 $0x1BF5;
	p2 =	por !p2, p0  }
0x20: {  	[sflag:s8] =	ssyncset.s32 @!p0 $0xFFFFF086;
	s6 =	sadd.s32 @!p0 s3, s7;
	s7 =	simm.s32 @!p0 $0x108  }
0x21: {  	s3 =	sadd.s32 s3, s9;
	s6 =	sadd.s32 @!p0 $0x88, s6;
	s7 =	simm.s32 @p2 $0x1082  }
0x22: {  	[simem:s7], [sflag:s8] =	dma.local @!p0 [hbm:s6], $0xF7A  }
0x23: {  	s9 =	sor.u32 $0xD0000000, s2;
	s6 =	simm.s32 $0x108;
	_ =	swait.ge @!p0 [sflag:s8], $0x0  }
0x24: {  	s3 =	sadd.s32 $0x88, s3;
	s6 =	simm.s32 @!p1 $0x1082;
	[sflag:s4] =	ssyncset.s32 $0xFFFFF086  }
0x25: {  	[simem:s6], [sflag:s4] =	dma.local [hbm:s3], $0xF7A  }
0x26: {  	[smem:$0x3F92] =	sst s1;
	(tag) =	ssettag s2;
	_ =	strace s9  }
0x27: {  	s1 =	sld [smem:$0x3FA2]  }
0x28: {  	s2 =	sld [smem:$0x3FA3]  }
0x29: {  	s4 =	sld [smem:$0x3FA5]  }
0x2a: {  	p0 =	seq.s32 s5, $0x0;
	s5 =	sld [smem:$0x3FA6]  }
0x2b: {  	s6 =	sld [smem:$0x3FA7]  }
0x2c: {  	s7 =	sld [smem:$0x3FA8]  }
0x2d: {  	s3 =	simm.s32 $0x108;
	s8 =	sld [smem:$0x3FA9]  }
0x2e: {  	s3 =	simm.s32 @!p0 $0x1082;
	s9 =	sld [smem:$0x3FAA]  }
0x2f: {  	lr =	sadd.s32 s0, s3;
	s0 =	sld [smem:$0x3FA1]  }
0x30: {  	s3 =	sld [smem:$0x3FA4]  }
0x31: {  	[smem:$0x3FAD] =	sst s10  }
0x32: {  	s10 =	sld [smem:$0x3FAB];
	_ =	sdelay $0x3  }
0x33: {  	p0 =	seq.s32 s10, $0x1;
	s10 =	sld [smem:$0x3FAD];
	_ =	sdelay $0x3  }
0x34: {  	[smem:$0x3FAD] =	sst s10  }
0x35: {  	s10 =	sld [smem:$0x3FAC];
	_ =	sdelay $0x3  }
0x36: {  	p1 =	seq.s32 s10, $0x1;
	s10 =	sld [smem:$0x3FAD];
	_ =	sdelay $0x3  }
0x37: {  	[smem:$0x3FAD] =	sst s10  }
0x38: {  	s10 =	sld [smem:$0x3FAE]  }
0x39: {  	_ = 	snop;
	(pc) =	sbr.ind lr, $3  }
0x3a: {  	_ = 	snop  }
0x3b: {  	_ = 	snop  }
0x3c: {  	p2 =	seq.s32 s10, $0x1;
	s10 =	sld [smem:$0x3FAD]  }
0x3d: {  	_ =	shalt  }
0x3e: {  	_ =	shalt  }
0x3f: {  	_ =	shalt  }
0x40: {  	_ =	shalt  }
0x41: {  	_ =	shalt  }
0x42: {  	_ =	shalt  }
0x43: {  	_ =	shalt  }
0x44: {  	_ =	shalt  }
0x45: {  	_ =	shalt  }
0x46: {  	_ =	shalt  }
0x47: {  	_ =	shalt  }
0x48: {  	_ =	shalt  }
0x49: {  	_ =	shalt  }
0x4a: {  	_ =	shalt  }
0x4b: {  	_ =	shalt  }
0x4c: {  	_ =	shalt  }
0x4d: {  	_ =	shalt  }
0x4e: {  	_ =	shalt  }
0x4f: {  	_ =	shalt  }
0x50: {  	_ =	shalt  }
0x51: {  	_ =	shalt  }
0x52: {  	_ =	shalt  }
0x53: {  	_ =	shalt  }
0x54: {  	_ =	shalt  }
0x55: {  	_ =	shalt  }
0x56: {  	_ =	shalt  }
0x57: {  	_ =	shalt  }
0x58: {  	_ =	shalt  }
0x59: {  	_ =	shalt  }
0x5a: {  	_ =	shalt  }
0x5b: {  	_ =	shalt  }
0x5c: {  	_ =	shalt  }
0x5d: {  	_ =	shalt  }
0x5e: {  	_ =	shalt  }
0x5f: {  	_ =	shalt  }
0x60: {  	_ =	shalt  }
0x61: {  	_ =	shalt  }
0x62: {  	_ =	shalt  }
0x63: {  	_ =	shalt  }
0x64: {  	_ =	shalt  }
0x65: {  	_ =	shalt  }
0x66: {  	_ =	shalt  }
0x67: {  	_ =	shalt  }
0x68: {  	_ =	shalt  }
0x69: {  	_ =	shalt  }
0x6a: {  	_ =	shalt  }
0x6b: {  	_ =	shalt  }
0x6c: {  	_ =	shalt  }
0x6d: {  	_ =	shalt  }
0x6e: {  	_ =	shalt  }
0x6f: {  	_ =	shalt  }
0x70: {  	_ =	shalt  }
0x71: {  	_ =	shalt  }
0x72: {  	_ =	shalt  }
0x73: {  	_ =	shalt  }
0x74: {  	_ =	shalt  }
0x75: {  	_ =	shalt  }
0x76: {  	_ =	shalt  }
0x77: {  	_ =	shalt  }
0x78: {  	_ =	shalt  }
0x79: {  	_ =	shalt  }
0x7a: {  	_ =	shalt  }
0x7b: {  	_ =	shalt  }
0x7c: {  	_ =	shalt  }
0x7d: {  	_ =	shalt  }
0x7e: {  	_ =	shalt  }
0x7f: {  	_ =	shalt  }
0x80: {  	_ =	shalt  }
0x81: {  	_ =	shalt  }
0x82: {  	_ =	shalt  }
0x83: {  	_ =	shalt  }
0x84: {  	_ =	shalt  }
0x85: {  	_ =	shalt  }
0x86: {  	_ =	shalt  }
0x87: {  	_ =	shalt  }
.Lfunc_end0:
.L_simem_size_0:
called_computation.1_lowered:
.L_overlay_start_0:
0x88: {  	s2 =	sld [smem:$0x3FD9]  }
0x89: {  	s3 =	sld [smem:$0x3FFE];
	_ =	sdelay $0x1  }
0x8a: {  	s1 =	srdreg.scid  }
0x8b: {  	s0 =	sand.u32 $0x1, s1  }
0x8c: {  	s16 =	sshll.u32 s0, $0xA;
	s2 =	sadd.s32 s3, s2  }
0x8d: {  	s2 =	sadd.s32 s2, s16  }
0x8e: {  	[smem:$0x3FB9] =	sst s2  }
0x8f: {  	_ = 	snop  }
0x90: {  	(tm) =	ssettm $0x1  }
0x91: {  	s17 =	sld [smem:$0x3FFB];
	_ =	sdelay $0x3  }
0x92: {  	_ =	strace s17  }
0x93: {  	s2 =	sld [smem:$0x3FFC];
	_ =	sdelay $0x3  }
0x94: {  	_ =	strace s2  }
0x95: {  	s2 =	sld [smem:$0x3FFD];
	_ =	sdelay $0x3  }
0x96: {  	_ =	strace s2  }
0x97: {  	_ =	strace $0x8FFFFFFF  }
0x98: {  	s18 =	sld [smem:$0x3FDB];
	_ =	sdelay $0x1  }
0x99: {  	s19 =	simm.s32 $_scs_section_size  }
0x9a: {  	s4 =	simm.s32 $_size__tile_overlayer_lowered;
	s5 =	simm.s32 $_tile_overlayer_lowered  }
0x9b: {  	s22 =	simm.s32 $0x1BFF;
	s21 =	sshll.u32 s5, $0x1;
	s2 =	sadd.s32 s19, s18  }
0x9c: {  	s6 =	simm.s32 $0x0;
	s20 =	sshll.u32 s4, $0x1;
	s4 =	sadd.s32 s21, s2  }
0x9d: {  	[timem:s6], [sflag:s22] =	dma.local [hbm:s4], s20  }
0x9e: {  	_ =	swait.ge [sflag:s22], s20  }
0x9f: {  	s3 =	ssub.s32 $0x0, s20;
	[sflag:s22] =	ssyncset.done $0x0  }
0xa0: {  	[sflag:s22] =	ssyncadd.s32 s3;
	_ =	sdelay $0x1  }
0xa1: {  	s23 =	simm.s32 $0x1B8B  }
0xa2: {  	_ =	swait.ge [sflag:s23], $0x1  }
0xa3: {  	[sflag:s23] =	ssyncset.done $0x0  }
0xa4: {  	s25 =	simm.s32 $0x1B8E;
	s24 =	sld [smem:$0x3FFE];
	[sflag:s23] =	ssyncadd.s32 $0xFFFFFFFF  }
0xa5: {  	s26 =	simm.s32 $execute0_lowered;
	[smem:$0x3FD2] =	sst s25  }
0xa6: {  	s4 =	sshll.u32 s26, $0x1;
	_ =	strace $0x80000049;
	[dreg:$0x1] =	wrdreg $0xFFFFFFFF  }
0xa7: {  	s28 =	simm.s32 $_size_execute0_lowered;
	s2 =	sadd.s32 s2, s4;
	[dreg:$0x0] =	wrdreg $0x0  }
0xa8: {  	s4 =	sshll.u32 s28, $0x1;
	[dreg:$0x2] =	wrdreg s2  }
0xa9: {  	[dreg:$0x3] =	wrdreg s4  }
0xaa: {  	[dreg:$0x4] =	wrdreg $0xC0  }
0xab: {  	_ =	task [dreg:s6], $0x5FFFF  }
0xac: {  	[dreg:$0x1] =	wrdreg $0xFFFFFFFF  }
0xad: {  	[dreg:$0x0] =	wrdreg $0x60  }
0xae: {  	[dreg:$0x2] =	wrdreg s24  }
0xaf: {  	[dreg:$0x3] =	wrdreg $0x90000  }
0xb0: {  	[dreg:$0x4] =	wrdreg $0x9  }
0xb1: {  	_ =	task.clear_ibuf [dreg:s6], $0x5FFFF;
	_ =	strace $0x90000049  }
0xb2: {  	s29 =	simm.s32 $0x9;
	_ =	strace $0x8000004B  }
0xb3: {  	_ =	swait.ge [sflag:s29], $0x1  }
0xb4: {  	[sflag:s29] =	ssyncadd.s32 $0xFFFFFFFF  }
0xb5: {  	_ =	strace $0x9000004B  }
0xb6: {  	_ =	sfence  }
0xb7: {  	s30 =	sld [smem:$0x0];
	_ =	sdelay $0x2  }
0xb8: {  	s31 =	sshll.u32 s1, $0xD;
	s1 =	sshrl.u32 s1, $0x2  }
0xb9: {  	s3 =	sand.u32 $0x4000, s31;
	s1 =	sadd.s32 s1, s30  }
0xba: {  	s0 =	sor.u32 s3, s0;
	s1 =	sshll.u32 s1, $0x11  }
0xbb: {  	s0 =	sor.u32 s1, s0  }
0xbc: {  	s0 =	sadd.s32 $0x8F2B, s0  }
0xbd: {  	[sflag:s0] =	ssyncadd.remote.s32 $0x1  }
0xbe: {  	_ =	sfence.sel $0xFFFF  }
0xbf: {  	[dreg:$0x0] =	wrdreg $0xFFFFFFFF;
	(pc) =	sbr.abs _section_cstart, $3  }
0xc0: {  	[dreg:$0x1] =	wrdreg $0xFFFFFFFF  }
0xc1: {  	_ =	task.clear_ibuf [dreg:s6], $0x2FFFF;
	_ =	strace $0x9FFFFFFF  }
0xc2: {  	(tm) =	ssettm $0x7FFFFFFF  }
0xc3: {  	_ =	shalt  }
tec
execute0_lowered:
.L_overlay_start_1:
0x0: {  	(tag) =	ssettag $0x1  }
0x1: {  	s5 =	rddreg [dreg:$0x0]  }
0x2: {  	s1 =	rddreg [dreg:$0x1]  }
0x3: {  	s2 =	srdreg.scid;
	s0 =	rddreg [dreg:$0x2]  }
0x4: {  	s3 =	simm.s32 $0x0;
	s18 =	simm.s32 $0x800;
	s19 =	simm.s32 $0x80  }
0x5: {  	s20 =	simm.s32 $0x5000;
	s21 =	simm.s32 $0x1;
	s6 =	sand.u32 $0x1, s2  }
0x6: {  	s22 =	simm.s32 $0x2;
	s2 =	stileid.u32;
	s7 =	smul.u32 $0x140000, s6  }
0x7: {  	[smem:$0x7FF] =	sst s3;
	s4 =	sadd.s32 $0x18600, s5;
	s8 =	smul.u32 $0x14000, s2  }
0x8: {  	s15 =	sadd.s32 $0x4600, s5;
	s14 =	sadd.s32 $0xE600, s5;
	s9 =	smul.u32 $0x50000, s2  }
0x9: {  	_ =	strace $0x8000004A;
	s29 =	ssub.s32 $0x2, s6;
	s11 =	smul.u32 $0x5000, s2  }
0xa: {  	s28 =	sshll.u32 s2, $0x1;
	s16 =	smul.u32 $0x2800, s6;
	s30 =	sshrl.u32 s29, $0x1  }
0xb: {  	s7 =	sadd.s32 s8, s7;
	s8 =	sor.u32 s6, s28;
	s31 =	sshrl.u32 s9, $0x2  }
0xc: {  	s13 =	ssub.s32 s29, s30;
	s16 =	sadd.s32 s16, s11;
	s7 =	sshrl.u32 s7, $0x3  }
0xd: {  	s10 =	smul.u32 $0x2800, s8;
	s16 =	sor.u32 $0x400, s16;
	s13 =	smax.u32 s13, $0x1  }
0xe: {  	s12 =	sadd.s32 s7, s5;
	s5 =	sadd.s32 s31, s1;
	s16 =	sshrl.u32 s16, $0x3  }
0xf: {  	s6 =	sadd.s32 $0x4000, s5;
	s7 =	sadd.s32 $0x8000, s5;
	s8 =	sadd.s32 $0xC000, s5  }
0x10: {  	s9 =	sadd.s32 $0x10000, s5;
	s17 =	sshrl.u32 s10, $0x3;
	s12 =	sadd.s32 $0xB9000, s12  }
0x11: {  	s10 =	sadd.s32 s15, s17;
	s11 =	sadd.s32 s14, s17;
	s14 =	sadd.s32 s16, s14  }
0x12: {  	v0 =	vimm.f32 $0.0e+00;
	s15 =	sadd.s32 s16, s15;
	s16 =	simm.s32 $0x1000;
	s17 =	simm.s32 $0x4  }
.LBB2_1:
0x13: {  	s23 =	simm.s32 $0x0;
	s24 =	simm.s32 $0x200  }
.LBB2_2:
0x14: {  	p0 =	sne.s32 s24, $0xFE00;
	[tilespmem:s23+$0x1070] =	vst v0  }
0x15: {  	[tilespmem:s23+$0x1000] =	vst v0  }
0x16: {  	[tilespmem:s23+$0x1010] =	vst v0  }
.Ltmp0:
0x17: {  	[tilespmem:s23+$0x1020] =	vst v0;
	(pc) =	sbr.rel @p0 .LBB2_2-.Ltmp0, $4  }
0x18: {  	[tilespmem:s23+$0x1030] =	vst v0  }
0x19: {  	[tilespmem:s23+$0x1040] =	vst v0  }
0x1a: {  	[tilespmem:s23+$0x1050] =	vst v0  }
0x1b: {  	[tilespmem:s23+$0x1060] =	vst v0;
	s23 =	sshra.s32 s24, $0x2;
	s24 =	sadd.s32 $0x200, s24  }
0x1c: {  	[tilespmem:s23+$0x1070] =	vst v0  }
0x1d: {  	[tilespmem:s23+$0x1000] =	vst v0  }
0x1e: {  	[tilespmem:s23+$0x1010] =	vst v0  }
0x1f: {  	[tilespmem:s23+$0x1020] =	vst v0  }
0x20: {  	[tilespmem:s23+$0x1030] =	vst v0  }
0x21: {  	[tilespmem:s23+$0x1040] =	vst v0  }
0x22: {  	[tilespmem:s23+$0x1050] =	vst v0  }
0x23: {  	[tilespmem:s23+$0x1060] =	vst v0  }
0x24: {  	[spmem:s5] =	stream.linear.scatter [tilespmem:s16], [sflag:$0x4], $0x4000, $0x38;
	[tilespmem:$0x1D000] =	vst v63  }
0x25: {  	_ =	swait.ge [sflag:s17], $0x4000  }
0x26: {  	[sflag:s17] =	ssyncset.done $0x0  }
0x27: {  	[sflag:s17] =	ssyncadd.s32 $0xFFFFC000  }
0x28: {  	[spmem:s6] =	stream.linear.scatter [tilespmem:s16], [sflag:$0x4], $0x4000, $0x38;
	[tilespmem:$0x1D000] =	vst v63  }
0x29: {  	_ =	swait.ge [sflag:s17], $0x4000  }
0x2a: {  	[sflag:s17] =	ssyncset.done $0x0  }
0x2b: {  	[sflag:s17] =	ssyncadd.s32 $0xFFFFC000  }
0x2c: {  	[spmem:s7] =	stream.linear.scatter [tilespmem:s16], [sflag:$0x4], $0x4000, $0x38;
	[tilespmem:$0x1D000] =	vst v63  }
0x2d: {  	_ =	swait.ge [sflag:s17], $0x4000  }
0x2e: {  	[sflag:s17] =	ssyncset.done $0x0  }
0x2f: {  	[sflag:s17] =	ssyncadd.s32 $0xFFFFC000  }
0x30: {  	[spmem:s8] =	stream.linear.scatter [tilespmem:s16], [sflag:$0x4], $0x4000, $0x38;
	[tilespmem:$0x1D000] =	vst v63  }
0x31: {  	_ =	swait.ge [sflag:s17], $0x4000  }
0x32: {  	[sflag:s17] =	ssyncset.done $0x0  }
0x33: {  	[sflag:s17] =	ssyncadd.s32 $0xFFFFC000  }
0x34: {  	[spmem:s9] =	stream.linear.scatter [tilespmem:s16], [sflag:$0x4], $0x4000, $0x38;
	[tilespmem:$0x1D000] =	vst v63  }
0x35: {  	_ =	swait.ge [sflag:s17], $0x4000  }
0x36: {  	[sflag:s17] =	ssyncset.done $0x0  }
0x37: {  	[sflag:s17] =	ssyncadd.s32 $0xFFFFC000  }
0x38: {  	s23 =	simm.s32 $0x0;
	[bflag:$0x0] =	sbarrier.arrive $0xFFFF  }
0x39: {  	[tilespmem:s23], [sflag:$0x4] =	stream.linear.gather [hbm4b:s10+s23], $0x400, $0x38;
	[tilespmem:$0x1D000] =	vst v63  }
0x3a: {  	_ =	swait.ge [sflag:s17], $0x400  }
0x3b: {  	[sflag:s17] =	ssyncset.done $0x0  }
0x3c: {  	[sflag:s17] =	ssyncadd.s32 $0xFFFFFC00  }
0x3d: {  	[tilespmem:s18], [sflag:$0x4] =	stream.linear.gather [hbm4b:s11+s23], $0x400, $0x38;
	[tilespmem:$0x1D000] =	vst v63  }
0x3e: {  	_ =	swait.ge [sflag:s17], $0x400  }
0x3f: {  	[sflag:s17] =	ssyncset.done $0x0  }
0x40: {  	[sflag:s17] =	ssyncadd.s32 $0xFFFFFC00  }
0x41: {  	[tilespmem:s16], [sflag:$0x1] =	stream.indirect.gather [hbm4b:s4+s19], $0x80, s23, s19, $0xb8;
	[tilespmem:$0x1D000] =	vst v63  }
0x42: {  	s24 =	smov.u32 s15;
	s25 =	smov.u32 s14  }
0x43: {  	[tilespmem:s20], [sflag:$0x2] =	stream.indirect.gather [hbm4b:s4+s19], $0x80, s19, s19, $0xb8;
	[tilespmem:$0x1D000] =	vst v63  }
.LBB2_4:
0x44: {  	p0 =	seq.s32 s23, $0x2400  }
0x45: {  	s26 =	sand.u32 @!p0 $0x400, s23  }
0x46: {  	s29 =	simm.s32 @!p0 $0x0;
	s28 =	sxor.u32 @!p0 $0x400, s26  }
0x47: {  	[tilespmem:s28], [sflag:$0x3] =	stream.linear.gather @!p0 [hbm4b:s24+s29], $0x400, $0x38;
	[tilespmem:$0x1D000] =	vst v63  }
0x48: {  	s28 =	sxor.u32 @!p0 $0xC00, s26  }
0x49: {  	[tilespmem:s28], [sflag:$0x3] =	stream.linear.gather @!p0 [hbm4b:s25+s29], $0x400, $0x38;
	[tilespmem:$0x1D000] =	vst v63  }
0x4a: {  	_ =	swait.ge [sflag:s21], $0x4000  }
0x4b: {  	s26 =	simm.s32 @p0 $0x400;
	[sflag:s21] =	ssyncset.done $0x0  }
0x4c: {  	s31 =	sor.u32 $0x800, s26;
	[sflag:s21] =	ssyncadd.s32 $0xFFFFC000  }
0x4d: {  	[spmem:s1] =	stream.indirect.scatter.add.f32 [tilespmem:s16], [sflag:$0x4], $0x80, s31, s19, $0xb8;
	[tilespmem:$0x1D000] =	vst v63  }
0x4e: {  	_ =	swait.ge [sflag:s17], $0x4000  }
0x4f: {  	[sflag:s17] =	ssyncset.done $0x0  }
0x50: {  	s29 =	sadd.s32 $0x100, s26;
	[sflag:s17] =	ssyncadd.s32 $0xFFFFC000  }
0x51: {  	[tilespmem:s16], [sflag:$0x1] =	stream.indirect.gather [hbm4b:s4+s19], $0x80, s29, s19, $0xb8;
	[tilespmem:$0x1D000] =	vst v63  }
0x52: {  	_ =	swait.ge [sflag:s22], $0x4000  }
0x53: {  	[sflag:s22] =	ssyncset.done $0x0  }
0x54: {  	s30 =	sadd.s32 $0x880, s26;
	[sflag:s22] =	ssyncadd.s32 $0xFFFFC000  }
0x55: {  	[spmem:s1] =	stream.indirect.scatter.add.f32 [tilespmem:s20], [sflag:$0x4], $0x80, s30, s19, $0xb8;
	[tilespmem:$0x1D000] =	vst v63  }
0x56: {  	_ =	swait.ge [sflag:s17], $0x4000  }
0x57: {  	[sflag:s17] =	ssyncset.done $0x0  }
0x58: {  	s31 =	sadd.s32 $0x180, s26;
	[sflag:s17] =	ssyncadd.s32 $0xFFFFC000  }
0x59: {  	[tilespmem:s20], [sflag:$0x2] =	stream.indirect.gather [hbm4b:s4+s19], $0x80, s31, s19, $0xb8;
	[tilespmem:$0x1D000] =	vst v63  }
0x5a: {  	_ =	swait.ge [sflag:s21], $0x4000  }
0x5b: {  	[sflag:s21] =	ssyncset.done $0x0  }
0x5c: {  	s29 =	sadd.s32 $0x900, s26;
	[sflag:s21] =	ssyncadd.s32 $0xFFFFC000  }
0x5d: {  	[spmem:s1] =	stream.indirect.scatter.add.f32 [tilespmem:s16], [sflag:$0x4], $0x80, s29, s19, $0xb8;
	[tilespmem:$0x1D000] =	vst v63  }
0x5e: {  	_ =	swait.ge [sflag:s17], $0x4000  }
0x5f: {  	[sflag:s17] =	ssyncset.done $0x0  }
0x60: {  	s30 =	sadd.s32 $0x200, s26;
	[sflag:s17] =	ssyncadd.s32 $0xFFFFC000  }
0x61: {  	[tilespmem:s16], [sflag:$0x1] =	stream.indirect.gather [hbm4b:s4+s19], $0x80, s30, s19, $0xb8;
	[tilespmem:$0x1D000] =	vst v63  }
0x62: {  	_ =	swait.ge [sflag:s22], $0x4000  }
0x63: {  	[sflag:s22] =	ssyncset.done $0x0  }
0x64: {  	s31 =	sadd.s32 $0x980, s26;
	[sflag:s22] =	ssyncadd.s32 $0xFFFFC000  }
0x65: {  	[spmem:s1] =	stream.indirect.scatter.add.f32 [tilespmem:s20], [sflag:$0x4], $0x80, s31, s19, $0xb8;
	[tilespmem:$0x1D000] =	vst v63  }
0x66: {  	_ =	swait.ge [sflag:s17], $0x4000  }
0x67: {  	[sflag:s17] =	ssyncset.done $0x0  }
0x68: {  	s29 =	sadd.s32 $0x280, s26;
	[sflag:s17] =	ssyncadd.s32 $0xFFFFC000  }
0x69: {  	[tilespmem:s20], [sflag:$0x2] =	stream.indirect.gather [hbm4b:s4+s19], $0x80, s29, s19, $0xb8;
	[tilespmem:$0x1D000] =	vst v63  }
0x6a: {  	_ =	swait.ge [sflag:s21], $0x4000  }
0x6b: {  	[sflag:s21] =	ssyncset.done $0x0  }
0x6c: {  	s30 =	sadd.s32 $0xA00, s26;
	[sflag:s21] =	ssyncadd.s32 $0xFFFFC000  }
0x6d: {  	[spmem:s1] =	stream.indirect.scatter.add.f32 [tilespmem:s16], [sflag:$0x4], $0x80, s30, s19, $0xb8;
	[tilespmem:$0x1D000] =	vst v63  }
0x6e: {  	_ =	swait.ge [sflag:s17], $0x4000  }
0x6f: {  	[sflag:s17] =	ssyncset.done $0x0  }
0x70: {  	s31 =	sadd.s32 $0x300, s26;
	[sflag:s17] =	ssyncadd.s32 $0xFFFFC000  }
0x71: {  	[tilespmem:s16], [sflag:$0x1] =	stream.indirect.gather [hbm4b:s4+s19], $0x80, s31, s19, $0xb8;
	[tilespmem:$0x1D000] =	vst v63  }
0x72: {  	_ =	swait.ge [sflag:s22], $0x4000  }
0x73: {  	[sflag:s22] =	ssyncset.done $0x0  }
0x74: {  	s29 =	sadd.s32 $0xA80, s26;
	[sflag:s22] =	ssyncadd.s32 $0xFFFFC000  }
0x75: {  	[spmem:s1] =	stream.indirect.scatter.add.f32 [tilespmem:s20], [sflag:$0x4], $0x80, s29, s19, $0xb8;
	[tilespmem:$0x1D000] =	vst v63  }
0x76: {  	_ =	swait.ge [sflag:s17], $0x4000  }
0x77: {  	[sflag:s17] =	ssyncset.done $0x0  }
0x78: {  	s28 =	simm.s32 @p0 $0x1;
	s30 =	sadd.s32 $0x380, s26;
	[sflag:s17] =	ssyncadd.s32 $0xFFFFC000  }
0x79: {  	[tilespmem:s20], [sflag:$0x2] =	stream.indirect.gather [hbm4b:s4+s19], $0x80, s30, s19, $0xb8;
	[tilespmem:$0x1D000] =	vst v63  }
0x7a: {  	_ =	swait.ge @p0 [sflag:s28], $0x4000  }
0x7b: {  	s29 =	simm.s32 @p0 $0x80;
	[sflag:s28] =	ssyncset.done @p0 $0x0  }
0x7c: {  	s30 =	simm.s32 @p0 $0x1000;
	[sflag:s28] =	ssyncadd.s32 @p0 $0xFFFFC000;
	s28 =	sadd.s32 @p0 $0xB00, s26  }
0x7d: {  	[spmem:s1] =	stream.indirect.scatter.add.f32 @p0 [tilespmem:s30], [sflag:$0x4], $0x80, s28, s29, $0xb8;
	[tilespmem:$0x1D000] =	vst v63  }
0x7e: {  	s28 =	simm.s32 @p0 $0x4  }
0x7f: {  	_ =	swait.ge @p0 [sflag:s28], $0x4000  }
0x80: {  	[sflag:s28] =	ssyncset.done @p0 $0x0  }
0x81: {  	[sflag:s28] =	ssyncadd.s32 @p0 $0xFFFFC000;
	s28 =	simm.s32 @!p0 $0x3  }
0x82: {  	_ =	swait.ge @!p0 [sflag:s28], $0x400  }
0x83: {  	[sflag:s28] =	ssyncset.done @!p0 $0x0  }
0x84: {  	[sflag:s28] =	ssyncadd.s32 @!p0 $0xFFFFFC00  }
0x85: {  	_ =	swait.ge @!p0 [sflag:s28], $0x400  }
0x86: {  	[sflag:s28] =	ssyncset.done @!p0 $0x0  }
0x87: {  	[sflag:s28] =	ssyncadd.s32 @!p0 $0xFFFFFC00;
	s28 =	simm.s32 @!p0 $0x1  }
0x88: {  	_ =	swait.ge @!p0 [sflag:s28], $0x4000  }
0x89: {  	s29 =	simm.s32 @!p0 $0x80;
	[sflag:s28] =	ssyncset.done @!p0 $0x0  }
0x8a: {  	s30 =	simm.s32 @!p0 $0x1000;
	[sflag:s28] =	ssyncadd.s32 @!p0 $0xFFFFC000;
	s28 =	sadd.s32 @!p0 $0xB00, s26  }
0x8b: {  	[spmem:s1] =	stream.indirect.scatter.add.f32 @!p0 [tilespmem:s30], [sflag:$0x4], $0x80, s28, s29, $0xb8;
	[tilespmem:$0x1D000] =	vst v63  }
0x8c: {  	s28 =	simm.s32 @!p0 $0x4  }
0x8d: {  	_ =	swait.ge @!p0 [sflag:s28], $0x4000  }
0x8e: {  	[sflag:s28] =	ssyncset.done @!p0 $0x0  }
0x8f: {  	[sflag:s28] =	ssyncadd.s32 @!p0 $0xFFFFC000;
	s28 =	ssub.s32 @!p0 $0x400, s26  }
0x90: {  	[tilespmem:s30], [sflag:$0x1] =	stream.indirect.gather @!p0 [hbm4b:s4+s29], $0x80, s28, s29, $0xb8;
	[tilespmem:$0x1D000] =	vst v63  }
0x91: {  	s23 =	sadd.s32 @!p0 $0x400, s23;
	_ =	swait.ge [sflag:s22], $0x4000  }
0x92: {  	p1 =	sne.s32 @!p0 s23, $0x2800;
	[sflag:s22] =	ssyncset.done $0x0  }
0x93: {  	p1 =	por p0, !p1;
	s31 =	sadd.s32 $0xB80, s26;
	[sflag:s22] =	ssyncadd.s32 $0xFFFFC000  }
0x94: {  	[spmem:s1] =	stream.indirect.scatter.add.f32 [tilespmem:s20], [sflag:$0x4], $0x80, s31, s19, $0xb8;
	[tilespmem:$0x1D000] =	vst v63  }
.Ltmp1:
0x95: {  	_ = 	snop;
	(pc) =	sbr.rel @!p1 .LBB2_4-.Ltmp1, $4  }
0x96: {  	_ =	swait.ge [sflag:s17], $0x4000  }
0x97: {  	s24 =	sadd.s32 @!p0 $0x80, s24;
	s25 =	sadd.s32 @!p0 $0x80, s25;
	[sflag:s17] =	ssyncset.done $0x0  }
0x98: {  	s26 =	ssub.s32 @!p0 $0x480, s26;
	s28 =	simm.s32 @!p0 $0x5000;
	[sflag:s17] =	ssyncadd.s32 $0xFFFFC000  }
0x99: {  	[tilespmem:s28], [sflag:$0x2] =	stream.indirect.gather @!p0 [hbm4b:s4+s29], $0x80, s26, s29, $0xb8;
	[tilespmem:$0x1D000] =	vst v63  }
0x9a: {  	s3 =	sadd.s32 $0x1, s3  }
0x9b: {  	s23 =	sshll.u32 s2, $0x6;
	[bflag:$0x0] =	sbarrier.arrive $0xFFFF;
	p0 =	sne.s32 s3, s13  }
.Ltmp2:
0x9c: {  	s24 =	sshrl.u32 s5, $0x3;
	s23 =	sor.u32 $0x1C04, s23;
	(pc) =	sbr.rel @p0 .LBB2_1-.Ltmp2, $4  }
0x9d: {  	[hbm:s12], [sflag:s23] =	dma.local [spmem:s24], $0x2800  }
0x9e: {  	_ =	swait.ge [sflag:s17], $0x2800  }
0x9f: {  	[sflag:s17] =	ssyncset.done $0x0  }
0xa0: {  	[sflag:s17] =	ssyncadd.s32 $0xFFFFD800  }
0xa1: {  	_ =	sfence.sel $0x180000  }
0xa2: {  	[bflag:$0x0] =	sbarrier.arrive $0xFFFF  }
0xa3: {  	p0 =	sne.s32 s2, $0x0;
	_ =	strace $0x9000004A  }
0xa4: {  	s0 =	sadd.s32 @!p0 $0x100000, s0;
	[bflag:$0x2] =	sbarrier.arrive $0xFFFF  }
0xa5: {  	[sflag:s0] =	ssyncadd.tile.s32 @!p0 $0x1;
	_ =	shalt  }
.Lfunc_end2:
_tile_overlayer_lowered:
.L_overlay_start_2:
0xa6: {  	(tag) =	ssettag $0x2  }
0xa7: {  	s0 =	rddreg [dreg:$0x0];
	s2 =	stileid.u32  }
0xa8: {  	s1 =	rddreg [dreg:$0x1];
	p0 =	sne.s32 s2, $0x0  }
0xa9: {  	s3 =	rddreg [dreg:$0x2];
	[bflag:$0x3] =	sbarrier.arrive $0xFFFF;
	s2 =	simm.s32 @!p0 $0x1C04  }
0xaa: {  	[timem:s3], [sflag:s2] =	dma.local @!p0 [hbm:s0], s1  }
0xab: {  	s0 =	simm.s32 @!p0 $0x4  }
0xac: {  	_ =	swait.ge @!p0 [sflag:s0], s1  }
0xad: {  	s1 =	ssub.s32 @!p0 $0x0, s1;
	[sflag:s0] =	ssyncset.done @!p0 $0x0  }
0xae: {  	[sflag:s0] =	ssyncadd.s32 @!p0 s1  }
0xaf: {  	[bflag:$0x3] =	sbarrier.arrive $0xFFFF  }
0xb0: {  	_ =	shalt  }

// kernel: kernel.14.cloned.1.call-start
scs
__scs_entry_jumppad:
0x0: {  	(pc) =	sbr.rel $0x88, $3  }
0x1: {  	(tag) =	ssettag $0x0;
	lr =	simm.s32 $0x1  }
0x2: {  	[smem:$0x3F92] =	sst lr;
	_ =	strace $0xD0000000  }
0x3: {  	_ = 	snop  }
0x4: {  	_ = 	snop  }
0x5: {  	_ = 	snop  }
0x6: {  	_ = 	snop  }
0x7: {  	_ = 	snop  }
__scs_overlays_trampoline_lowered:
0x8: {  	[smem:$0x3FA1] =	sst s0  }
0x9: {  	[smem:$0x3FA2] =	sst s1  }
0xa: {  	[smem:$0x3FA3] =	sst s2  }
0xb: {  	[smem:$0x3FA4] =	sst s3  }
0xc: {  	[smem:$0x3FA5] =	sst s4  }
0xd: {  	[smem:$0x3FA6] =	sst s5  }
0xe: {  	[smem:$0x3FA7] =	sst s6  }
0xf: {  	[smem:$0x3FA8] =	sst s7  }
0x10: {  	[smem:$0x3FA9] =	sst s8  }
0x11: {  	[smem:$0x3FAA] =	sst s9;
	s0 =	simm.s32 @!p0 $0x0  }
0x12: {  	s1 =	sld [smem:$0x3F90];
	s0 =	simm.s32 @p0 $0x1  }
0x13: {  	[smem:$0x3FAB] =	sst s0;
	s0 =	simm.s32 @!p1 $0x0  }
0x14: {  	s2 =	sld [smem:$0x3F8F];
	s0 =	simm.s32 @p1 $0x1  }
0x15: {  	[smem:$0x3FAC] =	sst s0;
	s0 =	simm.s32 @!p2 $0x0  }
0x16: {  	s3 =	sld [smem:$0x3FDB];
	s0 =	simm.s32 @p2 $0x1  }
0x17: {  	s4 =	simm.s32 $0x1BF5;
	[smem:$0x3FAE] =	sst s0  }
0x18: {  	s0 =	sld [smem:$0x3F91];
	_ =	swait.ge [sflag:s4], $0x0  }
0x19: {  	s7 =	sld [smem:$0x3F92]  }
0x1a: {  	s8 =	sadd.s32 $0xFFFFE003, lr  }
0x1b: {  	s9 =	sadd.s32 $0xFFFFFEF7, lr;
	s5 =	simm.s32 $0xFFFFFFFF;
	p2 =	slt.u32 s8, $0xFFFFF086  }
0x1c: {  	p1 =	slt.u32 s9, $0xF7A;
	s5 =	simm.s32 @!p2 $0x0  }
0x1d: {  	s5 =	simm.s32 @p1 $0x1;
	p0 =	seq.s32 s7, s2  }
0x1e: {  	s7 =	smul.u32 @!p0 $0xF7A, s2;
	p2 =	seq.s32 @!p0 s5, $0x0  }
0x1f: {  	s9 =	smul.u32 $0xF7A, s1;
	s8 =	simm.s32 @!p0 $0x1BF5;
	p2 =	por !p2, p0  }
0x20: {  	[sflag:s8] =	ssyncset.s32 @!p0 $0xFFFFF086;
	s6 =	sadd.s32 @!p0 s3, s7;
	s7 =	simm.s32 @!p0 $0x108  }
0x21: {  	s3 =	sadd.s32 s3, s9;
	s6 =	sadd.s32 @!p0 $0x88, s6;
	s7 =	simm.s32 @p2 $0x1082  }
0x22: {  	[simem:s7], [sflag:s8] =	dma.local @!p0 [hbm:s6], $0xF7A  }
0x23: {  	s9 =	sor.u32 $0xD0000000, s2;
	s6 =	simm.s32 $0x108;
	_ =	swait.ge @!p0 [sflag:s8], $0x0  }
0x24: {  	s3 =	sadd.s32 $0x88, s3;
	s6 =	simm.s32 @!p1 $0x1082;
	[sflag:s4] =	ssyncset.s32 $0xFFFFF086  }
0x25: {  	[simem:s6], [sflag:s4] =	dma.local [hbm:s3], $0xF7A  }
0x26: {  	[smem:$0x3F92] =	sst s1;
	(tag) =	ssettag s2;
	_ =	strace s9  }
0x27: {  	s1 =	sld [smem:$0x3FA2]  }
0x28: {  	s2 =	sld [smem:$0x3FA3]  }
0x29: {  	s4 =	sld [smem:$0x3FA5]  }
0x2a: {  	p0 =	seq.s32 s5, $0x0;
	s5 =	sld [smem:$0x3FA6]  }
0x2b: {  	s6 =	sld [smem:$0x3FA7]  }
0x2c: {  	s7 =	sld [smem:$0x3FA8]  }
0x2d: {  	s3 =	simm.s32 $0x108;
	s8 =	sld [smem:$0x3FA9]  }
0x2e: {  	s3 =	simm.s32 @!p0 $0x1082;
	s9 =	sld [smem:$0x3FAA]  }
0x2f: {  	lr =	sadd.s32 s0, s3;
	s0 =	sld [smem:$0x3FA1]  }
0x30: {  	s3 =	sld [smem:$0x3FA4]  }
0x31: {  	[smem:$0x3FAD] =	sst s10  }
0x32: {  	s10 =	sld [smem:$0x3FAB];
	_ =	sdelay $0x3  }
0x33: {  	p0 =	seq.s32 s10, $0x1;
	s10 =	sld [smem:$0x3FAD];
	_ =	sdelay $0x3  }
0x34: {  	[smem:$0x3FAD] =	sst s10  }
0x35: {  	s10 =	sld [smem:$0x3FAC];
	_ =	sdelay $0x3  }
0x36: {  	p1 =	seq.s32 s10, $0x1;
	s10 =	sld [smem:$0x3FAD];
	_ =	sdelay $0x3  }
0x37: {  	[smem:$0x3FAD] =	sst s10  }
0x38: {  	s10 =	sld [smem:$0x3FAE]  }
0x39: {  	_ = 	snop;
	(pc) =	sbr.ind lr, $3  }
0x3a: {  	_ = 	snop  }
0x3b: {  	_ = 	snop  }
0x3c: {  	p2 =	seq.s32 s10, $0x1;
	s10 =	sld [smem:$0x3FAD]  }
0x3d: {  	_ =	shalt  }
0x3e: {  	_ =	shalt  }
0x3f: {  	_ =	shalt  }
0x40: {  	_ =	shalt  }
0x41: {  	_ =	shalt  }
0x42: {  	_ =	shalt  }
0x43: {  	_ =	shalt  }
0x44: {  	_ =	shalt  }
0x45: {  	_ =	shalt  }
0x46: {  	_ =	shalt  }
0x47: {  	_ =	shalt  }
0x48: {  	_ =	shalt  }
0x49: {  	_ =	shalt  }
0x4a: {  	_ =	shalt  }
0x4b: {  	_ =	shalt  }
0x4c: {  	_ =	shalt  }
0x4d: {  	_ =	shalt  }
0x4e: {  	_ =	shalt  }
0x4f: {  	_ =	shalt  }
0x50: {  	_ =	shalt  }
0x51: {  	_ =	shalt  }
0x52: {  	_ =	shalt  }
0x53: {  	_ =	shalt  }
0x54: {  	_ =	shalt  }
0x55: {  	_ =	shalt  }
0x56: {  	_ =	shalt  }
0x57: {  	_ =	shalt  }
0x58: {  	_ =	shalt  }
0x59: {  	_ =	shalt  }
0x5a: {  	_ =	shalt  }
0x5b: {  	_ =	shalt  }
0x5c: {  	_ =	shalt  }
0x5d: {  	_ =	shalt  }
0x5e: {  	_ =	shalt  }
0x5f: {  	_ =	shalt  }
0x60: {  	_ =	shalt  }
0x61: {  	_ =	shalt  }
0x62: {  	_ =	shalt  }
0x63: {  	_ =	shalt  }
0x64: {  	_ =	shalt  }
0x65: {  	_ =	shalt  }
0x66: {  	_ =	shalt  }
0x67: {  	_ =	shalt  }
0x68: {  	_ =	shalt  }
0x69: {  	_ =	shalt  }
0x6a: {  	_ =	shalt  }
0x6b: {  	_ =	shalt  }
0x6c: {  	_ =	shalt  }
0x6d: {  	_ =	shalt  }
0x6e: {  	_ =	shalt  }
0x6f: {  	_ =	shalt  }
0x70: {  	_ =	shalt  }
0x71: {  	_ =	shalt  }
0x72: {  	_ =	shalt  }
0x73: {  	_ =	shalt  }
0x74: {  	_ =	shalt  }
0x75: {  	_ =	shalt  }
0x76: {  	_ =	shalt  }
0x77: {  	_ =	shalt  }
0x78: {  	_ =	shalt  }
0x79: {  	_ =	shalt  }
0x7a: {  	_ =	shalt  }
0x7b: {  	_ =	shalt  }
0x7c: {  	_ =	shalt  }
0x7d: {  	_ =	shalt  }
0x7e: {  	_ =	shalt  }
0x7f: {  	_ =	shalt  }
0x80: {  	_ =	shalt  }
0x81: {  	_ =	shalt  }
0x82: {  	_ =	shalt  }
0x83: {  	_ =	shalt  }
0x84: {  	_ =	shalt  }
0x85: {  	_ =	shalt  }
0x86: {  	_ =	shalt  }
0x87: {  	_ =	shalt  }
.Lfunc_end0:
.L_simem_size_0:
called_computation.2_lowered:
.L_overlay_start_0:
0x88: {  	s2 =	sld [smem:$0x3FD9]  }
0x89: {  	s3 =	sld [smem:$0x3FFE];
	_ =	sdelay $0x1  }
0x8a: {  	s1 =	srdreg.scid  }
0x8b: {  	s0 =	sand.u32 $0x1, s1  }
0x8c: {  	s16 =	sshll.u32 s0, $0xA;
	s2 =	sadd.s32 s3, s2  }
0x8d: {  	s2 =	sadd.s32 s2, s16  }
0x8e: {  	[smem:$0x3FB9] =	sst s2  }
0x8f: {  	_ = 	snop  }
0x90: {  	(tm) =	ssettm $0x1  }
0x91: {  	s17 =	sld [smem:$0x3FFB];
	_ =	sdelay $0x3  }
0x92: {  	_ =	strace s17  }
0x93: {  	s2 =	sld [smem:$0x3FFC];
	_ =	sdelay $0x3  }
0x94: {  	_ =	strace s2  }
0x95: {  	s2 =	sld [smem:$0x3FFD];
	_ =	sdelay $0x3  }
0x96: {  	_ =	strace s2  }
0x97: {  	_ =	strace $0x8FFFFFFF  }
0x98: {  	s18 =	sld [smem:$0x3FDB];
	_ =	sdelay $0x1  }
0x99: {  	s19 =	simm.s32 $_scs_section_size  }
0x9a: {  	s4 =	simm.s32 $_size__tile_overlayer_lowered;
	s5 =	simm.s32 $_tile_overlayer_lowered  }
0x9b: {  	s22 =	simm.s32 $0x1BFF;
	s21 =	sshll.u32 s5, $0x1;
	s2 =	sadd.s32 s19, s18  }
0x9c: {  	s6 =	simm.s32 $0x0;
	s20 =	sshll.u32 s4, $0x1;
	s4 =	sadd.s32 s21, s2  }
0x9d: {  	[timem:s6], [sflag:s22] =	dma.local [hbm:s4], s20  }
0x9e: {  	_ =	swait.ge [sflag:s22], s20  }
0x9f: {  	s3 =	ssub.s32 $0x0, s20;
	[sflag:s22] =	ssyncset.done $0x0  }
0xa0: {  	[sflag:s22] =	ssyncadd.s32 s3;
	_ =	sdelay $0x1  }
0xa1: {  	s23 =	simm.s32 $0x1B8B  }
0xa2: {  	_ =	swait.ge [sflag:s23], $0x1  }
0xa3: {  	[sflag:s23] =	ssyncset.done $0x0  }
0xa4: {  	s25 =	simm.s32 $0x1B8E;
	s24 =	sld [smem:$0x3FFE];
	[sflag:s23] =	ssyncadd.s32 $0xFFFFFFFF  }
0xa5: {  	s26 =	simm.s32 $execute0_lowered;
	[smem:$0x3FD2] =	sst s25  }
0xa6: {  	s4 =	sshll.u32 s26, $0x1;
	_ =	strace $0x8000004C;
	[dreg:$0x1] =	wrdreg $0xFFFFFFFF  }
0xa7: {  	s28 =	simm.s32 $_size_execute0_lowered;
	s2 =	sadd.s32 s2, s4;
	[dreg:$0x0] =	wrdreg $0x0  }
0xa8: {  	s4 =	sshll.u32 s28, $0x1;
	[dreg:$0x2] =	wrdreg s2  }
0xa9: {  	[dreg:$0x3] =	wrdreg s4  }
0xaa: {  	[dreg:$0x4] =	wrdreg $0xC0  }
0xab: {  	_ =	task [dreg:s6], $0x5FFFF  }
0xac: {  	[dreg:$0x1] =	wrdreg $0xFFFFFFFF  }
0xad: {  	[dreg:$0x0] =	wrdreg $0x60  }
0xae: {  	[dreg:$0x2] =	wrdreg s24  }
0xaf: {  	[dreg:$0x3] =	wrdreg $0x90000  }
0xb0: {  	[dreg:$0x4] =	wrdreg $0x9  }
0xb1: {  	_ =	task.clear_ibuf [dreg:s6], $0x5FFFF;
	_ =	strace $0x9000004C  }
0xb2: {  	s29 =	simm.s32 $0x9;
	_ =	strace $0x8000004E  }
0xb3: {  	_ =	swait.ge [sflag:s29], $0x1  }
0xb4: {  	[sflag:s29] =	ssyncadd.s32 $0xFFFFFFFF  }
0xb5: {  	_ =	strace $0x9000004E  }
0xb6: {  	_ =	sfence  }
0xb7: {  	s30 =	sld [smem:$0x0];
	_ =	sdelay $0x2  }
0xb8: {  	s31 =	sshll.u32 s1, $0xD;
	s1 =	sshrl.u32 s1, $0x2  }
0xb9: {  	s3 =	sand.u32 $0x4000, s31;
	s1 =	sadd.s32 s1, s30  }
0xba: {  	s0 =	sor.u32 s3, s0;
	s1 =	sshll.u32 s1, $0x11  }
0xbb: {  	s0 =	sor.u32 s1, s0  }
0xbc: {  	s0 =	sadd.s32 $0x8F2B, s0  }
0xbd: {  	[sflag:s0] =	ssyncadd.remote.s32 $0x1  }
0xbe: {  	_ =	sfence.sel $0xFFFF  }
0xbf: {  	[dreg:$0x0] =	wrdreg $0xFFFFFFFF;
	(pc) =	sbr.abs _section_cstart, $3  }
0xc0: {  	[dreg:$0x1] =	wrdreg $0xFFFFFFFF  }
0xc1: {  	_ =	task.clear_ibuf [dreg:s6], $0x2FFFF;
	_ =	strace $0x9FFFFFFF  }
0xc2: {  	(tm) =	ssettm $0x7FFFFFFF  }
0xc3: {  	_ =	shalt  }
tec
execute0_lowered:
.L_overlay_start_1:
0x0: {  	(tag) =	ssettag $0x1  }
0x1: {  	s5 =	rddreg [dreg:$0x0]  }
0x2: {  	s1 =	rddreg [dreg:$0x1]  }
0x3: {  	s2 =	srdreg.scid;
	s0 =	rddreg [dreg:$0x2]  }
0x4: {  	s3 =	simm.s32 $0x0;
	s18 =	simm.s32 $0x800;
	s19 =	simm.s32 $0x80  }
0x5: {  	s20 =	simm.s32 $0x5000;
	s21 =	simm.s32 $0x1;
	s6 =	sand.u32 $0x1, s2  }
0x6: {  	s22 =	simm.s32 $0x2;
	s2 =	stileid.u32;
	s7 =	smul.u32 $0x140000, s6  }
0x7: {  	[smem:$0x7FF] =	sst s3;
	s4 =	sadd.s32 $0x18600, s5;
	s8 =	smul.u32 $0x14000, s2  }
0x8: {  	s15 =	sadd.s32 $0x4600, s5;
	s14 =	sadd.s32 $0xE600, s5;
	s9 =	smul.u32 $0x50000, s2  }
0x9: {  	_ =	strace $0x8000004D;
	s29 =	ssub.s32 $0x2, s6;
	s11 =	smul.u32 $0x5000, s2  }
0xa: {  	s28 =	sshll.u32 s2, $0x1;
	s16 =	smul.u32 $0x2800, s6;
	s30 =	sshrl.u32 s29, $0x1  }
0xb: {  	s7 =	sadd.s32 s8, s7;
	s8 =	sor.u32 s6, s28;
	s31 =	sshrl.u32 s9, $0x2  }
0xc: {  	s13 =	ssub.s32 s29, s30;
	s16 =	sadd.s32 s16, s11;
	s7 =	sshrl.u32 s7, $0x3  }
0xd: {  	s10 =	smul.u32 $0x2800, s8;
	s16 =	sor.u32 $0x400, s16;
	s13 =	smax.u32 s13, $0x1  }
0xe: {  	s12 =	sadd.s32 s7, s5;
	s5 =	sadd.s32 s31, s1;
	s16 =	sshrl.u32 s16, $0x3  }
0xf: {  	s6 =	sadd.s32 $0x4000, s5;
	s7 =	sadd.s32 $0x8000, s5;
	s8 =	sadd.s32 $0xC000, s5  }
0x10: {  	s9 =	sadd.s32 $0x10000, s5;
	s17 =	sshrl.u32 s10, $0x3;
	s12 =	sadd.s32 $0xB9000, s12  }
0x11: {  	s10 =	sadd.s32 s15, s17;
	s11 =	sadd.s32 s14, s17;
	s14 =	sadd.s32 s16, s14  }
0x12: {  	v0 =	vimm.f32 $0.0e+00;
	s15 =	sadd.s32 s16, s15;
	s16 =	simm.s32 $0x1000;
	s17 =	simm.s32 $0x4  }
.LBB2_1:
0x13: {  	s23 =	simm.s32 $0x0;
	s24 =	simm.s32 $0x200  }
.LBB2_2:
0x14: {  	p0 =	sne.s32 s24, $0xFE00;
	[tilespmem:s23+$0x1070] =	vst v0  }
0x15: {  	[tilespmem:s23+$0x1000] =	vst v0  }
0x16: {  	[tilespmem:s23+$0x1010] =	vst v0  }
.Ltmp0:
0x17: {  	[tilespmem:s23+$0x1020] =	vst v0;
	(pc) =	sbr.rel @p0 .LBB2_2-.Ltmp0, $4  }
0x18: {  	[tilespmem:s23+$0x1030] =	vst v0  }
0x19: {  	[tilespmem:s23+$0x1040] =	vst v0  }
0x1a: {  	[tilespmem:s23+$0x1050] =	vst v0  }
0x1b: {  	[tilespmem:s23+$0x1060] =	vst v0;
	s23 =	sshra.s32 s24, $0x2;
	s24 =	sadd.s32 $0x200, s24  }
0x1c: {  	[tilespmem:s23+$0x1070] =	vst v0  }
0x1d: {  	[tilespmem:s23+$0x1000] =	vst v0  }
0x1e: {  	[tilespmem:s23+$0x1010] =	vst v0  }
0x1f: {  	[tilespmem:s23+$0x1020] =	vst v0  }
0x20: {  	[tilespmem:s23+$0x1030] =	vst v0  }
0x21: {  	[tilespmem:s23+$0x1040] =	vst v0  }
0x22: {  	[tilespmem:s23+$0x1050] =	vst v0  }
0x23: {  	[tilespmem:s23+$0x1060] =	vst v0  }
0x24: {  	[spmem:s5] =	stream.linear.scatter [tilespmem:s16], [sflag:$0x4], $0x4000, $0x38;
	[tilespmem:$0x1D000] =	vst v63  }
0x25: {  	_ =	swait.ge [sflag:s17], $0x4000  }
0x26: {  	[sflag:s17] =	ssyncset.done $0x0  }
0x27: {  	[sflag:s17] =	ssyncadd.s32 $0xFFFFC000  }
0x28: {  	[spmem:s6] =	stream.linear.scatter [tilespmem:s16], [sflag:$0x4], $0x4000, $0x38;
	[tilespmem:$0x1D000] =	vst v63  }
0x29: {  	_ =	swait.ge [sflag:s17], $0x4000  }
0x2a: {  	[sflag:s17] =	ssyncset.done $0x0  }
0x2b: {  	[sflag:s17] =	ssyncadd.s32 $0xFFFFC000  }
0x2c: {  	[spmem:s7] =	stream.linear.scatter [tilespmem:s16], [sflag:$0x4], $0x4000, $0x38;
	[tilespmem:$0x1D000] =	vst v63  }
0x2d: {  	_ =	swait.ge [sflag:s17], $0x4000  }
0x2e: {  	[sflag:s17] =	ssyncset.done $0x0  }
0x2f: {  	[sflag:s17] =	ssyncadd.s32 $0xFFFFC000  }
0x30: {  	[spmem:s8] =	stream.linear.scatter [tilespmem:s16], [sflag:$0x4], $0x4000, $0x38;
	[tilespmem:$0x1D000] =	vst v63  }
0x31: {  	_ =	swait.ge [sflag:s17], $0x4000  }
0x32: {  	[sflag:s17] =	ssyncset.done $0x0  }
0x33: {  	[sflag:s17] =	ssyncadd.s32 $0xFFFFC000  }
0x34: {  	[spmem:s9] =	stream.linear.scatter [tilespmem:s16], [sflag:$0x4], $0x4000, $0x38;
	[tilespmem:$0x1D000] =	vst v63  }
0x35: {  	_ =	swait.ge [sflag:s17], $0x4000  }
0x36: {  	[sflag:s17] =	ssyncset.done $0x0  }
0x37: {  	[sflag:s17] =	ssyncadd.s32 $0xFFFFC000  }
0x38: {  	s23 =	simm.s32 $0x0;
	[bflag:$0x0] =	sbarrier.arrive $0xFFFF  }
0x39: {  	[tilespmem:s23], [sflag:$0x4] =	stream.linear.gather [hbm4b:s10+s23], $0x400, $0x38;
	[tilespmem:$0x1D000] =	vst v63  }
0x3a: {  	_ =	swait.ge [sflag:s17], $0x400  }
0x3b: {  	[sflag:s17] =	ssyncset.done $0x0  }
0x3c: {  	[sflag:s17] =	ssyncadd.s32 $0xFFFFFC00  }
0x3d: {  	[tilespmem:s18], [sflag:$0x4] =	stream.linear.gather [hbm4b:s11+s23], $0x400, $0x38;
	[tilespmem:$0x1D000] =	vst v63  }
0x3e: {  	_ =	swait.ge [sflag:s17], $0x400  }
0x3f: {  	[sflag:s17] =	ssyncset.done $0x0  }
0x40: {  	[sflag:s17] =	ssyncadd.s32 $0xFFFFFC00  }
0x41: {  	[tilespmem:s16], [sflag:$0x1] =	stream.indirect.gather [hbm4b:s4+s19], $0x80, s23, s19, $0xb8;
	[tilespmem:$0x1D000] =	vst v63  }
0x42: {  	s24 =	smov.u32 s15;
	s25 =	smov.u32 s14  }
0x43: {  	[tilespmem:s20], [sflag:$0x2] =	stream.indirect.gather [hbm4b:s4+s19], $0x80, s19, s19, $0xb8;
	[tilespmem:$0x1D000] =	vst v63  }
.LBB2_4:
0x44: {  	p0 =	seq.s32 s23, $0x2400  }
0x45: {  	s26 =	sand.u32 @!p0 $0x400, s23  }
0x46: {  	s29 =	simm.s32 @!p0 $0x0;
	s28 =	sxor.u32 @!p0 $0x400, s26  }
0x47: {  	[tilespmem:s28], [sflag:$0x3] =	stream.linear.gather @!p0 [hbm4b:s24+s29], $0x400, $0x38;
	[tilespmem:$0x1D000] =	vst v63  }
0x48: {  	s28 =	sxor.u32 @!p0 $0xC00, s26  }
0x49: {  	[tilespmem:s28], [sflag:$0x3] =	stream.linear.gather @!p0 [hbm4b:s25+s29], $0x400, $0x38;
	[tilespmem:$0x1D000] =	vst v63  }
0x4a: {  	_ =	swait.ge [sflag:s21], $0x4000  }
0x4b: {  	s26 =	simm.s32 @p0 $0x400;
	[sflag:s21] =	ssyncset.done $0x0  }
0x4c: {  	s31 =	sor.u32 $0x800, s26;
	[sflag:s21] =	ssyncadd.s32 $0xFFFFC000  }
0x4d: {  	[spmem:s1] =	stream.indirect.scatter.add.f32 [tilespmem:s16], [sflag:$0x4], $0x80, s31, s19, $0xb8;
	[tilespmem:$0x1D000] =	vst v63  }
0x4e: {  	_ =	swait.ge [sflag:s17], $0x4000  }
0x4f: {  	[sflag:s17] =	ssyncset.done $0x0  }
0x50: {  	s29 =	sadd.s32 $0x100, s26;
	[sflag:s17] =	ssyncadd.s32 $0xFFFFC000  }
0x51: {  	[tilespmem:s16], [sflag:$0x1] =	stream.indirect.gather [hbm4b:s4+s19], $0x80, s29, s19, $0xb8;
	[tilespmem:$0x1D000] =	vst v63  }
0x52: {  	_ =	swait.ge [sflag:s22], $0x4000  }
0x53: {  	[sflag:s22] =	ssyncset.done $0x0  }
0x54: {  	s30 =	sadd.s32 $0x880, s26;
	[sflag:s22] =	ssyncadd.s32 $0xFFFFC000  }
0x55: {  	[spmem:s1] =	stream.indirect.scatter.add.f32 [tilespmem:s20], [sflag:$0x4], $0x80, s30, s19, $0xb8;
	[tilespmem:$0x1D000] =	vst v63  }
0x56: {  	_ =	swait.ge [sflag:s17], $0x4000  }
0x57: {  	[sflag:s17] =	ssyncset.done $0x0  }
0x58: {  	s31 =	sadd.s32 $0x180, s26;
	[sflag:s17] =	ssyncadd.s32 $0xFFFFC000  }
0x59: {  	[tilespmem:s20], [sflag:$0x2] =	stream.indirect.gather [hbm4b:s4+s19], $0x80, s31, s19, $0xb8;
	[tilespmem:$0x1D000] =	vst v63  }
0x5a: {  	_ =	swait.ge [sflag:s21], $0x4000  }
0x5b: {  	[sflag:s21] =	ssyncset.done $0x0  }
0x5c: {  	s29 =	sadd.s32 $0x900, s26;
	[sflag:s21] =	ssyncadd.s32 $0xFFFFC000  }
0x5d: {  	[spmem:s1] =	stream.indirect.scatter.add.f32 [tilespmem:s16], [sflag:$0x4], $0x80, s29, s19, $0xb8;
	[tilespmem:$0x1D000] =	vst v63  }
0x5e: {  	_ =	swait.ge [sflag:s17], $0x4000  }
0x5f: {  	[sflag:s17] =	ssyncset.done $0x0  }
0x60: {  	s30 =	sadd.s32 $0x200, s26;
	[sflag:s17] =	ssyncadd.s32 $0xFFFFC000  }
0x61: {  	[tilespmem:s16], [sflag:$0x1] =	stream.indirect.gather [hbm4b:s4+s19], $0x80, s30, s19, $0xb8;
	[tilespmem:$0x1D000] =	vst v63  }
0x62: {  	_ =	swait.ge [sflag:s22], $0x4000  }
0x63: {  	[sflag:s22] =	ssyncset.done $0x0  }
0x64: {  	s31 =	sadd.s32 $0x980, s26;
	[sflag:s22] =	ssyncadd.s32 $0xFFFFC000  }
0x65: {  	[spmem:s1] =	stream.indirect.scatter.add.f32 [tilespmem:s20], [sflag:$0x4], $0x80, s31, s19, $0xb8;
	[tilespmem:$0x1D000] =	vst v63  }
0x66: {  	_ =	swait.ge [sflag:s17], $0x4000  }
0x67: {  	[sflag:s17] =	ssyncset.done $0x0  }
0x68: {  	s29 =	sadd.s32 $0x280, s26;
	[sflag:s17] =	ssyncadd.s32 $0xFFFFC000  }
0x69: {  	[tilespmem:s20], [sflag:$0x2] =	stream.indirect.gather [hbm4b:s4+s19], $0x80, s29, s19, $0xb8;
	[tilespmem:$0x1D000] =	vst v63  }
0x6a: {  	_ =	swait.ge [sflag:s21], $0x4000  }
0x6b: {  	[sflag:s21] =	ssyncset.done $0x0  }
0x6c: {  	s30 =	sadd.s32 $0xA00, s26;
	[sflag:s21] =	ssyncadd.s32 $0xFFFFC000  }
0x6d: {  	[spmem:s1] =	stream.indirect.scatter.add.f32 [tilespmem:s16], [sflag:$0x4], $0x80, s30, s19, $0xb8;
	[tilespmem:$0x1D000] =	vst v63  }
0x6e: {  	_ =	swait.ge [sflag:s17], $0x4000  }
0x6f: {  	[sflag:s17] =	ssyncset.done $0x0  }
0x70: {  	s31 =	sadd.s32 $0x300, s26;
	[sflag:s17] =	ssyncadd.s32 $0xFFFFC000  }
0x71: {  	[tilespmem:s16], [sflag:$0x1] =	stream.indirect.gather [hbm4b:s4+s19], $0x80, s31, s19, $0xb8;
	[tilespmem:$0x1D000] =	vst v63  }
0x72: {  	_ =	swait.ge [sflag:s22], $0x4000  }
0x73: {  	[sflag:s22] =	ssyncset.done $0x0  }
0x74: {  	s29 =	sadd.s32 $0xA80, s26;
	[sflag:s22] =	ssyncadd.s32 $0xFFFFC000  }
0x75: {  	[spmem:s1] =	stream.indirect.scatter.add.f32 [tilespmem:s20], [sflag:$0x4], $0x80, s29, s19, $0xb8;
	[tilespmem:$0x1D000] =	vst v63  }
0x76: {  	_ =	swait.ge [sflag:s17], $0x4000  }
0x77: {  	[sflag:s17] =	ssyncset.done $0x0  }
0x78: {  	s28 =	simm.s32 @p0 $0x1;
	s30 =	sadd.s32 $0x380, s26;
	[sflag:s17] =	ssyncadd.s32 $0xFFFFC000  }
0x79: {  	[tilespmem:s20], [sflag:$0x2] =	stream.indirect.gather [hbm4b:s4+s19], $0x80, s30, s19, $0xb8;
	[tilespmem:$0x1D000] =	vst v63  }
0x7a: {  	_ =	swait.ge @p0 [sflag:s28], $0x4000  }
0x7b: {  	s29 =	simm.s32 @p0 $0x80;
	[sflag:s28] =	ssyncset.done @p0 $0x0  }
0x7c: {  	s30 =	simm.s32 @p0 $0x1000;
	[sflag:s28] =	ssyncadd.s32 @p0 $0xFFFFC000;
	s28 =	sadd.s32 @p0 $0xB00, s26  }
0x7d: {  	[spmem:s1] =	stream.indirect.scatter.add.f32 @p0 [tilespmem:s30], [sflag:$0x4], $0x80, s28, s29, $0xb8;
	[tilespmem:$0x1D000] =	vst v63  }
0x7e: {  	s28 =	simm.s32 @p0 $0x4  }
0x7f: {  	_ =	swait.ge @p0 [sflag:s28], $0x4000  }
0x80: {  	[sflag:s28] =	ssyncset.done @p0 $0x0  }
0x81: {  	[sflag:s28] =	ssyncadd.s32 @p0 $0xFFFFC000;
	s28 =	simm.s32 @!p0 $0x3  }
0x82: {  	_ =	swait.ge @!p0 [sflag:s28], $0x400  }
0x83: {  	[sflag:s28] =	ssyncset.done @!p0 $0x0  }
0x84: {  	[sflag:s28] =	ssyncadd.s32 @!p0 $0xFFFFFC00  }
0x85: {  	_ =	swait.ge @!p0 [sflag:s28], $0x400  }
0x86: {  	[sflag:s28] =	ssyncset.done @!p0 $0x0  }
0x87: {  	[sflag:s28] =	ssyncadd.s32 @!p0 $0xFFFFFC00;
	s28 =	simm.s32 @!p0 $0x1  }
0x88: {  	_ =	swait.ge @!p0 [sflag:s28], $0x4000  }
0x89: {  	s29 =	simm.s32 @!p0 $0x80;
	[sflag:s28] =	ssyncset.done @!p0 $0x0  }
0x8a: {  	s30 =	simm.s32 @!p0 $0x1000;
	[sflag:s28] =	ssyncadd.s32 @!p0 $0xFFFFC000;
	s28 =	sadd.s32 @!p0 $0xB00, s26  }
0x8b: {  	[spmem:s1] =	stream.indirect.scatter.add.f32 @!p0 [tilespmem:s30], [sflag:$0x4], $0x80, s28, s29, $0xb8;
	[tilespmem:$0x1D000] =	vst v63  }
0x8c: {  	s28 =	simm.s32 @!p0 $0x4  }
0x8d: {  	_ =	swait.ge @!p0 [sflag:s28], $0x4000  }
0x8e: {  	[sflag:s28] =	ssyncset.done @!p0 $0x0  }
0x8f: {  	[sflag:s28] =	ssyncadd.s32 @!p0 $0xFFFFC000;
	s28 =	ssub.s32 @!p0 $0x400, s26  }
0x90: {  	[tilespmem:s30], [sflag:$0x1] =	stream.indirect.gather @!p0 [hbm4b:s4+s29], $0x80, s28, s29, $0xb8;
	[tilespmem:$0x1D000] =	vst v63  }
0x91: {  	s23 =	sadd.s32 @!p0 $0x400, s23;
	_ =	swait.ge [sflag:s22], $0x4000  }
0x92: {  	p1 =	sne.s32 @!p0 s23, $0x2800;
	[sflag:s22] =	ssyncset.done $0x0  }
0x93: {  	p1 =	por p0, !p1;
	s31 =	sadd.s32 $0xB80, s26;
	[sflag:s22] =	ssyncadd.s32 $0xFFFFC000  }
0x94: {  	[spmem:s1] =	stream.indirect.scatter.add.f32 [tilespmem:s20], [sflag:$0x4], $0x80, s31, s19, $0xb8;
	[tilespmem:$0x1D000] =	vst v63  }
.Ltmp1:
0x95: {  	_ = 	snop;
	(pc) =	sbr.rel @!p1 .LBB2_4-.Ltmp1, $4  }
0x96: {  	_ =	swait.ge [sflag:s17], $0x4000  }
0x97: {  	s24 =	sadd.s32 @!p0 $0x80, s24;
	s25 =	sadd.s32 @!p0 $0x80, s25;
	[sflag:s17] =	ssyncset.done $0x0  }
0x98: {  	s26 =	ssub.s32 @!p0 $0x480, s26;
	s28 =	simm.s32 @!p0 $0x5000;
	[sflag:s17] =	ssyncadd.s32 $0xFFFFC000  }
0x99: {  	[tilespmem:s28], [sflag:$0x2] =	stream.indirect.gather @!p0 [hbm4b:s4+s29], $0x80, s26, s29, $0xb8;
	[tilespmem:$0x1D000] =	vst v63  }
0x9a: {  	s3 =	sadd.s32 $0x1, s3  }
0x9b: {  	s23 =	sshll.u32 s2, $0x6;
	[bflag:$0x0] =	sbarrier.arrive $0xFFFF;
	p0 =	sne.s32 s3, s13  }
.Ltmp2:
0x9c: {  	s24 =	sshrl.u32 s5, $0x3;
	s23 =	sor.u32 $0x1C04, s23;
	(pc) =	sbr.rel @p0 .LBB2_1-.Ltmp2, $4  }
0x9d: {  	[hbm:s12], [sflag:s23] =	dma.local [spmem:s24], $0x2800  }
0x9e: {  	_ =	swait.ge [sflag:s17], $0x2800  }
0x9f: {  	[sflag:s17] =	ssyncset.done $0x0  }
0xa0: {  	[sflag:s17] =	ssyncadd.s32 $0xFFFFD800  }
0xa1: {  	_ =	sfence.sel $0x180000  }
0xa2: {  	[bflag:$0x0] =	sbarrier.arrive $0xFFFF  }
0xa3: {  	p0 =	sne.s32 s2, $0x0;
	_ =	strace $0x9000004D  }
0xa4: {  	s0 =	sadd.s32 @!p0 $0x100000, s0;
	[bflag:$0x2] =	sbarrier.arrive $0xFFFF  }
0xa5: {  	[sflag:s0] =	ssyncadd.tile.s32 @!p0 $0x1;
	_ =	shalt  }
.Lfunc_end2:
_tile_overlayer_lowered:
.L_overlay_start_2:
0xa6: {  	(tag) =	ssettag $0x2  }
0xa7: {  	s0 =	rddreg [dreg:$0x0];
	s2 =	stileid.u32  }
0xa8: {  	s1 =	rddreg [dreg:$0x1];
	p0 =	sne.s32 s2, $0x0  }
0xa9: {  	s3 =	rddreg [dreg:$0x2];
	[bflag:$0x3] =	sbarrier.arrive $0xFFFF;
	s2 =	simm.s32 @!p0 $0x1C04  }
0xaa: {  	[timem:s3], [sflag:s2] =	dma.local @!p0 [hbm:s0], s1  }
0xab: {  	s0 =	simm.s32 @!p0 $0x4  }
0xac: {  	_ =	swait.ge @!p0 [sflag:s0], s1  }
0xad: {  	s1 =	ssub.s32 @!p0 $0x0, s1;
	[sflag:s0] =	ssyncset.done @!p0 $0x0  }
0xae: {  	[sflag:s0] =	ssyncadd.s32 @!p0 s1  }
0xaf: {  	[bflag:$0x3] =	sbarrier.arrive $0xFFFF  }
0xb0: {  	_ =	shalt  }

// kernel: kernel.8.cloned.1.call-start
scs
__scs_entry_jumppad:
0x0: {  	(pc) =	sbr.rel $0x88, $3  }
0x1: {  	(tag) =	ssettag $0x0;
	lr =	simm.s32 $0x1  }
0x2: {  	[smem:$0x3F92] =	sst lr;
	_ =	strace $0xD0000000  }
0x3: {  	_ = 	snop  }
0x4: {  	_ = 	snop  }
0x5: {  	_ = 	snop  }
0x6: {  	_ = 	snop  }
0x7: {  	_ = 	snop  }
__scs_overlays_trampoline_lowered:
0x8: {  	[smem:$0x3FA1] =	sst s0  }
0x9: {  	[smem:$0x3FA2] =	sst s1  }
0xa: {  	[smem:$0x3FA3] =	sst s2  }
0xb: {  	[smem:$0x3FA4] =	sst s3  }
0xc: {  	[smem:$0x3FA5] =	sst s4  }
0xd: {  	[smem:$0x3FA6] =	sst s5  }
0xe: {  	[smem:$0x3FA7] =	sst s6  }
0xf: {  	[smem:$0x3FA8] =	sst s7  }
0x10: {  	[smem:$0x3FA9] =	sst s8  }
0x11: {  	[smem:$0x3FAA] =	sst s9;
	s0 =	simm.s32 @!p0 $0x0  }
0x12: {  	s1 =	sld [smem:$0x3F90];
	s0 =	simm.s32 @p0 $0x1  }
0x13: {  	[smem:$0x3FAB] =	sst s0;
	s0 =	simm.s32 @!p1 $0x0  }
0x14: {  	s2 =	sld [smem:$0x3F8F];
	s0 =	simm.s32 @p1 $0x1  }
0x15: {  	[smem:$0x3FAC] =	sst s0;
	s0 =	simm.s32 @!p2 $0x0  }
0x16: {  	s3 =	sld [smem:$0x3FDB];
	s0 =	simm.s32 @p2 $0x1  }
0x17: {  	s4 =	simm.s32 $0x1BF5;
	[smem:$0x3FAE] =	sst s0  }
0x18: {  	s0 =	sld [smem:$0x3F91];
	_ =	swait.ge [sflag:s4], $0x0  }
0x19: {  	s7 =	sld [smem:$0x3F92]  }
0x1a: {  	s8 =	sadd.s32 $0xFFFFE003, lr  }
0x1b: {  	s9 =	sadd.s32 $0xFFFFFEF7, lr;
	s5 =	simm.s32 $0xFFFFFFFF;
	p2 =	slt.u32 s8, $0xFFFFF086  }
0x1c: {  	p1 =	slt.u32 s9, $0xF7A;
	s5 =	simm.s32 @!p2 $0x0  }
0x1d: {  	s5 =	simm.s32 @p1 $0x1;
	p0 =	seq.s32 s7, s2  }
0x1e: {  	s7 =	smul.u32 @!p0 $0xF7A, s2;
	p2 =	seq.s32 @!p0 s5, $0x0  }
0x1f: {  	s9 =	smul.u32 $0xF7A, s1;
	s8 =	simm.s32 @!p0 $0x1BF5;
	p2 =	por !p2, p0  }
0x20: {  	[sflag:s8] =	ssyncset.s32 @!p0 $0xFFFFF086;
	s6 =	sadd.s32 @!p0 s3, s7;
	s7 =	simm.s32 @!p0 $0x108  }
0x21: {  	s3 =	sadd.s32 s3, s9;
	s6 =	sadd.s32 @!p0 $0x88, s6;
	s7 =	simm.s32 @p2 $0x1082  }
0x22: {  	[simem:s7], [sflag:s8] =	dma.local @!p0 [hbm:s6], $0xF7A  }
0x23: {  	s9 =	sor.u32 $0xD0000000, s2;
	s6 =	simm.s32 $0x108;
	_ =	swait.ge @!p0 [sflag:s8], $0x0  }
0x24: {  	s3 =	sadd.s32 $0x88, s3;
	s6 =	simm.s32 @!p1 $0x1082;
	[sflag:s4] =	ssyncset.s32 $0xFFFFF086  }
0x25: {  	[simem:s6], [sflag:s4] =	dma.local [hbm:s3], $0xF7A  }
0x26: {  	[smem:$0x3F92] =	sst s1;
	(tag) =	ssettag s2;
	_ =	strace s9  }
0x27: {  	s1 =	sld [smem:$0x3FA2]  }
0x28: {  	s2 =	sld [smem:$0x3FA3]  }
0x29: {  	s4 =	sld [smem:$0x3FA5]  }
0x2a: {  	p0 =	seq.s32 s5, $0x0;
	s5 =	sld [smem:$0x3FA6]  }
0x2b: {  	s6 =	sld [smem:$0x3FA7]  }
0x2c: {  	s7 =	sld [smem:$0x3FA8]  }
0x2d: {  	s3 =	simm.s32 $0x108;
	s8 =	sld [smem:$0x3FA9]  }
0x2e: {  	s3 =	simm.s32 @!p0 $0x1082;
	s9 =	sld [smem:$0x3FAA]  }
0x2f: {  	lr =	sadd.s32 s0, s3;
	s0 =	sld [smem:$0x3FA1]  }
0x30: {  	s3 =	sld [smem:$0x3FA4]  }
0x31: {  	[smem:$0x3FAD] =	sst s10  }
0x32: {  	s10 =	sld [smem:$0x3FAB];
	_ =	sdelay $0x3  }
0x33: {  	p0 =	seq.s32 s10, $0x1;
	s10 =	sld [smem:$0x3FAD];
	_ =	sdelay $0x3  }
0x34: {  	[smem:$0x3FAD] =	sst s10  }
0x35: {  	s10 =	sld [smem:$0x3FAC];
	_ =	sdelay $0x3  }
0x36: {  	p1 =	seq.s32 s10, $0x1;
	s10 =	sld [smem:$0x3FAD];
	_ =	sdelay $0x3  }
0x37: {  	[smem:$0x3FAD] =	sst s10  }
0x38: {  	s10 =	sld [smem:$0x3FAE]  }
0x39: {  	_ = 	snop;
	(pc) =	sbr.ind lr, $3  }
0x3a: {  	_ = 	snop  }
0x3b: {  	_ = 	snop  }
0x3c: {  	p2 =	seq.s32 s10, $0x1;
	s10 =	sld [smem:$0x3FAD]  }
0x3d: {  	_ =	shalt  }
0x3e: {  	_ =	shalt  }
0x3f: {  	_ =	shalt  }
0x40: {  	_ =	shalt  }
0x41: {  	_ =	shalt  }
0x42: {  	_ =	shalt  }
0x43: {  	_ =	shalt  }
0x44: {  	_ =	shalt  }
0x45: {  	_ =	shalt  }
0x46: {  	_ =	shalt  }
0x47: {  	_ =	shalt  }
0x48: {  	_ =	shalt  }
0x49: {  	_ =	shalt  }
0x4a: {  	_ =	shalt  }
0x4b: {  	_ =	shalt  }
0x4c: {  	_ =	shalt  }
0x4d: {  	_ =	shalt  }
0x4e: {  	_ =	shalt  }
0x4f: {  	_ =	shalt  }
0x50: {  	_ =	shalt  }
0x51: {  	_ =	shalt  }
0x52: {  	_ =	shalt  }
0x53: {  	_ =	shalt  }
0x54: {  	_ =	shalt  }
0x55: {  	_ =	shalt  }
0x56: {  	_ =	shalt  }
0x57: {  	_ =	shalt  }
0x58: {  	_ =	shalt  }
0x59: {  	_ =	shalt  }
0x5a: {  	_ =	shalt  }
0x5b: {  	_ =	shalt  }
0x5c: {  	_ =	shalt  }
0x5d: {  	_ =	shalt  }
0x5e: {  	_ =	shalt  }
0x5f: {  	_ =	shalt  }
0x60: {  	_ =	shalt  }
0x61: {  	_ =	shalt  }
0x62: {  	_ =	shalt  }
0x63: {  	_ =	shalt  }
0x64: {  	_ =	shalt  }
0x65: {  	_ =	shalt  }
0x66: {  	_ =	shalt  }
0x67: {  	_ =	shalt  }
0x68: {  	_ =	shalt  }
0x69: {  	_ =	shalt  }
0x6a: {  	_ =	shalt  }
0x6b: {  	_ =	shalt  }
0x6c: {  	_ =	shalt  }
0x6d: {  	_ =	shalt  }
0x6e: {  	_ =	shalt  }
0x6f: {  	_ =	shalt  }
0x70: {  	_ =	shalt  }
0x71: {  	_ =	shalt  }
0x72: {  	_ =	shalt  }
0x73: {  	_ =	shalt  }
0x74: {  	_ =	shalt  }
0x75: {  	_ =	shalt  }
0x76: {  	_ =	shalt  }
0x77: {  	_ =	shalt  }
0x78: {  	_ =	shalt  }
0x79: {  	_ =	shalt  }
0x7a: {  	_ =	shalt  }
0x7b: {  	_ =	shalt  }
0x7c: {  	_ =	shalt  }
0x7d: {  	_ =	shalt  }
0x7e: {  	_ =	shalt  }
0x7f: {  	_ =	shalt  }
0x80: {  	_ =	shalt  }
0x81: {  	_ =	shalt  }
0x82: {  	_ =	shalt  }
0x83: {  	_ =	shalt  }
0x84: {  	_ =	shalt  }
0x85: {  	_ =	shalt  }
0x86: {  	_ =	shalt  }
0x87: {  	_ =	shalt  }
.Lfunc_end0:
.L_simem_size_0:
called_computation_lowered:
.L_overlay_start_0:
0x88: {  	s2 =	sld [smem:$0x3FD9]  }
0x89: {  	s3 =	sld [smem:$0x3FFE];
	_ =	sdelay $0x1  }
0x8a: {  	s1 =	srdreg.scid  }
0x8b: {  	s0 =	sand.u32 $0x1, s1  }
0x8c: {  	s17 =	sshll.u32 s0, $0xA;
	s2 =	sadd.s32 s3, s2  }
0x8d: {  	s2 =	sadd.s32 s2, s17  }
0x8e: {  	[smem:$0x3FB9] =	sst s2  }
0x8f: {  	_ = 	snop  }
0x90: {  	s2 =	sld [smem:$0x3FC9];
	(tm) =	ssettm $0x1  }
0x91: {  	s18 =	sld [smem:$0x3FFB];
	_ =	sdelay $0x3  }
0x92: {  	_ =	strace s18  }
0x93: {  	s3 =	sld [smem:$0x3FFC];
	_ =	sdelay $0x3  }
0x94: {  	_ =	strace s3  }
0x95: {  	s3 =	sld [smem:$0x3FFD];
	_ =	sdelay $0x3  }
0x96: {  	_ =	strace s3  }
0x97: {  	_ =	strace $0x8FFFFFFF  }
0x98: {  	s19 =	sld [smem:$0x3FDB];
	_ =	sdelay $0x1  }
0x99: {  	s4 =	simm.s32 $_scs_section_size  }
0x9a: {  	s5 =	simm.s32 $_size__tile_overlayer_lowered;
	s6 =	simm.s32 $_tile_overlayer_lowered  }
0x9b: {  	s22 =	simm.s32 $0x1BFF;
	s21 =	sshll.u32 s6, $0x1;
	s3 =	sadd.s32 s4, s19  }
0x9c: {  	s7 =	simm.s32 $0x0;
	s20 =	sshll.u32 s5, $0x1;
	s5 =	sadd.s32 s21, s3  }
0x9d: {  	[timem:s7], [sflag:s22] =	dma.local [hbm:s5], s20  }
0x9e: {  	_ =	swait.ge [sflag:s22], s20  }
0x9f: {  	s4 =	ssub.s32 $0x0, s20;
	[sflag:s22] =	ssyncset.done $0x0  }
0xa0: {  	[sflag:s22] =	ssyncadd.s32 s4;
	_ =	sdelay $0x1  }
0xa1: {  	s23 =	simm.s32 $0x1B8B  }
0xa2: {  	_ =	swait.ge [sflag:s23], $0x1  }
0xa3: {  	[sflag:s23] =	ssyncset.done $0x0  }
0xa4: {  	s25 =	simm.s32 $0x1B8E;
	s24 =	sld [smem:$0x3FFE];
	[sflag:s23] =	ssyncadd.s32 $0xFFFFFFFF  }
0xa5: {  	s26 =	simm.s32 $execute0_lowered;
	[smem:$0x3FD2] =	sst s25  }
0xa6: {  	s5 =	sshll.u32 s26, $0x1;
	_ =	strace $0x80000046;
	[dreg:$0x1] =	wrdreg $0xFFFFFFFF  }
0xa7: {  	s28 =	simm.s32 $_size_execute0_lowered;
	s3 =	sadd.s32 s3, s5;
	[dreg:$0x0] =	wrdreg $0x0  }
0xa8: {  	s5 =	sshll.u32 s28, $0x1;
	[dreg:$0x2] =	wrdreg s3  }
0xa9: {  	[dreg:$0x3] =	wrdreg s5  }
0xaa: {  	[dreg:$0x4] =	wrdreg $0xC0  }
0xab: {  	_ =	task [dreg:s7], $0x5FFFF  }
0xac: {  	[dreg:$0x1] =	wrdreg $0xFFFFFFFF  }
0xad: {  	[dreg:$0x0] =	wrdreg $0x60  }
0xae: {  	[dreg:$0x2] =	wrdreg s2  }
0xaf: {  	[dreg:$0x3] =	wrdreg s24  }
0xb0: {  	[dreg:$0x4] =	wrdreg $0x90000  }
0xb1: {  	[dreg:$0x5] =	wrdreg $0x1D0800  }
0xb2: {  	[dreg:$0x6] =	wrdreg $0x9  }
0xb3: {  	_ =	task.clear_ibuf [dreg:s7], $0x7FFFF;
	_ =	strace $0x90000046  }
0xb4: {  	s29 =	simm.s32 $0x9;
	_ =	strace $0x80000048  }
0xb5: {  	_ =	swait.ge [sflag:s29], $0x1  }
0xb6: {  	[sflag:s29] =	ssyncadd.s32 $0xFFFFFFFF  }
0xb7: {  	_ =	strace $0x90000048  }
0xb8: {  	_ =	sfence  }
0xb9: {  	s30 =	sld [smem:$0x0];
	_ =	sdelay $0x2  }
0xba: {  	s31 =	sshll.u32 s1, $0xD;
	s1 =	sshrl.u32 s1, $0x2  }
0xbb: {  	s3 =	sand.u32 $0x4000, s31;
	s1 =	sadd.s32 s1, s30  }
0xbc: {  	s0 =	sor.u32 s3, s0;
	s1 =	sshll.u32 s1, $0x11  }
0xbd: {  	s0 =	sor.u32 s1, s0  }
0xbe: {  	s0 =	sadd.s32 $0x8F2B, s0  }
0xbf: {  	[sflag:s0] =	ssyncadd.remote.s32 $0x1  }
0xc0: {  	_ =	sfence.sel $0xFFFF  }
0xc1: {  	[dreg:$0x0] =	wrdreg $0xFFFFFFFF;
	(pc) =	sbr.abs _section_cstart, $3  }
0xc2: {  	[dreg:$0x1] =	wrdreg $0xFFFFFFFF  }
0xc3: {  	_ =	task.clear_ibuf [dreg:s7], $0x2FFFF;
	_ =	strace $0x9FFFFFFF  }
0xc4: {  	(tm) =	ssettm $0x7FFFFFFF  }
0xc5: {  	_ =	shalt  }
tec
execute0_lowered:
.L_overlay_start_1:
0x0: {  	(tag) =	ssettag $0x1  }
0x1: {  	s0 =	rddreg [dreg:$0x0]  }
0x2: {  	s1 =	rddreg [dreg:$0x1]  }
0x3: {  	s3 =	rddreg [dreg:$0x2]  }
0x4: {  	s2 =	srdreg.scid;
	s17 =	stileid.u32  }
0x5: {  	s4 =	rddreg [dreg:$0x3];
	s7 =	smul.u32 $0x14000, s17  }
0x6: {  	s5 =	simm.s32 $0x0;
	s28 =	simm.s32 $0x5000;
	s8 =	smul.u32 $0x500, s17  }
0x7: {  	s29 =	simm.s32 $0x1;
	s30 =	simm.s32 $0x1D000;
	s26 =	smul.u32 $0x280, s17  }
0x8: {  	s31 =	simm.s32 $0x2;
	s2 =	sand.u32 $0x1, s2;
	s10 =	smul.u32 $0x50000, s17  }
0x9: {  	[smem:$0x7FF] =	sst s5;
	s9 =	sshll.u32 s17, $0x1;
	s17 =	smul.u32 $0x5000, s17  }
0xa: {  	s21 =	sadd.s32 $0x4600, s1;
	s22 =	sadd.s32 $0xE600, s1;
	s6 =	smul.u32 $0x140000, s2  }
0xb: {  	_ =	strace $0x80000047;
	s23 =	sshll.u32 s2, $0x7;
	s25 =	ssub.s32 $0x2, s2  }
0xc: {  	s9 =	sor.u32 s2, s9;
	s2 =	smul.u32 $0x2800, s2;
	s13 =	sshrl.u32 s25, $0x1  }
0xd: {  	s12 =	sadd.s32 $0x80, s26;
	s14 =	sshrl.u32 s10, $0x2;
	s6 =	sadd.s32 s7, s6  }
0xe: {  	s7 =	sor.u32 s23, s8;
	s20 =	ssub.s32 s25, s13;
	s15 =	sshll.u32 s12, $0x7  }
0xf: {  	s13 =	sadd.s32 $0x100, s26;
	s12 =	sadd.s32 s12, s4;
	s2 =	sadd.s32 s2, s17  }
0x10: {  	s6 =	sshrl.u32 s6, $0x3;
	s24 =	sshrl.u32 s7, $0x3;
	s8 =	sadd.s32 s15, s3  }
0x11: {  	s16 =	sshll.u32 s13, $0x7;
	s15 =	sadd.s32 $0x200, s26;
	s13 =	sadd.s32 s13, s4  }
0x12: {  	s2 =	sor.u32 $0x400, s2;
	s20 =	smax.u32 s20, $0x1;
	s18 =	sadd.s32 s6, s1  }
0x13: {  	s1 =	sadd.s32 s24, s1;
	s6 =	sadd.s32 s14, s3;
	[dreg:$0x5] =	wrdreg s8  }
0x14: {  	s8 =	sadd.s32 s16, s3;
	s14 =	sadd.s32 $0x180, s26;
	s11 =	sshll.u32 s15, $0x7  }
0x15: {  	s16 =	smul.u32 $0x2800, s9;
	s15 =	sadd.s32 s15, s4;
	[dreg:$0x6] =	wrdreg s8  }
0x16: {  	s19 =	sshll.u32 s14, $0x7;
	s24 =	sadd.s32 s11, s3;
	s11 =	sadd.s32 s26, s4  }
0x17: {  	s14 =	sadd.s32 s14, s4;
	s18 =	sadd.s32 $0x19000, s18;
	s26 =	sshrl.u32 s2, $0x3  }
0x18: {  	s23 =	sadd.s32 s19, s3;
	[dreg:$0x8] =	wrdreg s24;
	s25 =	sshrl.u32 s16, $0x3  }
0x19: {  	s19 =	sadd.s32 $0x18600, s1;
	s2 =	sadd.s32 s26, s22;
	s1 =	sadd.s32 s26, s21  }
0x1a: {  	s24 =	simm.s32 $0x4;
	s26 =	simm.s32 $0x80;
	[dreg:$0x7] =	wrdreg s23  }
0x1b: {  	v0 =	vimm.f32 $0.0e+00;
	v1 =	vimm.f32 $1.000000000e+00;
	s16 =	sadd.s32 s21, s25;
	s17 =	sadd.s32 s22, s25;
	s23 =	simm.s32 $0x1000  }
.LBB2_1:
0x1c: {  	s7 =	simm.s32 $0x0;
	s21 =	simm.s32 $0x200  }
.LBB2_2:
0x1d: {  	p0 =	sne.s32 s21, $0xFE00;
	[tilespmem:s7+$0x1070] =	vst v0  }
0x1e: {  	[tilespmem:s7+$0x1000] =	vst v0  }
0x1f: {  	[tilespmem:s7+$0x1010] =	vst v0  }
.Ltmp0:
0x20: {  	[tilespmem:s7+$0x1020] =	vst v0;
	(pc) =	sbr.rel @p0 .LBB2_2-.Ltmp0, $4  }
0x21: {  	[tilespmem:s7+$0x1030] =	vst v0  }
0x22: {  	[tilespmem:s7+$0x1040] =	vst v0  }
0x23: {  	[tilespmem:s7+$0x1050] =	vst v0  }
0x24: {  	[tilespmem:s7+$0x1060] =	vst v0;
	s7 =	sshra.s32 s21, $0x2;
	s21 =	sadd.s32 $0x200, s21  }
0x25: {  	[tilespmem:s7+$0x1070] =	vst v0  }
0x26: {  	[tilespmem:s7+$0x1000] =	vst v0  }
0x27: {  	[tilespmem:s7+$0x1010] =	vst v0  }
0x28: {  	[tilespmem:s7+$0x1020] =	vst v0  }
0x29: {  	[tilespmem:s7+$0x1030] =	vst v0  }
0x2a: {  	[tilespmem:s7+$0x1040] =	vst v0  }
0x2b: {  	[tilespmem:s7+$0x1050] =	vst v0  }
0x2c: {  	[tilespmem:s7+$0x1060] =	vst v0  }
0x2d: {  	[spmem:s6] =	stream.linear.scatter [tilespmem:s23], [sflag:$0x4], $0x4000, $0x38;
	[tilespmem:$0x1D300] =	vst v63  }
0x2e: {  	_ =	swait.ge [sflag:s24], $0x4000  }
0x2f: {  	[sflag:s24] =	ssyncset.done $0x0  }
0x30: {  	s8 =	rddreg [dreg:$0x5];
	[sflag:s24] =	ssyncadd.s32 $0xFFFFC000  }
0x31: {  	[spmem:s8] =	stream.linear.scatter [tilespmem:s23], [sflag:$0x4], $0x4000, $0x38;
	[tilespmem:$0x1D300] =	vst v63  }
0x32: {  	_ =	swait.ge [sflag:s24], $0x4000  }
0x33: {  	[sflag:s24] =	ssyncset.done $0x0  }
0x34: {  	s9 =	rddreg [dreg:$0x6];
	[sflag:s24] =	ssyncadd.s32 $0xFFFFC000  }
0x35: {  	[spmem:s9] =	stream.linear.scatter [tilespmem:s23], [sflag:$0x4], $0x4000, $0x38;
	[tilespmem:$0x1D300] =	vst v63  }
0x36: {  	_ =	swait.ge [sflag:s24], $0x4000  }
0x37: {  	[sflag:s24] =	ssyncset.done $0x0  }
0x38: {  	s10 =	rddreg [dreg:$0x7];
	[sflag:s24] =	ssyncadd.s32 $0xFFFFC000  }
0x39: {  	[spmem:s10] =	stream.linear.scatter [tilespmem:s23], [sflag:$0x4], $0x4000, $0x38;
	[tilespmem:$0x1D300] =	vst v63  }
0x3a: {  	_ =	swait.ge [sflag:s24], $0x4000  }
0x3b: {  	[sflag:s24] =	ssyncset.done $0x0  }
0x3c: {  	s21 =	rddreg [dreg:$0x8];
	[sflag:s24] =	ssyncadd.s32 $0xFFFFC000  }
0x3d: {  	[spmem:s21] =	stream.linear.scatter [tilespmem:s23], [sflag:$0x4], $0x4000, $0x38;
	[tilespmem:$0x1D300] =	vst v63  }
0x3e: {  	_ =	swait.ge [sflag:s24], $0x4000  }
0x3f: {  	[sflag:s24] =	ssyncset.done $0x0  }
0x40: {  	[sflag:s24] =	ssyncadd.s32 $0xFFFFC000  }
0x41: {  	[tilespmem:$0x1D000] =	vst v1  }
0x42: {  	[tilespmem:$0x1D010] =	vst v1  }
0x43: {  	[tilespmem:$0x1D020] =	vst v1  }
0x44: {  	[tilespmem:$0x1D030] =	vst v1  }
0x45: {  	[tilespmem:$0x1D040] =	vst v1  }
0x46: {  	[tilespmem:$0x1D050] =	vst v1  }
0x47: {  	[tilespmem:$0x1D060] =	vst v1  }
0x48: {  	[tilespmem:$0x1D070] =	vst v1  }
0x49: {  	[spmem:s11] =	stream.linear.scatter [tilespmem:s23], [sflag:$0x4], $0x80, $0x38;
	[tilespmem:$0x1D300] =	vst v63  }
0x4a: {  	_ =	swait.ge [sflag:s24], $0x80  }
0x4b: {  	[sflag:s24] =	ssyncset.done $0x0  }
0x4c: {  	[sflag:s24] =	ssyncadd.s32 $0xFFFFFF80  }
0x4d: {  	[spmem:s12] =	stream.linear.scatter [tilespmem:s23], [sflag:$0x4], $0x80, $0x38;
	[tilespmem:$0x1D300] =	vst v63  }
0x4e: {  	_ =	swait.ge [sflag:s24], $0x80  }
0x4f: {  	[sflag:s24] =	ssyncset.done $0x0  }
0x50: {  	[sflag:s24] =	ssyncadd.s32 $0xFFFFFF80  }
0x51: {  	[spmem:s13] =	stream.linear.scatter [tilespmem:s23], [sflag:$0x4], $0x80, $0x38;
	[tilespmem:$0x1D300] =	vst v63  }
0x52: {  	_ =	swait.ge [sflag:s24], $0x80  }
0x53: {  	[sflag:s24] =	ssyncset.done $0x0  }
0x54: {  	[sflag:s24] =	ssyncadd.s32 $0xFFFFFF80  }
0x55: {  	[spmem:s14] =	stream.linear.scatter [tilespmem:s23], [sflag:$0x4], $0x80, $0x38;
	[tilespmem:$0x1D300] =	vst v63  }
0x56: {  	_ =	swait.ge [sflag:s24], $0x80  }
0x57: {  	[sflag:s24] =	ssyncset.done $0x0  }
0x58: {  	[sflag:s24] =	ssyncadd.s32 $0xFFFFFF80  }
0x59: {  	[spmem:s15] =	stream.linear.scatter [tilespmem:s23], [sflag:$0x4], $0x80, $0x38;
	[tilespmem:$0x1D300] =	vst v63  }
0x5a: {  	_ =	swait.ge [sflag:s24], $0x80  }
0x5b: {  	[sflag:s24] =	ssyncset.done $0x0  }
0x5c: {  	[sflag:s24] =	ssyncadd.s32 $0xFFFFFF80  }
0x5d: {  	s25 =	simm.s32 $0x0;
	[bflag:$0x0] =	sbarrier.arrive $0xFFFF  }
0x5e: {  	[tilespmem:s25], [sflag:$0x4] =	stream.linear.gather [hbm4b:s16+s25], $0x400, $0x38;
	[tilespmem:$0x1D300] =	vst v63  }
0x5f: {  	_ =	swait.ge [sflag:s24], $0x400  }
0x60: {  	[sflag:s24] =	ssyncset.done $0x0  }
0x61: {  	s22 =	simm.s32 $0x800;
	[sflag:s24] =	ssyncadd.s32 $0xFFFFFC00  }
0x62: {  	[tilespmem:s22], [sflag:$0x4] =	stream.linear.gather [hbm4b:s17+s25], $0x400, $0x38;
	[tilespmem:$0x1D300] =	vst v63  }
0x63: {  	_ =	swait.ge [sflag:s24], $0x400  }
0x64: {  	[sflag:s24] =	ssyncset.done $0x0  }
0x65: {  	[sflag:s24] =	ssyncadd.s32 $0xFFFFFC00  }
0x66: {  	[tilespmem:s23], [sflag:$0x1] =	stream.indirect.gather [hbm4b:s0+s26], $0x80, s25, s26, $0xb8;
	[tilespmem:$0x1D300] =	vst v63  }
0x67: {  	s21 =	smov.u32 s2;
	s22 =	smov.u32 s1  }
0x68: {  	[tilespmem:s28], [sflag:$0x2] =	stream.indirect.gather [hbm4b:s0+s26], $0x80, s26, s26, $0xb8;
	[tilespmem:$0x1D300] =	vst v63  }
.LBB2_4:
0x69: {  	p0 =	seq.s32 s25, $0x2400  }
0x6a: {  	s7 =	sand.u32 @!p0 $0x400, s25  }
0x6b: {  	s9 =	simm.s32 @!p0 $0x0;
	s8 =	sxor.u32 @!p0 $0x400, s7  }
0x6c: {  	[tilespmem:s8], [sflag:$0x3] =	stream.linear.gather @!p0 [hbm4b:s22+s9], $0x400, $0x38;
	[tilespmem:$0x1D300] =	vst v63  }
0x6d: {  	s8 =	sxor.u32 @!p0 $0xC00, s7  }
0x6e: {  	[tilespmem:s8], [sflag:$0x3] =	stream.linear.gather @!p0 [hbm4b:s21+s9], $0x400, $0x38;
	[tilespmem:$0x1D300] =	vst v63  }
0x6f: {  	_ =	swait.ge [sflag:s29], $0x4000  }
0x70: {  	s7 =	simm.s32 @p0 $0x400;
	[sflag:s29] =	ssyncset.done $0x0  }
0x71: {  	s9 =	sor.u32 $0x800, s7;
	[sflag:s29] =	ssyncadd.s32 $0xFFFFC000  }
0x72: {  	[spmem:s3] =	stream.indirect.scatter.add.f32 [tilespmem:s23], [sflag:$0x4], $0x80, s9, s26, $0xb8;
	[tilespmem:$0x1D300] =	vst v63  }
0x73: {  	_ =	swait.ge [sflag:s24], $0x4000  }
0x74: {  	[sflag:s24] =	ssyncset.done $0x0  }
0x75: {  	[sflag:s24] =	ssyncadd.s32 $0xFFFFC000  }
0x76: {  	[spmem:s4] =	stream.indirect.scatter.add.f32 [tilespmem:s30], [sflag:$0x4], $0x1, s9, s26, $0xb8;
	[tilespmem:$0x1D300] =	vst v63  }
0x77: {  	_ =	swait.ge [sflag:s24], $0x80  }
0x78: {  	[sflag:s24] =	ssyncset.done $0x0  }
0x79: {  	s10 =	sadd.s32 $0x100, s7;
	[sflag:s24] =	ssyncadd.s32 $0xFFFFFF80  }
0x7a: {  	[tilespmem:s23], [sflag:$0x1] =	stream.indirect.gather [hbm4b:s0+s26], $0x80, s10, s26, $0xb8;
	[tilespmem:$0x1D300] =	vst v63  }
0x7b: {  	_ =	swait.ge [sflag:s31], $0x4000  }
0x7c: {  	[sflag:s31] =	ssyncset.done $0x0  }
0x7d: {  	s9 =	sadd.s32 $0x880, s7;
	[sflag:s31] =	ssyncadd.s32 $0xFFFFC000  }
0x7e: {  	[spmem:s3] =	stream.indirect.scatter.add.f32 [tilespmem:s28], [sflag:$0x4], $0x80, s9, s26, $0xb8;
	[tilespmem:$0x1D300] =	vst v63  }
0x7f: {  	_ =	swait.ge [sflag:s24], $0x4000  }
0x80: {  	[sflag:s24] =	ssyncset.done $0x0  }
0x81: {  	[sflag:s24] =	ssyncadd.s32 $0xFFFFC000  }
0x82: {  	[spmem:s4] =	stream.indirect.scatter.add.f32 [tilespmem:s30], [sflag:$0x4], $0x1, s9, s26, $0xb8;
	[tilespmem:$0x1D300] =	vst v63  }
0x83: {  	_ =	swait.ge [sflag:s24], $0x80  }
0x84: {  	[sflag:s24] =	ssyncset.done $0x0  }
0x85: {  	s10 =	sadd.s32 $0x180, s7;
	[sflag:s24] =	ssyncadd.s32 $0xFFFFFF80  }
0x86: {  	[tilespmem:s28], [sflag:$0x2] =	stream.indirect.gather [hbm4b:s0+s26], $0x80, s10, s26, $0xb8;
	[tilespmem:$0x1D300] =	vst v63  }
0x87: {  	_ =	swait.ge [sflag:s29], $0x4000  }
0x88: {  	[sflag:s29] =	ssyncset.done $0x0  }
0x89: {  	s9 =	sadd.s32 $0x900, s7;
	[sflag:s29] =	ssyncadd.s32 $0xFFFFC000  }
0x8a: {  	[spmem:s3] =	stream.indirect.scatter.add.f32 [tilespmem:s23], [sflag:$0x4], $0x80, s9, s26, $0xb8;
	[tilespmem:$0x1D300] =	vst v63  }
0x8b: {  	_ =	swait.ge [sflag:s24], $0x4000  }
0x8c: {  	[sflag:s24] =	ssyncset.done $0x0  }
0x8d: {  	[sflag:s24] =	ssyncadd.s32 $0xFFFFC000  }
0x8e: {  	[spmem:s4] =	stream.indirect.scatter.add.f32 [tilespmem:s30], [sflag:$0x4], $0x1, s9, s26, $0xb8;
	[tilespmem:$0x1D300] =	vst v63  }
0x8f: {  	_ =	swait.ge [sflag:s24], $0x80  }
0x90: {  	[sflag:s24] =	ssyncset.done $0x0  }
0x91: {  	s10 =	sadd.s32 $0x200, s7;
	[sflag:s24] =	ssyncadd.s32 $0xFFFFFF80  }
0x92: {  	[tilespmem:s23], [sflag:$0x1] =	stream.indirect.gather [hbm4b:s0+s26], $0x80, s10, s26, $0xb8;
	[tilespmem:$0x1D300] =	vst v63  }
0x93: {  	_ =	swait.ge [sflag:s31], $0x4000  }
0x94: {  	[sflag:s31] =	ssyncset.done $0x0  }
0x95: {  	s9 =	sadd.s32 $0x980, s7;
	[sflag:s31] =	ssyncadd.s32 $0xFFFFC000  }
0x96: {  	[spmem:s3] =	stream.indirect.scatter.add.f32 [tilespmem:s28], [sflag:$0x4], $0x80, s9, s26, $0xb8;
	[tilespmem:$0x1D300] =	vst v63  }
0x97: {  	_ =	swait.ge [sflag:s24], $0x4000  }
0x98: {  	[sflag:s24] =	ssyncset.done $0x0  }
0x99: {  	[sflag:s24] =	ssyncadd.s32 $0xFFFFC000  }
0x9a: {  	[spmem:s4] =	stream.indirect.scatter.add.f32 [tilespmem:s30], [sflag:$0x4], $0x1, s9, s26, $0xb8;
	[tilespmem:$0x1D300] =	vst v63  }
0x9b: {  	_ =	swait.ge [sflag:s24], $0x80  }
0x9c: {  	[sflag:s24] =	ssyncset.done $0x0  }
0x9d: {  	s10 =	sadd.s32 $0x280, s7;
	[sflag:s24] =	ssyncadd.s32 $0xFFFFFF80  }
0x9e: {  	[tilespmem:s28], [sflag:$0x2] =	stream.indirect.gather [hbm4b:s0+s26], $0x80, s10, s26, $0xb8;
	[tilespmem:$0x1D300] =	vst v63  }
0x9f: {  	_ =	swait.ge [sflag:s29], $0x4000  }
0xa0: {  	[sflag:s29] =	ssyncset.done $0x0  }
0xa1: {  	s9 =	sadd.s32 $0xA00, s7;
	[sflag:s29] =	ssyncadd.s32 $0xFFFFC000  }
0xa2: {  	[spmem:s3] =	stream.indirect.scatter.add.f32 [tilespmem:s23], [sflag:$0x4], $0x80, s9, s26, $0xb8;
	[tilespmem:$0x1D300] =	vst v63  }
0xa3: {  	_ =	swait.ge [sflag:s24], $0x4000  }
0xa4: {  	[sflag:s24] =	ssyncset.done $0x0  }
0xa5: {  	[sflag:s24] =	ssyncadd.s32 $0xFFFFC000  }
0xa6: {  	[spmem:s4] =	stream.indirect.scatter.add.f32 [tilespmem:s30], [sflag:$0x4], $0x1, s9, s26, $0xb8;
	[tilespmem:$0x1D300] =	vst v63  }
0xa7: {  	_ =	swait.ge [sflag:s24], $0x80  }
0xa8: {  	[sflag:s24] =	ssyncset.done $0x0  }
0xa9: {  	s10 =	sadd.s32 $0x300, s7;
	[sflag:s24] =	ssyncadd.s32 $0xFFFFFF80  }
0xaa: {  	[tilespmem:s23], [sflag:$0x1] =	stream.indirect.gather [hbm4b:s0+s26], $0x80, s10, s26, $0xb8;
	[tilespmem:$0x1D300] =	vst v63  }
0xab: {  	_ =	swait.ge [sflag:s31], $0x4000  }
0xac: {  	[sflag:s31] =	ssyncset.done $0x0  }
0xad: {  	s9 =	sadd.s32 $0xA80, s7;
	[sflag:s31] =	ssyncadd.s32 $0xFFFFC000  }
0xae: {  	[spmem:s3] =	stream.indirect.scatter.add.f32 [tilespmem:s28], [sflag:$0x4], $0x80, s9, s26, $0xb8;
	[tilespmem:$0x1D300] =	vst v63  }
0xaf: {  	_ =	swait.ge [sflag:s24], $0x4000  }
0xb0: {  	[sflag:s24] =	ssyncset.done $0x0  }
0xb1: {  	[sflag:s24] =	ssyncadd.s32 $0xFFFFC000  }
0xb2: {  	[spmem:s4] =	stream.indirect.scatter.add.f32 [tilespmem:s30], [sflag:$0x4], $0x1, s9, s26, $0xb8;
	[tilespmem:$0x1D300] =	vst v63  }
0xb3: {  	_ =	swait.ge [sflag:s24], $0x80  }
0xb4: {  	[sflag:s24] =	ssyncset.done $0x0  }
0xb5: {  	s8 =	simm.s32 @!p0 $0x3;
	s10 =	sadd.s32 $0x380, s7;
	[sflag:s24] =	ssyncadd.s32 $0xFFFFFF80  }
0xb6: {  	[tilespmem:s28], [sflag:$0x2] =	stream.indirect.gather [hbm4b:s0+s26], $0x80, s10, s26, $0xb8;
	[tilespmem:$0x1D300] =	vst v63  }
0xb7: {  	_ =	swait.ge @!p0 [sflag:s8], $0x400  }
0xb8: {  	[sflag:s8] =	ssyncset.done @!p0 $0x0  }
0xb9: {  	[sflag:s8] =	ssyncadd.s32 @!p0 $0xFFFFFC00  }
0xba: {  	_ =	swait.ge @!p0 [sflag:s8], $0x400  }
0xbb: {  	[sflag:s8] =	ssyncset.done @!p0 $0x0  }
0xbc: {  	[sflag:s8] =	ssyncadd.s32 @!p0 $0xFFFFFC00  }
0xbd: {  	_ =	swait.ge [sflag:s29], $0x4000  }
0xbe: {  	[sflag:s29] =	ssyncset.done $0x0  }
0xbf: {  	s9 =	sadd.s32 $0xB00, s7;
	[sflag:s29] =	ssyncadd.s32 $0xFFFFC000  }
0xc0: {  	[spmem:s3] =	stream.indirect.scatter.add.f32 [tilespmem:s23], [sflag:$0x4], $0x80, s9, s26, $0xb8;
	[tilespmem:$0x1D300] =	vst v63  }
0xc1: {  	_ =	swait.ge [sflag:s24], $0x4000  }
0xc2: {  	[sflag:s24] =	ssyncset.done $0x0  }
0xc3: {  	[sflag:s24] =	ssyncadd.s32 $0xFFFFC000  }
0xc4: {  	[spmem:s4] =	stream.indirect.scatter.add.f32 [tilespmem:s30], [sflag:$0x4], $0x1, s9, s26, $0xb8;
	[tilespmem:$0x1D300] =	vst v63  }
0xc5: {  	_ =	swait.ge [sflag:s24], $0x80  }
0xc6: {  	s10 =	simm.s32 @!p0 $0x1000;
	[sflag:s24] =	ssyncset.done $0x0  }
0xc7: {  	s8 =	ssub.s32 @!p0 $0x400, s7;
	s9 =	simm.s32 @!p0 $0x80;
	[sflag:s24] =	ssyncadd.s32 $0xFFFFFF80  }
0xc8: {  	[tilespmem:s10], [sflag:$0x1] =	stream.indirect.gather @!p0 [hbm4b:s0+s9], $0x80, s8, s9, $0xb8;
	[tilespmem:$0x1D300] =	vst v63  }
0xc9: {  	_ =	swait.ge [sflag:s31], $0x4000  }
0xca: {  	[sflag:s31] =	ssyncset.done $0x0  }
0xcb: {  	s10 =	sadd.s32 $0xB80, s7;
	[sflag:s31] =	ssyncadd.s32 $0xFFFFC000  }
0xcc: {  	[spmem:s3] =	stream.indirect.scatter.add.f32 [tilespmem:s28], [sflag:$0x4], $0x80, s10, s26, $0xb8;
	[tilespmem:$0x1D300] =	vst v63  }
0xcd: {  	s25 =	sadd.s32 @!p0 $0x400, s25;
	_ =	swait.ge [sflag:s24], $0x4000  }
0xce: {  	p1 =	sne.s32 @!p0 s25, $0x2800;
	[sflag:s24] =	ssyncset.done $0x0  }
0xcf: {  	p1 =	por p0, !p1;
	[sflag:s24] =	ssyncadd.s32 $0xFFFFC000  }
0xd0: {  	[spmem:s4] =	stream.indirect.scatter.add.f32 [tilespmem:s30], [sflag:$0x4], $0x1, s10, s26, $0xb8;
	[tilespmem:$0x1D300] =	vst v63  }
.Ltmp1:
0xd1: {  	_ = 	snop;
	(pc) =	sbr.rel @!p1 .LBB2_4-.Ltmp1, $4  }
0xd2: {  	_ =	swait.ge [sflag:s24], $0x80  }
0xd3: {  	s22 =	sadd.s32 @!p0 $0x80, s22;
	s21 =	sadd.s32 @!p0 $0x80, s21;
	[sflag:s24] =	ssyncset.done $0x0  }
0xd4: {  	s7 =	ssub.s32 @!p0 $0x480, s7;
	s8 =	simm.s32 @!p0 $0x5000;
	[sflag:s24] =	ssyncadd.s32 $0xFFFFFF80  }
0xd5: {  	[tilespmem:s8], [sflag:$0x2] =	stream.indirect.gather @!p0 [hbm4b:s0+s9], $0x80, s7, s9, $0xb8;
	[tilespmem:$0x1D300] =	vst v63  }
0xd6: {  	s7 =	stileid.u32  }
0xd7: {  	s7 =	sshll.u32 s7, $0x6  }
0xd8: {  	[bflag:$0x0] =	sbarrier.arrive $0xFFFF;
	s8 =	sshrl.u32 s6, $0x3;
	s7 =	sor.u32 $0x1C04, s7  }
0xd9: {  	[hbm:s18], [sflag:s7] =	dma.local [spmem:s8], $0x2800  }
0xda: {  	s25 =	sshrl.u32 s11, $0x3;
	s5 =	sadd.s32 $0x1, s5;
	_ =	swait.ge [sflag:s24], $0x2800  }
0xdb: {  	s9 =	simm.s32 $0x20;
	p0 =	sne.s32 s5, s20;
	[sflag:s24] =	ssyncset.done $0x0  }
.Ltmp2:
0xdc: {  	s10 =	simm.s32 $0x10;
	[sflag:s24] =	ssyncadd.s32 $0xFFFFD800;
	(pc) =	sbr.rel @p0 .LBB2_1-.Ltmp2, $4  }
0xdd: {  	[hbm:s19@s9], [sflag:s7] =	dma.strided [spmem:s25@s10], $0x50, s29, $0x10   }
0xde: {  	_ =	swait.ge [sflag:s24], $0x50  }
0xdf: {  	[sflag:s24] =	ssyncset.done $0x0  }
0xe0: {  	[sflag:s24] =	ssyncadd.s32 $0xFFFFFFB0  }
0xe1: {  	_ =	sfence.sel $0x180000  }
0xe2: {  	[bflag:$0x0] =	sbarrier.arrive $0xFFFF  }
0xe3: {  	_ =	strace $0x90000047  }
0xe4: {  	s0 =	stileid.u32;
	[bflag:$0x2] =	sbarrier.arrive $0xFFFF  }
0xe5: {  	p0 =	sne.s32 s0, $0x0;
	s0 =	rddreg [dreg:$0x4]  }
0xe6: {  	s0 =	sadd.s32 @!p0 $0x100000, s0  }
0xe7: {  	[sflag:s0] =	ssyncadd.tile.s32 @!p0 $0x1;
	_ =	shalt  }
.Lfunc_end2:
_tile_overlayer_lowered:
.L_overlay_start_2:
0xe8: {  	(tag) =	ssettag $0x2  }
0xe9: {  	s0 =	rddreg [dreg:$0x0];
	s2 =	stileid.u32  }
0xea: {  	s1 =	rddreg [dreg:$0x1];
	p0 =	sne.s32 s2, $0x0  }
0xeb: {  	s3 =	rddreg [dreg:$0x2];
	[bflag:$0x3] =	sbarrier.arrive $0xFFFF;
	s2 =	simm.s32 @!p0 $0x1C04  }
0xec: {  	[timem:s3], [sflag:s2] =	dma.local @!p0 [hbm:s0], s1  }
0xed: {  	s0 =	simm.s32 @!p0 $0x4  }
0xee: {  	_ =	swait.ge @!p0 [sflag:s0], s1  }
0xef: {  	s1 =	ssub.s32 @!p0 $0x0, s1;
	[sflag:s0] =	ssyncset.done @!p0 $0x0  }
0xf0: {  	[sflag:s0] =	ssyncadd.s32 @!p0 s1  }
0xf1: {  	[bflag:$0x3] =	sbarrier.arrive $0xFFFF  }
0xf2: {  	_ =	shalt  }

</sc_bundles>
